<compile_context>
chip_gen: v7x
topology: tpu7x:2x2x1
jax: 0.10.2.dev20260603
libtpu: 0.0.44.dev20260713+nightly
codegen_flags: <defaults>
</compile_context>

<pallas_src>
import functools

import jax
import jax.numpy as jnp
from jax import lax
from jax.experimental import pallas as pl
from jax.experimental.pallas import tpu as pltpu
from jax.experimental.pallas import tpu_sc as plsc

NPOINT = 512
RADIUS_LIST = [0.1, 0.2, 0.4]
NSAMPLE_LIST = [16, 32, 128]
B, N = 8, 2048
CPTS = 64
CTAB = 128
TM = 16384
GATHER_WIN = 128



def _fps_body(xt_ref, nx_ref):
    X = xt_ref[:, 0, :]
    Y = xt_ref[:, 1, :]
    Z = xt_ref[:, 2, :]
    n = X.shape[1]
    iota = lax.broadcasted_iota(jnp.int32, (1, n), 1)

    XYZ = jnp.concatenate([X, Y, Z], axis=0)

    def body(i, carry):
        dist, far = carry
        oh = iota == far
        oh3 = jnp.concatenate([oh, oh, oh], axis=0)
        csum = jnp.sum(jnp.where(oh3, XYZ, 0.0), axis=1, keepdims=True)
        cx = csum[0:B]
        cy = csum[B:2 * B]
        cz = csum[2 * B:]
        nx_ref[:, pl.ds(i, 1), :] = jnp.concatenate(
            [cx, cy, cz], axis=1)[:, None, :]
        dx = X - cx
        dy = Y - cy
        dz = Z - cz
        d = (dx * dx + dy * dy) + dz * dz
        dist = jnp.minimum(dist, d)
        maxv = jnp.max(dist, axis=1, keepdims=True)
        cand = jnp.where(dist == maxv, iota, n)
        far = jnp.min(cand, axis=1, keepdims=True)
        return dist, far

    dist0 = jnp.full((B, N), 1e10, dtype=jnp.float32)
    far0 = jnp.zeros((B, 1), dtype=jnp.int32)
    lax.fori_loop(0, NPOINT, body, (dist0, far0))


def _run_fps(xyz_t):
    return pl.pallas_call(
        _fps_body,
        out_shape=jax.ShapeDtypeStruct((B, NPOINT, 3), jnp.float32),
    )(xyz_t)



def _ballq_body(xt_ref, nx_ref, g16_ref, g32_ref, g128_ref, scr_ref):
    S = NPOINT
    P = xt_ref[0]
    C = nx_ref[0]
    b = pl.program_id(0)
    boff = b * N

    dotT = lax.dot_general(
        P.astype(jnp.bfloat16), C.astype(jnp.bfloat16),
        (((0,), (1,)), ((), ())), preferred_element_type=jnp.float32)
    c2 = (C[:, 0:1] * C[:, 0:1] + C[:, 1:2] * C[:, 1:2]) + C[:, 2:3] * C[:, 2:3]
    p2 = (P[0:1, :] * P[0:1, :] + P[1:2, :] * P[1:2, :]) + P[2:3, :] * P[2:3, :]
    sqr = ((-2.0 * dotT) + jnp.transpose(c2)) + jnp.transpose(p2)

    for r, K, gref in zip(RADIUS_LIST, NSAMPLE_LIST,
                          (g16_ref, g32_ref, g128_ref)):
        mask = (sqr <= jnp.float32(r * r)).astype(jnp.int32)
        c = mask
        sh = 1
        while sh < N:
            c = c + jnp.concatenate(
                [jnp.zeros((sh, S), jnp.int32), c[:-sh, :]], axis=0)
            sh *= 2

        cb = jnp.minimum(c, K + 1).astype(jnp.bfloat16)
        ones_row = jnp.ones((1, N), jnp.bfloat16)

        def kbody(j, _):
            base = j * 8
            for t in range(8):
                kb = (base + t).astype(jnp.bfloat16)
                cm = jnp.where(cb <= kb, jnp.bfloat16(1), jnp.bfloat16(0))
                cnt = lax.dot_general(
                    ones_row, cm, (((1,), (0,)), ((), ())),
                    preferred_element_type=jnp.float32).astype(jnp.int32)
                scr_ref[pl.ds(base + t, 1)] = cnt[None]
            return 0

        lax.fori_loop(0, K // 8, kbody, 0)
        idxs = scr_ref[0:K, 0, :]
        first = idxs[0:1, :]
        gref[0] = jnp.minimum(jnp.where(idxs == N, first, idxs), N - 1) + boff


def _run_ballq(xyz_t, new_xyz):
    S = NPOINT
    return pl.pallas_call(
        _ballq_body,
        grid=(B,),
        in_specs=[
            pl.BlockSpec((1, 3, N), lambda i: (i, 0, 0)),
            pl.BlockSpec((1, S, 3), lambda i: (i, 0, 0)),
        ],
        out_specs=[
            pl.BlockSpec((1, K, S), lambda i: (i, 0, 0)) for K in NSAMPLE_LIST
        ],
        out_shape=[
            jax.ShapeDtypeStruct((B, K, S), jnp.int32) for K in NSAMPLE_LIST
        ],
        scratch_shapes=[pltpu.VMEM((max(NSAMPLE_LIST), 1, S), jnp.int32)],
        compiler_params=pltpu.CompilerParams(
            dimension_semantics=("parallel",)),
    )(xyz_t, new_xyz)



def _sc_gather(table, gidx_flat, m):
    mesh = plsc.VectorSubcoreMesh(core_axis_name="core",
                                  subcore_axis_name="subcore")

    @functools.partial(
        pl.kernel, mesh=mesh,
        out_type=jax.ShapeDtypeStruct((m, CTAB), jnp.float32))
    def k(tab_hbm, idx_hbm, out_hbm):
        def body(i_vmem, o_vmem):
            pltpu.sync_copy(tab_hbm.at[i_vmem.at[0]], o_vmem)

        pltpu.emit_pipeline(
            body,
            grid=(m // GATHER_WIN,),
            in_specs=[pl.BlockSpec((1, GATHER_WIN), index_map=lambda i: (0, i))],
            out_specs=[pl.BlockSpec((GATHER_WIN, CTAB),
                                    index_map=lambda i: (i, 0))],
            core_axis_name=("core", "subcore"),
            dimension_semantics=(pltpu.PARALLEL,),
        )(idx_hbm, out_hbm)

    return k(table, gidx_flat.reshape(1, m))



def _layer1_body(g_ref, nxz_ref, w_ref, b_ref, x_ref, st_ref, *, K):
    g = g_ref[...]
    tk = TM // K
    cent = nxz_ref[...]
    centk = jnp.broadcast_to(cent[:, None, :], (tk, K, 3)).reshape(TM, 3)
    gxyz = g[:, 64:67] - centk
    xin = jnp.concatenate(
        [g[:, :64].astype(jnp.bfloat16), gxyz.astype(jnp.bfloat16),
         jnp.zeros((TM, CTAB - 67), jnp.bfloat16)], axis=1)
    x = lax.dot_general(
        xin, w_ref[...].astype(jnp.bfloat16),
        (((1,), (0,)), ((), ())), preferred_element_type=jnp.float32)
    x = x + b_ref[...]
    x_ref[...] = x.astype(jnp.bfloat16)
    c = x.shape[1]
    part = jnp.concatenate(
        [jnp.sum(x, axis=0, keepdims=True),
         jnp.sum(x * x, axis=0, keepdims=True),
         jnp.zeros((6, c), jnp.float32)], axis=0)

    @pl.when(pl.program_id(0) == 0)
    def _():
        st_ref[...] = part

    @pl.when(pl.program_id(0) != 0)
    def _():
        st_ref[...] = st_ref[...] + part


def _layer_mid_body(x_ref, st_in_ref, w_ref, b_ref, gamma_ref, beta_ref,
                    y_ref, st_ref, *, m_count):
    x = x_ref[...].astype(jnp.float32)
    s = st_in_ref[0:1, :]
    ss = st_in_ref[1:2, :]
    mean = s / m_count
    var = ss / m_count - mean * mean
    a = gamma_ref[...] / jnp.sqrt(var + 1e-5)
    cshift = beta_ref[...] - a * mean
    h = jnp.maximum(x * a + cshift, 0.0)
    y = lax.dot_general(
        h.astype(jnp.bfloat16), w_ref[...].astype(jnp.bfloat16),
        (((1,), (0,)), ((), ())), preferred_element_type=jnp.float32)
    y = y + b_ref[...]
    y_ref[...] = y.astype(jnp.bfloat16)
    c = y.shape[1]
    part = jnp.concatenate(
        [jnp.sum(y, axis=0, keepdims=True),
         jnp.sum(y * y, axis=0, keepdims=True),
         jnp.zeros((6, c), jnp.float32)], axis=0)

    @pl.when(pl.program_id(0) == 0)
    def _():
        st_ref[...] = part

    @pl.when(pl.program_id(0) != 0)
    def _():
        st_ref[...] = st_ref[...] + part


def _final_body(x_ref, st_in_ref, gamma_ref, beta_ref, o_ref, *, m_count, K):
    x = x_ref[...].astype(jnp.float32)
    s = st_in_ref[0:1, :]
    ss = st_in_ref[1:2, :]
    mean = s / m_count
    var = ss / m_count - mean * mean
    a = gamma_ref[...] / jnp.sqrt(var + 1e-5)
    cshift = beta_ref[...] - a * mean
    h = jnp.maximum(x * a + cshift, 0.0)
    c = x.shape[1]
    o_ref[...] = jnp.max(h.reshape(TM // K, K, c), axis=1)[None]


def _run_mlp(g, nxz_flat, params, K, m):
    steps = m // TM
    acc = pltpu.CompilerParams(dimension_semantics=("arbitrary",))
    full = lambda shape: pl.BlockSpec(shape, lambda i: tuple(0 for _ in shape))

    (w1, b1, g1, be1), (w2, b2, g2, be2), (w3, b3, g3, be3) = params
    c1, c2r, c3 = w1.shape[0], w2.shape[0], w3.shape[0]
    w1p = jnp.zeros((CTAB, c1), jnp.float32).at[:67, :].set(w1.T)
    w2p, w3p = w2.T, w3.T

    x1, st1 = pl.pallas_call(
        functools.partial(_layer1_body, K=K),
        grid=(steps,),
        in_specs=[
            pl.BlockSpec((TM, CTAB), lambda i: (i, 0)),
            pl.BlockSpec((TM // K, 3), lambda i: (i, 0)),
            full((CTAB, c1)),
            full((1, c1)),
        ],
        out_specs=[pl.BlockSpec((TM, c1), lambda i: (i, 0)), full((8, c1))],
        out_shape=[jax.ShapeDtypeStruct((m, c1), jnp.bfloat16),
                   jax.ShapeDtypeStruct((8, c1), jnp.float32)],
        compiler_params=acc,
    )(g, nxz_flat, w1p, b1[None, :])

    x2, st2 = pl.pallas_call(
        functools.partial(_layer_mid_body, m_count=float(m)),
        grid=(steps,),
        in_specs=[
            pl.BlockSpec((TM, c1), lambda i: (i, 0)),
            full((8, c1)),
            full((c1, c2r)),
            full((1, c2r)),
            full((1, c1)),
            full((1, c1)),
        ],
        out_specs=[pl.BlockSpec((TM, c2r), lambda i: (i, 0)), full((8, c2r))],
        out_shape=[jax.ShapeDtypeStruct((m, c2r), jnp.bfloat16),
                   jax.ShapeDtypeStruct((8, c2r), jnp.float32)],
        compiler_params=acc,
    )(x1, st1, w2p, b2[None, :], g1[None, :], be1[None, :])

    x3, st3 = pl.pallas_call(
        functools.partial(_layer_mid_body, m_count=float(m)),
        grid=(steps,),
        in_specs=[
            pl.BlockSpec((TM, c2r), lambda i: (i, 0)),
            full((8, c2r)),
            full((c2r, c3)),
            full((1, c3)),
            full((1, c2r)),
            full((1, c2r)),
        ],
        out_specs=[pl.BlockSpec((TM, c3), lambda i: (i, 0)), full((8, c3))],
        out_shape=[jax.ShapeDtypeStruct((m, c3), jnp.bfloat16),
                   jax.ShapeDtypeStruct((8, c3), jnp.float32)],
        compiler_params=acc,
    )(x2, st2, w3p, b3[None, :], g2[None, :], be2[None, :])

    out = pl.pallas_call(
        functools.partial(_final_body, m_count=float(m), K=K),
        grid=(steps,),
        in_specs=[
            pl.BlockSpec((TM, c3), lambda i: (i, 0)),
            full((8, c3)),
            full((1, c3)),
            full((1, c3)),
        ],
        out_specs=pl.BlockSpec((1, TM // K, c3), lambda i: (i, 0, 0)),
        out_shape=jax.ShapeDtypeStruct((steps, TM // K, c3), jnp.float32),
        compiler_params=acc,
    )(x3, st3, g3[None, :], be3[None, :])
    return out.reshape(B * NPOINT, c3)



def kernel(xyz, points, params):
    S = NPOINT
    xyz_t = jnp.transpose(xyz, (0, 2, 1))
    new_xyz = _run_fps(xyz_t)
    gidx = _run_ballq(xyz_t, new_xyz)

    table = jnp.concatenate(
        [points, xyz, jnp.zeros((B, N, CTAB - 67), jnp.float32)],
        axis=-1).reshape(B * N, CTAB)
    nxz_flat = new_xyz.reshape(B * S, 3)

    outs = []
    for i, K in enumerate(NSAMPLE_LIST):
        m = B * S * K
        gi = jnp.transpose(gidx[i], (0, 2, 1)).reshape(-1)
        g = _sc_gather(table, gi, m)
        outs.append(_run_mlp(g, nxz_flat, params[i], K, m))

    new_points = jnp.concatenate(outs, axis=-1).reshape(B, S, -1)
    return (new_xyz, new_points)

# --- scband reference (transcript-rebuilt; emitter-appended) ---
"""Pipeline reference for scband-point-net-set-abstraction-msg-14654428414356 (READ-ONLY COPY).

The authoritative reference and input builder live on the scoring server;
editing this copy changes nothing except your own understanding.
"""

import jax, jax.numpy as jnp
import numpy as np

NPOINT = 512
RADIUS_LIST = [0.1, 0.2, 0.4]
NSAMPLE_LIST = [16, 32, 128]
MLP_LIST = [[32, 32, 64], [64, 64, 128], [64, 96, 128]]
IN_CHANNEL = 64
B, N = 8, 2048


def _make_params(key):
    params = []
    for mlp in MLP_LIST:
        last = IN_CHANNEL + 3
        layers = []
        for out in mlp:
            key, k1 = jax.random.split(key)
            W = jax.random.normal(k1, (out, last), dtype=jnp.float32) * (1.0 / np.sqrt(last))
            b = jnp.zeros((out,), dtype=jnp.float32)
            gamma = jnp.ones((out,), dtype=jnp.float32)
            beta = jnp.zeros((out,), dtype=jnp.float32)
            layers.append((W, b, gamma, beta))
            last = out
        params.append(layers)
    return params


def setup_inputs(seed: int = 0) -> dict:
    key = jax.random.key(seed)
    k1, k2, k3 = jax.random.split(key, 3)
    xyz = jax.random.uniform(k1, (B, N, 3), dtype=jnp.float32)
    points = jax.random.normal(k2, (B, N, IN_CHANNEL), dtype=jnp.float32)
    params = _make_params(k3)
    return {"xyz": xyz, "points": points, "params": params}


def farthest_point_sample(xyz, npoint):
    b, n, _ = xyz.shape
    batch_ar = jnp.arange(b)

    def body(i, state):
        centroids, distance, farthest = state
        centroids = centroids.at[:, i].set(farthest)
        centroid = xyz[batch_ar, farthest][:, None, :]
        dist = jnp.sum((xyz - centroid) ** 2, axis=-1)
        distance = jnp.minimum(distance, dist)
        farthest = jnp.argmax(distance, axis=-1).astype(jnp.int32)
        return (centroids, distance, farthest)

    centroids = jnp.zeros((b, npoint), dtype=jnp.int32)
    distance = jnp.full((b, n), 1e10, dtype=xyz.dtype)
    farthest = jnp.zeros((b,), dtype=jnp.int32)
    centroids, _, _ = jax.lax.fori_loop(0, npoint, body, (centroids, distance, farthest))
    return centroids


def square_distance(src, dst):
    d = -2.0 * jnp.einsum('bsc,bnc->bsn', src, dst)
    d = d + jnp.sum(src ** 2, axis=-1)[:, :, None]
    d = d + jnp.sum(dst ** 2, axis=-1)[:, None, :]
    return d


def query_ball_point(radius, nsample, xyz, new_xyz):
    b, n, _ = xyz.shape
    s = new_xyz.shape[1]
    sqr = square_distance(new_xyz, xyz)
    idx = jnp.broadcast_to(jnp.arange(n, dtype=jnp.int32), (b, s, n))
    idx = jnp.where(sqr > radius * radius, n, idx)
    idx = jnp.sort(idx, axis=-1)[:, :, :nsample]
    first = idx[:, :, :1]
    idx = jnp.where(idx == n, first, idx)
    return idx


def _index_points(points, idx):
    return jax.vmap(lambda p, i: p[i])(points, idx)


def _forward(xyz, points, params, fps_idx):
    new_xyz = _index_points(xyz, fps_idx)
    outs = []
    for i, radius in enumerate(RADIUS_LIST):
        K = NSAMPLE_LIST[i]
        gi = query_ball_point(radius, K, xyz, new_xyz)
        gxyz = _index_points(xyz, gi) - new_xyz[:, :, None, :]
        gpts = _index_points(points, gi)
        g = jnp.concatenate([gpts, gxyz], axis=-1)
        x = jnp.transpose(g, (0, 3, 2, 1))
        for (W, b_, gamma, beta) in params[i]:
            x = jnp.einsum('oc,bcks->boks', W, x) + b_[None, :, None, None]
            mean = jnp.mean(x, axis=(0, 2, 3), keepdims=True)
            var = jnp.var(x, axis=(0, 2, 3), keepdims=True)
            x = (x - mean) / jnp.sqrt(var + 1e-5)
            x = gamma[None, :, None, None] * x + beta[None, :, None, None]
            x = jax.nn.relu(x)
        outs.append(jnp.max(x, axis=2))
    new_points_concat = jnp.transpose(jnp.concatenate(outs, axis=1), (0, 2, 1))
    return (new_xyz, new_points_concat)


def reference(xyz, points, params):
    fps_idx = farthest_point_sample(xyz, NPOINT)
    return _forward(xyz, points, params, fps_idx)

if __name__ == "__main__":
    import jax
    _d = setup_inputs()
    print(jax.jit(kernel)(*tuple(_d.values())))

</pallas_src>

<mosaic_0001>
#map = affine_map<(d0, d1) -> (0, 0)>
module attributes {stable_mosaic.version = 14 : i64} {
  func.func @k(%arg0: i32, %arg1: i32, %arg2: memref<16384x128xf32, #tpu.memory_space<hbm>>, %arg3: memref<1x524288xi32, #tpu.memory_space<hbm>>, %arg4: memref<524288x128xf32, #tpu.memory_space<hbm>>) attributes {dimension_semantics = [#tpu.dimension_semantics<core_parallel>, #tpu.dimension_semantics<subcore_parallel>], iteration_bounds = array<i64: 2, 16>, scalar_prefetch = 0 : i64, scratch_operands = 0 : i64, tpu.core_type = #tpu.core_type<sc_vector_subcore>, window_params = [{transform_indices = #map}, {transform_indices = #map}, {transform_indices = #map}]} {
    %mul3A = arith.constant 1 : i32
    %mul3A_0 = arith.muli %arg1, %mul3A : i32
    %add3A = arith.constant 0 : i32
    %add3A_1 = arith.addi %add3A, %mul3A_0 : i32
    %mul3A_2 = arith.constant 16 : i32
    %mul3A_3 = arith.muli %arg0, %mul3A_2 : i32
    %add3A_4 = arith.addi %add3A_1, %mul3A_3 : i32
    %mul3A_5 = arith.constant 128 : i32
    %mul3A_6 = arith.muli %add3A_4, %mul3A_5 : i32
    "tpu.region"() ({
      %run_scoped3A = memref.alloca() : memref<2x1x128xi32, #tpu.memory_space<vmem>>
      %run_scoped3A_7 = tpu.sem_alloc : memref<2x!tpu.dma_semaphore, #tpu.memory_space<semaphore_mem>>
      %run_scoped3A_8 = memref.alloca() : memref<2x128x128xf32, #tpu.memory_space<vmem>>
      %run_scoped3A_9 = tpu.sem_alloc : memref<2x!tpu.dma_semaphore, #tpu.memory_space<semaphore_mem>>
      %add3A_10 = arith.constant 0 : i32
      %add3A_11 = arith.addi %add3A_10, %mul3A_6 : i32
      %select_n3A = arith.constant true
      %select_n3A_12 = arith.constant 0 : i32
      %select_n3A_13 = arith.constant -1 : i32
      %select_n3A_14 = arith.select %select_n3A, %select_n3A_13, %select_n3A_12 : i32
      %eq3A = arith.constant -1 : i32
      %eq3A_15 = arith.cmpi eq, %select_n3A_14, %eq3A : i32
      %select_n3A_16 = arith.constant 127 : i32
      %select_n3A_17 = arith.select %eq3A_15, %select_n3A_16, %select_n3A_14 : i32
      %add3A_18 = arith.addi %select_n3A_17, %mul3A_6 : i32
      %select_n3A_19 = arith.constant true
      %select_n3A_20 = arith.constant 0 : i32
      %select_n3A_21 = arith.constant 1 : i32
      %select_n3A_22 = arith.select %select_n3A_19, %select_n3A_21, %select_n3A_20 : i32
      %eq3A_23 = arith.constant 128 : i32
      %eq3A_24 = arith.cmpi eq, %select_n3A_22, %eq3A_23 : i32
      %select_n3A_25 = arith.constant 0 : i32
      %select_n3A_26 = arith.select %eq3A_24, %select_n3A_25, %select_n3A_22 : i32
      %add3A_27 = arith.addi %select_n3A_26, %mul3A_6 : i32
      %add3A_28 = arith.constant 1 : i32
      %add3A_29 = arith.addi %select_n3A_26, %add3A_28 : i32
      %select_n3A_30 = arith.constant true
      %select_n3A_31 = arith.select %select_n3A_30, %add3A_29, %select_n3A_26 : i32
      %eq3A_32 = arith.constant 128 : i32
      %eq3A_33 = arith.cmpi eq, %select_n3A_31, %eq3A_32 : i32
      %select_n3A_34 = arith.constant 0 : i32
      %select_n3A_35 = arith.select %eq3A_33, %select_n3A_34, %select_n3A_31 : i32
      %add3A_36 = arith.addi %select_n3A_35, %mul3A_6 : i32
      "tpu.trace_start"() <{level = 10 : i32, message = "ep_initialize_0"}> : () -> ()
      %rem3A = arith.constant 0 : i32
      %rem3A_37 = arith.constant 2 : i32
      %rem3A_38 = arith.remui %rem3A, %rem3A_37 : i32
      %mul3A_39 = arith.constant 128 : i32
      %mul3A_40 = arith.muli %mul3A_39, %add3A_11 : i32
      %dma_start3A = arith.constant 0 : i32
      %dma_start3A_41 = arith.constant 0 : i32
      %dma_start3A_42 = tpu.memref_slice %run_scoped3A[%rem3A_38, %dma_start3A, %dma_start3A_41] : memref<2x1x128xi32, #tpu.memory_space<vmem>> -> memref<1x1x128xi32, #tpu.memory_space<vmem>>
      %dma_start3A_43 = tpu.memref_squeeze %dma_start3A_42 : memref<1x1x128xi32, #tpu.memory_space<vmem>> -> memref<1x128xi32, #tpu.memory_space<vmem>>
      %dma_start3A_44 = arith.constant 0 : i32
      %dma_start3A_45 = tpu.memref_slice %arg3[%dma_start3A_44, %mul3A_40] : memref<1x524288xi32, #tpu.memory_space<hbm>> -> memref<1x128xi32, #tpu.memory_space<hbm>>
      %dma_start3A_46 = tpu.memref_slice %run_scoped3A_7[%rem3A_38] : memref<2x!tpu.dma_semaphore, #tpu.memory_space<semaphore_mem>> -> memref<1x!tpu.dma_semaphore, #tpu.memory_space<semaphore_mem>>
      %dma_start3A_47 = tpu.memref_squeeze %dma_start3A_46 : memref<1x!tpu.dma_semaphore, #tpu.memory_space<semaphore_mem>> -> memref<!tpu.dma_semaphore, #tpu.memory_space<semaphore_mem>>
      %dma_start3A_48 = arith.constant 0 : i32
      %dma_start3A_49 = arith.constant 0 : i32
      %dma_start3A_50 = tpu.memref_slice %run_scoped3A[%rem3A_38, %dma_start3A_48, %dma_start3A_49] : memref<2x1x128xi32, #tpu.memory_space<vmem>> -> memref<1x1x128xi32, #tpu.memory_space<vmem>>
      %dma_start3A_51 = tpu.memref_squeeze %dma_start3A_50 : memref<1x1x128xi32, #tpu.memory_space<vmem>> -> memref<1x128xi32, #tpu.memory_space<vmem>>
      %dma_start3A_52 = arith.constant 0 : i32
      %dma_start3A_53 = tpu.memref_slice %arg3[%dma_start3A_52, %mul3A_40] : memref<1x524288xi32, #tpu.memory_space<hbm>> -> memref<1x128xi32, #tpu.memory_space<hbm>>
      tpu.enqueue_dma source(%dma_start3A_53 : memref<1x128xi32, #tpu.memory_space<hbm>>) target(%dma_start3A_51 : memref<1x128xi32, #tpu.memory_space<vmem>>) target_semaphore(%dma_start3A_47 : memref<!tpu.dma_semaphore, #tpu.memory_space<semaphore_mem>>)
      %add3A_54 = arith.constant 0 : i32
      %add3A_55 = arith.constant 1 : i32
      %add3A_56 = arith.addi %add3A_54, %add3A_55 : i32
      %select_n3A_57 = arith.constant true
      %select_n3A_58 = arith.constant 0 : i32
      %select_n3A_59 = arith.select %select_n3A_57, %add3A_56, %select_n3A_58 : i32
      "tpu.trace_stop"() : () -> ()
      %scan3A = arith.constant 0 : i32
      %scan3A_60 = arith.constant 0 : i32
      %scan3A_61 = arith.constant 0 : i32
      %scan3A_62 = arith.constant 0 : i32
      %scan3A_63 = arith.constant 0 : i32
      %scan3A_64 = arith.constant 128 : i32
      %scan3A_65 = arith.addi %scan3A_63, %scan3A_64 : i32
      %scan3A_66 = arith.constant 1 : i32
      %scan3A_67:5 = scf.for %scan3A_121 = %scan3A_63 to %scan3A_65 step %scan3A_66 iter_args(%scan3A_122 = %select_n3A_59, %scan3A_123 = %scan3A, %scan3A_124 = %scan3A_60, %scan3A_125 = %scan3A_61, %scan3A_126 = %scan3A_62) -> (i32, i32, i32, i32, i32)  : i32 {
        %eq3A_127 = arith.constant 0 : i32
        %eq3A_128 = arith.cmpi eq, %scan3A_121, %eq3A_127 : i32
        %eq3A_129 = arith.constant 127 : i32
        %eq3A_130 = arith.cmpi eq, %scan3A_121, %eq3A_129 : i32
        %add3A_131 = arith.addi %scan3A_126, %mul3A_6 : i32
        %sub3A_132 = arith.constant 1 : i32
        %sub3A_133 = arith.subi %scan3A_126, %sub3A_132 : i32
        %select_n3A_134 = arith.constant true
        %select_n3A_135 = arith.select %select_n3A_134, %sub3A_133, %scan3A_126 : i32
        %eq3A_136 = arith.constant -1 : i32
        %eq3A_137 = arith.cmpi eq, %select_n3A_135, %eq3A_136 : i32
        %select_n3A_138 = arith.constant 127 : i32
        %select_n3A_139 = arith.select %eq3A_137, %select_n3A_138, %select_n3A_135 : i32
        %add3A_140 = arith.addi %select_n3A_139, %mul3A_6 : i32
        %add3A_141 = arith.constant 1 : i32
        %add3A_142 = arith.addi %scan3A_126, %add3A_141 : i32
        %select_n3A_143 = arith.constant true
        %select_n3A_144 = arith.select %select_n3A_143, %add3A_142, %scan3A_126 : i32
        %eq3A_145 = arith.constant 128 : i32
        %eq3A_146 = arith.cmpi eq, %select_n3A_144, %eq3A_145 : i32
        %select_n3A_147 = arith.constant 0 : i32
        %select_n3A_148 = arith.select %eq3A_146, %select_n3A_147, %select_n3A_144 : i32
        %add3A_149 = arith.addi %select_n3A_148, %mul3A_6 : i32
        %add3A_150 = arith.constant 1 : i32
        %add3A_151 = arith.addi %select_n3A_148, %add3A_150 : i32
        %select_n3A_152 = arith.constant true
        %select_n3A_153 = arith.select %select_n3A_152, %add3A_151, %select_n3A_148 : i32
        %eq3A_154 = arith.constant 128 : i32
        %eq3A_155 = arith.cmpi eq, %select_n3A_153, %eq3A_154 : i32
        %select_n3A_156 = arith.constant 0 : i32
        %select_n3A_157 = arith.select %eq3A_155, %select_n3A_156, %select_n3A_153 : i32
        %add3A_158 = arith.addi %select_n3A_157, %mul3A_6 : i32
        %ne3A = arith.cmpi ne, %add3A_131, %add3A_149 : i32
        %or3A = arith.constant false
        %or3A_159 = arith.ori %or3A, %ne3A : i1
        %ge3A = arith.constant 127 : i32
        %ge3A_160 = arith.cmpi sge, %scan3A_121, %ge3A : i32
        %not3A = arith.constant true
        %not3A_161 = arith.xori %ge3A_160, %not3A : i1
        %and3A = arith.andi %or3A_159, %not3A_161 : i1
        %convert_element_type3A = arith.extui %and3A : i1 to i32
        %cond3A = arith.constant 0 : i32
        %cond3A_162 = arith.cmpi ne, %convert_element_type3A, %cond3A : i32
        scf.if %cond3A_162 {
          "tpu.trace_start"() <{level = 10 : i32, message = "ep_copy_in"}> : () -> ()
          %rem3A_264 = arith.constant 2 : i32
          %rem3A_265 = arith.remui %scan3A_122, %rem3A_264 : i32
          %mul3A_266 = arith.constant 128 : i32
          %mul3A_267 = arith.muli %mul3A_266, %add3A_149 : i32
          %dma_start3A_268 = arith.constant 0 : i32
          %dma_start3A_269 = arith.constant 0 : i32
          %dma_start3A_270 = tpu.memref_slice %run_scoped3A[%rem3A_265, %dma_start3A_268, %dma_start3A_269] : memref<2x1x128xi32, #tpu.memory_space<vmem>> -> memref<1x1x128xi32, #tpu.memory_space<vmem>>
          %dma_start3A_271 = tpu.memref_squeeze %dma_start3A_270 : memref<1x1x128xi32, #tpu.memory_space<vmem>> -> memref<1x128xi32, #tpu.memory_space<vmem>>
          %dma_start3A_272 = arith.constant 0 : i32
          %dma_start3A_273 = tpu.memref_slice %arg3[%dma_start3A_272, %mul3A_267] : memref<1x524288xi32, #tpu.memory_space<hbm>> -> memref<1x128xi32, #tpu.memory_space<hbm>>
          %dma_start3A_274 = tpu.memref_slice %run_scoped3A_7[%rem3A_265] : memref<2x!tpu.dma_semaphore, #tpu.memory_space<semaphore_mem>> -> memref<1x!tpu.dma_semaphore, #tpu.memory_space<semaphore_mem>>
          %dma_start3A_275 = tpu.memref_squeeze %dma_start3A_274 : memref<1x!tpu.dma_semaphore, #tpu.memory_space<semaphore_mem>> -> memref<!tpu.dma_semaphore, #tpu.memory_space<semaphore_mem>>
          %dma_start3A_276 = arith.constant 0 : i32
          %dma_start3A_277 = arith.constant 0 : i32
          %dma_start3A_278 = tpu.memref_slice %run_scoped3A[%rem3A_265, %dma_start3A_276, %dma_start3A_277] : memref<2x1x128xi32, #tpu.memory_space<vmem>> -> memref<1x1x128xi32, #tpu.memory_space<vmem>>
          %dma_start3A_279 = tpu.memref_squeeze %dma_start3A_278 : memref<1x1x128xi32, #tpu.memory_space<vmem>> -> memref<1x128xi32, #tpu.memory_space<vmem>>
          %dma_start3A_280 = arith.constant 0 : i32
          %dma_start3A_281 = tpu.memref_slice %arg3[%dma_start3A_280, %mul3A_267] : memref<1x524288xi32, #tpu.memory_space<hbm>> -> memref<1x128xi32, #tpu.memory_space<hbm>>
          tpu.enqueue_dma source(%dma_start3A_281 : memref<1x128xi32, #tpu.memory_space<hbm>>) target(%dma_start3A_279 : memref<1x128xi32, #tpu.memory_space<vmem>>) target_semaphore(%dma_start3A_275 : memref<!tpu.dma_semaphore, #tpu.memory_space<semaphore_mem>>)
          "tpu.trace_stop"() : () -> ()
        } else {
        }
        %and3A_163 = arith.constant true
        %and3A_164 = arith.andi %and3A, %and3A_163 : i1
        %add3A_165 = arith.constant 1 : i32
        %add3A_166 = arith.addi %scan3A_122, %add3A_165 : i32
        %select_n3A_167 = arith.select %and3A_164, %add3A_166, %scan3A_122 : i32
        %ne3A_168 = arith.cmpi ne, %add3A_131, %add3A_149 : i32
        %or3A_169 = arith.constant false
        %or3A_170 = arith.ori %or3A_169, %ne3A_168 : i1
        %or3A_171 = arith.constant false
        %or3A_172 = arith.ori %or3A_170, %or3A_171 : i1
        %ge3A_173 = arith.constant 127 : i32
        %ge3A_174 = arith.cmpi sge, %scan3A_121, %ge3A_173 : i32
        %not3A_175 = arith.constant true
        %not3A_176 = arith.xori %ge3A_174, %not3A_175 : i1
        %and3A_177 = arith.andi %or3A_172, %not3A_176 : i1
        %ne3A_178 = arith.cmpi ne, %add3A_131, %add3A_140 : i32
        %or3A_179 = arith.constant false
        %or3A_180 = arith.ori %or3A_179, %ne3A_178 : i1
        %or3A_181 = arith.ori %or3A_180, %eq3A_128 : i1
        %convert_element_type3A_182 = arith.extui %or3A_181 : i1 to i32
        %cond3A_183 = arith.constant 0 : i32
        %cond3A_184 = arith.cmpi ne, %convert_element_type3A_182, %cond3A_183 : i32
        scf.if %cond3A_184 {
          "tpu.trace_start"() <{level = 10 : i32, message = "ep_wait_in"}> : () -> ()
          %mul3A_264 = arith.constant 128 : i32
          %mul3A_265 = arith.muli %mul3A_264, %add3A_131 : i32
          %rem3A_266 = arith.constant 2 : i32
          %rem3A_267 = arith.remui %scan3A_123, %rem3A_266 : i32
          %dma_wait3A_268 = arith.constant 0 : i32
          %dma_wait3A_269 = arith.constant 0 : i32
          %dma_wait3A_270 = tpu.memref_slice %run_scoped3A[%rem3A_267, %dma_wait3A_268, %dma_wait3A_269] : memref<2x1x128xi32, #tpu.memory_space<vmem>> -> memref<1x1x128xi32, #tpu.memory_space<vmem>>
          %dma_wait3A_271 = tpu.memref_squeeze %dma_wait3A_270 : memref<1x1x128xi32, #tpu.memory_space<vmem>> -> memref<1x128xi32, #tpu.memory_space<vmem>>
          %dma_wait3A_272 = arith.constant 0 : i32
          %dma_wait3A_273 = tpu.memref_slice %arg3[%dma_wait3A_272, %mul3A_265] : memref<1x524288xi32, #tpu.memory_space<hbm>> -> memref<1x128xi32, #tpu.memory_space<hbm>>
          %dma_wait3A_274 = tpu.memref_slice %run_scoped3A_7[%rem3A_267] : memref<2x!tpu.dma_semaphore, #tpu.memory_space<semaphore_mem>> -> memref<1x!tpu.dma_semaphore, #tpu.memory_space<semaphore_mem>>
          %dma_wait3A_275 = tpu.memref_squeeze %dma_wait3A_274 : memref<1x!tpu.dma_semaphore, #tpu.memory_space<semaphore_mem>> -> memref<!tpu.dma_semaphore, #tpu.memory_space<semaphore_mem>>
          %dma_wait3A_276 = arith.constant 0 : i32
          %dma_wait3A_277 = arith.constant 0 : i32
          %dma_wait3A_278 = tpu.memref_slice %run_scoped3A[%rem3A_267, %dma_wait3A_276, %dma_wait3A_277] : memref<2x1x128xi32, #tpu.memory_space<vmem>> -> memref<1x1x128xi32, #tpu.memory_space<vmem>>
          %dma_wait3A_279 = tpu.memref_squeeze %dma_wait3A_278 : memref<1x1x128xi32, #tpu.memory_space<vmem>> -> memref<1x128xi32, #tpu.memory_space<vmem>>
          %dma_wait3A_280 = arith.constant 0 : i32
          %dma_wait3A_281 = tpu.memref_slice %arg3[%dma_wait3A_280, %mul3A_265] : memref<1x524288xi32, #tpu.memory_space<hbm>> -> memref<1x128xi32, #tpu.memory_space<hbm>>
          tpu.wait_dma2 semaphore(%dma_wait3A_275 : memref<!tpu.dma_semaphore, #tpu.memory_space<semaphore_mem>>) src(%dma_wait3A_281 : memref<1x128xi32, #tpu.memory_space<hbm>>) dst(%dma_wait3A_279 : memref<1x128xi32, #tpu.memory_space<vmem>>)
          "tpu.trace_stop"() : () -> ()
        } else {
        }
        %ne3A_185 = arith.cmpi ne, %add3A_131, %add3A_140 : i32
        %or3A_186 = arith.constant false
        %or3A_187 = arith.ori %or3A_186, %ne3A_185 : i1
        %or3A_188 = arith.constant false
        %or3A_189 = arith.ori %or3A_187, %or3A_188 : i1
        %or3A_190 = arith.ori %or3A_189, %eq3A_128 : i1
        %convert_element_type3A_191 = arith.extui %or3A_190 : i1 to i32
        %cond3A_192 = arith.constant 0 : i32
        %cond3A_193 = arith.cmpi ne, %convert_element_type3A_191, %cond3A_192 : i32
        scf.if %cond3A_193 {
        } else {
        }
        %rem3A_194 = arith.constant 2 : i32
        %rem3A_195 = arith.remui %scan3A_123, %rem3A_194 : i32
        %rem3A_196 = arith.constant 2 : i32
        %rem3A_197 = arith.remui %scan3A_124, %rem3A_196 : i32
        %run_scoped3A_198 = arith.constant 0 : i32
        "tpu.trace_start"() <{level = 10 : i32, message = "ep_run_kernel"}> : () -> ()
        "tpu.region"() ({
          %run_scoped3A_264 = tpu.sem_alloc : memref<!tpu.dma_semaphore, #tpu.memory_space<semaphore_mem>>
          %dma_start3A_265 = arith.constant 0 : i32
          %dma_start3A_266 = arith.constant 0 : i32
          %dma_start3A_267 = tpu.memref_slice %run_scoped3A_8[%rem3A_197, %dma_start3A_265, %dma_start3A_266] : memref<2x128x128xf32, #tpu.memory_space<vmem>> -> memref<1x128x128xf32, #tpu.memory_space<vmem>>
          %dma_start3A_268 = tpu.memref_squeeze %dma_start3A_267 : memref<1x128x128xf32, #tpu.memory_space<vmem>> -> memref<128x128xf32, #tpu.memory_space<vmem>>
          %dma_start3A_269 = arith.constant 0 : i32
          %dma_start3A_270 = arith.constant 0 : i32
          %dma_start3A_271 = tpu.memref_slice %run_scoped3A[%rem3A_195, %dma_start3A_269, %dma_start3A_270] : memref<2x1x128xi32, #tpu.memory_space<vmem>> -> memref<1x1x128xi32, #tpu.memory_space<vmem>>
          %dma_start3A_272 = tpu.memref_squeeze %dma_start3A_271 : memref<1x1x128xi32, #tpu.memory_space<vmem>> -> memref<1x128xi32, #tpu.memory_space<vmem>>
          %dma_start3A_273 = arith.constant 0 : i32
          %dma_start3A_274 = tpu.memref_slice %dma_start3A_272[%run_scoped3A_198, %dma_start3A_273] : memref<1x128xi32, #tpu.memory_space<vmem>> -> memref<1x128xi32, #tpu.memory_space<vmem>>
          %dma_start3A_275 = tpu.memref_squeeze %dma_start3A_274 : memref<1x128xi32, #tpu.memory_space<vmem>> -> memref<128xi32, #tpu.memory_space<vmem>>
          %dma_start3A_276 = arith.constant 0 : i32
          %dma_start3A_277 = arith.constant 0 : i32
          %dma_start3A_278 = tpu.memref_slice %arg2[%dma_start3A_276, %dma_start3A_277] : memref<16384x128xf32, #tpu.memory_space<hbm>> -> memref<16384x128xf32, #tpu.memory_space<hbm>>
          tpu.enqueue_indirect_dma source(%dma_start3A_278 : memref<16384x128xf32, #tpu.memory_space<hbm>>) target(%dma_start3A_268 : memref<128x128xf32, #tpu.memory_space<vmem>>) offsets(%dma_start3A_275 : memref<128xi32, #tpu.memory_space<vmem>>) semaphore(%run_scoped3A_264 : memref<!tpu.dma_semaphore, #tpu.memory_space<semaphore_mem>>)
          %dma_wait3A_279 = arith.constant 0 : i32
          %dma_wait3A_280 = arith.constant 0 : i32
          %dma_wait3A_281 = tpu.memref_slice %run_scoped3A_8[%rem3A_197, %dma_wait3A_279, %dma_wait3A_280] : memref<2x128x128xf32, #tpu.memory_space<vmem>> -> memref<1x128x128xf32, #tpu.memory_space<vmem>>
          %dma_wait3A_282 = tpu.memref_squeeze %dma_wait3A_281 : memref<1x128x128xf32, #tpu.memory_space<vmem>> -> memref<128x128xf32, #tpu.memory_space<vmem>>
          %dma_wait3A_283 = arith.constant 0 : i32
          %dma_wait3A_284 = arith.constant 0 : i32
          %dma_wait3A_285 = tpu.memref_slice %run_scoped3A[%rem3A_195, %dma_wait3A_283, %dma_wait3A_284] : memref<2x1x128xi32, #tpu.memory_space<vmem>> -> memref<1x1x128xi32, #tpu.memory_space<vmem>>
          %dma_wait3A_286 = tpu.memref_squeeze %dma_wait3A_285 : memref<1x1x128xi32, #tpu.memory_space<vmem>> -> memref<1x128xi32, #tpu.memory_space<vmem>>
          %dma_wait3A_287 = arith.constant 0 : i32
          %dma_wait3A_288 = tpu.memref_slice %dma_wait3A_286[%run_scoped3A_198, %dma_wait3A_287] : memref<1x128xi32, #tpu.memory_space<vmem>> -> memref<1x128xi32, #tpu.memory_space<vmem>>
          %dma_wait3A_289 = tpu.memref_squeeze %dma_wait3A_288 : memref<1x128xi32, #tpu.memory_space<vmem>> -> memref<128xi32, #tpu.memory_space<vmem>>
          %dma_wait3A_290 = arith.constant 0 : i32
          %dma_wait3A_291 = arith.constant 0 : i32
          %dma_wait3A_292 = tpu.memref_slice %arg2[%dma_wait3A_290, %dma_wait3A_291] : memref<16384x128xf32, #tpu.memory_space<hbm>> -> memref<16384x128xf32, #tpu.memory_space<hbm>>
          tpu.wait_indirect_dma semaphore(%run_scoped3A_264 : memref<!tpu.dma_semaphore, #tpu.memory_space<semaphore_mem>>) src(%dma_wait3A_292 : memref<16384x128xf32, #tpu.memory_space<hbm>>) dst(%dma_wait3A_282 : memref<128x128xf32, #tpu.memory_space<vmem>>)
          tpu.yield
        }) : () -> ()
        "tpu.trace_stop"() : () -> ()
        %ne3A_199 = arith.cmpi ne, %add3A_131, %add3A_149 : i32
        %or3A_200 = arith.constant false
        %or3A_201 = arith.ori %or3A_200, %ne3A_199 : i1
        %or3A_202 = arith.ori %or3A_201, %eq3A_130 : i1
        %convert_element_type3A_203 = arith.extui %or3A_202 : i1 to i32
        %cond3A_204 = arith.constant 0 : i32
        %cond3A_205 = arith.cmpi ne, %convert_element_type3A_203, %cond3A_204 : i32
        scf.if %cond3A_205 {
        } else {
        }
        %and3A_206 = arith.constant false
        %and3A_207 = arith.andi %or3A_202, %and3A_206 : i1
        %ne3A_208 = arith.cmpi ne, %add3A_131, %add3A_149 : i32
        %or3A_209 = arith.constant false
        %or3A_210 = arith.ori %or3A_209, %ne3A_208 : i1
        %or3A_211 = arith.constant false
        %or3A_212 = arith.ori %or3A_210, %or3A_211 : i1
        %or3A_213 = arith.ori %or3A_212, %eq3A_130 : i1
        %convert_element_type3A_214 = arith.extui %or3A_213 : i1 to i32
        %cond3A_215 = arith.constant 0 : i32
        %cond3A_216 = arith.cmpi ne, %convert_element_type3A_214, %cond3A_215 : i32
        scf.if %cond3A_216 {
          "tpu.trace_start"() <{level = 10 : i32, message = "ep_copy_out"}> : () -> ()
          %rem3A_264 = arith.constant 2 : i32
          %rem3A_265 = arith.remui %scan3A_124, %rem3A_264 : i32
          %mul3A_266 = arith.constant 128 : i32
          %mul3A_267 = arith.muli %mul3A_266, %add3A_131 : i32
          %dma_start3A_268 = arith.constant 0 : i32
          %dma_start3A_269 = arith.constant 0 : i32
          %dma_start3A_270 = tpu.memref_slice %run_scoped3A_8[%rem3A_265, %dma_start3A_268, %dma_start3A_269] : memref<2x128x128xf32, #tpu.memory_space<vmem>> -> memref<1x128x128xf32, #tpu.memory_space<vmem>>
          %dma_start3A_271 = tpu.memref_squeeze %dma_start3A_270 : memref<1x128x128xf32, #tpu.memory_space<vmem>> -> memref<128x128xf32, #tpu.memory_space<vmem>>
          %dma_start3A_272 = arith.constant 0 : i32
          %dma_start3A_273 = tpu.memref_slice %arg4[%mul3A_267, %dma_start3A_272] : memref<524288x128xf32, #tpu.memory_space<hbm>> -> memref<128x128xf32, #tpu.memory_space<hbm>>
          %dma_start3A_274 = tpu.memref_slice %run_scoped3A_9[%rem3A_265] : memref<2x!tpu.dma_semaphore, #tpu.memory_space<semaphore_mem>> -> memref<1x!tpu.dma_semaphore, #tpu.memory_space<semaphore_mem>>
          %dma_start3A_275 = tpu.memref_squeeze %dma_start3A_274 : memref<1x!tpu.dma_semaphore, #tpu.memory_space<semaphore_mem>> -> memref<!tpu.dma_semaphore, #tpu.memory_space<semaphore_mem>>
          %dma_start3A_276 = arith.constant 0 : i32
          %dma_start3A_277 = tpu.memref_slice %arg4[%mul3A_267, %dma_start3A_276] : memref<524288x128xf32, #tpu.memory_space<hbm>> -> memref<128x128xf32, #tpu.memory_space<hbm>>
          %dma_start3A_278 = arith.constant 0 : i32
          %dma_start3A_279 = arith.constant 0 : i32
          %dma_start3A_280 = tpu.memref_slice %run_scoped3A_8[%rem3A_265, %dma_start3A_278, %dma_start3A_279] : memref<2x128x128xf32, #tpu.memory_space<vmem>> -> memref<1x128x128xf32, #tpu.memory_space<vmem>>
          %dma_start3A_281 = tpu.memref_squeeze %dma_start3A_280 : memref<1x128x128xf32, #tpu.memory_space<vmem>> -> memref<128x128xf32, #tpu.memory_space<vmem>>
          tpu.enqueue_dma source(%dma_start3A_281 : memref<128x128xf32, #tpu.memory_space<vmem>>) target(%dma_start3A_277 : memref<128x128xf32, #tpu.memory_space<hbm>>) target_semaphore(%dma_start3A_275 : memref<!tpu.dma_semaphore, #tpu.memory_space<semaphore_mem>>)
          "tpu.trace_stop"() : () -> ()
        } else {
        }
        %and3A_217 = arith.constant true
        %and3A_218 = arith.andi %or3A_213, %and3A_217 : i1
        %add3A_219 = arith.constant 1 : i32
        %add3A_220 = arith.addi %scan3A_124, %add3A_219 : i32
        %select_n3A_221 = arith.select %and3A_218, %add3A_220, %scan3A_124 : i32
        %ne3A_222 = arith.cmpi ne, %add3A_131, %add3A_140 : i32
        %or3A_223 = arith.constant false
        %or3A_224 = arith.ori %or3A_223, %ne3A_222 : i1
        %not3A_225 = arith.constant true
        %not3A_226 = arith.xori %eq3A_128, %not3A_225 : i1
        %and3A_227 = arith.andi %or3A_224, %not3A_226 : i1
        %convert_element_type3A_228 = arith.extui %and3A_227 : i1 to i32
        %cond3A_229 = arith.constant 0 : i32
        %cond3A_230 = arith.cmpi ne, %convert_element_type3A_228, %cond3A_229 : i32
        scf.if %cond3A_230 {
        } else {
        }
        %and3A_231 = arith.constant false
        %and3A_232 = arith.andi %and3A_227, %and3A_231 : i1
        %ne3A_233 = arith.cmpi ne, %add3A_131, %add3A_140 : i32
        %or3A_234 = arith.constant false
        %or3A_235 = arith.ori %or3A_234, %ne3A_233 : i1
        %or3A_236 = arith.constant false
        %or3A_237 = arith.ori %or3A_235, %or3A_236 : i1
        %not3A_238 = arith.constant true
        %not3A_239 = arith.xori %eq3A_128, %not3A_238 : i1
        %and3A_240 = arith.andi %or3A_237, %not3A_239 : i1
        %convert_element_type3A_241 = arith.extui %and3A_240 : i1 to i32
        %cond3A_242 = arith.constant 0 : i32
        %cond3A_243 = arith.cmpi ne, %convert_element_type3A_241, %cond3A_242 : i32
        scf.if %cond3A_243 {
          "tpu.trace_start"() <{level = 10 : i32, message = "ep_wait_out"}> : () -> ()
          %rem3A_264 = arith.constant 2 : i32
          %rem3A_265 = arith.remui %scan3A_125, %rem3A_264 : i32
          %mul3A_266 = arith.constant 128 : i32
          %mul3A_267 = arith.muli %mul3A_266, %add3A_140 : i32
          %dma_wait3A_268 = arith.constant 0 : i32
          %dma_wait3A_269 = arith.constant 0 : i32
          %dma_wait3A_270 = tpu.memref_slice %run_scoped3A_8[%rem3A_265, %dma_wait3A_268, %dma_wait3A_269] : memref<2x128x128xf32, #tpu.memory_space<vmem>> -> memref<1x128x128xf32, #tpu.memory_space<vmem>>
          %dma_wait3A_271 = tpu.memref_squeeze %dma_wait3A_270 : memref<1x128x128xf32, #tpu.memory_space<vmem>> -> memref<128x128xf32, #tpu.memory_space<vmem>>
          %dma_wait3A_272 = arith.constant 0 : i32
          %dma_wait3A_273 = tpu.memref_slice %arg4[%mul3A_267, %dma_wait3A_272] : memref<524288x128xf32, #tpu.memory_space<hbm>> -> memref<128x128xf32, #tpu.memory_space<hbm>>
          %dma_wait3A_274 = tpu.memref_slice %run_scoped3A_9[%rem3A_265] : memref<2x!tpu.dma_semaphore, #tpu.memory_space<semaphore_mem>> -> memref<1x!tpu.dma_semaphore, #tpu.memory_space<semaphore_mem>>
          %dma_wait3A_275 = tpu.memref_squeeze %dma_wait3A_274 : memref<1x!tpu.dma_semaphore, #tpu.memory_space<semaphore_mem>> -> memref<!tpu.dma_semaphore, #tpu.memory_space<semaphore_mem>>
          %dma_wait3A_276 = arith.constant 0 : i32
          %dma_wait3A_277 = tpu.memref_slice %arg4[%mul3A_267, %dma_wait3A_276] : memref<524288x128xf32, #tpu.memory_space<hbm>> -> memref<128x128xf32, #tpu.memory_space<hbm>>
          %dma_wait3A_278 = arith.constant 0 : i32
          %dma_wait3A_279 = arith.constant 0 : i32
          %dma_wait3A_280 = tpu.memref_slice %run_scoped3A_8[%rem3A_265, %dma_wait3A_278, %dma_wait3A_279] : memref<2x128x128xf32, #tpu.memory_space<vmem>> -> memref<1x128x128xf32, #tpu.memory_space<vmem>>
          %dma_wait3A_281 = tpu.memref_squeeze %dma_wait3A_280 : memref<1x128x128xf32, #tpu.memory_space<vmem>> -> memref<128x128xf32, #tpu.memory_space<vmem>>
          tpu.wait_dma2 semaphore(%dma_wait3A_275 : memref<!tpu.dma_semaphore, #tpu.memory_space<semaphore_mem>>) src(%dma_wait3A_281 : memref<128x128xf32, #tpu.memory_space<vmem>>) dst(%dma_wait3A_277 : memref<128x128xf32, #tpu.memory_space<hbm>>)
          "tpu.trace_stop"() : () -> ()
        } else {
        }
        %and3A_244 = arith.constant true
        %and3A_245 = arith.andi %and3A_240, %and3A_244 : i1
        %add3A_246 = arith.constant 1 : i32
        %add3A_247 = arith.addi %scan3A_125, %add3A_246 : i32
        %select_n3A_248 = arith.select %and3A_245, %add3A_247, %scan3A_125 : i32
        %ne3A_249 = arith.cmpi ne, %add3A_131, %add3A_149 : i32
        %or3A_250 = arith.constant false
        %or3A_251 = arith.ori %or3A_250, %ne3A_249 : i1
        %or3A_252 = arith.ori %or3A_251, %eq3A_130 : i1
        %add3A_253 = arith.constant 1 : i32
        %add3A_254 = arith.addi %scan3A_123, %add3A_253 : i32
        %select_n3A_255 = arith.select %or3A_252, %add3A_254, %scan3A_123 : i32
        %add3A_256 = arith.constant 1 : i32
        %add3A_257 = arith.addi %scan3A_126, %add3A_256 : i32
        %select_n3A_258 = arith.constant true
        %select_n3A_259 = arith.select %select_n3A_258, %add3A_257, %scan3A_126 : i32
        %eq3A_260 = arith.constant 128 : i32
        %eq3A_261 = arith.cmpi eq, %select_n3A_259, %eq3A_260 : i32
        %select_n3A_262 = arith.constant 0 : i32
        %select_n3A_263 = arith.select %eq3A_261, %select_n3A_262, %select_n3A_259 : i32
        scf.yield %select_n3A_167, %select_n3A_255, %select_n3A_221, %select_n3A_248, %select_n3A_263 : i32, i32, i32, i32, i32
      }
      %scan3A_68 = arith.constant 128 : i32
      %sub3A = arith.constant 1 : i32
      %sub3A_69 = arith.subi %scan3A_67#4, %sub3A : i32
      %select_n3A_70 = arith.constant true
      %select_n3A_71 = arith.select %select_n3A_70, %sub3A_69, %scan3A_67#4 : i32
      %eq3A_72 = arith.constant -1 : i32
      %eq3A_73 = arith.cmpi eq, %select_n3A_71, %eq3A_72 : i32
      %select_n3A_74 = arith.constant 127 : i32
      %select_n3A_75 = arith.select %eq3A_73, %select_n3A_74, %select_n3A_71 : i32
      %add3A_76 = arith.addi %select_n3A_75, %mul3A_6 : i32
      %sub3A_77 = arith.constant 1 : i32
      %sub3A_78 = arith.subi %select_n3A_75, %sub3A_77 : i32
      %select_n3A_79 = arith.constant true
      %select_n3A_80 = arith.select %select_n3A_79, %sub3A_78, %select_n3A_75 : i32
      %eq3A_81 = arith.constant -1 : i32
      %eq3A_82 = arith.cmpi eq, %select_n3A_80, %eq3A_81 : i32
      %select_n3A_83 = arith.constant 127 : i32
      %select_n3A_84 = arith.select %eq3A_82, %select_n3A_83, %select_n3A_80 : i32
      %add3A_85 = arith.addi %select_n3A_84, %mul3A_6 : i32
      %add3A_86 = arith.constant 1 : i32
      %add3A_87 = arith.addi %select_n3A_75, %add3A_86 : i32
      %select_n3A_88 = arith.constant true
      %select_n3A_89 = arith.select %select_n3A_88, %add3A_87, %select_n3A_75 : i32
      %eq3A_90 = arith.constant 128 : i32
      %eq3A_91 = arith.cmpi eq, %select_n3A_89, %eq3A_90 : i32
      %select_n3A_92 = arith.constant 0 : i32
      %select_n3A_93 = arith.select %eq3A_91, %select_n3A_92, %select_n3A_89 : i32
      %add3A_94 = arith.addi %select_n3A_93, %mul3A_6 : i32
      %add3A_95 = arith.constant 1 : i32
      %add3A_96 = arith.addi %select_n3A_93, %add3A_95 : i32
      %select_n3A_97 = arith.constant true
      %select_n3A_98 = arith.select %select_n3A_97, %add3A_96, %select_n3A_93 : i32
      %eq3A_99 = arith.constant 128 : i32
      %eq3A_100 = arith.cmpi eq, %select_n3A_98, %eq3A_99 : i32
      %select_n3A_101 = arith.constant 0 : i32
      %select_n3A_102 = arith.select %eq3A_100, %select_n3A_101, %select_n3A_98 : i32
      %add3A_103 = arith.addi %select_n3A_102, %mul3A_6 : i32
      "tpu.trace_start"() <{level = 10 : i32, message = "ep_finalize"}> : () -> ()
      %rem3A_104 = arith.constant 2 : i32
      %rem3A_105 = arith.remui %scan3A_67#3, %rem3A_104 : i32
      %mul3A_106 = arith.constant 128 : i32
      %mul3A_107 = arith.muli %mul3A_106, %add3A_76 : i32
      %dma_wait3A = arith.constant 0 : i32
      %dma_wait3A_108 = arith.constant 0 : i32
      %dma_wait3A_109 = tpu.memref_slice %run_scoped3A_8[%rem3A_105, %dma_wait3A, %dma_wait3A_108] : memref<2x128x128xf32, #tpu.memory_space<vmem>> -> memref<1x128x128xf32, #tpu.memory_space<vmem>>
      %dma_wait3A_110 = tpu.memref_squeeze %dma_wait3A_109 : memref<1x128x128xf32, #tpu.memory_space<vmem>> -> memref<128x128xf32, #tpu.memory_space<vmem>>
      %dma_wait3A_111 = arith.constant 0 : i32
      %dma_wait3A_112 = tpu.memref_slice %arg4[%mul3A_107, %dma_wait3A_111] : memref<524288x128xf32, #tpu.memory_space<hbm>> -> memref<128x128xf32, #tpu.memory_space<hbm>>
      %dma_wait3A_113 = tpu.memref_slice %run_scoped3A_9[%rem3A_105] : memref<2x!tpu.dma_semaphore, #tpu.memory_space<semaphore_mem>> -> memref<1x!tpu.dma_semaphore, #tpu.memory_space<semaphore_mem>>
      %dma_wait3A_114 = tpu.memref_squeeze %dma_wait3A_113 : memref<1x!tpu.dma_semaphore, #tpu.memory_space<semaphore_mem>> -> memref<!tpu.dma_semaphore, #tpu.memory_space<semaphore_mem>>
      %dma_wait3A_115 = arith.constant 0 : i32
      %dma_wait3A_116 = tpu.memref_slice %arg4[%mul3A_107, %dma_wait3A_115] : memref<524288x128xf32, #tpu.memory_space<hbm>> -> memref<128x128xf32, #tpu.memory_space<hbm>>
      %dma_wait3A_117 = arith.constant 0 : i32
      %dma_wait3A_118 = arith.constant 0 : i32
      %dma_wait3A_119 = tpu.memref_slice %run_scoped3A_8[%rem3A_105, %dma_wait3A_117, %dma_wait3A_118] : memref<2x128x128xf32, #tpu.memory_space<vmem>> -> memref<1x128x128xf32, #tpu.memory_space<vmem>>
      %dma_wait3A_120 = tpu.memref_squeeze %dma_wait3A_119 : memref<1x128x128xf32, #tpu.memory_space<vmem>> -> memref<128x128xf32, #tpu.memory_space<vmem>>
      tpu.wait_dma2 semaphore(%dma_wait3A_114 : memref<!tpu.dma_semaphore, #tpu.memory_space<semaphore_mem>>) src(%dma_wait3A_120 : memref<128x128xf32, #tpu.memory_space<vmem>>) dst(%dma_wait3A_116 : memref<128x128xf32, #tpu.memory_space<hbm>>)
      "tpu.trace_stop"() : () -> ()
      tpu.yield
    }) : () -> ()
    return
  }
}

#map = affine_map<(d0, d1) -> (0, 0)>
module attributes {stable_mosaic.version = 14 : i64} {
  func.func @k(%arg0: i32, %arg1: i32, %arg2: memref<16384x128xf32, #tpu.memory_space<hbm>>, %arg3: memref<1x131072xi32, #tpu.memory_space<hbm>>, %arg4: memref<131072x128xf32, #tpu.memory_space<hbm>>) attributes {dimension_semantics = [#tpu.dimension_semantics<core_parallel>, #tpu.dimension_semantics<subcore_parallel>], iteration_bounds = array<i64: 2, 16>, scalar_prefetch = 0 : i64, scratch_operands = 0 : i64, tpu.core_type = #tpu.core_type<sc_vector_subcore>, window_params = [{transform_indices = #map}, {transform_indices = #map}, {transform_indices = #map}]} {
    %mul3A = arith.constant 1 : i32
    %mul3A_0 = arith.muli %arg1, %mul3A : i32
    %add3A = arith.constant 0 : i32
    %add3A_1 = arith.addi %add3A, %mul3A_0 : i32
    %mul3A_2 = arith.constant 16 : i32
    %mul3A_3 = arith.muli %arg0, %mul3A_2 : i32
    %add3A_4 = arith.addi %add3A_1, %mul3A_3 : i32
    %mul3A_5 = arith.constant 32 : i32
    %mul3A_6 = arith.muli %add3A_4, %mul3A_5 : i32
    "tpu.region"() ({
      %run_scoped3A = memref.alloca() : memref<2x1x128xi32, #tpu.memory_space<vmem>>
      %run_scoped3A_7 = tpu.sem_alloc : memref<2x!tpu.dma_semaphore, #tpu.memory_space<semaphore_mem>>
      %run_scoped3A_8 = memref.alloca() : memref<2x128x128xf32, #tpu.memory_space<vmem>>
      %run_scoped3A_9 = tpu.sem_alloc : memref<2x!tpu.dma_semaphore, #tpu.memory_space<semaphore_mem>>
      %add3A_10 = arith.constant 0 : i32
      %add3A_11 = arith.addi %add3A_10, %mul3A_6 : i32
      %select_n3A = arith.constant true
      %select_n3A_12 = arith.constant 0 : i32
      %select_n3A_13 = arith.constant -1 : i32
      %select_n3A_14 = arith.select %select_n3A, %select_n3A_13, %select_n3A_12 : i32
      %eq3A = arith.constant -1 : i32
      %eq3A_15 = arith.cmpi eq, %select_n3A_14, %eq3A : i32
      %select_n3A_16 = arith.constant 31 : i32
      %select_n3A_17 = arith.select %eq3A_15, %select_n3A_16, %select_n3A_14 : i32
      %add3A_18 = arith.addi %select_n3A_17, %mul3A_6 : i32
      %select_n3A_19 = arith.constant true
      %select_n3A_20 = arith.constant 0 : i32
      %select_n3A_21 = arith.constant 1 : i32
      %select_n3A_22 = arith.select %select_n3A_19, %select_n3A_21, %select_n3A_20 : i32
      %eq3A_23 = arith.constant 32 : i32
      %eq3A_24 = arith.cmpi eq, %select_n3A_22, %eq3A_23 : i32
      %select_n3A_25 = arith.constant 0 : i32
      %select_n3A_26 = arith.select %eq3A_24, %select_n3A_25, %select_n3A_22 : i32
      %add3A_27 = arith.addi %select_n3A_26, %mul3A_6 : i32
      %add3A_28 = arith.constant 1 : i32
      %add3A_29 = arith.addi %select_n3A_26, %add3A_28 : i32
      %select_n3A_30 = arith.constant true
      %select_n3A_31 = arith.select %select_n3A_30, %add3A_29, %select_n3A_26 : i32
      %eq3A_32 = arith.constant 32 : i32
      %eq3A_33 = arith.cmpi eq, %select_n3A_31, %eq3A_32 : i32
      %select_n3A_34 = arith.constant 0 : i32
      %select_n3A_35 = arith.select %eq3A_33, %select_n3A_34, %select_n3A_31 : i32
      %add3A_36 = arith.addi %select_n3A_35, %mul3A_6 : i32
      "tpu.trace_start"() <{level = 10 : i32, message = "ep_initialize_0"}> : () -> ()
      %rem3A = arith.constant 0 : i32
      %rem3A_37 = arith.constant 2 : i32
      %rem3A_38 = arith.remui %rem3A, %rem3A_37 : i32
      %mul3A_39 = arith.constant 128 : i32
      %mul3A_40 = arith.muli %mul3A_39, %add3A_11 : i32
      %dma_start3A = arith.constant 0 : i32
      %dma_start3A_41 = arith.constant 0 : i32
      %dma_start3A_42 = tpu.memref_slice %run_scoped3A[%rem3A_38, %dma_start3A, %dma_start3A_41] : memref<2x1x128xi32, #tpu.memory_space<vmem>> -> memref<1x1x128xi32, #tpu.memory_space<vmem>>
      %dma_start3A_43 = tpu.memref_squeeze %dma_start3A_42 : memref<1x1x128xi32, #tpu.memory_space<vmem>> -> memref<1x128xi32, #tpu.memory_space<vmem>>
      %dma_start3A_44 = arith.constant 0 : i32
      %dma_start3A_45 = tpu.memref_slice %arg3[%dma_start3A_44, %mul3A_40] : memref<1x131072xi32, #tpu.memory_space<hbm>> -> memref<1x128xi32, #tpu.memory_space<hbm>>
      %dma_start3A_46 = tpu.memref_slice %run_scoped3A_7[%rem3A_38] : memref<2x!tpu.dma_semaphore, #tpu.memory_space<semaphore_mem>> -> memref<1x!tpu.dma_semaphore, #tpu.memory_space<semaphore_mem>>
      %dma_start3A_47 = tpu.memref_squeeze %dma_start3A_46 : memref<1x!tpu.dma_semaphore, #tpu.memory_space<semaphore_mem>> -> memref<!tpu.dma_semaphore, #tpu.memory_space<semaphore_mem>>
      %dma_start3A_48 = arith.constant 0 : i32
      %dma_start3A_49 = arith.constant 0 : i32
      %dma_start3A_50 = tpu.memref_slice %run_scoped3A[%rem3A_38, %dma_start3A_48, %dma_start3A_49] : memref<2x1x128xi32, #tpu.memory_space<vmem>> -> memref<1x1x128xi32, #tpu.memory_space<vmem>>
      %dma_start3A_51 = tpu.memref_squeeze %dma_start3A_50 : memref<1x1x128xi32, #tpu.memory_space<vmem>> -> memref<1x128xi32, #tpu.memory_space<vmem>>
      %dma_start3A_52 = arith.constant 0 : i32
      %dma_start3A_53 = tpu.memref_slice %arg3[%dma_start3A_52, %mul3A_40] : memref<1x131072xi32, #tpu.memory_space<hbm>> -> memref<1x128xi32, #tpu.memory_space<hbm>>
      tpu.enqueue_dma source(%dma_start3A_53 : memref<1x128xi32, #tpu.memory_space<hbm>>) target(%dma_start3A_51 : memref<1x128xi32, #tpu.memory_space<vmem>>) target_semaphore(%dma_start3A_47 : memref<!tpu.dma_semaphore, #tpu.memory_space<semaphore_mem>>)
      %add3A_54 = arith.constant 0 : i32
      %add3A_55 = arith.constant 1 : i32
      %add3A_56 = arith.addi %add3A_54, %add3A_55 : i32
      %select_n3A_57 = arith.constant true
      %select_n3A_58 = arith.constant 0 : i32
      %select_n3A_59 = arith.select %select_n3A_57, %add3A_56, %select_n3A_58 : i32
      "tpu.trace_stop"() : () -> ()
      %scan3A = arith.constant 0 : i32
      %scan3A_60 = arith.constant 0 : i32
      %scan3A_61 = arith.constant 0 : i32
      %scan3A_62 = arith.constant 0 : i32
      %scan3A_63 = arith.constant 0 : i32
      %scan3A_64 = arith.constant 32 : i32
      %scan3A_65 = arith.addi %scan3A_63, %scan3A_64 : i32
      %scan3A_66 = arith.constant 1 : i32
      %scan3A_67:5 = scf.for %scan3A_121 = %scan3A_63 to %scan3A_65 step %scan3A_66 iter_args(%scan3A_122 = %select_n3A_59, %scan3A_123 = %scan3A, %scan3A_124 = %scan3A_60, %scan3A_125 = %scan3A_61, %scan3A_126 = %scan3A_62) -> (i32, i32, i32, i32, i32)  : i32 {
        %eq3A_127 = arith.constant 0 : i32
        %eq3A_128 = arith.cmpi eq, %scan3A_121, %eq3A_127 : i32
        %eq3A_129 = arith.constant 31 : i32
        %eq3A_130 = arith.cmpi eq, %scan3A_121, %eq3A_129 : i32
        %add3A_131 = arith.addi %scan3A_126, %mul3A_6 : i32
        %sub3A_132 = arith.constant 1 : i32
        %sub3A_133 = arith.subi %scan3A_126, %sub3A_132 : i32
        %select_n3A_134 = arith.constant true
        %select_n3A_135 = arith.select %select_n3A_134, %sub3A_133, %scan3A_126 : i32
        %eq3A_136 = arith.constant -1 : i32
        %eq3A_137 = arith.cmpi eq, %select_n3A_135, %eq3A_136 : i32
        %select_n3A_138 = arith.constant 31 : i32
        %select_n3A_139 = arith.select %eq3A_137, %select_n3A_138, %select_n3A_135 : i32
        %add3A_140 = arith.addi %select_n3A_139, %mul3A_6 : i32
        %add3A_141 = arith.constant 1 : i32
        %add3A_142 = arith.addi %scan3A_126, %add3A_141 : i32
        %select_n3A_143 = arith.constant true
        %select_n3A_144 = arith.select %select_n3A_143, %add3A_142, %scan3A_126 : i32
        %eq3A_145 = arith.constant 32 : i32
        %eq3A_146 = arith.cmpi eq, %select_n3A_144, %eq3A_145 : i32
        %select_n3A_147 = arith.constant 0 : i32
        %select_n3A_148 = arith.select %eq3A_146, %select_n3A_147, %select_n3A_144 : i32
        %add3A_149 = arith.addi %select_n3A_148, %mul3A_6 : i32
        %add3A_150 = arith.constant 1 : i32
        %add3A_151 = arith.addi %select_n3A_148, %add3A_150 : i32
        %select_n3A_152 = arith.constant true
        %select_n3A_153 = arith.select %select_n3A_152, %add3A_151, %select_n3A_148 : i32
        %eq3A_154 = arith.constant 32 : i32
        %eq3A_155 = arith.cmpi eq, %select_n3A_153, %eq3A_154 : i32
        %select_n3A_156 = arith.constant 0 : i32
        %select_n3A_157 = arith.select %eq3A_155, %select_n3A_156, %select_n3A_153 : i32
        %add3A_158 = arith.addi %select_n3A_157, %mul3A_6 : i32
        %ne3A = arith.cmpi ne, %add3A_131, %add3A_149 : i32
        %or3A = arith.constant false
        %or3A_159 = arith.ori %or3A, %ne3A : i1
        %ge3A = arith.constant 31 : i32
        %ge3A_160 = arith.cmpi sge, %scan3A_121, %ge3A : i32
        %not3A = arith.constant true
        %not3A_161 = arith.xori %ge3A_160, %not3A : i1
        %and3A = arith.andi %or3A_159, %not3A_161 : i1
        %convert_element_type3A = arith.extui %and3A : i1 to i32
        %cond3A = arith.constant 0 : i32
        %cond3A_162 = arith.cmpi ne, %convert_element_type3A, %cond3A : i32
        scf.if %cond3A_162 {
          "tpu.trace_start"() <{level = 10 : i32, message = "ep_copy_in"}> : () -> ()
          %rem3A_264 = arith.constant 2 : i32
          %rem3A_265 = arith.remui %scan3A_122, %rem3A_264 : i32
          %mul3A_266 = arith.constant 128 : i32
          %mul3A_267 = arith.muli %mul3A_266, %add3A_149 : i32
          %dma_start3A_268 = arith.constant 0 : i32
          %dma_start3A_269 = arith.constant 0 : i32
          %dma_start3A_270 = tpu.memref_slice %run_scoped3A[%rem3A_265, %dma_start3A_268, %dma_start3A_269] : memref<2x1x128xi32, #tpu.memory_space<vmem>> -> memref<1x1x128xi32, #tpu.memory_space<vmem>>
          %dma_start3A_271 = tpu.memref_squeeze %dma_start3A_270 : memref<1x1x128xi32, #tpu.memory_space<vmem>> -> memref<1x128xi32, #tpu.memory_space<vmem>>
          %dma_start3A_272 = arith.constant 0 : i32
          %dma_start3A_273 = tpu.memref_slice %arg3[%dma_start3A_272, %mul3A_267] : memref<1x131072xi32, #tpu.memory_space<hbm>> -> memref<1x128xi32, #tpu.memory_space<hbm>>
          %dma_start3A_274 = tpu.memref_slice %run_scoped3A_7[%rem3A_265] : memref<2x!tpu.dma_semaphore, #tpu.memory_space<semaphore_mem>> -> memref<1x!tpu.dma_semaphore, #tpu.memory_space<semaphore_mem>>
          %dma_start3A_275 = tpu.memref_squeeze %dma_start3A_274 : memref<1x!tpu.dma_semaphore, #tpu.memory_space<semaphore_mem>> -> memref<!tpu.dma_semaphore, #tpu.memory_space<semaphore_mem>>
          %dma_start3A_276 = arith.constant 0 : i32
          %dma_start3A_277 = arith.constant 0 : i32
          %dma_start3A_278 = tpu.memref_slice %run_scoped3A[%rem3A_265, %dma_start3A_276, %dma_start3A_277] : memref<2x1x128xi32, #tpu.memory_space<vmem>> -> memref<1x1x128xi32, #tpu.memory_space<vmem>>
          %dma_start3A_279 = tpu.memref_squeeze %dma_start3A_278 : memref<1x1x128xi32, #tpu.memory_space<vmem>> -> memref<1x128xi32, #tpu.memory_space<vmem>>
          %dma_start3A_280 = arith.constant 0 : i32
          %dma_start3A_281 = tpu.memref_slice %arg3[%dma_start3A_280, %mul3A_267] : memref<1x131072xi32, #tpu.memory_space<hbm>> -> memref<1x128xi32, #tpu.memory_space<hbm>>
          tpu.enqueue_dma source(%dma_start3A_281 : memref<1x128xi32, #tpu.memory_space<hbm>>) target(%dma_start3A_279 : memref<1x128xi32, #tpu.memory_space<vmem>>) target_semaphore(%dma_start3A_275 : memref<!tpu.dma_semaphore, #tpu.memory_space<semaphore_mem>>)
          "tpu.trace_stop"() : () -> ()
        } else {
        }
        %and3A_163 = arith.constant true
        %and3A_164 = arith.andi %and3A, %and3A_163 : i1
        %add3A_165 = arith.constant 1 : i32
        %add3A_166 = arith.addi %scan3A_122, %add3A_165 : i32
        %select_n3A_167 = arith.select %and3A_164, %add3A_166, %scan3A_122 : i32
        %ne3A_168 = arith.cmpi ne, %add3A_131, %add3A_149 : i32
        %or3A_169 = arith.constant false
        %or3A_170 = arith.ori %or3A_169, %ne3A_168 : i1
        %or3A_171 = arith.constant false
        %or3A_172 = arith.ori %or3A_170, %or3A_171 : i1
        %ge3A_173 = arith.constant 31 : i32
        %ge3A_174 = arith.cmpi sge, %scan3A_121, %ge3A_173 : i32
        %not3A_175 = arith.constant true
        %not3A_176 = arith.xori %ge3A_174, %not3A_175 : i1
        %and3A_177 = arith.andi %or3A_172, %not3A_176 : i1
        %ne3A_178 = arith.cmpi ne, %add3A_131, %add3A_140 : i32
        %or3A_179 = arith.constant false
        %or3A_180 = arith.ori %or3A_179, %ne3A_178 : i1
        %or3A_181 = arith.ori %or3A_180, %eq3A_128 : i1
        %convert_element_type3A_182 = arith.extui %or3A_181 : i1 to i32
        %cond3A_183 = arith.constant 0 : i32
        %cond3A_184 = arith.cmpi ne, %convert_element_type3A_182, %cond3A_183 : i32
        scf.if %cond3A_184 {
          "tpu.trace_start"() <{level = 10 : i32, message = "ep_wait_in"}> : () -> ()
          %mul3A_264 = arith.constant 128 : i32
          %mul3A_265 = arith.muli %mul3A_264, %add3A_131 : i32
          %rem3A_266 = arith.constant 2 : i32
          %rem3A_267 = arith.remui %scan3A_123, %rem3A_266 : i32
          %dma_wait3A_268 = arith.constant 0 : i32
          %dma_wait3A_269 = arith.constant 0 : i32
          %dma_wait3A_270 = tpu.memref_slice %run_scoped3A[%rem3A_267, %dma_wait3A_268, %dma_wait3A_269] : memref<2x1x128xi32, #tpu.memory_space<vmem>> -> memref<1x1x128xi32, #tpu.memory_space<vmem>>
          %dma_wait3A_271 = tpu.memref_squeeze %dma_wait3A_270 : memref<1x1x128xi32, #tpu.memory_space<vmem>> -> memref<1x128xi32, #tpu.memory_space<vmem>>
          %dma_wait3A_272 = arith.constant 0 : i32
          %dma_wait3A_273 = tpu.memref_slice %arg3[%dma_wait3A_272, %mul3A_265] : memref<1x131072xi32, #tpu.memory_space<hbm>> -> memref<1x128xi32, #tpu.memory_space<hbm>>
          %dma_wait3A_274 = tpu.memref_slice %run_scoped3A_7[%rem3A_267] : memref<2x!tpu.dma_semaphore, #tpu.memory_space<semaphore_mem>> -> memref<1x!tpu.dma_semaphore, #tpu.memory_space<semaphore_mem>>
          %dma_wait3A_275 = tpu.memref_squeeze %dma_wait3A_274 : memref<1x!tpu.dma_semaphore, #tpu.memory_space<semaphore_mem>> -> memref<!tpu.dma_semaphore, #tpu.memory_space<semaphore_mem>>
          %dma_wait3A_276 = arith.constant 0 : i32
          %dma_wait3A_277 = arith.constant 0 : i32
          %dma_wait3A_278 = tpu.memref_slice %run_scoped3A[%rem3A_267, %dma_wait3A_276, %dma_wait3A_277] : memref<2x1x128xi32, #tpu.memory_space<vmem>> -> memref<1x1x128xi32, #tpu.memory_space<vmem>>
          %dma_wait3A_279 = tpu.memref_squeeze %dma_wait3A_278 : memref<1x1x128xi32, #tpu.memory_space<vmem>> -> memref<1x128xi32, #tpu.memory_space<vmem>>
          %dma_wait3A_280 = arith.constant 0 : i32
          %dma_wait3A_281 = tpu.memref_slice %arg3[%dma_wait3A_280, %mul3A_265] : memref<1x131072xi32, #tpu.memory_space<hbm>> -> memref<1x128xi32, #tpu.memory_space<hbm>>
          tpu.wait_dma2 semaphore(%dma_wait3A_275 : memref<!tpu.dma_semaphore, #tpu.memory_space<semaphore_mem>>) src(%dma_wait3A_281 : memref<1x128xi32, #tpu.memory_space<hbm>>) dst(%dma_wait3A_279 : memref<1x128xi32, #tpu.memory_space<vmem>>)
          "tpu.trace_stop"() : () -> ()
        } else {
        }
        %ne3A_185 = arith.cmpi ne, %add3A_131, %add3A_140 : i32
        %or3A_186 = arith.constant false
        %or3A_187 = arith.ori %or3A_186, %ne3A_185 : i1
        %or3A_188 = arith.constant false
        %or3A_189 = arith.ori %or3A_187, %or3A_188 : i1
        %or3A_190 = arith.ori %or3A_189, %eq3A_128 : i1
        %convert_element_type3A_191 = arith.extui %or3A_190 : i1 to i32
        %cond3A_192 = arith.constant 0 : i32
        %cond3A_193 = arith.cmpi ne, %convert_element_type3A_191, %cond3A_192 : i32
        scf.if %cond3A_193 {
        } else {
        }
        %rem3A_194 = arith.constant 2 : i32
        %rem3A_195 = arith.remui %scan3A_123, %rem3A_194 : i32
        %rem3A_196 = arith.constant 2 : i32
        %rem3A_197 = arith.remui %scan3A_124, %rem3A_196 : i32
        %run_scoped3A_198 = arith.constant 0 : i32
        "tpu.trace_start"() <{level = 10 : i32, message = "ep_run_kernel"}> : () -> ()
        "tpu.region"() ({
          %run_scoped3A_264 = tpu.sem_alloc : memref<!tpu.dma_semaphore, #tpu.memory_space<semaphore_mem>>
          %dma_start3A_265 = arith.constant 0 : i32
          %dma_start3A_266 = arith.constant 0 : i32
          %dma_start3A_267 = tpu.memref_slice %run_scoped3A_8[%rem3A_197, %dma_start3A_265, %dma_start3A_266] : memref<2x128x128xf32, #tpu.memory_space<vmem>> -> memref<1x128x128xf32, #tpu.memory_space<vmem>>
          %dma_start3A_268 = tpu.memref_squeeze %dma_start3A_267 : memref<1x128x128xf32, #tpu.memory_space<vmem>> -> memref<128x128xf32, #tpu.memory_space<vmem>>
          %dma_start3A_269 = arith.constant 0 : i32
          %dma_start3A_270 = arith.constant 0 : i32
          %dma_start3A_271 = tpu.memref_slice %run_scoped3A[%rem3A_195, %dma_start3A_269, %dma_start3A_270] : memref<2x1x128xi32, #tpu.memory_space<vmem>> -> memref<1x1x128xi32, #tpu.memory_space<vmem>>
          %dma_start3A_272 = tpu.memref_squeeze %dma_start3A_271 : memref<1x1x128xi32, #tpu.memory_space<vmem>> -> memref<1x128xi32, #tpu.memory_space<vmem>>
          %dma_start3A_273 = arith.constant 0 : i32
          %dma_start3A_274 = tpu.memref_slice %dma_start3A_272[%run_scoped3A_198, %dma_start3A_273] : memref<1x128xi32, #tpu.memory_space<vmem>> -> memref<1x128xi32, #tpu.memory_space<vmem>>
          %dma_start3A_275 = tpu.memref_squeeze %dma_start3A_274 : memref<1x128xi32, #tpu.memory_space<vmem>> -> memref<128xi32, #tpu.memory_space<vmem>>
          %dma_start3A_276 = arith.constant 0 : i32
          %dma_start3A_277 = arith.constant 0 : i32
          %dma_start3A_278 = tpu.memref_slice %arg2[%dma_start3A_276, %dma_start3A_277] : memref<16384x128xf32, #tpu.memory_space<hbm>> -> memref<16384x128xf32, #tpu.memory_space<hbm>>
          tpu.enqueue_indirect_dma source(%dma_start3A_278 : memref<16384x128xf32, #tpu.memory_space<hbm>>) target(%dma_start3A_268 : memref<128x128xf32, #tpu.memory_space<vmem>>) offsets(%dma_start3A_275 : memref<128xi32, #tpu.memory_space<vmem>>) semaphore(%run_scoped3A_264 : memref<!tpu.dma_semaphore, #tpu.memory_space<semaphore_mem>>)
          %dma_wait3A_279 = arith.constant 0 : i32
          %dma_wait3A_280 = arith.constant 0 : i32
          %dma_wait3A_281 = tpu.memref_slice %run_scoped3A_8[%rem3A_197, %dma_wait3A_279, %dma_wait3A_280] : memref<2x128x128xf32, #tpu.memory_space<vmem>> -> memref<1x128x128xf32, #tpu.memory_space<vmem>>
          %dma_wait3A_282 = tpu.memref_squeeze %dma_wait3A_281 : memref<1x128x128xf32, #tpu.memory_space<vmem>> -> memref<128x128xf32, #tpu.memory_space<vmem>>
          %dma_wait3A_283 = arith.constant 0 : i32
          %dma_wait3A_284 = arith.constant 0 : i32
          %dma_wait3A_285 = tpu.memref_slice %run_scoped3A[%rem3A_195, %dma_wait3A_283, %dma_wait3A_284] : memref<2x1x128xi32, #tpu.memory_space<vmem>> -> memref<1x1x128xi32, #tpu.memory_space<vmem>>
          %dma_wait3A_286 = tpu.memref_squeeze %dma_wait3A_285 : memref<1x1x128xi32, #tpu.memory_space<vmem>> -> memref<1x128xi32, #tpu.memory_space<vmem>>
          %dma_wait3A_287 = arith.constant 0 : i32
          %dma_wait3A_288 = tpu.memref_slice %dma_wait3A_286[%run_scoped3A_198, %dma_wait3A_287] : memref<1x128xi32, #tpu.memory_space<vmem>> -> memref<1x128xi32, #tpu.memory_space<vmem>>
          %dma_wait3A_289 = tpu.memref_squeeze %dma_wait3A_288 : memref<1x128xi32, #tpu.memory_space<vmem>> -> memref<128xi32, #tpu.memory_space<vmem>>
          %dma_wait3A_290 = arith.constant 0 : i32
          %dma_wait3A_291 = arith.constant 0 : i32
          %dma_wait3A_292 = tpu.memref_slice %arg2[%dma_wait3A_290, %dma_wait3A_291] : memref<16384x128xf32, #tpu.memory_space<hbm>> -> memref<16384x128xf32, #tpu.memory_space<hbm>>
          tpu.wait_indirect_dma semaphore(%run_scoped3A_264 : memref<!tpu.dma_semaphore, #tpu.memory_space<semaphore_mem>>) src(%dma_wait3A_292 : memref<16384x128xf32, #tpu.memory_space<hbm>>) dst(%dma_wait3A_282 : memref<128x128xf32, #tpu.memory_space<vmem>>)
          tpu.yield
        }) : () -> ()
        "tpu.trace_stop"() : () -> ()
        %ne3A_199 = arith.cmpi ne, %add3A_131, %add3A_149 : i32
        %or3A_200 = arith.constant false
        %or3A_201 = arith.ori %or3A_200, %ne3A_199 : i1
        %or3A_202 = arith.ori %or3A_201, %eq3A_130 : i1
        %convert_element_type3A_203 = arith.extui %or3A_202 : i1 to i32
        %cond3A_204 = arith.constant 0 : i32
        %cond3A_205 = arith.cmpi ne, %convert_element_type3A_203, %cond3A_204 : i32
        scf.if %cond3A_205 {
        } else {
        }
        %and3A_206 = arith.constant false
        %and3A_207 = arith.andi %or3A_202, %and3A_206 : i1
        %ne3A_208 = arith.cmpi ne, %add3A_131, %add3A_149 : i32
        %or3A_209 = arith.constant false
        %or3A_210 = arith.ori %or3A_209, %ne3A_208 : i1
        %or3A_211 = arith.constant false
        %or3A_212 = arith.ori %or3A_210, %or3A_211 : i1
        %or3A_213 = arith.ori %or3A_212, %eq3A_130 : i1
        %convert_element_type3A_214 = arith.extui %or3A_213 : i1 to i32
        %cond3A_215 = arith.constant 0 : i32
        %cond3A_216 = arith.cmpi ne, %convert_element_type3A_214, %cond3A_215 : i32
        scf.if %cond3A_216 {
          "tpu.trace_start"() <{level = 10 : i32, message = "ep_copy_out"}> : () -> ()
          %rem3A_264 = arith.constant 2 : i32
          %rem3A_265 = arith.remui %scan3A_124, %rem3A_264 : i32
          %mul3A_266 = arith.constant 128 : i32
          %mul3A_267 = arith.muli %mul3A_266, %add3A_131 : i32
          %dma_start3A_268 = arith.constant 0 : i32
          %dma_start3A_269 = arith.constant 0 : i32
          %dma_start3A_270 = tpu.memref_slice %run_scoped3A_8[%rem3A_265, %dma_start3A_268, %dma_start3A_269] : memref<2x128x128xf32, #tpu.memory_space<vmem>> -> memref<1x128x128xf32, #tpu.memory_space<vmem>>
          %dma_start3A_271 = tpu.memref_squeeze %dma_start3A_270 : memref<1x128x128xf32, #tpu.memory_space<vmem>> -> memref<128x128xf32, #tpu.memory_space<vmem>>
          %dma_start3A_272 = arith.constant 0 : i32
          %dma_start3A_273 = tpu.memref_slice %arg4[%mul3A_267, %dma_start3A_272] : memref<131072x128xf32, #tpu.memory_space<hbm>> -> memref<128x128xf32, #tpu.memory_space<hbm>>
          %dma_start3A_274 = tpu.memref_slice %run_scoped3A_9[%rem3A_265] : memref<2x!tpu.dma_semaphore, #tpu.memory_space<semaphore_mem>> -> memref<1x!tpu.dma_semaphore, #tpu.memory_space<semaphore_mem>>
          %dma_start3A_275 = tpu.memref_squeeze %dma_start3A_274 : memref<1x!tpu.dma_semaphore, #tpu.memory_space<semaphore_mem>> -> memref<!tpu.dma_semaphore, #tpu.memory_space<semaphore_mem>>
          %dma_start3A_276 = arith.constant 0 : i32
          %dma_start3A_277 = tpu.memref_slice %arg4[%mul3A_267, %dma_start3A_276] : memref<131072x128xf32, #tpu.memory_space<hbm>> -> memref<128x128xf32, #tpu.memory_space<hbm>>
          %dma_start3A_278 = arith.constant 0 : i32
          %dma_start3A_279 = arith.constant 0 : i32
          %dma_start3A_280 = tpu.memref_slice %run_scoped3A_8[%rem3A_265, %dma_start3A_278, %dma_start3A_279] : memref<2x128x128xf32, #tpu.memory_space<vmem>> -> memref<1x128x128xf32, #tpu.memory_space<vmem>>
          %dma_start3A_281 = tpu.memref_squeeze %dma_start3A_280 : memref<1x128x128xf32, #tpu.memory_space<vmem>> -> memref<128x128xf32, #tpu.memory_space<vmem>>
          tpu.enqueue_dma source(%dma_start3A_281 : memref<128x128xf32, #tpu.memory_space<vmem>>) target(%dma_start3A_277 : memref<128x128xf32, #tpu.memory_space<hbm>>) target_semaphore(%dma_start3A_275 : memref<!tpu.dma_semaphore, #tpu.memory_space<semaphore_mem>>)
          "tpu.trace_stop"() : () -> ()
        } else {
        }
        %and3A_217 = arith.constant true
        %and3A_218 = arith.andi %or3A_213, %and3A_217 : i1
        %add3A_219 = arith.constant 1 : i32
        %add3A_220 = arith.addi %scan3A_124, %add3A_219 : i32
        %select_n3A_221 = arith.select %and3A_218, %add3A_220, %scan3A_124 : i32
        %ne3A_222 = arith.cmpi ne, %add3A_131, %add3A_140 : i32
        %or3A_223 = arith.constant false
        %or3A_224 = arith.ori %or3A_223, %ne3A_222 : i1
        %not3A_225 = arith.constant true
        %not3A_226 = arith.xori %eq3A_128, %not3A_225 : i1
        %and3A_227 = arith.andi %or3A_224, %not3A_226 : i1
        %convert_element_type3A_228 = arith.extui %and3A_227 : i1 to i32
        %cond3A_229 = arith.constant 0 : i32
        %cond3A_230 = arith.cmpi ne, %convert_element_type3A_228, %cond3A_229 : i32
        scf.if %cond3A_230 {
        } else {
        }
        %and3A_231 = arith.constant false
        %and3A_232 = arith.andi %and3A_227, %and3A_231 : i1
        %ne3A_233 = arith.cmpi ne, %add3A_131, %add3A_140 : i32
        %or3A_234 = arith.constant false
        %or3A_235 = arith.ori %or3A_234, %ne3A_233 : i1
        %or3A_236 = arith.constant false
        %or3A_237 = arith.ori %or3A_235, %or3A_236 : i1
        %not3A_238 = arith.constant true
        %not3A_239 = arith.xori %eq3A_128, %not3A_238 : i1
        %and3A_240 = arith.andi %or3A_237, %not3A_239 : i1
        %convert_element_type3A_241 = arith.extui %and3A_240 : i1 to i32
        %cond3A_242 = arith.constant 0 : i32
        %cond3A_243 = arith.cmpi ne, %convert_element_type3A_241, %cond3A_242 : i32
        scf.if %cond3A_243 {
          "tpu.trace_start"() <{level = 10 : i32, message = "ep_wait_out"}> : () -> ()
          %rem3A_264 = arith.constant 2 : i32
          %rem3A_265 = arith.remui %scan3A_125, %rem3A_264 : i32
          %mul3A_266 = arith.constant 128 : i32
          %mul3A_267 = arith.muli %mul3A_266, %add3A_140 : i32
          %dma_wait3A_268 = arith.constant 0 : i32
          %dma_wait3A_269 = arith.constant 0 : i32
          %dma_wait3A_270 = tpu.memref_slice %run_scoped3A_8[%rem3A_265, %dma_wait3A_268, %dma_wait3A_269] : memref<2x128x128xf32, #tpu.memory_space<vmem>> -> memref<1x128x128xf32, #tpu.memory_space<vmem>>
          %dma_wait3A_271 = tpu.memref_squeeze %dma_wait3A_270 : memref<1x128x128xf32, #tpu.memory_space<vmem>> -> memref<128x128xf32, #tpu.memory_space<vmem>>
          %dma_wait3A_272 = arith.constant 0 : i32
          %dma_wait3A_273 = tpu.memref_slice %arg4[%mul3A_267, %dma_wait3A_272] : memref<131072x128xf32, #tpu.memory_space<hbm>> -> memref<128x128xf32, #tpu.memory_space<hbm>>
          %dma_wait3A_274 = tpu.memref_slice %run_scoped3A_9[%rem3A_265] : memref<2x!tpu.dma_semaphore, #tpu.memory_space<semaphore_mem>> -> memref<1x!tpu.dma_semaphore, #tpu.memory_space<semaphore_mem>>
          %dma_wait3A_275 = tpu.memref_squeeze %dma_wait3A_274 : memref<1x!tpu.dma_semaphore, #tpu.memory_space<semaphore_mem>> -> memref<!tpu.dma_semaphore, #tpu.memory_space<semaphore_mem>>
          %dma_wait3A_276 = arith.constant 0 : i32
          %dma_wait3A_277 = tpu.memref_slice %arg4[%mul3A_267, %dma_wait3A_276] : memref<131072x128xf32, #tpu.memory_space<hbm>> -> memref<128x128xf32, #tpu.memory_space<hbm>>
          %dma_wait3A_278 = arith.constant 0 : i32
          %dma_wait3A_279 = arith.constant 0 : i32
          %dma_wait3A_280 = tpu.memref_slice %run_scoped3A_8[%rem3A_265, %dma_wait3A_278, %dma_wait3A_279] : memref<2x128x128xf32, #tpu.memory_space<vmem>> -> memref<1x128x128xf32, #tpu.memory_space<vmem>>
          %dma_wait3A_281 = tpu.memref_squeeze %dma_wait3A_280 : memref<1x128x128xf32, #tpu.memory_space<vmem>> -> memref<128x128xf32, #tpu.memory_space<vmem>>
          tpu.wait_dma2 semaphore(%dma_wait3A_275 : memref<!tpu.dma_semaphore, #tpu.memory_space<semaphore_mem>>) src(%dma_wait3A_281 : memref<128x128xf32, #tpu.memory_space<vmem>>) dst(%dma_wait3A_277 : memref<128x128xf32, #tpu.memory_space<hbm>>)
          "tpu.trace_stop"() : () -> ()
        } else {
        }
        %and3A_244 = arith.constant true
        %and3A_245 = arith.andi %and3A_240, %and3A_244 : i1
        %add3A_246 = arith.constant 1 : i32
        %add3A_247 = arith.addi %scan3A_125, %add3A_246 : i32
        %select_n3A_248 = arith.select %and3A_245, %add3A_247, %scan3A_125 : i32
        %ne3A_249 = arith.cmpi ne, %add3A_131, %add3A_149 : i32
        %or3A_250 = arith.constant false
        %or3A_251 = arith.ori %or3A_250, %ne3A_249 : i1
        %or3A_252 = arith.ori %or3A_251, %eq3A_130 : i1
        %add3A_253 = arith.constant 1 : i32
        %add3A_254 = arith.addi %scan3A_123, %add3A_253 : i32
        %select_n3A_255 = arith.select %or3A_252, %add3A_254, %scan3A_123 : i32
        %add3A_256 = arith.constant 1 : i32
        %add3A_257 = arith.addi %scan3A_126, %add3A_256 : i32
        %select_n3A_258 = arith.constant true
        %select_n3A_259 = arith.select %select_n3A_258, %add3A_257, %scan3A_126 : i32
        %eq3A_260 = arith.constant 32 : i32
        %eq3A_261 = arith.cmpi eq, %select_n3A_259, %eq3A_260 : i32
        %select_n3A_262 = arith.constant 0 : i32
        %select_n3A_263 = arith.select %eq3A_261, %select_n3A_262, %select_n3A_259 : i32
        scf.yield %select_n3A_167, %select_n3A_255, %select_n3A_221, %select_n3A_248, %select_n3A_263 : i32, i32, i32, i32, i32
      }
      %scan3A_68 = arith.constant 32 : i32
      %sub3A = arith.constant 1 : i32
      %sub3A_69 = arith.subi %scan3A_67#4, %sub3A : i32
      %select_n3A_70 = arith.constant true
      %select_n3A_71 = arith.select %select_n3A_70, %sub3A_69, %scan3A_67#4 : i32
      %eq3A_72 = arith.constant -1 : i32
      %eq3A_73 = arith.cmpi eq, %select_n3A_71, %eq3A_72 : i32
      %select_n3A_74 = arith.constant 31 : i32
      %select_n3A_75 = arith.select %eq3A_73, %select_n3A_74, %select_n3A_71 : i32
      %add3A_76 = arith.addi %select_n3A_75, %mul3A_6 : i32
      %sub3A_77 = arith.constant 1 : i32
      %sub3A_78 = arith.subi %select_n3A_75, %sub3A_77 : i32
      %select_n3A_79 = arith.constant true
      %select_n3A_80 = arith.select %select_n3A_79, %sub3A_78, %select_n3A_75 : i32
      %eq3A_81 = arith.constant -1 : i32
      %eq3A_82 = arith.cmpi eq, %select_n3A_80, %eq3A_81 : i32
      %select_n3A_83 = arith.constant 31 : i32
      %select_n3A_84 = arith.select %eq3A_82, %select_n3A_83, %select_n3A_80 : i32
      %add3A_85 = arith.addi %select_n3A_84, %mul3A_6 : i32
      %add3A_86 = arith.constant 1 : i32
      %add3A_87 = arith.addi %select_n3A_75, %add3A_86 : i32
      %select_n3A_88 = arith.constant true
      %select_n3A_89 = arith.select %select_n3A_88, %add3A_87, %select_n3A_75 : i32
      %eq3A_90 = arith.constant 32 : i32
      %eq3A_91 = arith.cmpi eq, %select_n3A_89, %eq3A_90 : i32
      %select_n3A_92 = arith.constant 0 : i32
      %select_n3A_93 = arith.select %eq3A_91, %select_n3A_92, %select_n3A_89 : i32
      %add3A_94 = arith.addi %select_n3A_93, %mul3A_6 : i32
      %add3A_95 = arith.constant 1 : i32
      %add3A_96 = arith.addi %select_n3A_93, %add3A_95 : i32
      %select_n3A_97 = arith.constant true
      %select_n3A_98 = arith.select %select_n3A_97, %add3A_96, %select_n3A_93 : i32
      %eq3A_99 = arith.constant 32 : i32
      %eq3A_100 = arith.cmpi eq, %select_n3A_98, %eq3A_99 : i32
      %select_n3A_101 = arith.constant 0 : i32
      %select_n3A_102 = arith.select %eq3A_100, %select_n3A_101, %select_n3A_98 : i32
      %add3A_103 = arith.addi %select_n3A_102, %mul3A_6 : i32
      "tpu.trace_start"() <{level = 10 : i32, message = "ep_finalize"}> : () -> ()
      %rem3A_104 = arith.constant 2 : i32
      %rem3A_105 = arith.remui %scan3A_67#3, %rem3A_104 : i32
      %mul3A_106 = arith.constant 128 : i32
      %mul3A_107 = arith.muli %mul3A_106, %add3A_76 : i32
      %dma_wait3A = arith.constant 0 : i32
      %dma_wait3A_108 = arith.constant 0 : i32
      %dma_wait3A_109 = tpu.memref_slice %run_scoped3A_8[%rem3A_105, %dma_wait3A, %dma_wait3A_108] : memref<2x128x128xf32, #tpu.memory_space<vmem>> -> memref<1x128x128xf32, #tpu.memory_space<vmem>>
      %dma_wait3A_110 = tpu.memref_squeeze %dma_wait3A_109 : memref<1x128x128xf32, #tpu.memory_space<vmem>> -> memref<128x128xf32, #tpu.memory_space<vmem>>
      %dma_wait3A_111 = arith.constant 0 : i32
      %dma_wait3A_112 = tpu.memref_slice %arg4[%mul3A_107, %dma_wait3A_111] : memref<131072x128xf32, #tpu.memory_space<hbm>> -> memref<128x128xf32, #tpu.memory_space<hbm>>
      %dma_wait3A_113 = tpu.memref_slice %run_scoped3A_9[%rem3A_105] : memref<2x!tpu.dma_semaphore, #tpu.memory_space<semaphore_mem>> -> memref<1x!tpu.dma_semaphore, #tpu.memory_space<semaphore_mem>>
      %dma_wait3A_114 = tpu.memref_squeeze %dma_wait3A_113 : memref<1x!tpu.dma_semaphore, #tpu.memory_space<semaphore_mem>> -> memref<!tpu.dma_semaphore, #tpu.memory_space<semaphore_mem>>
      %dma_wait3A_115 = arith.constant 0 : i32
      %dma_wait3A_116 = tpu.memref_slice %arg4[%mul3A_107, %dma_wait3A_115] : memref<131072x128xf32, #tpu.memory_space<hbm>> -> memref<128x128xf32, #tpu.memory_space<hbm>>
      %dma_wait3A_117 = arith.constant 0 : i32
      %dma_wait3A_118 = arith.constant 0 : i32
      %dma_wait3A_119 = tpu.memref_slice %run_scoped3A_8[%rem3A_105, %dma_wait3A_117, %dma_wait3A_118] : memref<2x128x128xf32, #tpu.memory_space<vmem>> -> memref<1x128x128xf32, #tpu.memory_space<vmem>>
      %dma_wait3A_120 = tpu.memref_squeeze %dma_wait3A_119 : memref<1x128x128xf32, #tpu.memory_space<vmem>> -> memref<128x128xf32, #tpu.memory_space<vmem>>
      tpu.wait_dma2 semaphore(%dma_wait3A_114 : memref<!tpu.dma_semaphore, #tpu.memory_space<semaphore_mem>>) src(%dma_wait3A_120 : memref<128x128xf32, #tpu.memory_space<vmem>>) dst(%dma_wait3A_116 : memref<128x128xf32, #tpu.memory_space<hbm>>)
      "tpu.trace_stop"() : () -> ()
      tpu.yield
    }) : () -> ()
    return
  }
}

#map = affine_map<(d0, d1) -> (0, 0)>
module attributes {stable_mosaic.version = 14 : i64} {
  func.func @k(%arg0: i32, %arg1: i32, %arg2: memref<16384x128xf32, #tpu.memory_space<hbm>>, %arg3: memref<1x65536xi32, #tpu.memory_space<hbm>>, %arg4: memref<65536x128xf32, #tpu.memory_space<hbm>>) attributes {dimension_semantics = [#tpu.dimension_semantics<core_parallel>, #tpu.dimension_semantics<subcore_parallel>], iteration_bounds = array<i64: 2, 16>, scalar_prefetch = 0 : i64, scratch_operands = 0 : i64, tpu.core_type = #tpu.core_type<sc_vector_subcore>, window_params = [{transform_indices = #map}, {transform_indices = #map}, {transform_indices = #map}]} {
    %mul3A = arith.constant 1 : i32
    %mul3A_0 = arith.muli %arg1, %mul3A : i32
    %add3A = arith.constant 0 : i32
    %add3A_1 = arith.addi %add3A, %mul3A_0 : i32
    %mul3A_2 = arith.constant 16 : i32
    %mul3A_3 = arith.muli %arg0, %mul3A_2 : i32
    %add3A_4 = arith.addi %add3A_1, %mul3A_3 : i32
    %mul3A_5 = arith.constant 16 : i32
    %mul3A_6 = arith.muli %add3A_4, %mul3A_5 : i32
    "tpu.region"() ({
      %run_scoped3A = memref.alloca() : memref<2x1x128xi32, #tpu.memory_space<vmem>>
      %run_scoped3A_7 = tpu.sem_alloc : memref<2x!tpu.dma_semaphore, #tpu.memory_space<semaphore_mem>>
      %run_scoped3A_8 = memref.alloca() : memref<2x128x128xf32, #tpu.memory_space<vmem>>
      %run_scoped3A_9 = tpu.sem_alloc : memref<2x!tpu.dma_semaphore, #tpu.memory_space<semaphore_mem>>
      %add3A_10 = arith.constant 0 : i32
      %add3A_11 = arith.addi %add3A_10, %mul3A_6 : i32
      %select_n3A = arith.constant true
      %select_n3A_12 = arith.constant 0 : i32
      %select_n3A_13 = arith.constant -1 : i32
      %select_n3A_14 = arith.select %select_n3A, %select_n3A_13, %select_n3A_12 : i32
      %eq3A = arith.constant -1 : i32
      %eq3A_15 = arith.cmpi eq, %select_n3A_14, %eq3A : i32
      %select_n3A_16 = arith.constant 15 : i32
      %select_n3A_17 = arith.select %eq3A_15, %select_n3A_16, %select_n3A_14 : i32
      %add3A_18 = arith.addi %select_n3A_17, %mul3A_6 : i32
      %select_n3A_19 = arith.constant true
      %select_n3A_20 = arith.constant 0 : i32
      %select_n3A_21 = arith.constant 1 : i32
      %select_n3A_22 = arith.select %select_n3A_19, %select_n3A_21, %select_n3A_20 : i32
      %eq3A_23 = arith.constant 16 : i32
      %eq3A_24 = arith.cmpi eq, %select_n3A_22, %eq3A_23 : i32
      %select_n3A_25 = arith.constant 0 : i32
      %select_n3A_26 = arith.select %eq3A_24, %select_n3A_25, %select_n3A_22 : i32
      %add3A_27 = arith.addi %select_n3A_26, %mul3A_6 : i32
      %add3A_28 = arith.constant 1 : i32
      %add3A_29 = arith.addi %select_n3A_26, %add3A_28 : i32
      %select_n3A_30 = arith.constant true
      %select_n3A_31 = arith.select %select_n3A_30, %add3A_29, %select_n3A_26 : i32
      %eq3A_32 = arith.constant 16 : i32
      %eq3A_33 = arith.cmpi eq, %select_n3A_31, %eq3A_32 : i32
      %select_n3A_34 = arith.constant 0 : i32
      %select_n3A_35 = arith.select %eq3A_33, %select_n3A_34, %select_n3A_31 : i32
      %add3A_36 = arith.addi %select_n3A_35, %mul3A_6 : i32
      "tpu.trace_start"() <{level = 10 : i32, message = "ep_initialize_0"}> : () -> ()
      %rem3A = arith.constant 0 : i32
      %rem3A_37 = arith.constant 2 : i32
      %rem3A_38 = arith.remui %rem3A, %rem3A_37 : i32
      %mul3A_39 = arith.constant 128 : i32
      %mul3A_40 = arith.muli %mul3A_39, %add3A_11 : i32
      %dma_start3A = arith.constant 0 : i32
      %dma_start3A_41 = arith.constant 0 : i32
      %dma_start3A_42 = tpu.memref_slice %run_scoped3A[%rem3A_38, %dma_start3A, %dma_start3A_41] : memref<2x1x128xi32, #tpu.memory_space<vmem>> -> memref<1x1x128xi32, #tpu.memory_space<vmem>>
      %dma_start3A_43 = tpu.memref_squeeze %dma_start3A_42 : memref<1x1x128xi32, #tpu.memory_space<vmem>> -> memref<1x128xi32, #tpu.memory_space<vmem>>
      %dma_start3A_44 = arith.constant 0 : i32
      %dma_start3A_45 = tpu.memref_slice %arg3[%dma_start3A_44, %mul3A_40] : memref<1x65536xi32, #tpu.memory_space<hbm>> -> memref<1x128xi32, #tpu.memory_space<hbm>>
      %dma_start3A_46 = tpu.memref_slice %run_scoped3A_7[%rem3A_38] : memref<2x!tpu.dma_semaphore, #tpu.memory_space<semaphore_mem>> -> memref<1x!tpu.dma_semaphore, #tpu.memory_space<semaphore_mem>>
      %dma_start3A_47 = tpu.memref_squeeze %dma_start3A_46 : memref<1x!tpu.dma_semaphore, #tpu.memory_space<semaphore_mem>> -> memref<!tpu.dma_semaphore, #tpu.memory_space<semaphore_mem>>
      %dma_start3A_48 = arith.constant 0 : i32
      %dma_start3A_49 = arith.constant 0 : i32
      %dma_start3A_50 = tpu.memref_slice %run_scoped3A[%rem3A_38, %dma_start3A_48, %dma_start3A_49] : memref<2x1x128xi32, #tpu.memory_space<vmem>> -> memref<1x1x128xi32, #tpu.memory_space<vmem>>
      %dma_start3A_51 = tpu.memref_squeeze %dma_start3A_50 : memref<1x1x128xi32, #tpu.memory_space<vmem>> -> memref<1x128xi32, #tpu.memory_space<vmem>>
      %dma_start3A_52 = arith.constant 0 : i32
      %dma_start3A_53 = tpu.memref_slice %arg3[%dma_start3A_52, %mul3A_40] : memref<1x65536xi32, #tpu.memory_space<hbm>> -> memref<1x128xi32, #tpu.memory_space<hbm>>
      tpu.enqueue_dma source(%dma_start3A_53 : memref<1x128xi32, #tpu.memory_space<hbm>>) target(%dma_start3A_51 : memref<1x128xi32, #tpu.memory_space<vmem>>) target_semaphore(%dma_start3A_47 : memref<!tpu.dma_semaphore, #tpu.memory_space<semaphore_mem>>)
      %add3A_54 = arith.constant 0 : i32
      %add3A_55 = arith.constant 1 : i32
      %add3A_56 = arith.addi %add3A_54, %add3A_55 : i32
      %select_n3A_57 = arith.constant true
      %select_n3A_58 = arith.constant 0 : i32
      %select_n3A_59 = arith.select %select_n3A_57, %add3A_56, %select_n3A_58 : i32
      "tpu.trace_stop"() : () -> ()
      %scan3A = arith.constant 0 : i32
      %scan3A_60 = arith.constant 0 : i32
      %scan3A_61 = arith.constant 0 : i32
      %scan3A_62 = arith.constant 0 : i32
      %scan3A_63 = arith.constant 0 : i32
      %scan3A_64 = arith.constant 16 : i32
      %scan3A_65 = arith.addi %scan3A_63, %scan3A_64 : i32
      %scan3A_66 = arith.constant 1 : i32
      %scan3A_67:5 = scf.for %scan3A_121 = %scan3A_63 to %scan3A_65 step %scan3A_66 iter_args(%scan3A_122 = %select_n3A_59, %scan3A_123 = %scan3A, %scan3A_124 = %scan3A_60, %scan3A_125 = %scan3A_61, %scan3A_126 = %scan3A_62) -> (i32, i32, i32, i32, i32)  : i32 {
        %eq3A_127 = arith.constant 0 : i32
        %eq3A_128 = arith.cmpi eq, %scan3A_121, %eq3A_127 : i32
        %eq3A_129 = arith.constant 15 : i32
        %eq3A_130 = arith.cmpi eq, %scan3A_121, %eq3A_129 : i32
        %add3A_131 = arith.addi %scan3A_126, %mul3A_6 : i32
        %sub3A_132 = arith.constant 1 : i32
        %sub3A_133 = arith.subi %scan3A_126, %sub3A_132 : i32
        %select_n3A_134 = arith.constant true
        %select_n3A_135 = arith.select %select_n3A_134, %sub3A_133, %scan3A_126 : i32
        %eq3A_136 = arith.constant -1 : i32
        %eq3A_137 = arith.cmpi eq, %select_n3A_135, %eq3A_136 : i32
        %select_n3A_138 = arith.constant 15 : i32
        %select_n3A_139 = arith.select %eq3A_137, %select_n3A_138, %select_n3A_135 : i32
        %add3A_140 = arith.addi %select_n3A_139, %mul3A_6 : i32
        %add3A_141 = arith.constant 1 : i32
        %add3A_142 = arith.addi %scan3A_126, %add3A_141 : i32
        %select_n3A_143 = arith.constant true
        %select_n3A_144 = arith.select %select_n3A_143, %add3A_142, %scan3A_126 : i32
        %eq3A_145 = arith.constant 16 : i32
        %eq3A_146 = arith.cmpi eq, %select_n3A_144, %eq3A_145 : i32
        %select_n3A_147 = arith.constant 0 : i32
        %select_n3A_148 = arith.select %eq3A_146, %select_n3A_147, %select_n3A_144 : i32
        %add3A_149 = arith.addi %select_n3A_148, %mul3A_6 : i32
        %add3A_150 = arith.constant 1 : i32
        %add3A_151 = arith.addi %select_n3A_148, %add3A_150 : i32
        %select_n3A_152 = arith.constant true
        %select_n3A_153 = arith.select %select_n3A_152, %add3A_151, %select_n3A_148 : i32
        %eq3A_154 = arith.constant 16 : i32
        %eq3A_155 = arith.cmpi eq, %select_n3A_153, %eq3A_154 : i32
        %select_n3A_156 = arith.constant 0 : i32
        %select_n3A_157 = arith.select %eq3A_155, %select_n3A_156, %select_n3A_153 : i32
        %add3A_158 = arith.addi %select_n3A_157, %mul3A_6 : i32
        %ne3A = arith.cmpi ne, %add3A_131, %add3A_149 : i32
        %or3A = arith.constant false
        %or3A_159 = arith.ori %or3A, %ne3A : i1
        %ge3A = arith.constant 15 : i32
        %ge3A_160 = arith.cmpi sge, %scan3A_121, %ge3A : i32
        %not3A = arith.constant true
        %not3A_161 = arith.xori %ge3A_160, %not3A : i1
        %and3A = arith.andi %or3A_159, %not3A_161 : i1
        %convert_element_type3A = arith.extui %and3A : i1 to i32
        %cond3A = arith.constant 0 : i32
        %cond3A_162 = arith.cmpi ne, %convert_element_type3A, %cond3A : i32
        scf.if %cond3A_162 {
          "tpu.trace_start"() <{level = 10 : i32, message = "ep_copy_in"}> : () -> ()
          %rem3A_264 = arith.constant 2 : i32
          %rem3A_265 = arith.remui %scan3A_122, %rem3A_264 : i32
          %mul3A_266 = arith.constant 128 : i32
          %mul3A_267 = arith.muli %mul3A_266, %add3A_149 : i32
          %dma_start3A_268 = arith.constant 0 : i32
          %dma_start3A_269 = arith.constant 0 : i32
          %dma_start3A_270 = tpu.memref_slice %run_scoped3A[%rem3A_265, %dma_start3A_268, %dma_start3A_269] : memref<2x1x128xi32, #tpu.memory_space<vmem>> -> memref<1x1x128xi32, #tpu.memory_space<vmem>>
          %dma_start3A_271 = tpu.memref_squeeze %dma_start3A_270 : memref<1x1x128xi32, #tpu.memory_space<vmem>> -> memref<1x128xi32, #tpu.memory_space<vmem>>
          %dma_start3A_272 = arith.constant 0 : i32
          %dma_start3A_273 = tpu.memref_slice %arg3[%dma_start3A_272, %mul3A_267] : memref<1x65536xi32, #tpu.memory_space<hbm>> -> memref<1x128xi32, #tpu.memory_space<hbm>>
          %dma_start3A_274 = tpu.memref_slice %run_scoped3A_7[%rem3A_265] : memref<2x!tpu.dma_semaphore, #tpu.memory_space<semaphore_mem>> -> memref<1x!tpu.dma_semaphore, #tpu.memory_space<semaphore_mem>>
          %dma_start3A_275 = tpu.memref_squeeze %dma_start3A_274 : memref<1x!tpu.dma_semaphore, #tpu.memory_space<semaphore_mem>> -> memref<!tpu.dma_semaphore, #tpu.memory_space<semaphore_mem>>
          %dma_start3A_276 = arith.constant 0 : i32
          %dma_start3A_277 = arith.constant 0 : i32
          %dma_start3A_278 = tpu.memref_slice %run_scoped3A[%rem3A_265, %dma_start3A_276, %dma_start3A_277] : memref<2x1x128xi32, #tpu.memory_space<vmem>> -> memref<1x1x128xi32, #tpu.memory_space<vmem>>
          %dma_start3A_279 = tpu.memref_squeeze %dma_start3A_278 : memref<1x1x128xi32, #tpu.memory_space<vmem>> -> memref<1x128xi32, #tpu.memory_space<vmem>>
          %dma_start3A_280 = arith.constant 0 : i32
          %dma_start3A_281 = tpu.memref_slice %arg3[%dma_start3A_280, %mul3A_267] : memref<1x65536xi32, #tpu.memory_space<hbm>> -> memref<1x128xi32, #tpu.memory_space<hbm>>
          tpu.enqueue_dma source(%dma_start3A_281 : memref<1x128xi32, #tpu.memory_space<hbm>>) target(%dma_start3A_279 : memref<1x128xi32, #tpu.memory_space<vmem>>) target_semaphore(%dma_start3A_275 : memref<!tpu.dma_semaphore, #tpu.memory_space<semaphore_mem>>)
          "tpu.trace_stop"() : () -> ()
        } else {
        }
        %and3A_163 = arith.constant true
        %and3A_164 = arith.andi %and3A, %and3A_163 : i1
        %add3A_165 = arith.constant 1 : i32
        %add3A_166 = arith.addi %scan3A_122, %add3A_165 : i32
        %select_n3A_167 = arith.select %and3A_164, %add3A_166, %scan3A_122 : i32
        %ne3A_168 = arith.cmpi ne, %add3A_131, %add3A_149 : i32
        %or3A_169 = arith.constant false
        %or3A_170 = arith.ori %or3A_169, %ne3A_168 : i1
        %or3A_171 = arith.constant false
        %or3A_172 = arith.ori %or3A_170, %or3A_171 : i1
        %ge3A_173 = arith.constant 15 : i32
        %ge3A_174 = arith.cmpi sge, %scan3A_121, %ge3A_173 : i32
        %not3A_175 = arith.constant true
        %not3A_176 = arith.xori %ge3A_174, %not3A_175 : i1
        %and3A_177 = arith.andi %or3A_172, %not3A_176 : i1
        %ne3A_178 = arith.cmpi ne, %add3A_131, %add3A_140 : i32
        %or3A_179 = arith.constant false
        %or3A_180 = arith.ori %or3A_179, %ne3A_178 : i1
        %or3A_181 = arith.ori %or3A_180, %eq3A_128 : i1
        %convert_element_type3A_182 = arith.extui %or3A_181 : i1 to i32
        %cond3A_183 = arith.constant 0 : i32
        %cond3A_184 = arith.cmpi ne, %convert_element_type3A_182, %cond3A_183 : i32
        scf.if %cond3A_184 {
          "tpu.trace_start"() <{level = 10 : i32, message = "ep_wait_in"}> : () -> ()
          %mul3A_264 = arith.constant 128 : i32
          %mul3A_265 = arith.muli %mul3A_264, %add3A_131 : i32
          %rem3A_266 = arith.constant 2 : i32
          %rem3A_267 = arith.remui %scan3A_123, %rem3A_266 : i32
          %dma_wait3A_268 = arith.constant 0 : i32
          %dma_wait3A_269 = arith.constant 0 : i32
          %dma_wait3A_270 = tpu.memref_slice %run_scoped3A[%rem3A_267, %dma_wait3A_268, %dma_wait3A_269] : memref<2x1x128xi32, #tpu.memory_space<vmem>> -> memref<1x1x128xi32, #tpu.memory_space<vmem>>
          %dma_wait3A_271 = tpu.memref_squeeze %dma_wait3A_270 : memref<1x1x128xi32, #tpu.memory_space<vmem>> -> memref<1x128xi32, #tpu.memory_space<vmem>>
          %dma_wait3A_272 = arith.constant 0 : i32
          %dma_wait3A_273 = tpu.memref_slice %arg3[%dma_wait3A_272, %mul3A_265] : memref<1x65536xi32, #tpu.memory_space<hbm>> -> memref<1x128xi32, #tpu.memory_space<hbm>>
          %dma_wait3A_274 = tpu.memref_slice %run_scoped3A_7[%rem3A_267] : memref<2x!tpu.dma_semaphore, #tpu.memory_space<semaphore_mem>> -> memref<1x!tpu.dma_semaphore, #tpu.memory_space<semaphore_mem>>
          %dma_wait3A_275 = tpu.memref_squeeze %dma_wait3A_274 : memref<1x!tpu.dma_semaphore, #tpu.memory_space<semaphore_mem>> -> memref<!tpu.dma_semaphore, #tpu.memory_space<semaphore_mem>>
          %dma_wait3A_276 = arith.constant 0 : i32
          %dma_wait3A_277 = arith.constant 0 : i32
          %dma_wait3A_278 = tpu.memref_slice %run_scoped3A[%rem3A_267, %dma_wait3A_276, %dma_wait3A_277] : memref<2x1x128xi32, #tpu.memory_space<vmem>> -> memref<1x1x128xi32, #tpu.memory_space<vmem>>
          %dma_wait3A_279 = tpu.memref_squeeze %dma_wait3A_278 : memref<1x1x128xi32, #tpu.memory_space<vmem>> -> memref<1x128xi32, #tpu.memory_space<vmem>>
          %dma_wait3A_280 = arith.constant 0 : i32
          %dma_wait3A_281 = tpu.memref_slice %arg3[%dma_wait3A_280, %mul3A_265] : memref<1x65536xi32, #tpu.memory_space<hbm>> -> memref<1x128xi32, #tpu.memory_space<hbm>>
          tpu.wait_dma2 semaphore(%dma_wait3A_275 : memref<!tpu.dma_semaphore, #tpu.memory_space<semaphore_mem>>) src(%dma_wait3A_281 : memref<1x128xi32, #tpu.memory_space<hbm>>) dst(%dma_wait3A_279 : memref<1x128xi32, #tpu.memory_space<vmem>>)
          "tpu.trace_stop"() : () -> ()
        } else {
        }
        %ne3A_185 = arith.cmpi ne, %add3A_131, %add3A_140 : i32
        %or3A_186 = arith.constant false
        %or3A_187 = arith.ori %or3A_186, %ne3A_185 : i1
        %or3A_188 = arith.constant false
        %or3A_189 = arith.ori %or3A_187, %or3A_188 : i1
        %or3A_190 = arith.ori %or3A_189, %eq3A_128 : i1
        %convert_element_type3A_191 = arith.extui %or3A_190 : i1 to i32
        %cond3A_192 = arith.constant 0 : i32
        %cond3A_193 = arith.cmpi ne, %convert_element_type3A_191, %cond3A_192 : i32
        scf.if %cond3A_193 {
        } else {
        }
        %rem3A_194 = arith.constant 2 : i32
        %rem3A_195 = arith.remui %scan3A_123, %rem3A_194 : i32
        %rem3A_196 = arith.constant 2 : i32
        %rem3A_197 = arith.remui %scan3A_124, %rem3A_196 : i32
        %run_scoped3A_198 = arith.constant 0 : i32
        "tpu.trace_start"() <{level = 10 : i32, message = "ep_run_kernel"}> : () -> ()
        "tpu.region"() ({
          %run_scoped3A_264 = tpu.sem_alloc : memref<!tpu.dma_semaphore, #tpu.memory_space<semaphore_mem>>
          %dma_start3A_265 = arith.constant 0 : i32
          %dma_start3A_266 = arith.constant 0 : i32
          %dma_start3A_267 = tpu.memref_slice %run_scoped3A_8[%rem3A_197, %dma_start3A_265, %dma_start3A_266] : memref<2x128x128xf32, #tpu.memory_space<vmem>> -> memref<1x128x128xf32, #tpu.memory_space<vmem>>
          %dma_start3A_268 = tpu.memref_squeeze %dma_start3A_267 : memref<1x128x128xf32, #tpu.memory_space<vmem>> -> memref<128x128xf32, #tpu.memory_space<vmem>>
          %dma_start3A_269 = arith.constant 0 : i32
          %dma_start3A_270 = arith.constant 0 : i32
          %dma_start3A_271 = tpu.memref_slice %run_scoped3A[%rem3A_195, %dma_start3A_269, %dma_start3A_270] : memref<2x1x128xi32, #tpu.memory_space<vmem>> -> memref<1x1x128xi32, #tpu.memory_space<vmem>>
          %dma_start3A_272 = tpu.memref_squeeze %dma_start3A_271 : memref<1x1x128xi32, #tpu.memory_space<vmem>> -> memref<1x128xi32, #tpu.memory_space<vmem>>
          %dma_start3A_273 = arith.constant 0 : i32
          %dma_start3A_274 = tpu.memref_slice %dma_start3A_272[%run_scoped3A_198, %dma_start3A_273] : memref<1x128xi32, #tpu.memory_space<vmem>> -> memref<1x128xi32, #tpu.memory_space<vmem>>
          %dma_start3A_275 = tpu.memref_squeeze %dma_start3A_274 : memref<1x128xi32, #tpu.memory_space<vmem>> -> memref<128xi32, #tpu.memory_space<vmem>>
          %dma_start3A_276 = arith.constant 0 : i32
          %dma_start3A_277 = arith.constant 0 : i32
          %dma_start3A_278 = tpu.memref_slice %arg2[%dma_start3A_276, %dma_start3A_277] : memref<16384x128xf32, #tpu.memory_space<hbm>> -> memref<16384x128xf32, #tpu.memory_space<hbm>>
          tpu.enqueue_indirect_dma source(%dma_start3A_278 : memref<16384x128xf32, #tpu.memory_space<hbm>>) target(%dma_start3A_268 : memref<128x128xf32, #tpu.memory_space<vmem>>) offsets(%dma_start3A_275 : memref<128xi32, #tpu.memory_space<vmem>>) semaphore(%run_scoped3A_264 : memref<!tpu.dma_semaphore, #tpu.memory_space<semaphore_mem>>)
          %dma_wait3A_279 = arith.constant 0 : i32
          %dma_wait3A_280 = arith.constant 0 : i32
          %dma_wait3A_281 = tpu.memref_slice %run_scoped3A_8[%rem3A_197, %dma_wait3A_279, %dma_wait3A_280] : memref<2x128x128xf32, #tpu.memory_space<vmem>> -> memref<1x128x128xf32, #tpu.memory_space<vmem>>
          %dma_wait3A_282 = tpu.memref_squeeze %dma_wait3A_281 : memref<1x128x128xf32, #tpu.memory_space<vmem>> -> memref<128x128xf32, #tpu.memory_space<vmem>>
          %dma_wait3A_283 = arith.constant 0 : i32
          %dma_wait3A_284 = arith.constant 0 : i32
          %dma_wait3A_285 = tpu.memref_slice %run_scoped3A[%rem3A_195, %dma_wait3A_283, %dma_wait3A_284] : memref<2x1x128xi32, #tpu.memory_space<vmem>> -> memref<1x1x128xi32, #tpu.memory_space<vmem>>
          %dma_wait3A_286 = tpu.memref_squeeze %dma_wait3A_285 : memref<1x1x128xi32, #tpu.memory_space<vmem>> -> memref<1x128xi32, #tpu.memory_space<vmem>>
          %dma_wait3A_287 = arith.constant 0 : i32
          %dma_wait3A_288 = tpu.memref_slice %dma_wait3A_286[%run_scoped3A_198, %dma_wait3A_287] : memref<1x128xi32, #tpu.memory_space<vmem>> -> memref<1x128xi32, #tpu.memory_space<vmem>>
          %dma_wait3A_289 = tpu.memref_squeeze %dma_wait3A_288 : memref<1x128xi32, #tpu.memory_space<vmem>> -> memref<128xi32, #tpu.memory_space<vmem>>
          %dma_wait3A_290 = arith.constant 0 : i32
          %dma_wait3A_291 = arith.constant 0 : i32
          %dma_wait3A_292 = tpu.memref_slice %arg2[%dma_wait3A_290, %dma_wait3A_291] : memref<16384x128xf32, #tpu.memory_space<hbm>> -> memref<16384x128xf32, #tpu.memory_space<hbm>>
          tpu.wait_indirect_dma semaphore(%run_scoped3A_264 : memref<!tpu.dma_semaphore, #tpu.memory_space<semaphore_mem>>) src(%dma_wait3A_292 : memref<16384x128xf32, #tpu.memory_space<hbm>>) dst(%dma_wait3A_282 : memref<128x128xf32, #tpu.memory_space<vmem>>)
          tpu.yield
        }) : () -> ()
        "tpu.trace_stop"() : () -> ()
        %ne3A_199 = arith.cmpi ne, %add3A_131, %add3A_149 : i32
        %or3A_200 = arith.constant false
        %or3A_201 = arith.ori %or3A_200, %ne3A_199 : i1
        %or3A_202 = arith.ori %or3A_201, %eq3A_130 : i1
        %convert_element_type3A_203 = arith.extui %or3A_202 : i1 to i32
        %cond3A_204 = arith.constant 0 : i32
        %cond3A_205 = arith.cmpi ne, %convert_element_type3A_203, %cond3A_204 : i32
        scf.if %cond3A_205 {
        } else {
        }
        %and3A_206 = arith.constant false
        %and3A_207 = arith.andi %or3A_202, %and3A_206 : i1
        %ne3A_208 = arith.cmpi ne, %add3A_131, %add3A_149 : i32
        %or3A_209 = arith.constant false
        %or3A_210 = arith.ori %or3A_209, %ne3A_208 : i1
        %or3A_211 = arith.constant false
        %or3A_212 = arith.ori %or3A_210, %or3A_211 : i1
        %or3A_213 = arith.ori %or3A_212, %eq3A_130 : i1
        %convert_element_type3A_214 = arith.extui %or3A_213 : i1 to i32
        %cond3A_215 = arith.constant 0 : i32
        %cond3A_216 = arith.cmpi ne, %convert_element_type3A_214, %cond3A_215 : i32
        scf.if %cond3A_216 {
          "tpu.trace_start"() <{level = 10 : i32, message = "ep_copy_out"}> : () -> ()
          %rem3A_264 = arith.constant 2 : i32
          %rem3A_265 = arith.remui %scan3A_124, %rem3A_264 : i32
          %mul3A_266 = arith.constant 128 : i32
          %mul3A_267 = arith.muli %mul3A_266, %add3A_131 : i32
          %dma_start3A_268 = arith.constant 0 : i32
          %dma_start3A_269 = arith.constant 0 : i32
          %dma_start3A_270 = tpu.memref_slice %run_scoped3A_8[%rem3A_265, %dma_start3A_268, %dma_start3A_269] : memref<2x128x128xf32, #tpu.memory_space<vmem>> -> memref<1x128x128xf32, #tpu.memory_space<vmem>>
          %dma_start3A_271 = tpu.memref_squeeze %dma_start3A_270 : memref<1x128x128xf32, #tpu.memory_space<vmem>> -> memref<128x128xf32, #tpu.memory_space<vmem>>
          %dma_start3A_272 = arith.constant 0 : i32
          %dma_start3A_273 = tpu.memref_slice %arg4[%mul3A_267, %dma_start3A_272] : memref<65536x128xf32, #tpu.memory_space<hbm>> -> memref<128x128xf32, #tpu.memory_space<hbm>>
          %dma_start3A_274 = tpu.memref_slice %run_scoped3A_9[%rem3A_265] : memref<2x!tpu.dma_semaphore, #tpu.memory_space<semaphore_mem>> -> memref<1x!tpu.dma_semaphore, #tpu.memory_space<semaphore_mem>>
          %dma_start3A_275 = tpu.memref_squeeze %dma_start3A_274 : memref<1x!tpu.dma_semaphore, #tpu.memory_space<semaphore_mem>> -> memref<!tpu.dma_semaphore, #tpu.memory_space<semaphore_mem>>
          %dma_start3A_276 = arith.constant 0 : i32
          %dma_start3A_277 = tpu.memref_slice %arg4[%mul3A_267, %dma_start3A_276] : memref<65536x128xf32, #tpu.memory_space<hbm>> -> memref<128x128xf32, #tpu.memory_space<hbm>>
          %dma_start3A_278 = arith.constant 0 : i32
          %dma_start3A_279 = arith.constant 0 : i32
          %dma_start3A_280 = tpu.memref_slice %run_scoped3A_8[%rem3A_265, %dma_start3A_278, %dma_start3A_279] : memref<2x128x128xf32, #tpu.memory_space<vmem>> -> memref<1x128x128xf32, #tpu.memory_space<vmem>>
          %dma_start3A_281 = tpu.memref_squeeze %dma_start3A_280 : memref<1x128x128xf32, #tpu.memory_space<vmem>> -> memref<128x128xf32, #tpu.memory_space<vmem>>
          tpu.enqueue_dma source(%dma_start3A_281 : memref<128x128xf32, #tpu.memory_space<vmem>>) target(%dma_start3A_277 : memref<128x128xf32, #tpu.memory_space<hbm>>) target_semaphore(%dma_start3A_275 : memref<!tpu.dma_semaphore, #tpu.memory_space<semaphore_mem>>)
          "tpu.trace_stop"() : () -> ()
        } else {
        }
        %and3A_217 = arith.constant true
        %and3A_218 = arith.andi %or3A_213, %and3A_217 : i1
        %add3A_219 = arith.constant 1 : i32
        %add3A_220 = arith.addi %scan3A_124, %add3A_219 : i32
        %select_n3A_221 = arith.select %and3A_218, %add3A_220, %scan3A_124 : i32
        %ne3A_222 = arith.cmpi ne, %add3A_131, %add3A_140 : i32
        %or3A_223 = arith.constant false
        %or3A_224 = arith.ori %or3A_223, %ne3A_222 : i1
        %not3A_225 = arith.constant true
        %not3A_226 = arith.xori %eq3A_128, %not3A_225 : i1
        %and3A_227 = arith.andi %or3A_224, %not3A_226 : i1
        %convert_element_type3A_228 = arith.extui %and3A_227 : i1 to i32
        %cond3A_229 = arith.constant 0 : i32
        %cond3A_230 = arith.cmpi ne, %convert_element_type3A_228, %cond3A_229 : i32
        scf.if %cond3A_230 {
        } else {
        }
        %and3A_231 = arith.constant false
        %and3A_232 = arith.andi %and3A_227, %and3A_231 : i1
        %ne3A_233 = arith.cmpi ne, %add3A_131, %add3A_140 : i32
        %or3A_234 = arith.constant false
        %or3A_235 = arith.ori %or3A_234, %ne3A_233 : i1
        %or3A_236 = arith.constant false
        %or3A_237 = arith.ori %or3A_235, %or3A_236 : i1
        %not3A_238 = arith.constant true
        %not3A_239 = arith.xori %eq3A_128, %not3A_238 : i1
        %and3A_240 = arith.andi %or3A_237, %not3A_239 : i1
        %convert_element_type3A_241 = arith.extui %and3A_240 : i1 to i32
        %cond3A_242 = arith.constant 0 : i32
        %cond3A_243 = arith.cmpi ne, %convert_element_type3A_241, %cond3A_242 : i32
        scf.if %cond3A_243 {
          "tpu.trace_start"() <{level = 10 : i32, message = "ep_wait_out"}> : () -> ()
          %rem3A_264 = arith.constant 2 : i32
          %rem3A_265 = arith.remui %scan3A_125, %rem3A_264 : i32
          %mul3A_266 = arith.constant 128 : i32
          %mul3A_267 = arith.muli %mul3A_266, %add3A_140 : i32
          %dma_wait3A_268 = arith.constant 0 : i32
          %dma_wait3A_269 = arith.constant 0 : i32
          %dma_wait3A_270 = tpu.memref_slice %run_scoped3A_8[%rem3A_265, %dma_wait3A_268, %dma_wait3A_269] : memref<2x128x128xf32, #tpu.memory_space<vmem>> -> memref<1x128x128xf32, #tpu.memory_space<vmem>>
          %dma_wait3A_271 = tpu.memref_squeeze %dma_wait3A_270 : memref<1x128x128xf32, #tpu.memory_space<vmem>> -> memref<128x128xf32, #tpu.memory_space<vmem>>
          %dma_wait3A_272 = arith.constant 0 : i32
          %dma_wait3A_273 = tpu.memref_slice %arg4[%mul3A_267, %dma_wait3A_272] : memref<65536x128xf32, #tpu.memory_space<hbm>> -> memref<128x128xf32, #tpu.memory_space<hbm>>
          %dma_wait3A_274 = tpu.memref_slice %run_scoped3A_9[%rem3A_265] : memref<2x!tpu.dma_semaphore, #tpu.memory_space<semaphore_mem>> -> memref<1x!tpu.dma_semaphore, #tpu.memory_space<semaphore_mem>>
          %dma_wait3A_275 = tpu.memref_squeeze %dma_wait3A_274 : memref<1x!tpu.dma_semaphore, #tpu.memory_space<semaphore_mem>> -> memref<!tpu.dma_semaphore, #tpu.memory_space<semaphore_mem>>
          %dma_wait3A_276 = arith.constant 0 : i32
          %dma_wait3A_277 = tpu.memref_slice %arg4[%mul3A_267, %dma_wait3A_276] : memref<65536x128xf32, #tpu.memory_space<hbm>> -> memref<128x128xf32, #tpu.memory_space<hbm>>
          %dma_wait3A_278 = arith.constant 0 : i32
          %dma_wait3A_279 = arith.constant 0 : i32
          %dma_wait3A_280 = tpu.memref_slice %run_scoped3A_8[%rem3A_265, %dma_wait3A_278, %dma_wait3A_279] : memref<2x128x128xf32, #tpu.memory_space<vmem>> -> memref<1x128x128xf32, #tpu.memory_space<vmem>>
          %dma_wait3A_281 = tpu.memref_squeeze %dma_wait3A_280 : memref<1x128x128xf32, #tpu.memory_space<vmem>> -> memref<128x128xf32, #tpu.memory_space<vmem>>
          tpu.wait_dma2 semaphore(%dma_wait3A_275 : memref<!tpu.dma_semaphore, #tpu.memory_space<semaphore_mem>>) src(%dma_wait3A_281 : memref<128x128xf32, #tpu.memory_space<vmem>>) dst(%dma_wait3A_277 : memref<128x128xf32, #tpu.memory_space<hbm>>)
          "tpu.trace_stop"() : () -> ()
        } else {
        }
        %and3A_244 = arith.constant true
        %and3A_245 = arith.andi %and3A_240, %and3A_244 : i1
        %add3A_246 = arith.constant 1 : i32
        %add3A_247 = arith.addi %scan3A_125, %add3A_246 : i32
        %select_n3A_248 = arith.select %and3A_245, %add3A_247, %scan3A_125 : i32
        %ne3A_249 = arith.cmpi ne, %add3A_131, %add3A_149 : i32
        %or3A_250 = arith.constant false
        %or3A_251 = arith.ori %or3A_250, %ne3A_249 : i1
        %or3A_252 = arith.ori %or3A_251, %eq3A_130 : i1
        %add3A_253 = arith.constant 1 : i32
        %add3A_254 = arith.addi %scan3A_123, %add3A_253 : i32
        %select_n3A_255 = arith.select %or3A_252, %add3A_254, %scan3A_123 : i32
        %add3A_256 = arith.constant 1 : i32
        %add3A_257 = arith.addi %scan3A_126, %add3A_256 : i32
        %select_n3A_258 = arith.constant true
        %select_n3A_259 = arith.select %select_n3A_258, %add3A_257, %scan3A_126 : i32
        %eq3A_260 = arith.constant 16 : i32
        %eq3A_261 = arith.cmpi eq, %select_n3A_259, %eq3A_260 : i32
        %select_n3A_262 = arith.constant 0 : i32
        %select_n3A_263 = arith.select %eq3A_261, %select_n3A_262, %select_n3A_259 : i32
        scf.yield %select_n3A_167, %select_n3A_255, %select_n3A_221, %select_n3A_248, %select_n3A_263 : i32, i32, i32, i32, i32
      }
      %scan3A_68 = arith.constant 16 : i32
      %sub3A = arith.constant 1 : i32
      %sub3A_69 = arith.subi %scan3A_67#4, %sub3A : i32
      %select_n3A_70 = arith.constant true
      %select_n3A_71 = arith.select %select_n3A_70, %sub3A_69, %scan3A_67#4 : i32
      %eq3A_72 = arith.constant -1 : i32
      %eq3A_73 = arith.cmpi eq, %select_n3A_71, %eq3A_72 : i32
      %select_n3A_74 = arith.constant 15 : i32
      %select_n3A_75 = arith.select %eq3A_73, %select_n3A_74, %select_n3A_71 : i32
      %add3A_76 = arith.addi %select_n3A_75, %mul3A_6 : i32
      %sub3A_77 = arith.constant 1 : i32
      %sub3A_78 = arith.subi %select_n3A_75, %sub3A_77 : i32
      %select_n3A_79 = arith.constant true
      %select_n3A_80 = arith.select %select_n3A_79, %sub3A_78, %select_n3A_75 : i32
      %eq3A_81 = arith.constant -1 : i32
      %eq3A_82 = arith.cmpi eq, %select_n3A_80, %eq3A_81 : i32
      %select_n3A_83 = arith.constant 15 : i32
      %select_n3A_84 = arith.select %eq3A_82, %select_n3A_83, %select_n3A_80 : i32
      %add3A_85 = arith.addi %select_n3A_84, %mul3A_6 : i32
      %add3A_86 = arith.constant 1 : i32
      %add3A_87 = arith.addi %select_n3A_75, %add3A_86 : i32
      %select_n3A_88 = arith.constant true
      %select_n3A_89 = arith.select %select_n3A_88, %add3A_87, %select_n3A_75 : i32
      %eq3A_90 = arith.constant 16 : i32
      %eq3A_91 = arith.cmpi eq, %select_n3A_89, %eq3A_90 : i32
      %select_n3A_92 = arith.constant 0 : i32
      %select_n3A_93 = arith.select %eq3A_91, %select_n3A_92, %select_n3A_89 : i32
      %add3A_94 = arith.addi %select_n3A_93, %mul3A_6 : i32
      %add3A_95 = arith.constant 1 : i32
      %add3A_96 = arith.addi %select_n3A_93, %add3A_95 : i32
      %select_n3A_97 = arith.constant true
      %select_n3A_98 = arith.select %select_n3A_97, %add3A_96, %select_n3A_93 : i32
      %eq3A_99 = arith.constant 16 : i32
      %eq3A_100 = arith.cmpi eq, %select_n3A_98, %eq3A_99 : i32
      %select_n3A_101 = arith.constant 0 : i32
      %select_n3A_102 = arith.select %eq3A_100, %select_n3A_101, %select_n3A_98 : i32
      %add3A_103 = arith.addi %select_n3A_102, %mul3A_6 : i32
      "tpu.trace_start"() <{level = 10 : i32, message = "ep_finalize"}> : () -> ()
      %rem3A_104 = arith.constant 2 : i32
      %rem3A_105 = arith.remui %scan3A_67#3, %rem3A_104 : i32
      %mul3A_106 = arith.constant 128 : i32
      %mul3A_107 = arith.muli %mul3A_106, %add3A_76 : i32
      %dma_wait3A = arith.constant 0 : i32
      %dma_wait3A_108 = arith.constant 0 : i32
      %dma_wait3A_109 = tpu.memref_slice %run_scoped3A_8[%rem3A_105, %dma_wait3A, %dma_wait3A_108] : memref<2x128x128xf32, #tpu.memory_space<vmem>> -> memref<1x128x128xf32, #tpu.memory_space<vmem>>
      %dma_wait3A_110 = tpu.memref_squeeze %dma_wait3A_109 : memref<1x128x128xf32, #tpu.memory_space<vmem>> -> memref<128x128xf32, #tpu.memory_space<vmem>>
      %dma_wait3A_111 = arith.constant 0 : i32
      %dma_wait3A_112 = tpu.memref_slice %arg4[%mul3A_107, %dma_wait3A_111] : memref<65536x128xf32, #tpu.memory_space<hbm>> -> memref<128x128xf32, #tpu.memory_space<hbm>>
      %dma_wait3A_113 = tpu.memref_slice %run_scoped3A_9[%rem3A_105] : memref<2x!tpu.dma_semaphore, #tpu.memory_space<semaphore_mem>> -> memref<1x!tpu.dma_semaphore, #tpu.memory_space<semaphore_mem>>
      %dma_wait3A_114 = tpu.memref_squeeze %dma_wait3A_113 : memref<1x!tpu.dma_semaphore, #tpu.memory_space<semaphore_mem>> -> memref<!tpu.dma_semaphore, #tpu.memory_space<semaphore_mem>>
      %dma_wait3A_115 = arith.constant 0 : i32
      %dma_wait3A_116 = tpu.memref_slice %arg4[%mul3A_107, %dma_wait3A_115] : memref<65536x128xf32, #tpu.memory_space<hbm>> -> memref<128x128xf32, #tpu.memory_space<hbm>>
      %dma_wait3A_117 = arith.constant 0 : i32
      %dma_wait3A_118 = arith.constant 0 : i32
      %dma_wait3A_119 = tpu.memref_slice %run_scoped3A_8[%rem3A_105, %dma_wait3A_117, %dma_wait3A_118] : memref<2x128x128xf32, #tpu.memory_space<vmem>> -> memref<1x128x128xf32, #tpu.memory_space<vmem>>
      %dma_wait3A_120 = tpu.memref_squeeze %dma_wait3A_119 : memref<1x128x128xf32, #tpu.memory_space<vmem>> -> memref<128x128xf32, #tpu.memory_space<vmem>>
      tpu.wait_dma2 semaphore(%dma_wait3A_114 : memref<!tpu.dma_semaphore, #tpu.memory_space<semaphore_mem>>) src(%dma_wait3A_120 : memref<128x128xf32, #tpu.memory_space<vmem>>) dst(%dma_wait3A_116 : memref<128x128xf32, #tpu.memory_space<hbm>>)
      "tpu.trace_stop"() : () -> ()
      tpu.yield
    }) : () -> ()
    return
  }
}

module attributes {stable_mosaic.version = 14 : i64} {
  func.func @_fps_body(%arg0: memref<8x3x2048xf32, #tpu.memory_space<vmem>>, %arg1: memref<8x512x3xf32, #tpu.memory_space<vmem>>) attributes {dimension_semantics = [], scalar_prefetch = 0 : i64, scratch_operands = 0 : i64, tpu.core_type = #tpu.core_type<tc>} {
    %get3A = arith.constant 0 : index
    %get3A_0 = arith.constant 0 : index
    %get3A_1 = arith.constant 0 : index
    %get3A_2 = vector.load %arg0[%get3A, %get3A_0, %get3A_1] : memref<8x3x2048xf32, #tpu.memory_space<vmem>>, vector<8x1x2048xf32>
    %get3A_3 = vector.shape_cast %get3A_2 : vector<8x1x2048xf32> to vector<8x2048xf32>
    %get3A_4 = arith.constant 0 : index
    %get3A_5 = arith.constant 1 : index
    %get3A_6 = arith.constant 0 : index
    %get3A_7 = vector.load %arg0[%get3A_4, %get3A_5, %get3A_6] : memref<8x3x2048xf32, #tpu.memory_space<vmem>>, vector<8x1x2048xf32>
    %get3A_8 = vector.shape_cast %get3A_7 : vector<8x1x2048xf32> to vector<8x2048xf32>
    %get3A_9 = arith.constant 0 : index
    %get3A_10 = arith.constant 2 : index
    %get3A_11 = arith.constant 0 : index
    %get3A_12 = vector.load %arg0[%get3A_9, %get3A_10, %get3A_11] : memref<8x3x2048xf32, #tpu.memory_space<vmem>>, vector<8x1x2048xf32>
    %get3A_13 = vector.shape_cast %get3A_12 : vector<8x1x2048xf32> to vector<8x2048xf32>
    %iota3A = tpu.iota {dimensions = array<i32: 1>} : vector<1x2048xi32>
    %concatenate3A = tpu.concatenate %get3A_3, %get3A_8, %get3A_13 in 0 : vector<8x2048xf32>, vector<8x2048xf32>, vector<8x2048xf32> -> vector<24x2048xf32>
    %broadcast_in_dim3A = arith.constant 1.000000e+10 : f32
    %broadcast_in_dim3A_14 = vector.broadcast %broadcast_in_dim3A : f32 to vector<8x2048xf32>
    %broadcast_in_dim3A_15 = arith.constant 0 : i32
    %broadcast_in_dim3A_16 = vector.broadcast %broadcast_in_dim3A_15 : i32 to vector<8x1xi32>
    %scan3A = arith.constant 0 : i32
    %scan3A_17 = arith.constant 512 : i32
    %scan3A_18 = arith.addi %scan3A, %scan3A_17 : i32
    %scan3A_19 = arith.constant 1 : i32
    %scan3A_20:2 = scf.for %scan3A_22 = %scan3A to %scan3A_18 step %scan3A_19 iter_args(%scan3A_23 = %broadcast_in_dim3A_14, %scan3A_24 = %broadcast_in_dim3A_16) -> (vector<8x2048xf32>, vector<8x1xi32>)  : i32 {
      %eq3A = vector.broadcast %iota3A : vector<1x2048xi32> to vector<8x2048xi32>
      %eq3A_25 = vector.broadcast %scan3A_24 : vector<8x1xi32> to vector<8x2048xi32>
      %eq3A_26 = arith.cmpi eq, %eq3A, %eq3A_25 : vector<8x2048xi32>
      %concatenate3A_27 = tpu.concatenate %eq3A_26, %eq3A_26, %eq3A_26 in 0 : vector<8x2048xi1>, vector<8x2048xi1>, vector<8x2048xi1> -> vector<24x2048xi1>
      %jit3A = arith.constant 0.000000e+00 : f32
      %broadcast_in_dim3A_28 = vector.broadcast %jit3A : f32 to vector<24x2048xf32>
      %select_n3A = arith.select %concatenate3A_27, %concatenate3A, %broadcast_in_dim3A_28 : vector<24x2048xi1>, vector<24x2048xf32>
      %reduce_sum3A = arith.constant dense<0.000000e+00> : vector<24xf32>
      %reduce_sum3A_29 = vector.multi_reduction <add>, %select_n3A, %reduce_sum3A [1] : vector<24x2048xf32> to vector<24xf32>
      %broadcast_in_dim3A_30 = vector.shape_cast %reduce_sum3A_29 : vector<24xf32> to vector<24x1xf32>
      %slice3A = vector.extract_strided_slice %broadcast_in_dim3A_30 {offsets = [0, 0], sizes = [8, 1], strides = [1, 1]} : vector<24x1xf32> to vector<8x1xf32>
      %slice3A_31 = vector.extract_strided_slice %broadcast_in_dim3A_30 {offsets = [8, 0], sizes = [8, 1], strides = [1, 1]} : vector<24x1xf32> to vector<8x1xf32>
      %slice3A_32 = vector.extract_strided_slice %broadcast_in_dim3A_30 {offsets = [16, 0], sizes = [8, 1], strides = [1, 1]} : vector<24x1xf32> to vector<8x1xf32>
      %concatenate3A_33 = tpu.concatenate %slice3A, %slice3A_31, %slice3A_32 in 1 : vector<8x1xf32>, vector<8x1xf32>, vector<8x1xf32> -> vector<8x3xf32>
      %broadcast_in_dim3A_34 = vector.shape_cast %concatenate3A_33 : vector<8x3xf32> to vector<8x1x3xf32>
      %swap3A = arith.constant 0 : index
      %swap3A_35 = arith.index_cast %scan3A_22 : i32 to index
      %swap3A_36 = arith.constant 0 : index
      %swap3A_37 = vector.load %arg1[%swap3A, %swap3A_35, %swap3A_36] : memref<8x512x3xf32, #tpu.memory_space<vmem>>, vector<8x1x3xf32>
      tpu.vector_store %arg1[%swap3A, %swap3A_35, %swap3A_36], %broadcast_in_dim3A_34 {strides = array<i32>} : memref<8x512x3xf32, #tpu.memory_space<vmem>>, vector<8x1x3xf32>,
      %sub3A = vector.broadcast %slice3A : vector<8x1xf32> to vector<8x2048xf32>
      %sub3A_38 = arith.subf %get3A_3, %sub3A : vector<8x2048xf32>
      %sub3A_39 = vector.broadcast %slice3A_31 : vector<8x1xf32> to vector<8x2048xf32>
      %sub3A_40 = arith.subf %get3A_8, %sub3A_39 : vector<8x2048xf32>
      %sub3A_41 = vector.broadcast %slice3A_32 : vector<8x1xf32> to vector<8x2048xf32>
      %sub3A_42 = arith.subf %get3A_13, %sub3A_41 : vector<8x2048xf32>
      %mul3A = arith.mulf %sub3A_38, %sub3A_38 : vector<8x2048xf32>
      %mul3A_43 = arith.mulf %sub3A_40, %sub3A_40 : vector<8x2048xf32>
      %add3A = arith.addf %mul3A, %mul3A_43 : vector<8x2048xf32>
      %mul3A_44 = arith.mulf %sub3A_42, %sub3A_42 : vector<8x2048xf32>
      %add3A_45 = arith.addf %add3A, %mul3A_44 : vector<8x2048xf32>
      %min3A = arith.minimumf %scan3A_23, %add3A_45 : vector<8x2048xf32>
      %reduce_max3A = arith.constant dense<0xFF800000> : vector<8xf32>
      %reduce_max3A_46 = vector.multi_reduction <maximumf>, %min3A, %reduce_max3A [1] : vector<8x2048xf32> to vector<8xf32>
      %broadcast_in_dim3A_47 = vector.shape_cast %reduce_max3A_46 : vector<8xf32> to vector<8x1xf32>
      %eq3A_48 = vector.broadcast %broadcast_in_dim3A_47 : vector<8x1xf32> to vector<8x2048xf32>
      %eq3A_49 = arith.cmpf oeq, %min3A, %eq3A_48 : vector<8x2048xf32>
      %jit3A_50 = arith.constant 2048 : i32
      %broadcast_in_dim3A_51 = vector.shape_cast %iota3A : vector<1x2048xi32> to vector<1x2048xi32>
      %broadcast_in_dim3A_52 = vector.broadcast %broadcast_in_dim3A_51 : vector<1x2048xi32> to vector<8x2048xi32>
      %broadcast_in_dim3A_53 = vector.broadcast %jit3A_50 : i32 to vector<8x2048xi32>
      %select_n3A_54 = arith.select %eq3A_49, %broadcast_in_dim3A_52, %broadcast_in_dim3A_53 : vector<8x2048xi1>, vector<8x2048xi32>
      %reduce_min3A = arith.constant dense<2147483647> : vector<8xi32>
      %reduce_min3A_55 = vector.multi_reduction <minsi>, %select_n3A_54, %reduce_min3A [1] : vector<8x2048xi32> to vector<8xi32>
      %broadcast_in_dim3A_56 = vector.shape_cast %reduce_min3A_55 : vector<8xi32> to vector<8x1xi32>
      scf.yield %min3A, %broadcast_in_dim3A_56 : vector<8x2048xf32>, vector<8x1xi32>
    }
    %scan3A_21 = arith.constant 512 : i32
    return
  }
}

module attributes {stable_mosaic.version = 14 : i64} {
  func.func @_ballq_body(%arg0: i32, %arg1: memref<1x3x2048xf32, #tpu.memory_space<vmem>>, %arg2: memref<1x512x3xf32, #tpu.memory_space<vmem>>, %arg3: memref<1x16x512xi32, #tpu.memory_space<vmem>>, %arg4: memref<1x32x512xi32, #tpu.memory_space<vmem>>, %arg5: memref<1x128x512xi32, #tpu.memory_space<vmem>>, %arg6: memref<128x1x512xi32, #tpu.memory_space<vmem>>) attributes {dimension_semantics = [#tpu.dimension_semantics<parallel>], iteration_bounds = array<i64: 8>, scalar_prefetch = 0 : i64, scratch_operands = 1 : i64, tpu.core_type = #tpu.core_type<tc>, window_params = [{transform_indices = @transform_0, window_bounds = array<i64: 1, 3, 2048>}, {transform_indices = @transform_1, window_bounds = array<i64: 1, 512, 3>}, {transform_indices = @transform_2, window_bounds = array<i64: 1, 16, 512>}, {transform_indices = @transform_3, window_bounds = array<i64: 1, 32, 512>}, {transform_indices = @transform_4, window_bounds = array<i64: 1, 128, 512>}]} {
    %get3A = arith.constant 0 : index
    %get3A_0 = arith.constant 0 : index
    %get3A_1 = arith.constant 0 : index
    %get3A_2 = vector.load %arg1[%get3A, %get3A_0, %get3A_1] : memref<1x3x2048xf32, #tpu.memory_space<vmem>>, vector<1x3x2048xf32>
    %get3A_3 = vector.shape_cast %get3A_2 : vector<1x3x2048xf32> to vector<3x2048xf32>
    %get3A_4 = arith.constant 0 : index
    %get3A_5 = arith.constant 0 : index
    %get3A_6 = arith.constant 0 : index
    %get3A_7 = vector.load %arg2[%get3A_4, %get3A_5, %get3A_6] : memref<1x512x3xf32, #tpu.memory_space<vmem>>, vector<1x512x3xf32>
    %get3A_8 = vector.shape_cast %get3A_7 : vector<1x512x3xf32> to vector<512x3xf32>
    %mul3A = arith.constant 2048 : i32
    %mul3A_9 = arith.muli %arg0, %mul3A : i32
    %convert_element_type3A = arith.truncf %get3A_3 : vector<3x2048xf32> to vector<3x2048xbf16>
    %convert_element_type3A_10 = arith.truncf %get3A_8 : vector<512x3xf32> to vector<512x3xbf16>
    %dot_general3A = arith.constant dense<0.000000e+00> : vector<2048x512xf32>
    %dot_general3A_11 = tpu.matmul %convert_element_type3A, %convert_element_type3A_10, %dot_general3A {dimension_numbers = #tpu.dot_dimension_numbers<[0], [1], [1], [0], [0, 1, 1, 0], [], []>, transpose_lhs_hint = false} : vector<3x2048xbf16>, vector<512x3xbf16>, vector<2048x512xf32> -> vector<2048x512xf32>
    %slice3A = vector.extract_strided_slice %get3A_8 {offsets = [0, 0], sizes = [512, 1], strides = [1, 1]} : vector<512x3xf32> to vector<512x1xf32>
    %slice3A_12 = vector.extract_strided_slice %get3A_8 {offsets = [0, 0], sizes = [512, 1], strides = [1, 1]} : vector<512x3xf32> to vector<512x1xf32>
    %mul3A_13 = arith.mulf %slice3A, %slice3A_12 : vector<512x1xf32>
    %slice3A_14 = vector.extract_strided_slice %get3A_8 {offsets = [0, 1], sizes = [512, 1], strides = [1, 1]} : vector<512x3xf32> to vector<512x1xf32>
    %slice3A_15 = vector.extract_strided_slice %get3A_8 {offsets = [0, 1], sizes = [512, 1], strides = [1, 1]} : vector<512x3xf32> to vector<512x1xf32>
    %mul3A_16 = arith.mulf %slice3A_14, %slice3A_15 : vector<512x1xf32>
    %add3A = arith.addf %mul3A_13, %mul3A_16 : vector<512x1xf32>
    %slice3A_17 = vector.extract_strided_slice %get3A_8 {offsets = [0, 2], sizes = [512, 1], strides = [1, 1]} : vector<512x3xf32> to vector<512x1xf32>
    %slice3A_18 = vector.extract_strided_slice %get3A_8 {offsets = [0, 2], sizes = [512, 1], strides = [1, 1]} : vector<512x3xf32> to vector<512x1xf32>
    %mul3A_19 = arith.mulf %slice3A_17, %slice3A_18 : vector<512x1xf32>
    %add3A_20 = arith.addf %add3A, %mul3A_19 : vector<512x1xf32>
    %slice3A_21 = vector.extract_strided_slice %get3A_3 {offsets = [0, 0], sizes = [1, 2048], strides = [1, 1]} : vector<3x2048xf32> to vector<1x2048xf32>
    %slice3A_22 = vector.extract_strided_slice %get3A_3 {offsets = [0, 0], sizes = [1, 2048], strides = [1, 1]} : vector<3x2048xf32> to vector<1x2048xf32>
    %mul3A_23 = arith.mulf %slice3A_21, %slice3A_22 : vector<1x2048xf32>
    %slice3A_24 = vector.extract_strided_slice %get3A_3 {offsets = [1, 0], sizes = [1, 2048], strides = [1, 1]} : vector<3x2048xf32> to vector<1x2048xf32>
    %slice3A_25 = vector.extract_strided_slice %get3A_3 {offsets = [1, 0], sizes = [1, 2048], strides = [1, 1]} : vector<3x2048xf32> to vector<1x2048xf32>
    %mul3A_26 = arith.mulf %slice3A_24, %slice3A_25 : vector<1x2048xf32>
    %add3A_27 = arith.addf %mul3A_23, %mul3A_26 : vector<1x2048xf32>
    %slice3A_28 = vector.extract_strided_slice %get3A_3 {offsets = [2, 0], sizes = [1, 2048], strides = [1, 1]} : vector<3x2048xf32> to vector<1x2048xf32>
    %slice3A_29 = vector.extract_strided_slice %get3A_3 {offsets = [2, 0], sizes = [1, 2048], strides = [1, 1]} : vector<3x2048xf32> to vector<1x2048xf32>
    %mul3A_30 = arith.mulf %slice3A_28, %slice3A_29 : vector<1x2048xf32>
    %add3A_31 = arith.addf %add3A_27, %mul3A_30 : vector<1x2048xf32>
    %mul3A_32 = arith.constant -2.000000e+00 : f32
    %mul3A_33 = vector.broadcast %mul3A_32 : f32 to vector<2048x512xf32>
    %mul3A_34 = arith.mulf %mul3A_33, %dot_general3A_11 : vector<2048x512xf32>
    %transpose3A = tpu.transpose %add3A_20, [1, 0] : vector<512x1xf32> -> vector<1x512xf32>
    %add3A_35 = vector.broadcast %transpose3A : vector<1x512xf32> to vector<2048x512xf32>
    %add3A_36 = arith.addf %mul3A_34, %add3A_35 : vector<2048x512xf32>
    %transpose3A_37 = tpu.transpose %add3A_31, [1, 0] : vector<1x2048xf32> -> vector<2048x1xf32>
    %add3A_38 = vector.broadcast %transpose3A_37 : vector<2048x1xf32> to vector<2048x512xf32>
    %add3A_39 = arith.addf %add3A_36, %add3A_38 : vector<2048x512xf32>
    %le3A = arith.constant 0.00999999977 : f32
    %le3A_40 = vector.broadcast %le3A : f32 to vector<2048x512xf32>
    %le3A_41 = arith.cmpf ole, %add3A_39, %le3A_40 : vector<2048x512xf32>
    %convert_element_type3A_42 = arith.extui %le3A_41 : vector<2048x512xi1> to vector<2048x512xi32>
    %broadcast_in_dim3A = arith.constant 0 : i32
    %broadcast_in_dim3A_43 = vector.broadcast %broadcast_in_dim3A : i32 to vector<1x512xi32>
    %slice3A_44 = vector.extract_strided_slice %convert_element_type3A_42 {offsets = [0, 0], sizes = [2047, 512], strides = [1, 1]} : vector<2048x512xi32> to vector<2047x512xi32>
    %concatenate3A = tpu.concatenate %broadcast_in_dim3A_43, %slice3A_44 in 0 : vector<1x512xi32>, vector<2047x512xi32> -> vector<2048x512xi32>
    %add3A_45 = arith.addi %convert_element_type3A_42, %concatenate3A : vector<2048x512xi32>
    %broadcast_in_dim3A_46 = arith.constant 0 : i32
    %broadcast_in_dim3A_47 = vector.broadcast %broadcast_in_dim3A_46 : i32 to vector<2x512xi32>
    %slice3A_48 = vector.extract_strided_slice %add3A_45 {offsets = [0, 0], sizes = [2046, 512], strides = [1, 1]} : vector<2048x512xi32> to vector<2046x512xi32>
    %concatenate3A_49 = tpu.concatenate %broadcast_in_dim3A_47, %slice3A_48 in 0 : vector<2x512xi32>, vector<2046x512xi32> -> vector<2048x512xi32>
    %add3A_50 = arith.addi %add3A_45, %concatenate3A_49 : vector<2048x512xi32>
    %broadcast_in_dim3A_51 = arith.constant 0 : i32
    %broadcast_in_dim3A_52 = vector.broadcast %broadcast_in_dim3A_51 : i32 to vector<4x512xi32>
    %slice3A_53 = vector.extract_strided_slice %add3A_50 {offsets = [0, 0], sizes = [2044, 512], strides = [1, 1]} : vector<2048x512xi32> to vector<2044x512xi32>
    %concatenate3A_54 = tpu.concatenate %broadcast_in_dim3A_52, %slice3A_53 in 0 : vector<4x512xi32>, vector<2044x512xi32> -> vector<2048x512xi32>
    %add3A_55 = arith.addi %add3A_50, %concatenate3A_54 : vector<2048x512xi32>
    %broadcast_in_dim3A_56 = arith.constant 0 : i32
    %broadcast_in_dim3A_57 = vector.broadcast %broadcast_in_dim3A_56 : i32 to vector<8x512xi32>
    %slice3A_58 = vector.extract_strided_slice %add3A_55 {offsets = [0, 0], sizes = [2040, 512], strides = [1, 1]} : vector<2048x512xi32> to vector<2040x512xi32>
    %concatenate3A_59 = tpu.concatenate %broadcast_in_dim3A_57, %slice3A_58 in 0 : vector<8x512xi32>, vector<2040x512xi32> -> vector<2048x512xi32>
    %add3A_60 = arith.addi %add3A_55, %concatenate3A_59 : vector<2048x512xi32>
    %broadcast_in_dim3A_61 = arith.constant 0 : i32
    %broadcast_in_dim3A_62 = vector.broadcast %broadcast_in_dim3A_61 : i32 to vector<16x512xi32>
    %slice3A_63 = vector.extract_strided_slice %add3A_60 {offsets = [0, 0], sizes = [2032, 512], strides = [1, 1]} : vector<2048x512xi32> to vector<2032x512xi32>
    %concatenate3A_64 = tpu.concatenate %broadcast_in_dim3A_62, %slice3A_63 in 0 : vector<16x512xi32>, vector<2032x512xi32> -> vector<2048x512xi32>
    %add3A_65 = arith.addi %add3A_60, %concatenate3A_64 : vector<2048x512xi32>
    %broadcast_in_dim3A_66 = arith.constant 0 : i32
    %broadcast_in_dim3A_67 = vector.broadcast %broadcast_in_dim3A_66 : i32 to vector<32x512xi32>
    %slice3A_68 = vector.extract_strided_slice %add3A_65 {offsets = [0, 0], sizes = [2016, 512], strides = [1, 1]} : vector<2048x512xi32> to vector<2016x512xi32>
    %concatenate3A_69 = tpu.concatenate %broadcast_in_dim3A_67, %slice3A_68 in 0 : vector<32x512xi32>, vector<2016x512xi32> -> vector<2048x512xi32>
    %add3A_70 = arith.addi %add3A_65, %concatenate3A_69 : vector<2048x512xi32>
    %broadcast_in_dim3A_71 = arith.constant 0 : i32
    %broadcast_in_dim3A_72 = vector.broadcast %broadcast_in_dim3A_71 : i32 to vector<64x512xi32>
    %slice3A_73 = vector.extract_strided_slice %add3A_70 {offsets = [0, 0], sizes = [1984, 512], strides = [1, 1]} : vector<2048x512xi32> to vector<1984x512xi32>
    %concatenate3A_74 = tpu.concatenate %broadcast_in_dim3A_72, %slice3A_73 in 0 : vector<64x512xi32>, vector<1984x512xi32> -> vector<2048x512xi32>
    %add3A_75 = arith.addi %add3A_70, %concatenate3A_74 : vector<2048x512xi32>
    %broadcast_in_dim3A_76 = arith.constant 0 : i32
    %broadcast_in_dim3A_77 = vector.broadcast %broadcast_in_dim3A_76 : i32 to vector<128x512xi32>
    %slice3A_78 = vector.extract_strided_slice %add3A_75 {offsets = [0, 0], sizes = [1920, 512], strides = [1, 1]} : vector<2048x512xi32> to vector<1920x512xi32>
    %concatenate3A_79 = tpu.concatenate %broadcast_in_dim3A_77, %slice3A_78 in 0 : vector<128x512xi32>, vector<1920x512xi32> -> vector<2048x512xi32>
    %add3A_80 = arith.addi %add3A_75, %concatenate3A_79 : vector<2048x512xi32>
    %broadcast_in_dim3A_81 = arith.constant 0 : i32
    %broadcast_in_dim3A_82 = vector.broadcast %broadcast_in_dim3A_81 : i32 to vector<256x512xi32>
    %slice3A_83 = vector.extract_strided_slice %add3A_80 {offsets = [0, 0], sizes = [1792, 512], strides = [1, 1]} : vector<2048x512xi32> to vector<1792x512xi32>
    %concatenate3A_84 = tpu.concatenate %broadcast_in_dim3A_82, %slice3A_83 in 0 : vector<256x512xi32>, vector<1792x512xi32> -> vector<2048x512xi32>
    %add3A_85 = arith.addi %add3A_80, %concatenate3A_84 : vector<2048x512xi32>
    %broadcast_in_dim3A_86 = arith.constant 0 : i32
    %broadcast_in_dim3A_87 = vector.broadcast %broadcast_in_dim3A_86 : i32 to vector<512x512xi32>
    %slice3A_88 = vector.extract_strided_slice %add3A_85 {offsets = [0, 0], sizes = [1536, 512], strides = [1, 1]} : vector<2048x512xi32> to vector<1536x512xi32>
    %concatenate3A_89 = tpu.concatenate %broadcast_in_dim3A_87, %slice3A_88 in 0 : vector<512x512xi32>, vector<1536x512xi32> -> vector<2048x512xi32>
    %add3A_90 = arith.addi %add3A_85, %concatenate3A_89 : vector<2048x512xi32>
    %broadcast_in_dim3A_91 = arith.constant 0 : i32
    %broadcast_in_dim3A_92 = vector.broadcast %broadcast_in_dim3A_91 : i32 to vector<1024x512xi32>
    %slice3A_93 = vector.extract_strided_slice %add3A_90 {offsets = [0, 0], sizes = [1024, 512], strides = [1, 1]} : vector<2048x512xi32> to vector<1024x512xi32>
    %concatenate3A_94 = tpu.concatenate %broadcast_in_dim3A_92, %slice3A_93 in 0 : vector<1024x512xi32>, vector<1024x512xi32> -> vector<2048x512xi32>
    %add3A_95 = arith.addi %add3A_90, %concatenate3A_94 : vector<2048x512xi32>
    %min3A = arith.constant 17 : i32
    %min3A_96 = vector.broadcast %min3A : i32 to vector<2048x512xi32>
    %min3A_97 = arith.minsi %add3A_95, %min3A_96 : vector<2048x512xi32>
    %convert_element_type3A_98 = arith.sitofp %min3A_97 : vector<2048x512xi32> to vector<2048x512xbf16>
    %broadcast_in_dim3A_99 = arith.constant 1.000000e+00 : bf16
    %broadcast_in_dim3A_100 = vector.broadcast %broadcast_in_dim3A_99 : bf16 to vector<1x2048xbf16>
    %scan3A = arith.constant 0 : i32
    %scan3A_101 = arith.constant 2 : i32
    %scan3A_102 = arith.addi %scan3A, %scan3A_101 : i32
    %scan3A_103 = arith.constant 1 : i32
    scf.for %scan3A_311 = %scan3A to %scan3A_102 step %scan3A_103  : i32 {
      %mul3A_312 = arith.constant 8 : i32
      %mul3A_313 = arith.muli %scan3A_311, %mul3A_312 : i32
      %add3A_314 = arith.constant 0 : i32
      %add3A_315 = arith.addi %mul3A_313, %add3A_314 : i32
      %convert_element_type3A_316 = arith.sitofp %add3A_315 : i32 to bf16
      %le3A_317 = vector.broadcast %convert_element_type3A_316 : bf16 to vector<2048x512xbf16>
      %le3A_318 = arith.cmpf ole, %convert_element_type3A_98, %le3A_317 : vector<2048x512xbf16>
      %jit3A = arith.constant 1.000000e+00 : bf16
      %jit3A_319 = arith.constant 0.000000e+00 : bf16
      %broadcast_in_dim3A_320 = vector.broadcast %jit3A : bf16 to vector<2048x512xbf16>
      %broadcast_in_dim3A_321 = vector.broadcast %jit3A_319 : bf16 to vector<2048x512xbf16>
      %select_n3A_322 = arith.select %le3A_318, %broadcast_in_dim3A_320, %broadcast_in_dim3A_321 : vector<2048x512xi1>, vector<2048x512xbf16>
      %dot_general3A_323 = arith.constant dense<0.000000e+00> : vector<1x512xf32>
      %dot_general3A_324 = tpu.matmul %broadcast_in_dim3A_100, %select_n3A_322, %dot_general3A_323 {dimension_numbers = #tpu.dot_dimension_numbers<[1], [0], [0], [1], [0, 0, 1, 1], [], []>, transpose_lhs_hint = false} : vector<1x2048xbf16>, vector<2048x512xbf16>, vector<1x512xf32> -> vector<1x512xf32>
      %convert_element_type3A_325 = arith.fptosi %dot_general3A_324 : vector<1x512xf32> to vector<1x512xi32>
      %broadcast_in_dim3A_326 = vector.shape_cast %convert_element_type3A_325 : vector<1x512xi32> to vector<1x1x512xi32>
      %add3A_327 = arith.constant 0 : i32
      %add3A_328 = arith.addi %mul3A_313, %add3A_327 : i32
      %swap3A_329 = arith.index_cast %add3A_328 : i32 to index
      %swap3A_330 = arith.constant 0 : index
      %swap3A_331 = arith.constant 0 : index
      %swap3A_332 = vector.load %arg6[%swap3A_329, %swap3A_330, %swap3A_331] : memref<128x1x512xi32, #tpu.memory_space<vmem>>, vector<1x1x512xi32>
      tpu.vector_store %arg6[%swap3A_329, %swap3A_330, %swap3A_331], %broadcast_in_dim3A_326 {strides = array<i32>} : memref<128x1x512xi32, #tpu.memory_space<vmem>>, vector<1x1x512xi32>,
      %add3A_333 = arith.constant 1 : i32
      %add3A_334 = arith.addi %mul3A_313, %add3A_333 : i32
      %convert_element_type3A_335 = arith.sitofp %add3A_334 : i32 to bf16
      %le3A_336 = vector.broadcast %convert_element_type3A_335 : bf16 to vector<2048x512xbf16>
      %le3A_337 = arith.cmpf ole, %convert_element_type3A_98, %le3A_336 : vector<2048x512xbf16>
      %jit3A_338 = arith.constant 1.000000e+00 : bf16
      %jit3A_339 = arith.constant 0.000000e+00 : bf16
      %broadcast_in_dim3A_340 = vector.broadcast %jit3A_338 : bf16 to vector<2048x512xbf16>
      %broadcast_in_dim3A_341 = vector.broadcast %jit3A_339 : bf16 to vector<2048x512xbf16>
      %select_n3A_342 = arith.select %le3A_337, %broadcast_in_dim3A_340, %broadcast_in_dim3A_341 : vector<2048x512xi1>, vector<2048x512xbf16>
      %dot_general3A_343 = arith.constant dense<0.000000e+00> : vector<1x512xf32>
      %dot_general3A_344 = tpu.matmul %broadcast_in_dim3A_100, %select_n3A_342, %dot_general3A_343 {dimension_numbers = #tpu.dot_dimension_numbers<[1], [0], [0], [1], [0, 0, 1, 1], [], []>, transpose_lhs_hint = false} : vector<1x2048xbf16>, vector<2048x512xbf16>, vector<1x512xf32> -> vector<1x512xf32>
      %convert_element_type3A_345 = arith.fptosi %dot_general3A_344 : vector<1x512xf32> to vector<1x512xi32>
      %broadcast_in_dim3A_346 = vector.shape_cast %convert_element_type3A_345 : vector<1x512xi32> to vector<1x1x512xi32>
      %add3A_347 = arith.constant 1 : i32
      %add3A_348 = arith.addi %mul3A_313, %add3A_347 : i32
      %swap3A_349 = arith.index_cast %add3A_348 : i32 to index
      %swap3A_350 = arith.constant 0 : index
      %swap3A_351 = arith.constant 0 : index
      %swap3A_352 = vector.load %arg6[%swap3A_349, %swap3A_350, %swap3A_351] : memref<128x1x512xi32, #tpu.memory_space<vmem>>, vector<1x1x512xi32>
      tpu.vector_store %arg6[%swap3A_349, %swap3A_350, %swap3A_351], %broadcast_in_dim3A_346 {strides = array<i32>} : memref<128x1x512xi32, #tpu.memory_space<vmem>>, vector<1x1x512xi32>,
      %add3A_353 = arith.constant 2 : i32
      %add3A_354 = arith.addi %mul3A_313, %add3A_353 : i32
      %convert_element_type3A_355 = arith.sitofp %add3A_354 : i32 to bf16
      %le3A_356 = vector.broadcast %convert_element_type3A_355 : bf16 to vector<2048x512xbf16>
      %le3A_357 = arith.cmpf ole, %convert_element_type3A_98, %le3A_356 : vector<2048x512xbf16>
      %jit3A_358 = arith.constant 1.000000e+00 : bf16
      %jit3A_359 = arith.constant 0.000000e+00 : bf16
      %broadcast_in_dim3A_360 = vector.broadcast %jit3A_358 : bf16 to vector<2048x512xbf16>
      %broadcast_in_dim3A_361 = vector.broadcast %jit3A_359 : bf16 to vector<2048x512xbf16>
      %select_n3A_362 = arith.select %le3A_357, %broadcast_in_dim3A_360, %broadcast_in_dim3A_361 : vector<2048x512xi1>, vector<2048x512xbf16>
      %dot_general3A_363 = arith.constant dense<0.000000e+00> : vector<1x512xf32>
      %dot_general3A_364 = tpu.matmul %broadcast_in_dim3A_100, %select_n3A_362, %dot_general3A_363 {dimension_numbers = #tpu.dot_dimension_numbers<[1], [0], [0], [1], [0, 0, 1, 1], [], []>, transpose_lhs_hint = false} : vector<1x2048xbf16>, vector<2048x512xbf16>, vector<1x512xf32> -> vector<1x512xf32>
      %convert_element_type3A_365 = arith.fptosi %dot_general3A_364 : vector<1x512xf32> to vector<1x512xi32>
      %broadcast_in_dim3A_366 = vector.shape_cast %convert_element_type3A_365 : vector<1x512xi32> to vector<1x1x512xi32>
      %add3A_367 = arith.constant 2 : i32
      %add3A_368 = arith.addi %mul3A_313, %add3A_367 : i32
      %swap3A_369 = arith.index_cast %add3A_368 : i32 to index
      %swap3A_370 = arith.constant 0 : index
      %swap3A_371 = arith.constant 0 : index
      %swap3A_372 = vector.load %arg6[%swap3A_369, %swap3A_370, %swap3A_371] : memref<128x1x512xi32, #tpu.memory_space<vmem>>, vector<1x1x512xi32>
      tpu.vector_store %arg6[%swap3A_369, %swap3A_370, %swap3A_371], %broadcast_in_dim3A_366 {strides = array<i32>} : memref<128x1x512xi32, #tpu.memory_space<vmem>>, vector<1x1x512xi32>,
      %add3A_373 = arith.constant 3 : i32
      %add3A_374 = arith.addi %mul3A_313, %add3A_373 : i32
      %convert_element_type3A_375 = arith.sitofp %add3A_374 : i32 to bf16
      %le3A_376 = vector.broadcast %convert_element_type3A_375 : bf16 to vector<2048x512xbf16>
      %le3A_377 = arith.cmpf ole, %convert_element_type3A_98, %le3A_376 : vector<2048x512xbf16>
      %jit3A_378 = arith.constant 1.000000e+00 : bf16
      %jit3A_379 = arith.constant 0.000000e+00 : bf16
      %broadcast_in_dim3A_380 = vector.broadcast %jit3A_378 : bf16 to vector<2048x512xbf16>
      %broadcast_in_dim3A_381 = vector.broadcast %jit3A_379 : bf16 to vector<2048x512xbf16>
      %select_n3A_382 = arith.select %le3A_377, %broadcast_in_dim3A_380, %broadcast_in_dim3A_381 : vector<2048x512xi1>, vector<2048x512xbf16>
      %dot_general3A_383 = arith.constant dense<0.000000e+00> : vector<1x512xf32>
      %dot_general3A_384 = tpu.matmul %broadcast_in_dim3A_100, %select_n3A_382, %dot_general3A_383 {dimension_numbers = #tpu.dot_dimension_numbers<[1], [0], [0], [1], [0, 0, 1, 1], [], []>, transpose_lhs_hint = false} : vector<1x2048xbf16>, vector<2048x512xbf16>, vector<1x512xf32> -> vector<1x512xf32>
      %convert_element_type3A_385 = arith.fptosi %dot_general3A_384 : vector<1x512xf32> to vector<1x512xi32>
      %broadcast_in_dim3A_386 = vector.shape_cast %convert_element_type3A_385 : vector<1x512xi32> to vector<1x1x512xi32>
      %add3A_387 = arith.constant 3 : i32
      %add3A_388 = arith.addi %mul3A_313, %add3A_387 : i32
      %swap3A_389 = arith.index_cast %add3A_388 : i32 to index
      %swap3A_390 = arith.constant 0 : index
      %swap3A_391 = arith.constant 0 : index
      %swap3A_392 = vector.load %arg6[%swap3A_389, %swap3A_390, %swap3A_391] : memref<128x1x512xi32, #tpu.memory_space<vmem>>, vector<1x1x512xi32>
      tpu.vector_store %arg6[%swap3A_389, %swap3A_390, %swap3A_391], %broadcast_in_dim3A_386 {strides = array<i32>} : memref<128x1x512xi32, #tpu.memory_space<vmem>>, vector<1x1x512xi32>,
      %add3A_393 = arith.constant 4 : i32
      %add3A_394 = arith.addi %mul3A_313, %add3A_393 : i32
      %convert_element_type3A_395 = arith.sitofp %add3A_394 : i32 to bf16
      %le3A_396 = vector.broadcast %convert_element_type3A_395 : bf16 to vector<2048x512xbf16>
      %le3A_397 = arith.cmpf ole, %convert_element_type3A_98, %le3A_396 : vector<2048x512xbf16>
      %jit3A_398 = arith.constant 1.000000e+00 : bf16
      %jit3A_399 = arith.constant 0.000000e+00 : bf16
      %broadcast_in_dim3A_400 = vector.broadcast %jit3A_398 : bf16 to vector<2048x512xbf16>
      %broadcast_in_dim3A_401 = vector.broadcast %jit3A_399 : bf16 to vector<2048x512xbf16>
      %select_n3A_402 = arith.select %le3A_397, %broadcast_in_dim3A_400, %broadcast_in_dim3A_401 : vector<2048x512xi1>, vector<2048x512xbf16>
      %dot_general3A_403 = arith.constant dense<0.000000e+00> : vector<1x512xf32>
      %dot_general3A_404 = tpu.matmul %broadcast_in_dim3A_100, %select_n3A_402, %dot_general3A_403 {dimension_numbers = #tpu.dot_dimension_numbers<[1], [0], [0], [1], [0, 0, 1, 1], [], []>, transpose_lhs_hint = false} : vector<1x2048xbf16>, vector<2048x512xbf16>, vector<1x512xf32> -> vector<1x512xf32>
      %convert_element_type3A_405 = arith.fptosi %dot_general3A_404 : vector<1x512xf32> to vector<1x512xi32>
      %broadcast_in_dim3A_406 = vector.shape_cast %convert_element_type3A_405 : vector<1x512xi32> to vector<1x1x512xi32>
      %add3A_407 = arith.constant 4 : i32
      %add3A_408 = arith.addi %mul3A_313, %add3A_407 : i32
      %swap3A_409 = arith.index_cast %add3A_408 : i32 to index
      %swap3A_410 = arith.constant 0 : index
      %swap3A_411 = arith.constant 0 : index
      %swap3A_412 = vector.load %arg6[%swap3A_409, %swap3A_410, %swap3A_411] : memref<128x1x512xi32, #tpu.memory_space<vmem>>, vector<1x1x512xi32>
      tpu.vector_store %arg6[%swap3A_409, %swap3A_410, %swap3A_411], %broadcast_in_dim3A_406 {strides = array<i32>} : memref<128x1x512xi32, #tpu.memory_space<vmem>>, vector<1x1x512xi32>,
      %add3A_413 = arith.constant 5 : i32
      %add3A_414 = arith.addi %mul3A_313, %add3A_413 : i32
      %convert_element_type3A_415 = arith.sitofp %add3A_414 : i32 to bf16
      %le3A_416 = vector.broadcast %convert_element_type3A_415 : bf16 to vector<2048x512xbf16>
      %le3A_417 = arith.cmpf ole, %convert_element_type3A_98, %le3A_416 : vector<2048x512xbf16>
      %jit3A_418 = arith.constant 1.000000e+00 : bf16
      %jit3A_419 = arith.constant 0.000000e+00 : bf16
      %broadcast_in_dim3A_420 = vector.broadcast %jit3A_418 : bf16 to vector<2048x512xbf16>
      %broadcast_in_dim3A_421 = vector.broadcast %jit3A_419 : bf16 to vector<2048x512xbf16>
      %select_n3A_422 = arith.select %le3A_417, %broadcast_in_dim3A_420, %broadcast_in_dim3A_421 : vector<2048x512xi1>, vector<2048x512xbf16>
      %dot_general3A_423 = arith.constant dense<0.000000e+00> : vector<1x512xf32>
      %dot_general3A_424 = tpu.matmul %broadcast_in_dim3A_100, %select_n3A_422, %dot_general3A_423 {dimension_numbers = #tpu.dot_dimension_numbers<[1], [0], [0], [1], [0, 0, 1, 1], [], []>, transpose_lhs_hint = false} : vector<1x2048xbf16>, vector<2048x512xbf16>, vector<1x512xf32> -> vector<1x512xf32>
      %convert_element_type3A_425 = arith.fptosi %dot_general3A_424 : vector<1x512xf32> to vector<1x512xi32>
      %broadcast_in_dim3A_426 = vector.shape_cast %convert_element_type3A_425 : vector<1x512xi32> to vector<1x1x512xi32>
      %add3A_427 = arith.constant 5 : i32
      %add3A_428 = arith.addi %mul3A_313, %add3A_427 : i32
      %swap3A_429 = arith.index_cast %add3A_428 : i32 to index
      %swap3A_430 = arith.constant 0 : index
      %swap3A_431 = arith.constant 0 : index
      %swap3A_432 = vector.load %arg6[%swap3A_429, %swap3A_430, %swap3A_431] : memref<128x1x512xi32, #tpu.memory_space<vmem>>, vector<1x1x512xi32>
      tpu.vector_store %arg6[%swap3A_429, %swap3A_430, %swap3A_431], %broadcast_in_dim3A_426 {strides = array<i32>} : memref<128x1x512xi32, #tpu.memory_space<vmem>>, vector<1x1x512xi32>,
      %add3A_433 = arith.constant 6 : i32
      %add3A_434 = arith.addi %mul3A_313, %add3A_433 : i32
      %convert_element_type3A_435 = arith.sitofp %add3A_434 : i32 to bf16
      %le3A_436 = vector.broadcast %convert_element_type3A_435 : bf16 to vector<2048x512xbf16>
      %le3A_437 = arith.cmpf ole, %convert_element_type3A_98, %le3A_436 : vector<2048x512xbf16>
      %jit3A_438 = arith.constant 1.000000e+00 : bf16
      %jit3A_439 = arith.constant 0.000000e+00 : bf16
      %broadcast_in_dim3A_440 = vector.broadcast %jit3A_438 : bf16 to vector<2048x512xbf16>
      %broadcast_in_dim3A_441 = vector.broadcast %jit3A_439 : bf16 to vector<2048x512xbf16>
      %select_n3A_442 = arith.select %le3A_437, %broadcast_in_dim3A_440, %broadcast_in_dim3A_441 : vector<2048x512xi1>, vector<2048x512xbf16>
      %dot_general3A_443 = arith.constant dense<0.000000e+00> : vector<1x512xf32>
      %dot_general3A_444 = tpu.matmul %broadcast_in_dim3A_100, %select_n3A_442, %dot_general3A_443 {dimension_numbers = #tpu.dot_dimension_numbers<[1], [0], [0], [1], [0, 0, 1, 1], [], []>, transpose_lhs_hint = false} : vector<1x2048xbf16>, vector<2048x512xbf16>, vector<1x512xf32> -> vector<1x512xf32>
      %convert_element_type3A_445 = arith.fptosi %dot_general3A_444 : vector<1x512xf32> to vector<1x512xi32>
      %broadcast_in_dim3A_446 = vector.shape_cast %convert_element_type3A_445 : vector<1x512xi32> to vector<1x1x512xi32>
      %add3A_447 = arith.constant 6 : i32
      %add3A_448 = arith.addi %mul3A_313, %add3A_447 : i32
      %swap3A_449 = arith.index_cast %add3A_448 : i32 to index
      %swap3A_450 = arith.constant 0 : index
      %swap3A_451 = arith.constant 0 : index
      %swap3A_452 = vector.load %arg6[%swap3A_449, %swap3A_450, %swap3A_451] : memref<128x1x512xi32, #tpu.memory_space<vmem>>, vector<1x1x512xi32>
      tpu.vector_store %arg6[%swap3A_449, %swap3A_450, %swap3A_451], %broadcast_in_dim3A_446 {strides = array<i32>} : memref<128x1x512xi32, #tpu.memory_space<vmem>>, vector<1x1x512xi32>,
      %add3A_453 = arith.constant 7 : i32
      %add3A_454 = arith.addi %mul3A_313, %add3A_453 : i32
      %convert_element_type3A_455 = arith.sitofp %add3A_454 : i32 to bf16
      %le3A_456 = vector.broadcast %convert_element_type3A_455 : bf16 to vector<2048x512xbf16>
      %le3A_457 = arith.cmpf ole, %convert_element_type3A_98, %le3A_456 : vector<2048x512xbf16>
      %jit3A_458 = arith.constant 1.000000e+00 : bf16
      %jit3A_459 = arith.constant 0.000000e+00 : bf16
      %broadcast_in_dim3A_460 = vector.broadcast %jit3A_458 : bf16 to vector<2048x512xbf16>
      %broadcast_in_dim3A_461 = vector.broadcast %jit3A_459 : bf16 to vector<2048x512xbf16>
      %select_n3A_462 = arith.select %le3A_457, %broadcast_in_dim3A_460, %broadcast_in_dim3A_461 : vector<2048x512xi1>, vector<2048x512xbf16>
      %dot_general3A_463 = arith.constant dense<0.000000e+00> : vector<1x512xf32>
      %dot_general3A_464 = tpu.matmul %broadcast_in_dim3A_100, %select_n3A_462, %dot_general3A_463 {dimension_numbers = #tpu.dot_dimension_numbers<[1], [0], [0], [1], [0, 0, 1, 1], [], []>, transpose_lhs_hint = false} : vector<1x2048xbf16>, vector<2048x512xbf16>, vector<1x512xf32> -> vector<1x512xf32>
      %convert_element_type3A_465 = arith.fptosi %dot_general3A_464 : vector<1x512xf32> to vector<1x512xi32>
      %broadcast_in_dim3A_466 = vector.shape_cast %convert_element_type3A_465 : vector<1x512xi32> to vector<1x1x512xi32>
      %add3A_467 = arith.constant 7 : i32
      %add3A_468 = arith.addi %mul3A_313, %add3A_467 : i32
      %swap3A_469 = arith.index_cast %add3A_468 : i32 to index
      %swap3A_470 = arith.constant 0 : index
      %swap3A_471 = arith.constant 0 : index
      %swap3A_472 = vector.load %arg6[%swap3A_469, %swap3A_470, %swap3A_471] : memref<128x1x512xi32, #tpu.memory_space<vmem>>, vector<1x1x512xi32>
      tpu.vector_store %arg6[%swap3A_469, %swap3A_470, %swap3A_471], %broadcast_in_dim3A_466 {strides = array<i32>} : memref<128x1x512xi32, #tpu.memory_space<vmem>>, vector<1x1x512xi32>,
    }
    %scan3A_104 = arith.constant 2 : i32
    %get3A_105 = arith.constant 0 : index
    %get3A_106 = arith.constant 0 : index
    %get3A_107 = arith.constant 0 : index
    %get3A_108 = vector.load %arg6[%get3A_105, %get3A_106, %get3A_107] : memref<128x1x512xi32, #tpu.memory_space<vmem>>, vector<16x1x512xi32>
    %get3A_109 = vector.shape_cast %get3A_108 : vector<16x1x512xi32> to vector<16x512xi32>
    %slice3A_110 = vector.extract_strided_slice %get3A_109 {offsets = [0, 0], sizes = [1, 512], strides = [1, 1]} : vector<16x512xi32> to vector<1x512xi32>
    %eq3A = arith.constant 2048 : i32
    %eq3A_111 = vector.broadcast %eq3A : i32 to vector<16x512xi32>
    %eq3A_112 = arith.cmpi eq, %get3A_109, %eq3A_111 : vector<16x512xi32>
    %broadcast_in_dim3A_113 = vector.shape_cast %slice3A_110 : vector<1x512xi32> to vector<1x512xi32>
    %broadcast_in_dim3A_114 = vector.broadcast %broadcast_in_dim3A_113 : vector<1x512xi32> to vector<16x512xi32>
    %select_n3A = arith.select %eq3A_112, %broadcast_in_dim3A_114, %get3A_109 : vector<16x512xi1>, vector<16x512xi32>
    %min3A_115 = arith.constant 2047 : i32
    %min3A_116 = vector.broadcast %min3A_115 : i32 to vector<16x512xi32>
    %min3A_117 = arith.minsi %select_n3A, %min3A_116 : vector<16x512xi32>
    %add3A_118 = vector.broadcast %mul3A_9 : i32 to vector<16x512xi32>
    %add3A_119 = arith.addi %min3A_117, %add3A_118 : vector<16x512xi32>
    %swap3A = arith.constant 0 : index
    %swap3A_120 = arith.constant 0 : index
    %swap3A_121 = arith.constant 0 : index
    %swap3A_122 = vector.load %arg3[%swap3A, %swap3A_120, %swap3A_121] : memref<1x16x512xi32, #tpu.memory_space<vmem>>, vector<1x16x512xi32>
    %swap3A_123 = vector.shape_cast %swap3A_122 : vector<1x16x512xi32> to vector<16x512xi32>
    %swap3A_124 = vector.shape_cast %add3A_119 : vector<16x512xi32> to vector<1x16x512xi32>
    tpu.vector_store %arg3[%swap3A, %swap3A_120, %swap3A_121], %swap3A_124 {strides = array<i32>} : memref<1x16x512xi32, #tpu.memory_space<vmem>>, vector<1x16x512xi32>,
    %le3A_125 = arith.constant 4.000000e-02 : f32
    %le3A_126 = vector.broadcast %le3A_125 : f32 to vector<2048x512xf32>
    %le3A_127 = arith.cmpf ole, %add3A_39, %le3A_126 : vector<2048x512xf32>
    %convert_element_type3A_128 = arith.extui %le3A_127 : vector<2048x512xi1> to vector<2048x512xi32>
    %broadcast_in_dim3A_129 = arith.constant 0 : i32
    %broadcast_in_dim3A_130 = vector.broadcast %broadcast_in_dim3A_129 : i32 to vector<1x512xi32>
    %slice3A_131 = vector.extract_strided_slice %convert_element_type3A_128 {offsets = [0, 0], sizes = [2047, 512], strides = [1, 1]} : vector<2048x512xi32> to vector<2047x512xi32>
    %concatenate3A_132 = tpu.concatenate %broadcast_in_dim3A_130, %slice3A_131 in 0 : vector<1x512xi32>, vector<2047x512xi32> -> vector<2048x512xi32>
    %add3A_133 = arith.addi %convert_element_type3A_128, %concatenate3A_132 : vector<2048x512xi32>
    %broadcast_in_dim3A_134 = arith.constant 0 : i32
    %broadcast_in_dim3A_135 = vector.broadcast %broadcast_in_dim3A_134 : i32 to vector<2x512xi32>
    %slice3A_136 = vector.extract_strided_slice %add3A_133 {offsets = [0, 0], sizes = [2046, 512], strides = [1, 1]} : vector<2048x512xi32> to vector<2046x512xi32>
    %concatenate3A_137 = tpu.concatenate %broadcast_in_dim3A_135, %slice3A_136 in 0 : vector<2x512xi32>, vector<2046x512xi32> -> vector<2048x512xi32>
    %add3A_138 = arith.addi %add3A_133, %concatenate3A_137 : vector<2048x512xi32>
    %broadcast_in_dim3A_139 = arith.constant 0 : i32
    %broadcast_in_dim3A_140 = vector.broadcast %broadcast_in_dim3A_139 : i32 to vector<4x512xi32>
    %slice3A_141 = vector.extract_strided_slice %add3A_138 {offsets = [0, 0], sizes = [2044, 512], strides = [1, 1]} : vector<2048x512xi32> to vector<2044x512xi32>
    %concatenate3A_142 = tpu.concatenate %broadcast_in_dim3A_140, %slice3A_141 in 0 : vector<4x512xi32>, vector<2044x512xi32> -> vector<2048x512xi32>
    %add3A_143 = arith.addi %add3A_138, %concatenate3A_142 : vector<2048x512xi32>
    %broadcast_in_dim3A_144 = arith.constant 0 : i32
    %broadcast_in_dim3A_145 = vector.broadcast %broadcast_in_dim3A_144 : i32 to vector<8x512xi32>
    %slice3A_146 = vector.extract_strided_slice %add3A_143 {offsets = [0, 0], sizes = [2040, 512], strides = [1, 1]} : vector<2048x512xi32> to vector<2040x512xi32>
    %concatenate3A_147 = tpu.concatenate %broadcast_in_dim3A_145, %slice3A_146 in 0 : vector<8x512xi32>, vector<2040x512xi32> -> vector<2048x512xi32>
    %add3A_148 = arith.addi %add3A_143, %concatenate3A_147 : vector<2048x512xi32>
    %broadcast_in_dim3A_149 = arith.constant 0 : i32
    %broadcast_in_dim3A_150 = vector.broadcast %broadcast_in_dim3A_149 : i32 to vector<16x512xi32>
    %slice3A_151 = vector.extract_strided_slice %add3A_148 {offsets = [0, 0], sizes = [2032, 512], strides = [1, 1]} : vector<2048x512xi32> to vector<2032x512xi32>
    %concatenate3A_152 = tpu.concatenate %broadcast_in_dim3A_150, %slice3A_151 in 0 : vector<16x512xi32>, vector<2032x512xi32> -> vector<2048x512xi32>
    %add3A_153 = arith.addi %add3A_148, %concatenate3A_152 : vector<2048x512xi32>
    %broadcast_in_dim3A_154 = arith.constant 0 : i32
    %broadcast_in_dim3A_155 = vector.broadcast %broadcast_in_dim3A_154 : i32 to vector<32x512xi32>
    %slice3A_156 = vector.extract_strided_slice %add3A_153 {offsets = [0, 0], sizes = [2016, 512], strides = [1, 1]} : vector<2048x512xi32> to vector<2016x512xi32>
    %concatenate3A_157 = tpu.concatenate %broadcast_in_dim3A_155, %slice3A_156 in 0 : vector<32x512xi32>, vector<2016x512xi32> -> vector<2048x512xi32>
    %add3A_158 = arith.addi %add3A_153, %concatenate3A_157 : vector<2048x512xi32>
    %broadcast_in_dim3A_159 = arith.constant 0 : i32
    %broadcast_in_dim3A_160 = vector.broadcast %broadcast_in_dim3A_159 : i32 to vector<64x512xi32>
    %slice3A_161 = vector.extract_strided_slice %add3A_158 {offsets = [0, 0], sizes = [1984, 512], strides = [1, 1]} : vector<2048x512xi32> to vector<1984x512xi32>
    %concatenate3A_162 = tpu.concatenate %broadcast_in_dim3A_160, %slice3A_161 in 0 : vector<64x512xi32>, vector<1984x512xi32> -> vector<2048x512xi32>
    %add3A_163 = arith.addi %add3A_158, %concatenate3A_162 : vector<2048x512xi32>
    %broadcast_in_dim3A_164 = arith.constant 0 : i32
    %broadcast_in_dim3A_165 = vector.broadcast %broadcast_in_dim3A_164 : i32 to vector<128x512xi32>
    %slice3A_166 = vector.extract_strided_slice %add3A_163 {offsets = [0, 0], sizes = [1920, 512], strides = [1, 1]} : vector<2048x512xi32> to vector<1920x512xi32>
    %concatenate3A_167 = tpu.concatenate %broadcast_in_dim3A_165, %slice3A_166 in 0 : vector<128x512xi32>, vector<1920x512xi32> -> vector<2048x512xi32>
    %add3A_168 = arith.addi %add3A_163, %concatenate3A_167 : vector<2048x512xi32>
    %broadcast_in_dim3A_169 = arith.constant 0 : i32
    %broadcast_in_dim3A_170 = vector.broadcast %broadcast_in_dim3A_169 : i32 to vector<256x512xi32>
    %slice3A_171 = vector.extract_strided_slice %add3A_168 {offsets = [0, 0], sizes = [1792, 512], strides = [1, 1]} : vector<2048x512xi32> to vector<1792x512xi32>
    %concatenate3A_172 = tpu.concatenate %broadcast_in_dim3A_170, %slice3A_171 in 0 : vector<256x512xi32>, vector<1792x512xi32> -> vector<2048x512xi32>
    %add3A_173 = arith.addi %add3A_168, %concatenate3A_172 : vector<2048x512xi32>
    %broadcast_in_dim3A_174 = arith.constant 0 : i32
    %broadcast_in_dim3A_175 = vector.broadcast %broadcast_in_dim3A_174 : i32 to vector<512x512xi32>
    %slice3A_176 = vector.extract_strided_slice %add3A_173 {offsets = [0, 0], sizes = [1536, 512], strides = [1, 1]} : vector<2048x512xi32> to vector<1536x512xi32>
    %concatenate3A_177 = tpu.concatenate %broadcast_in_dim3A_175, %slice3A_176 in 0 : vector<512x512xi32>, vector<1536x512xi32> -> vector<2048x512xi32>
    %add3A_178 = arith.addi %add3A_173, %concatenate3A_177 : vector<2048x512xi32>
    %broadcast_in_dim3A_179 = arith.constant 0 : i32
    %broadcast_in_dim3A_180 = vector.broadcast %broadcast_in_dim3A_179 : i32 to vector<1024x512xi32>
    %slice3A_181 = vector.extract_strided_slice %add3A_178 {offsets = [0, 0], sizes = [1024, 512], strides = [1, 1]} : vector<2048x512xi32> to vector<1024x512xi32>
    %concatenate3A_182 = tpu.concatenate %broadcast_in_dim3A_180, %slice3A_181 in 0 : vector<1024x512xi32>, vector<1024x512xi32> -> vector<2048x512xi32>
    %add3A_183 = arith.addi %add3A_178, %concatenate3A_182 : vector<2048x512xi32>
    %min3A_184 = arith.constant 33 : i32
    %min3A_185 = vector.broadcast %min3A_184 : i32 to vector<2048x512xi32>
    %min3A_186 = arith.minsi %add3A_183, %min3A_185 : vector<2048x512xi32>
    %convert_element_type3A_187 = arith.sitofp %min3A_186 : vector<2048x512xi32> to vector<2048x512xbf16>
    %broadcast_in_dim3A_188 = arith.constant 1.000000e+00 : bf16
    %broadcast_in_dim3A_189 = vector.broadcast %broadcast_in_dim3A_188 : bf16 to vector<1x2048xbf16>
    %scan3A_190 = arith.constant 0 : i32
    %scan3A_191 = arith.constant 4 : i32
    %scan3A_192 = arith.addi %scan3A_190, %scan3A_191 : i32
    %scan3A_193 = arith.constant 1 : i32
    scf.for %scan3A_311 = %scan3A_190 to %scan3A_192 step %scan3A_193  : i32 {
      %mul3A_312 = arith.constant 8 : i32
      %mul3A_313 = arith.muli %scan3A_311, %mul3A_312 : i32
      %add3A_314 = arith.constant 0 : i32
      %add3A_315 = arith.addi %mul3A_313, %add3A_314 : i32
      %convert_element_type3A_316 = arith.sitofp %add3A_315 : i32 to bf16
      %le3A_317 = vector.broadcast %convert_element_type3A_316 : bf16 to vector<2048x512xbf16>
      %le3A_318 = arith.cmpf ole, %convert_element_type3A_187, %le3A_317 : vector<2048x512xbf16>
      %jit3A = arith.constant 1.000000e+00 : bf16
      %jit3A_319 = arith.constant 0.000000e+00 : bf16
      %broadcast_in_dim3A_320 = vector.broadcast %jit3A : bf16 to vector<2048x512xbf16>
      %broadcast_in_dim3A_321 = vector.broadcast %jit3A_319 : bf16 to vector<2048x512xbf16>
      %select_n3A_322 = arith.select %le3A_318, %broadcast_in_dim3A_320, %broadcast_in_dim3A_321 : vector<2048x512xi1>, vector<2048x512xbf16>
      %dot_general3A_323 = arith.constant dense<0.000000e+00> : vector<1x512xf32>
      %dot_general3A_324 = tpu.matmul %broadcast_in_dim3A_189, %select_n3A_322, %dot_general3A_323 {dimension_numbers = #tpu.dot_dimension_numbers<[1], [0], [0], [1], [0, 0, 1, 1], [], []>, transpose_lhs_hint = false} : vector<1x2048xbf16>, vector<2048x512xbf16>, vector<1x512xf32> -> vector<1x512xf32>
      %convert_element_type3A_325 = arith.fptosi %dot_general3A_324 : vector<1x512xf32> to vector<1x512xi32>
      %broadcast_in_dim3A_326 = vector.shape_cast %convert_element_type3A_325 : vector<1x512xi32> to vector<1x1x512xi32>
      %add3A_327 = arith.constant 0 : i32
      %add3A_328 = arith.addi %mul3A_313, %add3A_327 : i32
      %swap3A_329 = arith.index_cast %add3A_328 : i32 to index
      %swap3A_330 = arith.constant 0 : index
      %swap3A_331 = arith.constant 0 : index
      %swap3A_332 = vector.load %arg6[%swap3A_329, %swap3A_330, %swap3A_331] : memref<128x1x512xi32, #tpu.memory_space<vmem>>, vector<1x1x512xi32>
      tpu.vector_store %arg6[%swap3A_329, %swap3A_330, %swap3A_331], %broadcast_in_dim3A_326 {strides = array<i32>} : memref<128x1x512xi32, #tpu.memory_space<vmem>>, vector<1x1x512xi32>,
      %add3A_333 = arith.constant 1 : i32
      %add3A_334 = arith.addi %mul3A_313, %add3A_333 : i32
      %convert_element_type3A_335 = arith.sitofp %add3A_334 : i32 to bf16
      %le3A_336 = vector.broadcast %convert_element_type3A_335 : bf16 to vector<2048x512xbf16>
      %le3A_337 = arith.cmpf ole, %convert_element_type3A_187, %le3A_336 : vector<2048x512xbf16>
      %jit3A_338 = arith.constant 1.000000e+00 : bf16
      %jit3A_339 = arith.constant 0.000000e+00 : bf16
      %broadcast_in_dim3A_340 = vector.broadcast %jit3A_338 : bf16 to vector<2048x512xbf16>
      %broadcast_in_dim3A_341 = vector.broadcast %jit3A_339 : bf16 to vector<2048x512xbf16>
      %select_n3A_342 = arith.select %le3A_337, %broadcast_in_dim3A_340, %broadcast_in_dim3A_341 : vector<2048x512xi1>, vector<2048x512xbf16>
      %dot_general3A_343 = arith.constant dense<0.000000e+00> : vector<1x512xf32>
      %dot_general3A_344 = tpu.matmul %broadcast_in_dim3A_189, %select_n3A_342, %dot_general3A_343 {dimension_numbers = #tpu.dot_dimension_numbers<[1], [0], [0], [1], [0, 0, 1, 1], [], []>, transpose_lhs_hint = false} : vector<1x2048xbf16>, vector<2048x512xbf16>, vector<1x512xf32> -> vector<1x512xf32>
      %convert_element_type3A_345 = arith.fptosi %dot_general3A_344 : vector<1x512xf32> to vector<1x512xi32>
      %broadcast_in_dim3A_346 = vector.shape_cast %convert_element_type3A_345 : vector<1x512xi32> to vector<1x1x512xi32>
      %add3A_347 = arith.constant 1 : i32
      %add3A_348 = arith.addi %mul3A_313, %add3A_347 : i32
      %swap3A_349 = arith.index_cast %add3A_348 : i32 to index
      %swap3A_350 = arith.constant 0 : index
      %swap3A_351 = arith.constant 0 : index
      %swap3A_352 = vector.load %arg6[%swap3A_349, %swap3A_350, %swap3A_351] : memref<128x1x512xi32, #tpu.memory_space<vmem>>, vector<1x1x512xi32>
      tpu.vector_store %arg6[%swap3A_349, %swap3A_350, %swap3A_351], %broadcast_in_dim3A_346 {strides = array<i32>} : memref<128x1x512xi32, #tpu.memory_space<vmem>>, vector<1x1x512xi32>,
      %add3A_353 = arith.constant 2 : i32
      %add3A_354 = arith.addi %mul3A_313, %add3A_353 : i32
      %convert_element_type3A_355 = arith.sitofp %add3A_354 : i32 to bf16
      %le3A_356 = vector.broadcast %convert_element_type3A_355 : bf16 to vector<2048x512xbf16>
      %le3A_357 = arith.cmpf ole, %convert_element_type3A_187, %le3A_356 : vector<2048x512xbf16>
      %jit3A_358 = arith.constant 1.000000e+00 : bf16
      %jit3A_359 = arith.constant 0.000000e+00 : bf16
      %broadcast_in_dim3A_360 = vector.broadcast %jit3A_358 : bf16 to vector<2048x512xbf16>
      %broadcast_in_dim3A_361 = vector.broadcast %jit3A_359 : bf16 to vector<2048x512xbf16>
      %select_n3A_362 = arith.select %le3A_357, %broadcast_in_dim3A_360, %broadcast_in_dim3A_361 : vector<2048x512xi1>, vector<2048x512xbf16>
      %dot_general3A_363 = arith.constant dense<0.000000e+00> : vector<1x512xf32>
      %dot_general3A_364 = tpu.matmul %broadcast_in_dim3A_189, %select_n3A_362, %dot_general3A_363 {dimension_numbers = #tpu.dot_dimension_numbers<[1], [0], [0], [1], [0, 0, 1, 1], [], []>, transpose_lhs_hint = false} : vector<1x2048xbf16>, vector<2048x512xbf16>, vector<1x512xf32> -> vector<1x512xf32>
      %convert_element_type3A_365 = arith.fptosi %dot_general3A_364 : vector<1x512xf32> to vector<1x512xi32>
      %broadcast_in_dim3A_366 = vector.shape_cast %convert_element_type3A_365 : vector<1x512xi32> to vector<1x1x512xi32>
      %add3A_367 = arith.constant 2 : i32
      %add3A_368 = arith.addi %mul3A_313, %add3A_367 : i32
      %swap3A_369 = arith.index_cast %add3A_368 : i32 to index
      %swap3A_370 = arith.constant 0 : index
      %swap3A_371 = arith.constant 0 : index
      %swap3A_372 = vector.load %arg6[%swap3A_369, %swap3A_370, %swap3A_371] : memref<128x1x512xi32, #tpu.memory_space<vmem>>, vector<1x1x512xi32>
      tpu.vector_store %arg6[%swap3A_369, %swap3A_370, %swap3A_371], %broadcast_in_dim3A_366 {strides = array<i32>} : memref<128x1x512xi32, #tpu.memory_space<vmem>>, vector<1x1x512xi32>,
      %add3A_373 = arith.constant 3 : i32
      %add3A_374 = arith.addi %mul3A_313, %add3A_373 : i32
      %convert_element_type3A_375 = arith.sitofp %add3A_374 : i32 to bf16
      %le3A_376 = vector.broadcast %convert_element_type3A_375 : bf16 to vector<2048x512xbf16>
      %le3A_377 = arith.cmpf ole, %convert_element_type3A_187, %le3A_376 : vector<2048x512xbf16>
      %jit3A_378 = arith.constant 1.000000e+00 : bf16
      %jit3A_379 = arith.constant 0.000000e+00 : bf16
      %broadcast_in_dim3A_380 = vector.broadcast %jit3A_378 : bf16 to vector<2048x512xbf16>
      %broadcast_in_dim3A_381 = vector.broadcast %jit3A_379 : bf16 to vector<2048x512xbf16>
      %select_n3A_382 = arith.select %le3A_377, %broadcast_in_dim3A_380, %broadcast_in_dim3A_381 : vector<2048x512xi1>, vector<2048x512xbf16>
      %dot_general3A_383 = arith.constant dense<0.000000e+00> : vector<1x512xf32>
      %dot_general3A_384 = tpu.matmul %broadcast_in_dim3A_189, %select_n3A_382, %dot_general3A_383 {dimension_numbers = #tpu.dot_dimension_numbers<[1], [0], [0], [1], [0, 0, 1, 1], [], []>, transpose_lhs_hint = false} : vector<1x2048xbf16>, vector<2048x512xbf16>, vector<1x512xf32> -> vector<1x512xf32>
      %convert_element_type3A_385 = arith.fptosi %dot_general3A_384 : vector<1x512xf32> to vector<1x512xi32>
      %broadcast_in_dim3A_386 = vector.shape_cast %convert_element_type3A_385 : vector<1x512xi32> to vector<1x1x512xi32>
      %add3A_387 = arith.constant 3 : i32
      %add3A_388 = arith.addi %mul3A_313, %add3A_387 : i32
      %swap3A_389 = arith.index_cast %add3A_388 : i32 to index
      %swap3A_390 = arith.constant 0 : index
      %swap3A_391 = arith.constant 0 : index
      %swap3A_392 = vector.load %arg6[%swap3A_389, %swap3A_390, %swap3A_391] : memref<128x1x512xi32, #tpu.memory_space<vmem>>, vector<1x1x512xi32>
      tpu.vector_store %arg6[%swap3A_389, %swap3A_390, %swap3A_391], %broadcast_in_dim3A_386 {strides = array<i32>} : memref<128x1x512xi32, #tpu.memory_space<vmem>>, vector<1x1x512xi32>,
      %add3A_393 = arith.constant 4 : i32
      %add3A_394 = arith.addi %mul3A_313, %add3A_393 : i32
      %convert_element_type3A_395 = arith.sitofp %add3A_394 : i32 to bf16
      %le3A_396 = vector.broadcast %convert_element_type3A_395 : bf16 to vector<2048x512xbf16>
      %le3A_397 = arith.cmpf ole, %convert_element_type3A_187, %le3A_396 : vector<2048x512xbf16>
      %jit3A_398 = arith.constant 1.000000e+00 : bf16
      %jit3A_399 = arith.constant 0.000000e+00 : bf16
      %broadcast_in_dim3A_400 = vector.broadcast %jit3A_398 : bf16 to vector<2048x512xbf16>
      %broadcast_in_dim3A_401 = vector.broadcast %jit3A_399 : bf16 to vector<2048x512xbf16>
      %select_n3A_402 = arith.select %le3A_397, %broadcast_in_dim3A_400, %broadcast_in_dim3A_401 : vector<2048x512xi1>, vector<2048x512xbf16>
      %dot_general3A_403 = arith.constant dense<0.000000e+00> : vector<1x512xf32>
      %dot_general3A_404 = tpu.matmul %broadcast_in_dim3A_189, %select_n3A_402, %dot_general3A_403 {dimension_numbers = #tpu.dot_dimension_numbers<[1], [0], [0], [1], [0, 0, 1, 1], [], []>, transpose_lhs_hint = false} : vector<1x2048xbf16>, vector<2048x512xbf16>, vector<1x512xf32> -> vector<1x512xf32>
      %convert_element_type3A_405 = arith.fptosi %dot_general3A_404 : vector<1x512xf32> to vector<1x512xi32>
      %broadcast_in_dim3A_406 = vector.shape_cast %convert_element_type3A_405 : vector<1x512xi32> to vector<1x1x512xi32>
      %add3A_407 = arith.constant 4 : i32
      %add3A_408 = arith.addi %mul3A_313, %add3A_407 : i32
      %swap3A_409 = arith.index_cast %add3A_408 : i32 to index
      %swap3A_410 = arith.constant 0 : index
      %swap3A_411 = arith.constant 0 : index
      %swap3A_412 = vector.load %arg6[%swap3A_409, %swap3A_410, %swap3A_411] : memref<128x1x512xi32, #tpu.memory_space<vmem>>, vector<1x1x512xi32>
      tpu.vector_store %arg6[%swap3A_409, %swap3A_410, %swap3A_411], %broadcast_in_dim3A_406 {strides = array<i32>} : memref<128x1x512xi32, #tpu.memory_space<vmem>>, vector<1x1x512xi32>,
      %add3A_413 = arith.constant 5 : i32
      %add3A_414 = arith.addi %mul3A_313, %add3A_413 : i32
      %convert_element_type3A_415 = arith.sitofp %add3A_414 : i32 to bf16
      %le3A_416 = vector.broadcast %convert_element_type3A_415 : bf16 to vector<2048x512xbf16>
      %le3A_417 = arith.cmpf ole, %convert_element_type3A_187, %le3A_416 : vector<2048x512xbf16>
      %jit3A_418 = arith.constant 1.000000e+00 : bf16
      %jit3A_419 = arith.constant 0.000000e+00 : bf16
      %broadcast_in_dim3A_420 = vector.broadcast %jit3A_418 : bf16 to vector<2048x512xbf16>
      %broadcast_in_dim3A_421 = vector.broadcast %jit3A_419 : bf16 to vector<2048x512xbf16>
      %select_n3A_422 = arith.select %le3A_417, %broadcast_in_dim3A_420, %broadcast_in_dim3A_421 : vector<2048x512xi1>, vector<2048x512xbf16>
      %dot_general3A_423 = arith.constant dense<0.000000e+00> : vector<1x512xf32>
      %dot_general3A_424 = tpu.matmul %broadcast_in_dim3A_189, %select_n3A_422, %dot_general3A_423 {dimension_numbers = #tpu.dot_dimension_numbers<[1], [0], [0], [1], [0, 0, 1, 1], [], []>, transpose_lhs_hint = false} : vector<1x2048xbf16>, vector<2048x512xbf16>, vector<1x512xf32> -> vector<1x512xf32>
      %convert_element_type3A_425 = arith.fptosi %dot_general3A_424 : vector<1x512xf32> to vector<1x512xi32>
      %broadcast_in_dim3A_426 = vector.shape_cast %convert_element_type3A_425 : vector<1x512xi32> to vector<1x1x512xi32>
      %add3A_427 = arith.constant 5 : i32
      %add3A_428 = arith.addi %mul3A_313, %add3A_427 : i32
      %swap3A_429 = arith.index_cast %add3A_428 : i32 to index
      %swap3A_430 = arith.constant 0 : index
      %swap3A_431 = arith.constant 0 : index
      %swap3A_432 = vector.load %arg6[%swap3A_429, %swap3A_430, %swap3A_431] : memref<128x1x512xi32, #tpu.memory_space<vmem>>, vector<1x1x512xi32>
      tpu.vector_store %arg6[%swap3A_429, %swap3A_430, %swap3A_431], %broadcast_in_dim3A_426 {strides = array<i32>} : memref<128x1x512xi32, #tpu.memory_space<vmem>>, vector<1x1x512xi32>,
      %add3A_433 = arith.constant 6 : i32
      %add3A_434 = arith.addi %mul3A_313, %add3A_433 : i32
      %convert_element_type3A_435 = arith.sitofp %add3A_434 : i32 to bf16
      %le3A_436 = vector.broadcast %convert_element_type3A_435 : bf16 to vector<2048x512xbf16>
      %le3A_437 = arith.cmpf ole, %convert_element_type3A_187, %le3A_436 : vector<2048x512xbf16>
      %jit3A_438 = arith.constant 1.000000e+00 : bf16
      %jit3A_439 = arith.constant 0.000000e+00 : bf16
      %broadcast_in_dim3A_440 = vector.broadcast %jit3A_438 : bf16 to vector<2048x512xbf16>
      %broadcast_in_dim3A_441 = vector.broadcast %jit3A_439 : bf16 to vector<2048x512xbf16>
      %select_n3A_442 = arith.select %le3A_437, %broadcast_in_dim3A_440, %broadcast_in_dim3A_441 : vector<2048x512xi1>, vector<2048x512xbf16>
      %dot_general3A_443 = arith.constant dense<0.000000e+00> : vector<1x512xf32>
      %dot_general3A_444 = tpu.matmul %broadcast_in_dim3A_189, %select_n3A_442, %dot_general3A_443 {dimension_numbers = #tpu.dot_dimension_numbers<[1], [0], [0], [1], [0, 0, 1, 1], [], []>, transpose_lhs_hint = false} : vector<1x2048xbf16>, vector<2048x512xbf16>, vector<1x512xf32> -> vector<1x512xf32>
      %convert_element_type3A_445 = arith.fptosi %dot_general3A_444 : vector<1x512xf32> to vector<1x512xi32>
      %broadcast_in_dim3A_446 = vector.shape_cast %convert_element_type3A_445 : vector<1x512xi32> to vector<1x1x512xi32>
      %add3A_447 = arith.constant 6 : i32
      %add3A_448 = arith.addi %mul3A_313, %add3A_447 : i32
      %swap3A_449 = arith.index_cast %add3A_448 : i32 to index
      %swap3A_450 = arith.constant 0 : index
      %swap3A_451 = arith.constant 0 : index
      %swap3A_452 = vector.load %arg6[%swap3A_449, %swap3A_450, %swap3A_451] : memref<128x1x512xi32, #tpu.memory_space<vmem>>, vector<1x1x512xi32>
      tpu.vector_store %arg6[%swap3A_449, %swap3A_450, %swap3A_451], %broadcast_in_dim3A_446 {strides = array<i32>} : memref<128x1x512xi32, #tpu.memory_space<vmem>>, vector<1x1x512xi32>,
      %add3A_453 = arith.constant 7 : i32
      %add3A_454 = arith.addi %mul3A_313, %add3A_453 : i32
      %convert_element_type3A_455 = arith.sitofp %add3A_454 : i32 to bf16
      %le3A_456 = vector.broadcast %convert_element_type3A_455 : bf16 to vector<2048x512xbf16>
      %le3A_457 = arith.cmpf ole, %convert_element_type3A_187, %le3A_456 : vector<2048x512xbf16>
      %jit3A_458 = arith.constant 1.000000e+00 : bf16
      %jit3A_459 = arith.constant 0.000000e+00 : bf16
      %broadcast_in_dim3A_460 = vector.broadcast %jit3A_458 : bf16 to vector<2048x512xbf16>
      %broadcast_in_dim3A_461 = vector.broadcast %jit3A_459 : bf16 to vector<2048x512xbf16>
      %select_n3A_462 = arith.select %le3A_457, %broadcast_in_dim3A_460, %broadcast_in_dim3A_461 : vector<2048x512xi1>, vector<2048x512xbf16>
      %dot_general3A_463 = arith.constant dense<0.000000e+00> : vector<1x512xf32>
      %dot_general3A_464 = tpu.matmul %broadcast_in_dim3A_189, %select_n3A_462, %dot_general3A_463 {dimension_numbers = #tpu.dot_dimension_numbers<[1], [0], [0], [1], [0, 0, 1, 1], [], []>, transpose_lhs_hint = false} : vector<1x2048xbf16>, vector<2048x512xbf16>, vector<1x512xf32> -> vector<1x512xf32>
      %convert_element_type3A_465 = arith.fptosi %dot_general3A_464 : vector<1x512xf32> to vector<1x512xi32>
      %broadcast_in_dim3A_466 = vector.shape_cast %convert_element_type3A_465 : vector<1x512xi32> to vector<1x1x512xi32>
      %add3A_467 = arith.constant 7 : i32
      %add3A_468 = arith.addi %mul3A_313, %add3A_467 : i32
      %swap3A_469 = arith.index_cast %add3A_468 : i32 to index
      %swap3A_470 = arith.constant 0 : index
      %swap3A_471 = arith.constant 0 : index
      %swap3A_472 = vector.load %arg6[%swap3A_469, %swap3A_470, %swap3A_471] : memref<128x1x512xi32, #tpu.memory_space<vmem>>, vector<1x1x512xi32>
      tpu.vector_store %arg6[%swap3A_469, %swap3A_470, %swap3A_471], %broadcast_in_dim3A_466 {strides = array<i32>} : memref<128x1x512xi32, #tpu.memory_space<vmem>>, vector<1x1x512xi32>,
    }
    %scan3A_194 = arith.constant 4 : i32
    %get3A_195 = arith.constant 0 : index
    %get3A_196 = arith.constant 0 : index
    %get3A_197 = arith.constant 0 : index
    %get3A_198 = vector.load %arg6[%get3A_195, %get3A_196, %get3A_197] : memref<128x1x512xi32, #tpu.memory_space<vmem>>, vector<32x1x512xi32>
    %get3A_199 = vector.shape_cast %get3A_198 : vector<32x1x512xi32> to vector<32x512xi32>
    %slice3A_200 = vector.extract_strided_slice %get3A_199 {offsets = [0, 0], sizes = [1, 512], strides = [1, 1]} : vector<32x512xi32> to vector<1x512xi32>
    %eq3A_201 = arith.constant 2048 : i32
    %eq3A_202 = vector.broadcast %eq3A_201 : i32 to vector<32x512xi32>
    %eq3A_203 = arith.cmpi eq, %get3A_199, %eq3A_202 : vector<32x512xi32>
    %broadcast_in_dim3A_204 = vector.shape_cast %slice3A_200 : vector<1x512xi32> to vector<1x512xi32>
    %broadcast_in_dim3A_205 = vector.broadcast %broadcast_in_dim3A_204 : vector<1x512xi32> to vector<32x512xi32>
    %select_n3A_206 = arith.select %eq3A_203, %broadcast_in_dim3A_205, %get3A_199 : vector<32x512xi1>, vector<32x512xi32>
    %min3A_207 = arith.constant 2047 : i32
    %min3A_208 = vector.broadcast %min3A_207 : i32 to vector<32x512xi32>
    %min3A_209 = arith.minsi %select_n3A_206, %min3A_208 : vector<32x512xi32>
    %add3A_210 = vector.broadcast %mul3A_9 : i32 to vector<32x512xi32>
    %add3A_211 = arith.addi %min3A_209, %add3A_210 : vector<32x512xi32>
    %swap3A_212 = arith.constant 0 : index
    %swap3A_213 = arith.constant 0 : index
    %swap3A_214 = arith.constant 0 : index
    %swap3A_215 = vector.load %arg4[%swap3A_212, %swap3A_213, %swap3A_214] : memref<1x32x512xi32, #tpu.memory_space<vmem>>, vector<1x32x512xi32>
    %swap3A_216 = vector.shape_cast %swap3A_215 : vector<1x32x512xi32> to vector<32x512xi32>
    %swap3A_217 = vector.shape_cast %add3A_211 : vector<32x512xi32> to vector<1x32x512xi32>
    tpu.vector_store %arg4[%swap3A_212, %swap3A_213, %swap3A_214], %swap3A_217 {strides = array<i32>} : memref<1x32x512xi32, #tpu.memory_space<vmem>>, vector<1x32x512xi32>,
    %le3A_218 = arith.constant 1.600000e-01 : f32
    %le3A_219 = vector.broadcast %le3A_218 : f32 to vector<2048x512xf32>
    %le3A_220 = arith.cmpf ole, %add3A_39, %le3A_219 : vector<2048x512xf32>
    %convert_element_type3A_221 = arith.extui %le3A_220 : vector<2048x512xi1> to vector<2048x512xi32>
    %broadcast_in_dim3A_222 = arith.constant 0 : i32
    %broadcast_in_dim3A_223 = vector.broadcast %broadcast_in_dim3A_222 : i32 to vector<1x512xi32>
    %slice3A_224 = vector.extract_strided_slice %convert_element_type3A_221 {offsets = [0, 0], sizes = [2047, 512], strides = [1, 1]} : vector<2048x512xi32> to vector<2047x512xi32>
    %concatenate3A_225 = tpu.concatenate %broadcast_in_dim3A_223, %slice3A_224 in 0 : vector<1x512xi32>, vector<2047x512xi32> -> vector<2048x512xi32>
    %add3A_226 = arith.addi %convert_element_type3A_221, %concatenate3A_225 : vector<2048x512xi32>
    %broadcast_in_dim3A_227 = arith.constant 0 : i32
    %broadcast_in_dim3A_228 = vector.broadcast %broadcast_in_dim3A_227 : i32 to vector<2x512xi32>
    %slice3A_229 = vector.extract_strided_slice %add3A_226 {offsets = [0, 0], sizes = [2046, 512], strides = [1, 1]} : vector<2048x512xi32> to vector<2046x512xi32>
    %concatenate3A_230 = tpu.concatenate %broadcast_in_dim3A_228, %slice3A_229 in 0 : vector<2x512xi32>, vector<2046x512xi32> -> vector<2048x512xi32>
    %add3A_231 = arith.addi %add3A_226, %concatenate3A_230 : vector<2048x512xi32>
    %broadcast_in_dim3A_232 = arith.constant 0 : i32
    %broadcast_in_dim3A_233 = vector.broadcast %broadcast_in_dim3A_232 : i32 to vector<4x512xi32>
    %slice3A_234 = vector.extract_strided_slice %add3A_231 {offsets = [0, 0], sizes = [2044, 512], strides = [1, 1]} : vector<2048x512xi32> to vector<2044x512xi32>
    %concatenate3A_235 = tpu.concatenate %broadcast_in_dim3A_233, %slice3A_234 in 0 : vector<4x512xi32>, vector<2044x512xi32> -> vector<2048x512xi32>
    %add3A_236 = arith.addi %add3A_231, %concatenate3A_235 : vector<2048x512xi32>
    %broadcast_in_dim3A_237 = arith.constant 0 : i32
    %broadcast_in_dim3A_238 = vector.broadcast %broadcast_in_dim3A_237 : i32 to vector<8x512xi32>
    %slice3A_239 = vector.extract_strided_slice %add3A_236 {offsets = [0, 0], sizes = [2040, 512], strides = [1, 1]} : vector<2048x512xi32> to vector<2040x512xi32>
    %concatenate3A_240 = tpu.concatenate %broadcast_in_dim3A_238, %slice3A_239 in 0 : vector<8x512xi32>, vector<2040x512xi32> -> vector<2048x512xi32>
    %add3A_241 = arith.addi %add3A_236, %concatenate3A_240 : vector<2048x512xi32>
    %broadcast_in_dim3A_242 = arith.constant 0 : i32
    %broadcast_in_dim3A_243 = vector.broadcast %broadcast_in_dim3A_242 : i32 to vector<16x512xi32>
    %slice3A_244 = vector.extract_strided_slice %add3A_241 {offsets = [0, 0], sizes = [2032, 512], strides = [1, 1]} : vector<2048x512xi32> to vector<2032x512xi32>
    %concatenate3A_245 = tpu.concatenate %broadcast_in_dim3A_243, %slice3A_244 in 0 : vector<16x512xi32>, vector<2032x512xi32> -> vector<2048x512xi32>
    %add3A_246 = arith.addi %add3A_241, %concatenate3A_245 : vector<2048x512xi32>
    %broadcast_in_dim3A_247 = arith.constant 0 : i32
    %broadcast_in_dim3A_248 = vector.broadcast %broadcast_in_dim3A_247 : i32 to vector<32x512xi32>
    %slice3A_249 = vector.extract_strided_slice %add3A_246 {offsets = [0, 0], sizes = [2016, 512], strides = [1, 1]} : vector<2048x512xi32> to vector<2016x512xi32>
    %concatenate3A_250 = tpu.concatenate %broadcast_in_dim3A_248, %slice3A_249 in 0 : vector<32x512xi32>, vector<2016x512xi32> -> vector<2048x512xi32>
    %add3A_251 = arith.addi %add3A_246, %concatenate3A_250 : vector<2048x512xi32>
    %broadcast_in_dim3A_252 = arith.constant 0 : i32
    %broadcast_in_dim3A_253 = vector.broadcast %broadcast_in_dim3A_252 : i32 to vector<64x512xi32>
    %slice3A_254 = vector.extract_strided_slice %add3A_251 {offsets = [0, 0], sizes = [1984, 512], strides = [1, 1]} : vector<2048x512xi32> to vector<1984x512xi32>
    %concatenate3A_255 = tpu.concatenate %broadcast_in_dim3A_253, %slice3A_254 in 0 : vector<64x512xi32>, vector<1984x512xi32> -> vector<2048x512xi32>
    %add3A_256 = arith.addi %add3A_251, %concatenate3A_255 : vector<2048x512xi32>
    %broadcast_in_dim3A_257 = arith.constant 0 : i32
    %broadcast_in_dim3A_258 = vector.broadcast %broadcast_in_dim3A_257 : i32 to vector<128x512xi32>
    %slice3A_259 = vector.extract_strided_slice %add3A_256 {offsets = [0, 0], sizes = [1920, 512], strides = [1, 1]} : vector<2048x512xi32> to vector<1920x512xi32>
    %concatenate3A_260 = tpu.concatenate %broadcast_in_dim3A_258, %slice3A_259 in 0 : vector<128x512xi32>, vector<1920x512xi32> -> vector<2048x512xi32>
    %add3A_261 = arith.addi %add3A_256, %concatenate3A_260 : vector<2048x512xi32>
    %broadcast_in_dim3A_262 = arith.constant 0 : i32
    %broadcast_in_dim3A_263 = vector.broadcast %broadcast_in_dim3A_262 : i32 to vector<256x512xi32>
    %slice3A_264 = vector.extract_strided_slice %add3A_261 {offsets = [0, 0], sizes = [1792, 512], strides = [1, 1]} : vector<2048x512xi32> to vector<1792x512xi32>
    %concatenate3A_265 = tpu.concatenate %broadcast_in_dim3A_263, %slice3A_264 in 0 : vector<256x512xi32>, vector<1792x512xi32> -> vector<2048x512xi32>
    %add3A_266 = arith.addi %add3A_261, %concatenate3A_265 : vector<2048x512xi32>
    %broadcast_in_dim3A_267 = arith.constant 0 : i32
    %broadcast_in_dim3A_268 = vector.broadcast %broadcast_in_dim3A_267 : i32 to vector<512x512xi32>
    %slice3A_269 = vector.extract_strided_slice %add3A_266 {offsets = [0, 0], sizes = [1536, 512], strides = [1, 1]} : vector<2048x512xi32> to vector<1536x512xi32>
    %concatenate3A_270 = tpu.concatenate %broadcast_in_dim3A_268, %slice3A_269 in 0 : vector<512x512xi32>, vector<1536x512xi32> -> vector<2048x512xi32>
    %add3A_271 = arith.addi %add3A_266, %concatenate3A_270 : vector<2048x512xi32>
    %broadcast_in_dim3A_272 = arith.constant 0 : i32
    %broadcast_in_dim3A_273 = vector.broadcast %broadcast_in_dim3A_272 : i32 to vector<1024x512xi32>
    %slice3A_274 = vector.extract_strided_slice %add3A_271 {offsets = [0, 0], sizes = [1024, 512], strides = [1, 1]} : vector<2048x512xi32> to vector<1024x512xi32>
    %concatenate3A_275 = tpu.concatenate %broadcast_in_dim3A_273, %slice3A_274 in 0 : vector<1024x512xi32>, vector<1024x512xi32> -> vector<2048x512xi32>
    %add3A_276 = arith.addi %add3A_271, %concatenate3A_275 : vector<2048x512xi32>
    %min3A_277 = arith.constant 129 : i32
    %min3A_278 = vector.broadcast %min3A_277 : i32 to vector<2048x512xi32>
    %min3A_279 = arith.minsi %add3A_276, %min3A_278 : vector<2048x512xi32>
    %convert_element_type3A_280 = arith.sitofp %min3A_279 : vector<2048x512xi32> to vector<2048x512xbf16>
    %broadcast_in_dim3A_281 = arith.constant 1.000000e+00 : bf16
    %broadcast_in_dim3A_282 = vector.broadcast %broadcast_in_dim3A_281 : bf16 to vector<1x2048xbf16>
    %scan3A_283 = arith.constant 0 : i32
    %scan3A_284 = arith.constant 16 : i32
    %scan3A_285 = arith.addi %scan3A_283, %scan3A_284 : i32
    %scan3A_286 = arith.constant 1 : i32
    scf.for %scan3A_311 = %scan3A_283 to %scan3A_285 step %scan3A_286  : i32 {
      %mul3A_312 = arith.constant 8 : i32
      %mul3A_313 = arith.muli %scan3A_311, %mul3A_312 : i32
      %add3A_314 = arith.constant 0 : i32
      %add3A_315 = arith.addi %mul3A_313, %add3A_314 : i32
      %convert_element_type3A_316 = arith.sitofp %add3A_315 : i32 to bf16
      %le3A_317 = vector.broadcast %convert_element_type3A_316 : bf16 to vector<2048x512xbf16>
      %le3A_318 = arith.cmpf ole, %convert_element_type3A_280, %le3A_317 : vector<2048x512xbf16>
      %jit3A = arith.constant 1.000000e+00 : bf16
      %jit3A_319 = arith.constant 0.000000e+00 : bf16
      %broadcast_in_dim3A_320 = vector.broadcast %jit3A : bf16 to vector<2048x512xbf16>
      %broadcast_in_dim3A_321 = vector.broadcast %jit3A_319 : bf16 to vector<2048x512xbf16>
      %select_n3A_322 = arith.select %le3A_318, %broadcast_in_dim3A_320, %broadcast_in_dim3A_321 : vector<2048x512xi1>, vector<2048x512xbf16>
      %dot_general3A_323 = arith.constant dense<0.000000e+00> : vector<1x512xf32>
      %dot_general3A_324 = tpu.matmul %broadcast_in_dim3A_282, %select_n3A_322, %dot_general3A_323 {dimension_numbers = #tpu.dot_dimension_numbers<[1], [0], [0], [1], [0, 0, 1, 1], [], []>, transpose_lhs_hint = false} : vector<1x2048xbf16>, vector<2048x512xbf16>, vector<1x512xf32> -> vector<1x512xf32>
      %convert_element_type3A_325 = arith.fptosi %dot_general3A_324 : vector<1x512xf32> to vector<1x512xi32>
      %broadcast_in_dim3A_326 = vector.shape_cast %convert_element_type3A_325 : vector<1x512xi32> to vector<1x1x512xi32>
      %add3A_327 = arith.constant 0 : i32
      %add3A_328 = arith.addi %mul3A_313, %add3A_327 : i32
      %swap3A_329 = arith.index_cast %add3A_328 : i32 to index
      %swap3A_330 = arith.constant 0 : index
      %swap3A_331 = arith.constant 0 : index
      %swap3A_332 = vector.load %arg6[%swap3A_329, %swap3A_330, %swap3A_331] : memref<128x1x512xi32, #tpu.memory_space<vmem>>, vector<1x1x512xi32>
      tpu.vector_store %arg6[%swap3A_329, %swap3A_330, %swap3A_331], %broadcast_in_dim3A_326 {strides = array<i32>} : memref<128x1x512xi32, #tpu.memory_space<vmem>>, vector<1x1x512xi32>,
      %add3A_333 = arith.constant 1 : i32
      %add3A_334 = arith.addi %mul3A_313, %add3A_333 : i32
      %convert_element_type3A_335 = arith.sitofp %add3A_334 : i32 to bf16
      %le3A_336 = vector.broadcast %convert_element_type3A_335 : bf16 to vector<2048x512xbf16>
      %le3A_337 = arith.cmpf ole, %convert_element_type3A_280, %le3A_336 : vector<2048x512xbf16>
      %jit3A_338 = arith.constant 1.000000e+00 : bf16
      %jit3A_339 = arith.constant 0.000000e+00 : bf16
      %broadcast_in_dim3A_340 = vector.broadcast %jit3A_338 : bf16 to vector<2048x512xbf16>
      %broadcast_in_dim3A_341 = vector.broadcast %jit3A_339 : bf16 to vector<2048x512xbf16>
      %select_n3A_342 = arith.select %le3A_337, %broadcast_in_dim3A_340, %broadcast_in_dim3A_341 : vector<2048x512xi1>, vector<2048x512xbf16>
      %dot_general3A_343 = arith.constant dense<0.000000e+00> : vector<1x512xf32>
      %dot_general3A_344 = tpu.matmul %broadcast_in_dim3A_282, %select_n3A_342, %dot_general3A_343 {dimension_numbers = #tpu.dot_dimension_numbers<[1], [0], [0], [1], [0, 0, 1, 1], [], []>, transpose_lhs_hint = false} : vector<1x2048xbf16>, vector<2048x512xbf16>, vector<1x512xf32> -> vector<1x512xf32>
      %convert_element_type3A_345 = arith.fptosi %dot_general3A_344 : vector<1x512xf32> to vector<1x512xi32>
      %broadcast_in_dim3A_346 = vector.shape_cast %convert_element_type3A_345 : vector<1x512xi32> to vector<1x1x512xi32>
      %add3A_347 = arith.constant 1 : i32
      %add3A_348 = arith.addi %mul3A_313, %add3A_347 : i32
      %swap3A_349 = arith.index_cast %add3A_348 : i32 to index
      %swap3A_350 = arith.constant 0 : index
      %swap3A_351 = arith.constant 0 : index
      %swap3A_352 = vector.load %arg6[%swap3A_349, %swap3A_350, %swap3A_351] : memref<128x1x512xi32, #tpu.memory_space<vmem>>, vector<1x1x512xi32>
      tpu.vector_store %arg6[%swap3A_349, %swap3A_350, %swap3A_351], %broadcast_in_dim3A_346 {strides = array<i32>} : memref<128x1x512xi32, #tpu.memory_space<vmem>>, vector<1x1x512xi32>,
      %add3A_353 = arith.constant 2 : i32
      %add3A_354 = arith.addi %mul3A_313, %add3A_353 : i32
      %convert_element_type3A_355 = arith.sitofp %add3A_354 : i32 to bf16
      %le3A_356 = vector.broadcast %convert_element_type3A_355 : bf16 to vector<2048x512xbf16>
      %le3A_357 = arith.cmpf ole, %convert_element_type3A_280, %le3A_356 : vector<2048x512xbf16>
      %jit3A_358 = arith.constant 1.000000e+00 : bf16
      %jit3A_359 = arith.constant 0.000000e+00 : bf16
      %broadcast_in_dim3A_360 = vector.broadcast %jit3A_358 : bf16 to vector<2048x512xbf16>
      %broadcast_in_dim3A_361 = vector.broadcast %jit3A_359 : bf16 to vector<2048x512xbf16>
      %select_n3A_362 = arith.select %le3A_357, %broadcast_in_dim3A_360, %broadcast_in_dim3A_361 : vector<2048x512xi1>, vector<2048x512xbf16>
      %dot_general3A_363 = arith.constant dense<0.000000e+00> : vector<1x512xf32>
      %dot_general3A_364 = tpu.matmul %broadcast_in_dim3A_282, %select_n3A_362, %dot_general3A_363 {dimension_numbers = #tpu.dot_dimension_numbers<[1], [0], [0], [1], [0, 0, 1, 1], [], []>, transpose_lhs_hint = false} : vector<1x2048xbf16>, vector<2048x512xbf16>, vector<1x512xf32> -> vector<1x512xf32>
      %convert_element_type3A_365 = arith.fptosi %dot_general3A_364 : vector<1x512xf32> to vector<1x512xi32>
      %broadcast_in_dim3A_366 = vector.shape_cast %convert_element_type3A_365 : vector<1x512xi32> to vector<1x1x512xi32>
      %add3A_367 = arith.constant 2 : i32
      %add3A_368 = arith.addi %mul3A_313, %add3A_367 : i32
      %swap3A_369 = arith.index_cast %add3A_368 : i32 to index
      %swap3A_370 = arith.constant 0 : index
      %swap3A_371 = arith.constant 0 : index
      %swap3A_372 = vector.load %arg6[%swap3A_369, %swap3A_370, %swap3A_371] : memref<128x1x512xi32, #tpu.memory_space<vmem>>, vector<1x1x512xi32>
      tpu.vector_store %arg6[%swap3A_369, %swap3A_370, %swap3A_371], %broadcast_in_dim3A_366 {strides = array<i32>} : memref<128x1x512xi32, #tpu.memory_space<vmem>>, vector<1x1x512xi32>,
      %add3A_373 = arith.constant 3 : i32
      %add3A_374 = arith.addi %mul3A_313, %add3A_373 : i32
      %convert_element_type3A_375 = arith.sitofp %add3A_374 : i32 to bf16
      %le3A_376 = vector.broadcast %convert_element_type3A_375 : bf16 to vector<2048x512xbf16>
      %le3A_377 = arith.cmpf ole, %convert_element_type3A_280, %le3A_376 : vector<2048x512xbf16>
      %jit3A_378 = arith.constant 1.000000e+00 : bf16
      %jit3A_379 = arith.constant 0.000000e+00 : bf16
      %broadcast_in_dim3A_380 = vector.broadcast %jit3A_378 : bf16 to vector<2048x512xbf16>
      %broadcast_in_dim3A_381 = vector.broadcast %jit3A_379 : bf16 to vector<2048x512xbf16>
      %select_n3A_382 = arith.select %le3A_377, %broadcast_in_dim3A_380, %broadcast_in_dim3A_381 : vector<2048x512xi1>, vector<2048x512xbf16>
      %dot_general3A_383 = arith.constant dense<0.000000e+00> : vector<1x512xf32>
      %dot_general3A_384 = tpu.matmul %broadcast_in_dim3A_282, %select_n3A_382, %dot_general3A_383 {dimension_numbers = #tpu.dot_dimension_numbers<[1], [0], [0], [1], [0, 0, 1, 1], [], []>, transpose_lhs_hint = false} : vector<1x2048xbf16>, vector<2048x512xbf16>, vector<1x512xf32> -> vector<1x512xf32>
      %convert_element_type3A_385 = arith.fptosi %dot_general3A_384 : vector<1x512xf32> to vector<1x512xi32>
      %broadcast_in_dim3A_386 = vector.shape_cast %convert_element_type3A_385 : vector<1x512xi32> to vector<1x1x512xi32>
      %add3A_387 = arith.constant 3 : i32
      %add3A_388 = arith.addi %mul3A_313, %add3A_387 : i32
      %swap3A_389 = arith.index_cast %add3A_388 : i32 to index
      %swap3A_390 = arith.constant 0 : index
      %swap3A_391 = arith.constant 0 : index
      %swap3A_392 = vector.load %arg6[%swap3A_389, %swap3A_390, %swap3A_391] : memref<128x1x512xi32, #tpu.memory_space<vmem>>, vector<1x1x512xi32>
      tpu.vector_store %arg6[%swap3A_389, %swap3A_390, %swap3A_391], %broadcast_in_dim3A_386 {strides = array<i32>} : memref<128x1x512xi32, #tpu.memory_space<vmem>>, vector<1x1x512xi32>,
      %add3A_393 = arith.constant 4 : i32
      %add3A_394 = arith.addi %mul3A_313, %add3A_393 : i32
      %convert_element_type3A_395 = arith.sitofp %add3A_394 : i32 to bf16
      %le3A_396 = vector.broadcast %convert_element_type3A_395 : bf16 to vector<2048x512xbf16>
      %le3A_397 = arith.cmpf ole, %convert_element_type3A_280, %le3A_396 : vector<2048x512xbf16>
      %jit3A_398 = arith.constant 1.000000e+00 : bf16
      %jit3A_399 = arith.constant 0.000000e+00 : bf16
      %broadcast_in_dim3A_400 = vector.broadcast %jit3A_398 : bf16 to vector<2048x512xbf16>
      %broadcast_in_dim3A_401 = vector.broadcast %jit3A_399 : bf16 to vector<2048x512xbf16>
      %select_n3A_402 = arith.select %le3A_397, %broadcast_in_dim3A_400, %broadcast_in_dim3A_401 : vector<2048x512xi1>, vector<2048x512xbf16>
      %dot_general3A_403 = arith.constant dense<0.000000e+00> : vector<1x512xf32>
      %dot_general3A_404 = tpu.matmul %broadcast_in_dim3A_282, %select_n3A_402, %dot_general3A_403 {dimension_numbers = #tpu.dot_dimension_numbers<[1], [0], [0], [1], [0, 0, 1, 1], [], []>, transpose_lhs_hint = false} : vector<1x2048xbf16>, vector<2048x512xbf16>, vector<1x512xf32> -> vector<1x512xf32>
      %convert_element_type3A_405 = arith.fptosi %dot_general3A_404 : vector<1x512xf32> to vector<1x512xi32>
      %broadcast_in_dim3A_406 = vector.shape_cast %convert_element_type3A_405 : vector<1x512xi32> to vector<1x1x512xi32>
      %add3A_407 = arith.constant 4 : i32
      %add3A_408 = arith.addi %mul3A_313, %add3A_407 : i32
      %swap3A_409 = arith.index_cast %add3A_408 : i32 to index
      %swap3A_410 = arith.constant 0 : index
      %swap3A_411 = arith.constant 0 : index
      %swap3A_412 = vector.load %arg6[%swap3A_409, %swap3A_410, %swap3A_411] : memref<128x1x512xi32, #tpu.memory_space<vmem>>, vector<1x1x512xi32>
      tpu.vector_store %arg6[%swap3A_409, %swap3A_410, %swap3A_411], %broadcast_in_dim3A_406 {strides = array<i32>} : memref<128x1x512xi32, #tpu.memory_space<vmem>>, vector<1x1x512xi32>,
      %add3A_413 = arith.constant 5 : i32
      %add3A_414 = arith.addi %mul3A_313, %add3A_413 : i32
      %convert_element_type3A_415 = arith.sitofp %add3A_414 : i32 to bf16
      %le3A_416 = vector.broadcast %convert_element_type3A_415 : bf16 to vector<2048x512xbf16>
      %le3A_417 = arith.cmpf ole, %convert_element_type3A_280, %le3A_416 : vector<2048x512xbf16>
      %jit3A_418 = arith.constant 1.000000e+00 : bf16
      %jit3A_419 = arith.constant 0.000000e+00 : bf16
      %broadcast_in_dim3A_420 = vector.broadcast %jit3A_418 : bf16 to vector<2048x512xbf16>
      %broadcast_in_dim3A_421 = vector.broadcast %jit3A_419 : bf16 to vector<2048x512xbf16>
      %select_n3A_422 = arith.select %le3A_417, %broadcast_in_dim3A_420, %broadcast_in_dim3A_421 : vector<2048x512xi1>, vector<2048x512xbf16>
      %dot_general3A_423 = arith.constant dense<0.000000e+00> : vector<1x512xf32>
      %dot_general3A_424 = tpu.matmul %broadcast_in_dim3A_282, %select_n3A_422, %dot_general3A_423 {dimension_numbers = #tpu.dot_dimension_numbers<[1], [0], [0], [1], [0, 0, 1, 1], [], []>, transpose_lhs_hint = false} : vector<1x2048xbf16>, vector<2048x512xbf16>, vector<1x512xf32> -> vector<1x512xf32>
      %convert_element_type3A_425 = arith.fptosi %dot_general3A_424 : vector<1x512xf32> to vector<1x512xi32>
      %broadcast_in_dim3A_426 = vector.shape_cast %convert_element_type3A_425 : vector<1x512xi32> to vector<1x1x512xi32>
      %add3A_427 = arith.constant 5 : i32
      %add3A_428 = arith.addi %mul3A_313, %add3A_427 : i32
      %swap3A_429 = arith.index_cast %add3A_428 : i32 to index
      %swap3A_430 = arith.constant 0 : index
      %swap3A_431 = arith.constant 0 : index
      %swap3A_432 = vector.load %arg6[%swap3A_429, %swap3A_430, %swap3A_431] : memref<128x1x512xi32, #tpu.memory_space<vmem>>, vector<1x1x512xi32>
      tpu.vector_store %arg6[%swap3A_429, %swap3A_430, %swap3A_431], %broadcast_in_dim3A_426 {strides = array<i32>} : memref<128x1x512xi32, #tpu.memory_space<vmem>>, vector<1x1x512xi32>,
      %add3A_433 = arith.constant 6 : i32
      %add3A_434 = arith.addi %mul3A_313, %add3A_433 : i32
      %convert_element_type3A_435 = arith.sitofp %add3A_434 : i32 to bf16
      %le3A_436 = vector.broadcast %convert_element_type3A_435 : bf16 to vector<2048x512xbf16>
      %le3A_437 = arith.cmpf ole, %convert_element_type3A_280, %le3A_436 : vector<2048x512xbf16>
      %jit3A_438 = arith.constant 1.000000e+00 : bf16
      %jit3A_439 = arith.constant 0.000000e+00 : bf16
      %broadcast_in_dim3A_440 = vector.broadcast %jit3A_438 : bf16 to vector<2048x512xbf16>
      %broadcast_in_dim3A_441 = vector.broadcast %jit3A_439 : bf16 to vector<2048x512xbf16>
      %select_n3A_442 = arith.select %le3A_437, %broadcast_in_dim3A_440, %broadcast_in_dim3A_441 : vector<2048x512xi1>, vector<2048x512xbf16>
      %dot_general3A_443 = arith.constant dense<0.000000e+00> : vector<1x512xf32>
      %dot_general3A_444 = tpu.matmul %broadcast_in_dim3A_282, %select_n3A_442, %dot_general3A_443 {dimension_numbers = #tpu.dot_dimension_numbers<[1], [0], [0], [1], [0, 0, 1, 1], [], []>, transpose_lhs_hint = false} : vector<1x2048xbf16>, vector<2048x512xbf16>, vector<1x512xf32> -> vector<1x512xf32>
      %convert_element_type3A_445 = arith.fptosi %dot_general3A_444 : vector<1x512xf32> to vector<1x512xi32>
      %broadcast_in_dim3A_446 = vector.shape_cast %convert_element_type3A_445 : vector<1x512xi32> to vector<1x1x512xi32>
      %add3A_447 = arith.constant 6 : i32
      %add3A_448 = arith.addi %mul3A_313, %add3A_447 : i32
      %swap3A_449 = arith.index_cast %add3A_448 : i32 to index
      %swap3A_450 = arith.constant 0 : index
      %swap3A_451 = arith.constant 0 : index
      %swap3A_452 = vector.load %arg6[%swap3A_449, %swap3A_450, %swap3A_451] : memref<128x1x512xi32, #tpu.memory_space<vmem>>, vector<1x1x512xi32>
      tpu.vector_store %arg6[%swap3A_449, %swap3A_450, %swap3A_451], %broadcast_in_dim3A_446 {strides = array<i32>} : memref<128x1x512xi32, #tpu.memory_space<vmem>>, vector<1x1x512xi32>,
      %add3A_453 = arith.constant 7 : i32
      %add3A_454 = arith.addi %mul3A_313, %add3A_453 : i32
      %convert_element_type3A_455 = arith.sitofp %add3A_454 : i32 to bf16
      %le3A_456 = vector.broadcast %convert_element_type3A_455 : bf16 to vector<2048x512xbf16>
      %le3A_457 = arith.cmpf ole, %convert_element_type3A_280, %le3A_456 : vector<2048x512xbf16>
      %jit3A_458 = arith.constant 1.000000e+00 : bf16
      %jit3A_459 = arith.constant 0.000000e+00 : bf16
      %broadcast_in_dim3A_460 = vector.broadcast %jit3A_458 : bf16 to vector<2048x512xbf16>
      %broadcast_in_dim3A_461 = vector.broadcast %jit3A_459 : bf16 to vector<2048x512xbf16>
      %select_n3A_462 = arith.select %le3A_457, %broadcast_in_dim3A_460, %broadcast_in_dim3A_461 : vector<2048x512xi1>, vector<2048x512xbf16>
      %dot_general3A_463 = arith.constant dense<0.000000e+00> : vector<1x512xf32>
      %dot_general3A_464 = tpu.matmul %broadcast_in_dim3A_282, %select_n3A_462, %dot_general3A_463 {dimension_numbers = #tpu.dot_dimension_numbers<[1], [0], [0], [1], [0, 0, 1, 1], [], []>, transpose_lhs_hint = false} : vector<1x2048xbf16>, vector<2048x512xbf16>, vector<1x512xf32> -> vector<1x512xf32>
      %convert_element_type3A_465 = arith.fptosi %dot_general3A_464 : vector<1x512xf32> to vector<1x512xi32>
      %broadcast_in_dim3A_466 = vector.shape_cast %convert_element_type3A_465 : vector<1x512xi32> to vector<1x1x512xi32>
      %add3A_467 = arith.constant 7 : i32
      %add3A_468 = arith.addi %mul3A_313, %add3A_467 : i32
      %swap3A_469 = arith.index_cast %add3A_468 : i32 to index
      %swap3A_470 = arith.constant 0 : index
      %swap3A_471 = arith.constant 0 : index
      %swap3A_472 = vector.load %arg6[%swap3A_469, %swap3A_470, %swap3A_471] : memref<128x1x512xi32, #tpu.memory_space<vmem>>, vector<1x1x512xi32>
      tpu.vector_store %arg6[%swap3A_469, %swap3A_470, %swap3A_471], %broadcast_in_dim3A_466 {strides = array<i32>} : memref<128x1x512xi32, #tpu.memory_space<vmem>>, vector<1x1x512xi32>,
    }
    %scan3A_287 = arith.constant 16 : i32
    %get3A_288 = arith.constant 0 : index
    %get3A_289 = arith.constant 0 : index
    %get3A_290 = arith.constant 0 : index
    %get3A_291 = vector.load %arg6[%get3A_288, %get3A_289, %get3A_290] : memref<128x1x512xi32, #tpu.memory_space<vmem>>, vector<128x1x512xi32>
    %get3A_292 = vector.shape_cast %get3A_291 : vector<128x1x512xi32> to vector<128x512xi32>
    %slice3A_293 = vector.extract_strided_slice %get3A_292 {offsets = [0, 0], sizes = [1, 512], strides = [1, 1]} : vector<128x512xi32> to vector<1x512xi32>
    %eq3A_294 = arith.constant 2048 : i32
    %eq3A_295 = vector.broadcast %eq3A_294 : i32 to vector<128x512xi32>
    %eq3A_296 = arith.cmpi eq, %get3A_292, %eq3A_295 : vector<128x512xi32>
    %broadcast_in_dim3A_297 = vector.shape_cast %slice3A_293 : vector<1x512xi32> to vector<1x512xi32>
    %broadcast_in_dim3A_298 = vector.broadcast %broadcast_in_dim3A_297 : vector<1x512xi32> to vector<128x512xi32>
    %select_n3A_299 = arith.select %eq3A_296, %broadcast_in_dim3A_298, %get3A_292 : vector<128x512xi1>, vector<128x512xi32>
    %min3A_300 = arith.constant 2047 : i32
    %min3A_301 = vector.broadcast %min3A_300 : i32 to vector<128x512xi32>
    %min3A_302 = arith.minsi %select_n3A_299, %min3A_301 : vector<128x512xi32>
    %add3A_303 = vector.broadcast %mul3A_9 : i32 to vector<128x512xi32>
    %add3A_304 = arith.addi %min3A_302, %add3A_303 : vector<128x512xi32>
    %swap3A_305 = arith.constant 0 : index
    %swap3A_306 = arith.constant 0 : index
    %swap3A_307 = arith.constant 0 : index
    %swap3A_308 = vector.load %arg5[%swap3A_305, %swap3A_306, %swap3A_307] : memref<1x128x512xi32, #tpu.memory_space<vmem>>, vector<1x128x512xi32>
    %swap3A_309 = vector.shape_cast %swap3A_308 : vector<1x128x512xi32> to vector<128x512xi32>
    %swap3A_310 = vector.shape_cast %add3A_304 : vector<128x512xi32> to vector<1x128x512xi32>
    tpu.vector_store %arg5[%swap3A_305, %swap3A_306, %swap3A_307], %swap3A_310 {strides = array<i32>} : memref<1x128x512xi32, #tpu.memory_space<vmem>>, vector<1x128x512xi32>,
    return
  }
  func.func @transform_0(%arg0: i32) -> (i32, i32, i32) {
    %c0_i32 = arith.constant 0 : i32
    %c0_i32_0 = arith.constant 0 : i32
    %c0_i32_1 = arith.constant 0 : i32
    return %arg0, %c0_i32, %c0_i32_0 : i32, i32, i32
  }
  func.func @transform_1(%arg0: i32) -> (i32, i32, i32) {
    %c0_i32 = arith.constant 0 : i32
    %c0_i32_0 = arith.constant 0 : i32
    %c0_i32_1 = arith.constant 0 : i32
    return %arg0, %c0_i32, %c0_i32_0 : i32, i32, i32
  }
  func.func @transform_2(%arg0: i32) -> (i32, i32, i32) {
    %c0_i32 = arith.constant 0 : i32
    %c0_i32_0 = arith.constant 0 : i32
    %c0_i32_1 = arith.constant 0 : i32
    return %arg0, %c0_i32, %c0_i32_0 : i32, i32, i32
  }
  func.func @transform_3(%arg0: i32) -> (i32, i32, i32) {
    %c0_i32 = arith.constant 0 : i32
    %c0_i32_0 = arith.constant 0 : i32
    %c0_i32_1 = arith.constant 0 : i32
    return %arg0, %c0_i32, %c0_i32_0 : i32, i32, i32
  }
  func.func @transform_4(%arg0: i32) -> (i32, i32, i32) {
    %c0_i32 = arith.constant 0 : i32
    %c0_i32_0 = arith.constant 0 : i32
    %c0_i32_1 = arith.constant 0 : i32
    return %arg0, %c0_i32, %c0_i32_0 : i32, i32, i32
  }
}

module attributes {stable_mosaic.version = 14 : i64} {
  func.func @_layer1_body(%arg0: i32, %arg1: memref<16384x128xf32, #tpu.memory_space<vmem>>, %arg2: memref<512x3xf32, #tpu.memory_space<vmem>>, %arg3: memref<128x64xf32, #tpu.memory_space<vmem>>, %arg4: memref<1x64xf32, #tpu.memory_space<vmem>>, %arg5: memref<16384x64xbf16, #tpu.memory_space<vmem>>, %arg6: memref<8x64xf32, #tpu.memory_space<vmem>>) attributes {dimension_semantics = [#tpu.dimension_semantics<arbitrary>], iteration_bounds = array<i64: 8>, scalar_prefetch = 0 : i64, scratch_operands = 0 : i64, tpu.core_type = #tpu.core_type<tc>, window_params = [{transform_indices = @transform_0, window_bounds = array<i64: 16384, 128>}, {transform_indices = @transform_1, window_bounds = array<i64: 512, 3>}, {pipeline_mode = #tpu.pipeline_mode<synchronous>, transform_indices = @transform_2, window_bounds = array<i64: 128, 64>}, {pipeline_mode = #tpu.pipeline_mode<synchronous>, transform_indices = @transform_3, window_bounds = array<i64: 1, 64>}, {transform_indices = @transform_4, window_bounds = array<i64: 16384, 64>}, {pipeline_mode = #tpu.pipeline_mode<synchronous>, transform_indices = @transform_5, window_bounds = array<i64: 8, 64>}]} {
    %get3A = arith.constant 0 : index
    %get3A_0 = arith.constant 0 : index
    %get3A_1 = vector.load %arg1[%get3A, %get3A_0] : memref<16384x128xf32, #tpu.memory_space<vmem>>, vector<16384x128xf32>
    %get3A_2 = arith.constant 0 : index
    %get3A_3 = arith.constant 0 : index
    %get3A_4 = vector.load %arg2[%get3A_2, %get3A_3] : memref<512x3xf32, #tpu.memory_space<vmem>>, vector<512x3xf32>
    %broadcast_in_dim3A = vector.shape_cast %get3A_4 : vector<512x3xf32> to vector<512x1x3xf32>
    %broadcast_in_dim3A_5 = vector.shape_cast %broadcast_in_dim3A : vector<512x1x3xf32> to vector<512x1x3xf32>
    %broadcast_in_dim3A_6 = vector.broadcast %broadcast_in_dim3A_5 : vector<512x1x3xf32> to vector<512x32x3xf32>
    %reshape3A = vector.shape_cast %broadcast_in_dim3A_6 : vector<512x32x3xf32> to vector<16384x3xf32>
    %slice3A = vector.extract_strided_slice %get3A_1 {offsets = [0, 64], sizes = [16384, 3], strides = [1, 1]} : vector<16384x128xf32> to vector<16384x3xf32>
    %sub3A = arith.subf %slice3A, %reshape3A : vector<16384x3xf32>
    %slice3A_7 = vector.extract_strided_slice %get3A_1 {offsets = [0, 0], sizes = [16384, 64], strides = [1, 1]} : vector<16384x128xf32> to vector<16384x64xf32>
    %convert_element_type3A = arith.truncf %slice3A_7 : vector<16384x64xf32> to vector<16384x64xbf16>
    %convert_element_type3A_8 = arith.truncf %sub3A : vector<16384x3xf32> to vector<16384x3xbf16>
    %broadcast_in_dim3A_9 = arith.constant 0.000000e+00 : bf16
    %broadcast_in_dim3A_10 = vector.broadcast %broadcast_in_dim3A_9 : bf16 to vector<16384x61xbf16>
    %concatenate3A = tpu.concatenate %convert_element_type3A, %convert_element_type3A_8, %broadcast_in_dim3A_10 in 1 : vector<16384x64xbf16>, vector<16384x3xbf16>, vector<16384x61xbf16> -> vector<16384x128xbf16>
    %get3A_11 = arith.constant 0 : index
    %get3A_12 = arith.constant 0 : index
    %get3A_13 = vector.load %arg3[%get3A_11, %get3A_12] : memref<128x64xf32, #tpu.memory_space<vmem>>, vector<128x64xf32>
    %convert_element_type3A_14 = arith.truncf %get3A_13 : vector<128x64xf32> to vector<128x64xbf16>
    %dot_general3A = arith.constant dense<0.000000e+00> : vector<16384x64xf32>
    %dot_general3A_15 = tpu.matmul %concatenate3A, %convert_element_type3A_14, %dot_general3A {dimension_numbers = #tpu.dot_dimension_numbers<[1], [0], [0], [1], [0, 0, 1, 1], [], []>, transpose_lhs_hint = false} : vector<16384x128xbf16>, vector<128x64xbf16>, vector<16384x64xf32> -> vector<16384x64xf32>
    %get3A_16 = arith.constant 0 : index
    %get3A_17 = arith.constant 0 : index
    %get3A_18 = vector.load %arg4[%get3A_16, %get3A_17] : memref<1x64xf32, #tpu.memory_space<vmem>>, vector<1x64xf32>
    %add3A = vector.broadcast %get3A_18 : vector<1x64xf32> to vector<16384x64xf32>
    %add3A_19 = arith.addf %dot_general3A_15, %add3A : vector<16384x64xf32>
    %convert_element_type3A_20 = arith.truncf %add3A_19 : vector<16384x64xf32> to vector<16384x64xbf16>
    %swap3A = arith.constant 0 : index
    %swap3A_21 = arith.constant 0 : index
    %swap3A_22 = vector.load %arg5[%swap3A, %swap3A_21] : memref<16384x64xbf16, #tpu.memory_space<vmem>>, vector<16384x64xbf16>
    tpu.vector_store %arg5[%swap3A, %swap3A_21], %convert_element_type3A_20 {strides = array<i32>} : memref<16384x64xbf16, #tpu.memory_space<vmem>>, vector<16384x64xbf16>,
    %reduce_sum3A = arith.constant dense<0.000000e+00> : vector<64xf32>
    %reduce_sum3A_23 = vector.multi_reduction <add>, %add3A_19, %reduce_sum3A [0] : vector<16384x64xf32> to vector<64xf32>
    %broadcast_in_dim3A_24 = vector.shape_cast %reduce_sum3A_23 : vector<64xf32> to vector<1x64xf32>
    %mul3A = arith.mulf %add3A_19, %add3A_19 : vector<16384x64xf32>
    %reduce_sum3A_25 = arith.constant dense<0.000000e+00> : vector<64xf32>
    %reduce_sum3A_26 = vector.multi_reduction <add>, %mul3A, %reduce_sum3A_25 [0] : vector<16384x64xf32> to vector<64xf32>
    %broadcast_in_dim3A_27 = vector.shape_cast %reduce_sum3A_26 : vector<64xf32> to vector<1x64xf32>
    %broadcast_in_dim3A_28 = arith.constant 0.000000e+00 : f32
    %broadcast_in_dim3A_29 = vector.broadcast %broadcast_in_dim3A_28 : f32 to vector<6x64xf32>
    %concatenate3A_30 = tpu.concatenate %broadcast_in_dim3A_24, %broadcast_in_dim3A_27, %broadcast_in_dim3A_29 in 0 : vector<1x64xf32>, vector<1x64xf32>, vector<6x64xf32> -> vector<8x64xf32>
    %eq3A = arith.constant 0 : i32
    %eq3A_31 = arith.cmpi eq, %arg0, %eq3A : i32
    %convert_element_type3A_32 = arith.extui %eq3A_31 : i1 to i32
    %cond3A = arith.constant 0 : i32
    %cond3A_33 = arith.cmpi ne, %convert_element_type3A_32, %cond3A : i32
    scf.if %cond3A_33 {
      %swap3A_38 = arith.constant 0 : index
      %swap3A_39 = arith.constant 0 : index
      %swap3A_40 = vector.load %arg6[%swap3A_38, %swap3A_39] : memref<8x64xf32, #tpu.memory_space<vmem>>, vector<8x64xf32>
      tpu.vector_store %arg6[%swap3A_38, %swap3A_39], %concatenate3A_30 {strides = array<i32>} : memref<8x64xf32, #tpu.memory_space<vmem>>, vector<8x64xf32>,
    } else {
    }
    %ne3A = arith.constant 0 : i32
    %ne3A_34 = arith.cmpi ne, %arg0, %ne3A : i32
    %convert_element_type3A_35 = arith.extui %ne3A_34 : i1 to i32
    %cond3A_36 = arith.constant 0 : i32
    %cond3A_37 = arith.cmpi ne, %convert_element_type3A_35, %cond3A_36 : i32
    scf.if %cond3A_37 {
      %get3A_38 = arith.constant 0 : index
      %get3A_39 = arith.constant 0 : index
      %get3A_40 = vector.load %arg6[%get3A_38, %get3A_39] : memref<8x64xf32, #tpu.memory_space<vmem>>, vector<8x64xf32>
      %add3A_41 = arith.addf %get3A_40, %concatenate3A_30 : vector<8x64xf32>
      %swap3A_42 = arith.constant 0 : index
      %swap3A_43 = arith.constant 0 : index
      %swap3A_44 = vector.load %arg6[%swap3A_42, %swap3A_43] : memref<8x64xf32, #tpu.memory_space<vmem>>, vector<8x64xf32>
      tpu.vector_store %arg6[%swap3A_42, %swap3A_43], %add3A_41 {strides = array<i32>} : memref<8x64xf32, #tpu.memory_space<vmem>>, vector<8x64xf32>,
    } else {
    }
    return
  }
  func.func @transform_0(%arg0: i32) -> (i32, i32) {
    %c0_i32 = arith.constant 0 : i32
    %c0_i32_0 = arith.constant 0 : i32
    return %arg0, %c0_i32 : i32, i32
  }
  func.func @transform_1(%arg0: i32) -> (i32, i32) {
    %c0_i32 = arith.constant 0 : i32
    %c0_i32_0 = arith.constant 0 : i32
    return %arg0, %c0_i32 : i32, i32
  }
  func.func @transform_2(%arg0: i32) -> (i32, i32) {
    %c0_i32 = arith.constant 0 : i32
    %c0_i32_0 = arith.constant 0 : i32
    %c0_i32_1 = arith.constant 0 : i32
    return %c0_i32, %c0_i32_0 : i32, i32
  }
  func.func @transform_3(%arg0: i32) -> (i32, i32) {
    %c0_i32 = arith.constant 0 : i32
    %c0_i32_0 = arith.constant 0 : i32
    %c0_i32_1 = arith.constant 0 : i32
    return %c0_i32, %c0_i32_0 : i32, i32
  }
  func.func @transform_4(%arg0: i32) -> (i32, i32) {
    %c0_i32 = arith.constant 0 : i32
    %c0_i32_0 = arith.constant 0 : i32
    return %arg0, %c0_i32 : i32, i32
  }
  func.func @transform_5(%arg0: i32) -> (i32, i32) {
    %c0_i32 = arith.constant 0 : i32
    %c0_i32_0 = arith.constant 0 : i32
    %c0_i32_1 = arith.constant 0 : i32
    return %c0_i32, %c0_i32_0 : i32, i32
  }
}

module attributes {stable_mosaic.version = 14 : i64} {
  func.func @_layer_mid_body(%arg0: i32, %arg1: memref<16384x64xbf16, #tpu.memory_space<vmem>>, %arg2: memref<8x64xf32, #tpu.memory_space<vmem>>, %arg3: memref<64x128xf32, #tpu.memory_space<vmem>>, %arg4: memref<1x128xf32, #tpu.memory_space<vmem>>, %arg5: memref<1x64xf32, #tpu.memory_space<vmem>>, %arg6: memref<1x64xf32, #tpu.memory_space<vmem>>, %arg7: memref<16384x128xbf16, #tpu.memory_space<vmem>>, %arg8: memref<8x128xf32, #tpu.memory_space<vmem>>) attributes {dimension_semantics = [#tpu.dimension_semantics<arbitrary>], iteration_bounds = array<i64: 8>, scalar_prefetch = 0 : i64, scratch_operands = 0 : i64, tpu.core_type = #tpu.core_type<tc>, window_params = [{transform_indices = @transform_0, window_bounds = array<i64: 16384, 64>}, {pipeline_mode = #tpu.pipeline_mode<synchronous>, transform_indices = @transform_1, window_bounds = array<i64: 8, 64>}, {pipeline_mode = #tpu.pipeline_mode<synchronous>, transform_indices = @transform_2, window_bounds = array<i64: 64, 128>}, {pipeline_mode = #tpu.pipeline_mode<synchronous>, transform_indices = @transform_3, window_bounds = array<i64: 1, 128>}, {pipeline_mode = #tpu.pipeline_mode<synchronous>, transform_indices = @transform_4, window_bounds = array<i64: 1, 64>}, {pipeline_mode = #tpu.pipeline_mode<synchronous>, transform_indices = @transform_5, window_bounds = array<i64: 1, 64>}, {transform_indices = @transform_6, window_bounds = array<i64: 16384, 128>}, {pipeline_mode = #tpu.pipeline_mode<synchronous>, transform_indices = @transform_7, window_bounds = array<i64: 8, 128>}]} {
    %get3A = arith.constant 0 : index
    %get3A_0 = arith.constant 0 : index
    %get3A_1 = vector.load %arg1[%get3A, %get3A_0] : memref<16384x64xbf16, #tpu.memory_space<vmem>>, vector<16384x64xbf16>
    %convert_element_type3A = arith.extf %get3A_1 : vector<16384x64xbf16> to vector<16384x64xf32>
    %get3A_2 = arith.constant 0 : index
    %get3A_3 = arith.constant 0 : index
    %get3A_4 = vector.load %arg2[%get3A_2, %get3A_3] : memref<8x64xf32, #tpu.memory_space<vmem>>, vector<1x64xf32>
    %get3A_5 = arith.constant 1 : index
    %get3A_6 = arith.constant 0 : index
    %get3A_7 = vector.load %arg2[%get3A_5, %get3A_6] : memref<8x64xf32, #tpu.memory_space<vmem>>, vector<1x64xf32>
    %div3A = arith.constant 1.310720e+05 : f32
    %div3A_8 = vector.broadcast %div3A : f32 to vector<1x64xf32>
    %div3A_9 = arith.divf %get3A_4, %div3A_8 : vector<1x64xf32>
    %div3A_10 = arith.constant 1.310720e+05 : f32
    %div3A_11 = vector.broadcast %div3A_10 : f32 to vector<1x64xf32>
    %div3A_12 = arith.divf %get3A_7, %div3A_11 : vector<1x64xf32>
    %mul3A = arith.mulf %div3A_9, %div3A_9 : vector<1x64xf32>
    %sub3A = arith.subf %div3A_12, %mul3A : vector<1x64xf32>
    %get3A_13 = arith.constant 0 : index
    %get3A_14 = arith.constant 0 : index
    %get3A_15 = vector.load %arg5[%get3A_13, %get3A_14] : memref<1x64xf32, #tpu.memory_space<vmem>>, vector<1x64xf32>
    %add3A = arith.constant 9.99999974E-6 : f32
    %add3A_16 = vector.broadcast %add3A : f32 to vector<1x64xf32>
    %add3A_17 = arith.addf %sub3A, %add3A_16 : vector<1x64xf32>
    %sqrt3A = math.sqrt %add3A_17 : vector<1x64xf32>
    %div3A_18 = arith.divf %get3A_15, %sqrt3A : vector<1x64xf32>
    %get3A_19 = arith.constant 0 : index
    %get3A_20 = arith.constant 0 : index
    %get3A_21 = vector.load %arg6[%get3A_19, %get3A_20] : memref<1x64xf32, #tpu.memory_space<vmem>>, vector<1x64xf32>
    %mul3A_22 = arith.mulf %div3A_18, %div3A_9 : vector<1x64xf32>
    %sub3A_23 = arith.subf %get3A_21, %mul3A_22 : vector<1x64xf32>
    %mul3A_24 = vector.broadcast %div3A_18 : vector<1x64xf32> to vector<16384x64xf32>
    %mul3A_25 = arith.mulf %convert_element_type3A, %mul3A_24 : vector<16384x64xf32>
    %add3A_26 = vector.broadcast %sub3A_23 : vector<1x64xf32> to vector<16384x64xf32>
    %add3A_27 = arith.addf %mul3A_25, %add3A_26 : vector<16384x64xf32>
    %max3A = arith.constant 0.000000e+00 : f32
    %max3A_28 = vector.broadcast %max3A : f32 to vector<16384x64xf32>
    %max3A_29 = arith.maximumf %add3A_27, %max3A_28 : vector<16384x64xf32>
    %convert_element_type3A_30 = arith.truncf %max3A_29 : vector<16384x64xf32> to vector<16384x64xbf16>
    %get3A_31 = arith.constant 0 : index
    %get3A_32 = arith.constant 0 : index
    %get3A_33 = vector.load %arg3[%get3A_31, %get3A_32] : memref<64x128xf32, #tpu.memory_space<vmem>>, vector<64x128xf32>
    %convert_element_type3A_34 = arith.truncf %get3A_33 : vector<64x128xf32> to vector<64x128xbf16>
    %dot_general3A = arith.constant dense<0.000000e+00> : vector<16384x128xf32>
    %dot_general3A_35 = tpu.matmul %convert_element_type3A_30, %convert_element_type3A_34, %dot_general3A {dimension_numbers = #tpu.dot_dimension_numbers<[1], [0], [0], [1], [0, 0, 1, 1], [], []>, transpose_lhs_hint = false} : vector<16384x64xbf16>, vector<64x128xbf16>, vector<16384x128xf32> -> vector<16384x128xf32>
    %get3A_36 = arith.constant 0 : index
    %get3A_37 = arith.constant 0 : index
    %get3A_38 = vector.load %arg4[%get3A_36, %get3A_37] : memref<1x128xf32, #tpu.memory_space<vmem>>, vector<1x128xf32>
    %add3A_39 = vector.broadcast %get3A_38 : vector<1x128xf32> to vector<16384x128xf32>
    %add3A_40 = arith.addf %dot_general3A_35, %add3A_39 : vector<16384x128xf32>
    %convert_element_type3A_41 = arith.truncf %add3A_40 : vector<16384x128xf32> to vector<16384x128xbf16>
    %swap3A = arith.constant 0 : index
    %swap3A_42 = arith.constant 0 : index
    %swap3A_43 = vector.load %arg7[%swap3A, %swap3A_42] : memref<16384x128xbf16, #tpu.memory_space<vmem>>, vector<16384x128xbf16>
    tpu.vector_store %arg7[%swap3A, %swap3A_42], %convert_element_type3A_41 {strides = array<i32>} : memref<16384x128xbf16, #tpu.memory_space<vmem>>, vector<16384x128xbf16>,
    %reduce_sum3A = arith.constant dense<0.000000e+00> : vector<128xf32>
    %reduce_sum3A_44 = vector.multi_reduction <add>, %add3A_40, %reduce_sum3A [0] : vector<16384x128xf32> to vector<128xf32>
    %broadcast_in_dim3A = vector.shape_cast %reduce_sum3A_44 : vector<128xf32> to vector<1x128xf32>
    %mul3A_45 = arith.mulf %add3A_40, %add3A_40 : vector<16384x128xf32>
    %reduce_sum3A_46 = arith.constant dense<0.000000e+00> : vector<128xf32>
    %reduce_sum3A_47 = vector.multi_reduction <add>, %mul3A_45, %reduce_sum3A_46 [0] : vector<16384x128xf32> to vector<128xf32>
    %broadcast_in_dim3A_48 = vector.shape_cast %reduce_sum3A_47 : vector<128xf32> to vector<1x128xf32>
    %broadcast_in_dim3A_49 = arith.constant 0.000000e+00 : f32
    %broadcast_in_dim3A_50 = vector.broadcast %broadcast_in_dim3A_49 : f32 to vector<6x128xf32>
    %concatenate3A = tpu.concatenate %broadcast_in_dim3A, %broadcast_in_dim3A_48, %broadcast_in_dim3A_50 in 0 : vector<1x128xf32>, vector<1x128xf32>, vector<6x128xf32> -> vector<8x128xf32>
    %eq3A = arith.constant 0 : i32
    %eq3A_51 = arith.cmpi eq, %arg0, %eq3A : i32
    %convert_element_type3A_52 = arith.extui %eq3A_51 : i1 to i32
    %cond3A = arith.constant 0 : i32
    %cond3A_53 = arith.cmpi ne, %convert_element_type3A_52, %cond3A : i32
    scf.if %cond3A_53 {
      %swap3A_58 = arith.constant 0 : index
      %swap3A_59 = arith.constant 0 : index
      %swap3A_60 = vector.load %arg8[%swap3A_58, %swap3A_59] : memref<8x128xf32, #tpu.memory_space<vmem>>, vector<8x128xf32>
      tpu.vector_store %arg8[%swap3A_58, %swap3A_59], %concatenate3A {strides = array<i32>} : memref<8x128xf32, #tpu.memory_space<vmem>>, vector<8x128xf32>,
    } else {
    }
    %ne3A = arith.constant 0 : i32
    %ne3A_54 = arith.cmpi ne, %arg0, %ne3A : i32
    %convert_element_type3A_55 = arith.extui %ne3A_54 : i1 to i32
    %cond3A_56 = arith.constant 0 : i32
    %cond3A_57 = arith.cmpi ne, %convert_element_type3A_55, %cond3A_56 : i32
    scf.if %cond3A_57 {
      %get3A_58 = arith.constant 0 : index
      %get3A_59 = arith.constant 0 : index
      %get3A_60 = vector.load %arg8[%get3A_58, %get3A_59] : memref<8x128xf32, #tpu.memory_space<vmem>>, vector<8x128xf32>
      %add3A_61 = arith.addf %get3A_60, %concatenate3A : vector<8x128xf32>
      %swap3A_62 = arith.constant 0 : index
      %swap3A_63 = arith.constant 0 : index
      %swap3A_64 = vector.load %arg8[%swap3A_62, %swap3A_63] : memref<8x128xf32, #tpu.memory_space<vmem>>, vector<8x128xf32>
      tpu.vector_store %arg8[%swap3A_62, %swap3A_63], %add3A_61 {strides = array<i32>} : memref<8x128xf32, #tpu.memory_space<vmem>>, vector<8x128xf32>,
    } else {
    }
    return
  }
  func.func @transform_0(%arg0: i32) -> (i32, i32) {
    %c0_i32 = arith.constant 0 : i32
    %c0_i32_0 = arith.constant 0 : i32
    return %arg0, %c0_i32 : i32, i32
  }
  func.func @transform_1(%arg0: i32) -> (i32, i32) {
    %c0_i32 = arith.constant 0 : i32
    %c0_i32_0 = arith.constant 0 : i32
    %c0_i32_1 = arith.constant 0 : i32
    return %c0_i32, %c0_i32_0 : i32, i32
  }
  func.func @transform_2(%arg0: i32) -> (i32, i32) {
    %c0_i32 = arith.constant 0 : i32
    %c0_i32_0 = arith.constant 0 : i32
    %c0_i32_1 = arith.constant 0 : i32
    return %c0_i32, %c0_i32_0 : i32, i32
  }
  func.func @transform_3(%arg0: i32) -> (i32, i32) {
    %c0_i32 = arith.constant 0 : i32
    %c0_i32_0 = arith.constant 0 : i32
    %c0_i32_1 = arith.constant 0 : i32
    return %c0_i32, %c0_i32_0 : i32, i32
  }
  func.func @transform_4(%arg0: i32) -> (i32, i32) {
    %c0_i32 = arith.constant 0 : i32
    %c0_i32_0 = arith.constant 0 : i32
    %c0_i32_1 = arith.constant 0 : i32
    return %c0_i32, %c0_i32_0 : i32, i32
  }
  func.func @transform_5(%arg0: i32) -> (i32, i32) {
    %c0_i32 = arith.constant 0 : i32
    %c0_i32_0 = arith.constant 0 : i32
    %c0_i32_1 = arith.constant 0 : i32
    return %c0_i32, %c0_i32_0 : i32, i32
  }
  func.func @transform_6(%arg0: i32) -> (i32, i32) {
    %c0_i32 = arith.constant 0 : i32
    %c0_i32_0 = arith.constant 0 : i32
    return %arg0, %c0_i32 : i32, i32
  }
  func.func @transform_7(%arg0: i32) -> (i32, i32) {
    %c0_i32 = arith.constant 0 : i32
    %c0_i32_0 = arith.constant 0 : i32
    %c0_i32_1 = arith.constant 0 : i32
    return %c0_i32, %c0_i32_0 : i32, i32
  }
}

module attributes {stable_mosaic.version = 14 : i64} {
  func.func @_layer_mid_body(%arg0: i32, %arg1: memref<16384x64xbf16, #tpu.memory_space<vmem>>, %arg2: memref<8x64xf32, #tpu.memory_space<vmem>>, %arg3: memref<64x64xf32, #tpu.memory_space<vmem>>, %arg4: memref<1x64xf32, #tpu.memory_space<vmem>>, %arg5: memref<1x64xf32, #tpu.memory_space<vmem>>, %arg6: memref<1x64xf32, #tpu.memory_space<vmem>>, %arg7: memref<16384x64xbf16, #tpu.memory_space<vmem>>, %arg8: memref<8x64xf32, #tpu.memory_space<vmem>>) attributes {dimension_semantics = [#tpu.dimension_semantics<arbitrary>], iteration_bounds = array<i64: 8>, scalar_prefetch = 0 : i64, scratch_operands = 0 : i64, tpu.core_type = #tpu.core_type<tc>, window_params = [{transform_indices = @transform_0, window_bounds = array<i64: 16384, 64>}, {pipeline_mode = #tpu.pipeline_mode<synchronous>, transform_indices = @transform_1, window_bounds = array<i64: 8, 64>}, {pipeline_mode = #tpu.pipeline_mode<synchronous>, transform_indices = @transform_2, window_bounds = array<i64: 64, 64>}, {pipeline_mode = #tpu.pipeline_mode<synchronous>, transform_indices = @transform_3, window_bounds = array<i64: 1, 64>}, {pipeline_mode = #tpu.pipeline_mode<synchronous>, transform_indices = @transform_4, window_bounds = array<i64: 1, 64>}, {pipeline_mode = #tpu.pipeline_mode<synchronous>, transform_indices = @transform_5, window_bounds = array<i64: 1, 64>}, {transform_indices = @transform_6, window_bounds = array<i64: 16384, 64>}, {pipeline_mode = #tpu.pipeline_mode<synchronous>, transform_indices = @transform_7, window_bounds = array<i64: 8, 64>}]} {
    %get3A = arith.constant 0 : index
    %get3A_0 = arith.constant 0 : index
    %get3A_1 = vector.load %arg1[%get3A, %get3A_0] : memref<16384x64xbf16, #tpu.memory_space<vmem>>, vector<16384x64xbf16>
    %convert_element_type3A = arith.extf %get3A_1 : vector<16384x64xbf16> to vector<16384x64xf32>
    %get3A_2 = arith.constant 0 : index
    %get3A_3 = arith.constant 0 : index
    %get3A_4 = vector.load %arg2[%get3A_2, %get3A_3] : memref<8x64xf32, #tpu.memory_space<vmem>>, vector<1x64xf32>
    %get3A_5 = arith.constant 1 : index
    %get3A_6 = arith.constant 0 : index
    %get3A_7 = vector.load %arg2[%get3A_5, %get3A_6] : memref<8x64xf32, #tpu.memory_space<vmem>>, vector<1x64xf32>
    %div3A = arith.constant 1.310720e+05 : f32
    %div3A_8 = vector.broadcast %div3A : f32 to vector<1x64xf32>
    %div3A_9 = arith.divf %get3A_4, %div3A_8 : vector<1x64xf32>
    %div3A_10 = arith.constant 1.310720e+05 : f32
    %div3A_11 = vector.broadcast %div3A_10 : f32 to vector<1x64xf32>
    %div3A_12 = arith.divf %get3A_7, %div3A_11 : vector<1x64xf32>
    %mul3A = arith.mulf %div3A_9, %div3A_9 : vector<1x64xf32>
    %sub3A = arith.subf %div3A_12, %mul3A : vector<1x64xf32>
    %get3A_13 = arith.constant 0 : index
    %get3A_14 = arith.constant 0 : index
    %get3A_15 = vector.load %arg5[%get3A_13, %get3A_14] : memref<1x64xf32, #tpu.memory_space<vmem>>, vector<1x64xf32>
    %add3A = arith.constant 9.99999974E-6 : f32
    %add3A_16 = vector.broadcast %add3A : f32 to vector<1x64xf32>
    %add3A_17 = arith.addf %sub3A, %add3A_16 : vector<1x64xf32>
    %sqrt3A = math.sqrt %add3A_17 : vector<1x64xf32>
    %div3A_18 = arith.divf %get3A_15, %sqrt3A : vector<1x64xf32>
    %get3A_19 = arith.constant 0 : index
    %get3A_20 = arith.constant 0 : index
    %get3A_21 = vector.load %arg6[%get3A_19, %get3A_20] : memref<1x64xf32, #tpu.memory_space<vmem>>, vector<1x64xf32>
    %mul3A_22 = arith.mulf %div3A_18, %div3A_9 : vector<1x64xf32>
    %sub3A_23 = arith.subf %get3A_21, %mul3A_22 : vector<1x64xf32>
    %mul3A_24 = vector.broadcast %div3A_18 : vector<1x64xf32> to vector<16384x64xf32>
    %mul3A_25 = arith.mulf %convert_element_type3A, %mul3A_24 : vector<16384x64xf32>
    %add3A_26 = vector.broadcast %sub3A_23 : vector<1x64xf32> to vector<16384x64xf32>
    %add3A_27 = arith.addf %mul3A_25, %add3A_26 : vector<16384x64xf32>
    %max3A = arith.constant 0.000000e+00 : f32
    %max3A_28 = vector.broadcast %max3A : f32 to vector<16384x64xf32>
    %max3A_29 = arith.maximumf %add3A_27, %max3A_28 : vector<16384x64xf32>
    %convert_element_type3A_30 = arith.truncf %max3A_29 : vector<16384x64xf32> to vector<16384x64xbf16>
    %get3A_31 = arith.constant 0 : index
    %get3A_32 = arith.constant 0 : index
    %get3A_33 = vector.load %arg3[%get3A_31, %get3A_32] : memref<64x64xf32, #tpu.memory_space<vmem>>, vector<64x64xf32>
    %convert_element_type3A_34 = arith.truncf %get3A_33 : vector<64x64xf32> to vector<64x64xbf16>
    %dot_general3A = arith.constant dense<0.000000e+00> : vector<16384x64xf32>
    %dot_general3A_35 = tpu.matmul %convert_element_type3A_30, %convert_element_type3A_34, %dot_general3A {dimension_numbers = #tpu.dot_dimension_numbers<[1], [0], [0], [1], [0, 0, 1, 1], [], []>, transpose_lhs_hint = false} : vector<16384x64xbf16>, vector<64x64xbf16>, vector<16384x64xf32> -> vector<16384x64xf32>
    %get3A_36 = arith.constant 0 : index
    %get3A_37 = arith.constant 0 : index
    %get3A_38 = vector.load %arg4[%get3A_36, %get3A_37] : memref<1x64xf32, #tpu.memory_space<vmem>>, vector<1x64xf32>
    %add3A_39 = vector.broadcast %get3A_38 : vector<1x64xf32> to vector<16384x64xf32>
    %add3A_40 = arith.addf %dot_general3A_35, %add3A_39 : vector<16384x64xf32>
    %convert_element_type3A_41 = arith.truncf %add3A_40 : vector<16384x64xf32> to vector<16384x64xbf16>
    %swap3A = arith.constant 0 : index
    %swap3A_42 = arith.constant 0 : index
    %swap3A_43 = vector.load %arg7[%swap3A, %swap3A_42] : memref<16384x64xbf16, #tpu.memory_space<vmem>>, vector<16384x64xbf16>
    tpu.vector_store %arg7[%swap3A, %swap3A_42], %convert_element_type3A_41 {strides = array<i32>} : memref<16384x64xbf16, #tpu.memory_space<vmem>>, vector<16384x64xbf16>,
    %reduce_sum3A = arith.constant dense<0.000000e+00> : vector<64xf32>
    %reduce_sum3A_44 = vector.multi_reduction <add>, %add3A_40, %reduce_sum3A [0] : vector<16384x64xf32> to vector<64xf32>
    %broadcast_in_dim3A = vector.shape_cast %reduce_sum3A_44 : vector<64xf32> to vector<1x64xf32>
    %mul3A_45 = arith.mulf %add3A_40, %add3A_40 : vector<16384x64xf32>
    %reduce_sum3A_46 = arith.constant dense<0.000000e+00> : vector<64xf32>
    %reduce_sum3A_47 = vector.multi_reduction <add>, %mul3A_45, %reduce_sum3A_46 [0] : vector<16384x64xf32> to vector<64xf32>
    %broadcast_in_dim3A_48 = vector.shape_cast %reduce_sum3A_47 : vector<64xf32> to vector<1x64xf32>
    %broadcast_in_dim3A_49 = arith.constant 0.000000e+00 : f32
    %broadcast_in_dim3A_50 = vector.broadcast %broadcast_in_dim3A_49 : f32 to vector<6x64xf32>
    %concatenate3A = tpu.concatenate %broadcast_in_dim3A, %broadcast_in_dim3A_48, %broadcast_in_dim3A_50 in 0 : vector<1x64xf32>, vector<1x64xf32>, vector<6x64xf32> -> vector<8x64xf32>
    %eq3A = arith.constant 0 : i32
    %eq3A_51 = arith.cmpi eq, %arg0, %eq3A : i32
    %convert_element_type3A_52 = arith.extui %eq3A_51 : i1 to i32
    %cond3A = arith.constant 0 : i32
    %cond3A_53 = arith.cmpi ne, %convert_element_type3A_52, %cond3A : i32
    scf.if %cond3A_53 {
      %swap3A_58 = arith.constant 0 : index
      %swap3A_59 = arith.constant 0 : index
      %swap3A_60 = vector.load %arg8[%swap3A_58, %swap3A_59] : memref<8x64xf32, #tpu.memory_space<vmem>>, vector<8x64xf32>
      tpu.vector_store %arg8[%swap3A_58, %swap3A_59], %concatenate3A {strides = array<i32>} : memref<8x64xf32, #tpu.memory_space<vmem>>, vector<8x64xf32>,
    } else {
    }
    %ne3A = arith.constant 0 : i32
    %ne3A_54 = arith.cmpi ne, %arg0, %ne3A : i32
    %convert_element_type3A_55 = arith.extui %ne3A_54 : i1 to i32
    %cond3A_56 = arith.constant 0 : i32
    %cond3A_57 = arith.cmpi ne, %convert_element_type3A_55, %cond3A_56 : i32
    scf.if %cond3A_57 {
      %get3A_58 = arith.constant 0 : index
      %get3A_59 = arith.constant 0 : index
      %get3A_60 = vector.load %arg8[%get3A_58, %get3A_59] : memref<8x64xf32, #tpu.memory_space<vmem>>, vector<8x64xf32>
      %add3A_61 = arith.addf %get3A_60, %concatenate3A : vector<8x64xf32>
      %swap3A_62 = arith.constant 0 : index
      %swap3A_63 = arith.constant 0 : index
      %swap3A_64 = vector.load %arg8[%swap3A_62, %swap3A_63] : memref<8x64xf32, #tpu.memory_space<vmem>>, vector<8x64xf32>
      tpu.vector_store %arg8[%swap3A_62, %swap3A_63], %add3A_61 {strides = array<i32>} : memref<8x64xf32, #tpu.memory_space<vmem>>, vector<8x64xf32>,
    } else {
    }
    return
  }
  func.func @transform_0(%arg0: i32) -> (i32, i32) {
    %c0_i32 = arith.constant 0 : i32
    %c0_i32_0 = arith.constant 0 : i32
    return %arg0, %c0_i32 : i32, i32
  }
  func.func @transform_1(%arg0: i32) -> (i32, i32) {
    %c0_i32 = arith.constant 0 : i32
    %c0_i32_0 = arith.constant 0 : i32
    %c0_i32_1 = arith.constant 0 : i32
    return %c0_i32, %c0_i32_0 : i32, i32
  }
  func.func @transform_2(%arg0: i32) -> (i32, i32) {
    %c0_i32 = arith.constant 0 : i32
    %c0_i32_0 = arith.constant 0 : i32
    %c0_i32_1 = arith.constant 0 : i32
    return %c0_i32, %c0_i32_0 : i32, i32
  }
  func.func @transform_3(%arg0: i32) -> (i32, i32) {
    %c0_i32 = arith.constant 0 : i32
    %c0_i32_0 = arith.constant 0 : i32
    %c0_i32_1 = arith.constant 0 : i32
    return %c0_i32, %c0_i32_0 : i32, i32
  }
  func.func @transform_4(%arg0: i32) -> (i32, i32) {
    %c0_i32 = arith.constant 0 : i32
    %c0_i32_0 = arith.constant 0 : i32
    %c0_i32_1 = arith.constant 0 : i32
    return %c0_i32, %c0_i32_0 : i32, i32
  }
  func.func @transform_5(%arg0: i32) -> (i32, i32) {
    %c0_i32 = arith.constant 0 : i32
    %c0_i32_0 = arith.constant 0 : i32
    %c0_i32_1 = arith.constant 0 : i32
    return %c0_i32, %c0_i32_0 : i32, i32
  }
  func.func @transform_6(%arg0: i32) -> (i32, i32) {
    %c0_i32 = arith.constant 0 : i32
    %c0_i32_0 = arith.constant 0 : i32
    return %arg0, %c0_i32 : i32, i32
  }
  func.func @transform_7(%arg0: i32) -> (i32, i32) {
    %c0_i32 = arith.constant 0 : i32
    %c0_i32_0 = arith.constant 0 : i32
    %c0_i32_1 = arith.constant 0 : i32
    return %c0_i32, %c0_i32_0 : i32, i32
  }
}

module attributes {stable_mosaic.version = 14 : i64} {
  func.func @_final_body(%arg0: i32, %arg1: memref<16384x128xbf16, #tpu.memory_space<vmem>>, %arg2: memref<8x128xf32, #tpu.memory_space<vmem>>, %arg3: memref<1x128xf32, #tpu.memory_space<vmem>>, %arg4: memref<1x128xf32, #tpu.memory_space<vmem>>, %arg5: memref<1x512x128xf32, #tpu.memory_space<vmem>>) attributes {dimension_semantics = [#tpu.dimension_semantics<arbitrary>], iteration_bounds = array<i64: 8>, scalar_prefetch = 0 : i64, scratch_operands = 0 : i64, tpu.core_type = #tpu.core_type<tc>, window_params = [{transform_indices = @transform_0, window_bounds = array<i64: 16384, 128>}, {pipeline_mode = #tpu.pipeline_mode<synchronous>, transform_indices = @transform_1, window_bounds = array<i64: 8, 128>}, {pipeline_mode = #tpu.pipeline_mode<synchronous>, transform_indices = @transform_2, window_bounds = array<i64: 1, 128>}, {pipeline_mode = #tpu.pipeline_mode<synchronous>, transform_indices = @transform_3, window_bounds = array<i64: 1, 128>}, {transform_indices = @transform_4, window_bounds = array<i64: 1, 512, 128>}]} {
    %get3A = arith.constant 0 : index
    %get3A_0 = arith.constant 0 : index
    %get3A_1 = vector.load %arg1[%get3A, %get3A_0] : memref<16384x128xbf16, #tpu.memory_space<vmem>>, vector<16384x128xbf16>
    %convert_element_type3A = arith.extf %get3A_1 : vector<16384x128xbf16> to vector<16384x128xf32>
    %get3A_2 = arith.constant 0 : index
    %get3A_3 = arith.constant 0 : index
    %get3A_4 = vector.load %arg2[%get3A_2, %get3A_3] : memref<8x128xf32, #tpu.memory_space<vmem>>, vector<1x128xf32>
    %get3A_5 = arith.constant 1 : index
    %get3A_6 = arith.constant 0 : index
    %get3A_7 = vector.load %arg2[%get3A_5, %get3A_6] : memref<8x128xf32, #tpu.memory_space<vmem>>, vector<1x128xf32>
    %div3A = arith.constant 1.310720e+05 : f32
    %div3A_8 = vector.broadcast %div3A : f32 to vector<1x128xf32>
    %div3A_9 = arith.divf %get3A_4, %div3A_8 : vector<1x128xf32>
    %div3A_10 = arith.constant 1.310720e+05 : f32
    %div3A_11 = vector.broadcast %div3A_10 : f32 to vector<1x128xf32>
    %div3A_12 = arith.divf %get3A_7, %div3A_11 : vector<1x128xf32>
    %mul3A = arith.mulf %div3A_9, %div3A_9 : vector<1x128xf32>
    %sub3A = arith.subf %div3A_12, %mul3A : vector<1x128xf32>
    %get3A_13 = arith.constant 0 : index
    %get3A_14 = arith.constant 0 : index
    %get3A_15 = vector.load %arg3[%get3A_13, %get3A_14] : memref<1x128xf32, #tpu.memory_space<vmem>>, vector<1x128xf32>
    %add3A = arith.constant 9.99999974E-6 : f32
    %add3A_16 = vector.broadcast %add3A : f32 to vector<1x128xf32>
    %add3A_17 = arith.addf %sub3A, %add3A_16 : vector<1x128xf32>
    %sqrt3A = math.sqrt %add3A_17 : vector<1x128xf32>
    %div3A_18 = arith.divf %get3A_15, %sqrt3A : vector<1x128xf32>
    %get3A_19 = arith.constant 0 : index
    %get3A_20 = arith.constant 0 : index
    %get3A_21 = vector.load %arg4[%get3A_19, %get3A_20] : memref<1x128xf32, #tpu.memory_space<vmem>>, vector<1x128xf32>
    %mul3A_22 = arith.mulf %div3A_18, %div3A_9 : vector<1x128xf32>
    %sub3A_23 = arith.subf %get3A_21, %mul3A_22 : vector<1x128xf32>
    %mul3A_24 = vector.broadcast %div3A_18 : vector<1x128xf32> to vector<16384x128xf32>
    %mul3A_25 = arith.mulf %convert_element_type3A, %mul3A_24 : vector<16384x128xf32>
    %add3A_26 = vector.broadcast %sub3A_23 : vector<1x128xf32> to vector<16384x128xf32>
    %add3A_27 = arith.addf %mul3A_25, %add3A_26 : vector<16384x128xf32>
    %max3A = arith.constant 0.000000e+00 : f32
    %max3A_28 = vector.broadcast %max3A : f32 to vector<16384x128xf32>
    %max3A_29 = arith.maximumf %add3A_27, %max3A_28 : vector<16384x128xf32>
    %reshape3A = vector.shape_cast %max3A_29 : vector<16384x128xf32> to vector<512x32x128xf32>
    %reduce_max3A = arith.constant dense<0xFF800000> : vector<512x128xf32>
    %reduce_max3A_30 = vector.multi_reduction <maximumf>, %reshape3A, %reduce_max3A [1] : vector<512x32x128xf32> to vector<512x128xf32>
    %broadcast_in_dim3A = vector.shape_cast %reduce_max3A_30 : vector<512x128xf32> to vector<1x512x128xf32>
    %swap3A = arith.constant 0 : index
    %swap3A_31 = arith.constant 0 : index
    %swap3A_32 = arith.constant 0 : index
    %swap3A_33 = vector.load %arg5[%swap3A, %swap3A_31, %swap3A_32] : memref<1x512x128xf32, #tpu.memory_space<vmem>>, vector<1x512x128xf32>
    tpu.vector_store %arg5[%swap3A, %swap3A_31, %swap3A_32], %broadcast_in_dim3A {strides = array<i32>} : memref<1x512x128xf32, #tpu.memory_space<vmem>>, vector<1x512x128xf32>,
    return
  }
  func.func @transform_0(%arg0: i32) -> (i32, i32) {
    %c0_i32 = arith.constant 0 : i32
    %c0_i32_0 = arith.constant 0 : i32
    return %arg0, %c0_i32 : i32, i32
  }
  func.func @transform_1(%arg0: i32) -> (i32, i32) {
    %c0_i32 = arith.constant 0 : i32
    %c0_i32_0 = arith.constant 0 : i32
    %c0_i32_1 = arith.constant 0 : i32
    return %c0_i32, %c0_i32_0 : i32, i32
  }
  func.func @transform_2(%arg0: i32) -> (i32, i32) {
    %c0_i32 = arith.constant 0 : i32
    %c0_i32_0 = arith.constant 0 : i32
    %c0_i32_1 = arith.constant 0 : i32
    return %c0_i32, %c0_i32_0 : i32, i32
  }
  func.func @transform_3(%arg0: i32) -> (i32, i32) {
    %c0_i32 = arith.constant 0 : i32
    %c0_i32_0 = arith.constant 0 : i32
    %c0_i32_1 = arith.constant 0 : i32
    return %c0_i32, %c0_i32_0 : i32, i32
  }
  func.func @transform_4(%arg0: i32) -> (i32, i32, i32) {
    %c0_i32 = arith.constant 0 : i32
    %c0_i32_0 = arith.constant 0 : i32
    %c0_i32_1 = arith.constant 0 : i32
    return %arg0, %c0_i32, %c0_i32_0 : i32, i32, i32
  }
}

module attributes {stable_mosaic.version = 14 : i64} {
  func.func @_layer1_body(%arg0: i32, %arg1: memref<16384x128xf32, #tpu.memory_space<vmem>>, %arg2: memref<1024x3xf32, #tpu.memory_space<vmem>>, %arg3: memref<128x32xf32, #tpu.memory_space<vmem>>, %arg4: memref<1x32xf32, #tpu.memory_space<vmem>>, %arg5: memref<16384x32xbf16, #tpu.memory_space<vmem>>, %arg6: memref<8x32xf32, #tpu.memory_space<vmem>>) attributes {dimension_semantics = [#tpu.dimension_semantics<arbitrary>], iteration_bounds = array<i64: 4>, scalar_prefetch = 0 : i64, scratch_operands = 0 : i64, tpu.core_type = #tpu.core_type<tc>, window_params = [{transform_indices = @transform_0, window_bounds = array<i64: 16384, 128>}, {transform_indices = @transform_1, window_bounds = array<i64: 1024, 3>}, {pipeline_mode = #tpu.pipeline_mode<synchronous>, transform_indices = @transform_2, window_bounds = array<i64: 128, 32>}, {pipeline_mode = #tpu.pipeline_mode<synchronous>, transform_indices = @transform_3, window_bounds = array<i64: 1, 32>}, {transform_indices = @transform_4, window_bounds = array<i64: 16384, 32>}, {pipeline_mode = #tpu.pipeline_mode<synchronous>, transform_indices = @transform_5, window_bounds = array<i64: 8, 32>}]} {
    %get3A = arith.constant 0 : index
    %get3A_0 = arith.constant 0 : index
    %get3A_1 = vector.load %arg1[%get3A, %get3A_0] : memref<16384x128xf32, #tpu.memory_space<vmem>>, vector<16384x128xf32>
    %get3A_2 = arith.constant 0 : index
    %get3A_3 = arith.constant 0 : index
    %get3A_4 = vector.load %arg2[%get3A_2, %get3A_3] : memref<1024x3xf32, #tpu.memory_space<vmem>>, vector<1024x3xf32>
    %broadcast_in_dim3A = vector.shape_cast %get3A_4 : vector<1024x3xf32> to vector<1024x1x3xf32>
    %broadcast_in_dim3A_5 = vector.shape_cast %broadcast_in_dim3A : vector<1024x1x3xf32> to vector<1024x1x3xf32>
    %broadcast_in_dim3A_6 = vector.broadcast %broadcast_in_dim3A_5 : vector<1024x1x3xf32> to vector<1024x16x3xf32>
    %reshape3A = vector.shape_cast %broadcast_in_dim3A_6 : vector<1024x16x3xf32> to vector<16384x3xf32>
    %slice3A = vector.extract_strided_slice %get3A_1 {offsets = [0, 64], sizes = [16384, 3], strides = [1, 1]} : vector<16384x128xf32> to vector<16384x3xf32>
    %sub3A = arith.subf %slice3A, %reshape3A : vector<16384x3xf32>
    %slice3A_7 = vector.extract_strided_slice %get3A_1 {offsets = [0, 0], sizes = [16384, 64], strides = [1, 1]} : vector<16384x128xf32> to vector<16384x64xf32>
    %convert_element_type3A = arith.truncf %slice3A_7 : vector<16384x64xf32> to vector<16384x64xbf16>
    %convert_element_type3A_8 = arith.truncf %sub3A : vector<16384x3xf32> to vector<16384x3xbf16>
    %broadcast_in_dim3A_9 = arith.constant 0.000000e+00 : bf16
    %broadcast_in_dim3A_10 = vector.broadcast %broadcast_in_dim3A_9 : bf16 to vector<16384x61xbf16>
    %concatenate3A = tpu.concatenate %convert_element_type3A, %convert_element_type3A_8, %broadcast_in_dim3A_10 in 1 : vector<16384x64xbf16>, vector<16384x3xbf16>, vector<16384x61xbf16> -> vector<16384x128xbf16>
    %get3A_11 = arith.constant 0 : index
    %get3A_12 = arith.constant 0 : index
    %get3A_13 = vector.load %arg3[%get3A_11, %get3A_12] : memref<128x32xf32, #tpu.memory_space<vmem>>, vector<128x32xf32>
    %convert_element_type3A_14 = arith.truncf %get3A_13 : vector<128x32xf32> to vector<128x32xbf16>
    %dot_general3A = arith.constant dense<0.000000e+00> : vector<16384x32xf32>
    %dot_general3A_15 = tpu.matmul %concatenate3A, %convert_element_type3A_14, %dot_general3A {dimension_numbers = #tpu.dot_dimension_numbers<[1], [0], [0], [1], [0, 0, 1, 1], [], []>, transpose_lhs_hint = false} : vector<16384x128xbf16>, vector<128x32xbf16>, vector<16384x32xf32> -> vector<16384x32xf32>
    %get3A_16 = arith.constant 0 : index
    %get3A_17 = arith.constant 0 : index
    %get3A_18 = vector.load %arg4[%get3A_16, %get3A_17] : memref<1x32xf32, #tpu.memory_space<vmem>>, vector<1x32xf32>
    %add3A = vector.broadcast %get3A_18 : vector<1x32xf32> to vector<16384x32xf32>
    %add3A_19 = arith.addf %dot_general3A_15, %add3A : vector<16384x32xf32>
    %convert_element_type3A_20 = arith.truncf %add3A_19 : vector<16384x32xf32> to vector<16384x32xbf16>
    %swap3A = arith.constant 0 : index
    %swap3A_21 = arith.constant 0 : index
    %swap3A_22 = vector.load %arg5[%swap3A, %swap3A_21] : memref<16384x32xbf16, #tpu.memory_space<vmem>>, vector<16384x32xbf16>
    tpu.vector_store %arg5[%swap3A, %swap3A_21], %convert_element_type3A_20 {strides = array<i32>} : memref<16384x32xbf16, #tpu.memory_space<vmem>>, vector<16384x32xbf16>,
    %reduce_sum3A = arith.constant dense<0.000000e+00> : vector<32xf32>
    %reduce_sum3A_23 = vector.multi_reduction <add>, %add3A_19, %reduce_sum3A [0] : vector<16384x32xf32> to vector<32xf32>
    %broadcast_in_dim3A_24 = vector.shape_cast %reduce_sum3A_23 : vector<32xf32> to vector<1x32xf32>
    %mul3A = arith.mulf %add3A_19, %add3A_19 : vector<16384x32xf32>
    %reduce_sum3A_25 = arith.constant dense<0.000000e+00> : vector<32xf32>
    %reduce_sum3A_26 = vector.multi_reduction <add>, %mul3A, %reduce_sum3A_25 [0] : vector<16384x32xf32> to vector<32xf32>
    %broadcast_in_dim3A_27 = vector.shape_cast %reduce_sum3A_26 : vector<32xf32> to vector<1x32xf32>
    %broadcast_in_dim3A_28 = arith.constant 0.000000e+00 : f32
    %broadcast_in_dim3A_29 = vector.broadcast %broadcast_in_dim3A_28 : f32 to vector<6x32xf32>
    %concatenate3A_30 = tpu.concatenate %broadcast_in_dim3A_24, %broadcast_in_dim3A_27, %broadcast_in_dim3A_29 in 0 : vector<1x32xf32>, vector<1x32xf32>, vector<6x32xf32> -> vector<8x32xf32>
    %eq3A = arith.constant 0 : i32
    %eq3A_31 = arith.cmpi eq, %arg0, %eq3A : i32
    %convert_element_type3A_32 = arith.extui %eq3A_31 : i1 to i32
    %cond3A = arith.constant 0 : i32
    %cond3A_33 = arith.cmpi ne, %convert_element_type3A_32, %cond3A : i32
    scf.if %cond3A_33 {
      %swap3A_38 = arith.constant 0 : index
      %swap3A_39 = arith.constant 0 : index
      %swap3A_40 = vector.load %arg6[%swap3A_38, %swap3A_39] : memref<8x32xf32, #tpu.memory_space<vmem>>, vector<8x32xf32>
      tpu.vector_store %arg6[%swap3A_38, %swap3A_39], %concatenate3A_30 {strides = array<i32>} : memref<8x32xf32, #tpu.memory_space<vmem>>, vector<8x32xf32>,
    } else {
    }
    %ne3A = arith.constant 0 : i32
    %ne3A_34 = arith.cmpi ne, %arg0, %ne3A : i32
    %convert_element_type3A_35 = arith.extui %ne3A_34 : i1 to i32
    %cond3A_36 = arith.constant 0 : i32
    %cond3A_37 = arith.cmpi ne, %convert_element_type3A_35, %cond3A_36 : i32
    scf.if %cond3A_37 {
      %get3A_38 = arith.constant 0 : index
      %get3A_39 = arith.constant 0 : index
      %get3A_40 = vector.load %arg6[%get3A_38, %get3A_39] : memref<8x32xf32, #tpu.memory_space<vmem>>, vector<8x32xf32>
      %add3A_41 = arith.addf %get3A_40, %concatenate3A_30 : vector<8x32xf32>
      %swap3A_42 = arith.constant 0 : index
      %swap3A_43 = arith.constant 0 : index
      %swap3A_44 = vector.load %arg6[%swap3A_42, %swap3A_43] : memref<8x32xf32, #tpu.memory_space<vmem>>, vector<8x32xf32>
      tpu.vector_store %arg6[%swap3A_42, %swap3A_43], %add3A_41 {strides = array<i32>} : memref<8x32xf32, #tpu.memory_space<vmem>>, vector<8x32xf32>,
    } else {
    }
    return
  }
  func.func @transform_0(%arg0: i32) -> (i32, i32) {
    %c0_i32 = arith.constant 0 : i32
    %c0_i32_0 = arith.constant 0 : i32
    return %arg0, %c0_i32 : i32, i32
  }
  func.func @transform_1(%arg0: i32) -> (i32, i32) {
    %c0_i32 = arith.constant 0 : i32
    %c0_i32_0 = arith.constant 0 : i32
    return %arg0, %c0_i32 : i32, i32
  }
  func.func @transform_2(%arg0: i32) -> (i32, i32) {
    %c0_i32 = arith.constant 0 : i32
    %c0_i32_0 = arith.constant 0 : i32
    %c0_i32_1 = arith.constant 0 : i32
    return %c0_i32, %c0_i32_0 : i32, i32
  }
  func.func @transform_3(%arg0: i32) -> (i32, i32) {
    %c0_i32 = arith.constant 0 : i32
    %c0_i32_0 = arith.constant 0 : i32
    %c0_i32_1 = arith.constant 0 : i32
    return %c0_i32, %c0_i32_0 : i32, i32
  }
  func.func @transform_4(%arg0: i32) -> (i32, i32) {
    %c0_i32 = arith.constant 0 : i32
    %c0_i32_0 = arith.constant 0 : i32
    return %arg0, %c0_i32 : i32, i32
  }
  func.func @transform_5(%arg0: i32) -> (i32, i32) {
    %c0_i32 = arith.constant 0 : i32
    %c0_i32_0 = arith.constant 0 : i32
    %c0_i32_1 = arith.constant 0 : i32
    return %c0_i32, %c0_i32_0 : i32, i32
  }
}

module attributes {stable_mosaic.version = 14 : i64} {
  func.func @_layer_mid_body(%arg0: i32, %arg1: memref<16384x32xbf16, #tpu.memory_space<vmem>>, %arg2: memref<8x32xf32, #tpu.memory_space<vmem>>, %arg3: memref<32x32xf32, #tpu.memory_space<vmem>>, %arg4: memref<1x32xf32, #tpu.memory_space<vmem>>, %arg5: memref<1x32xf32, #tpu.memory_space<vmem>>, %arg6: memref<1x32xf32, #tpu.memory_space<vmem>>, %arg7: memref<16384x32xbf16, #tpu.memory_space<vmem>>, %arg8: memref<8x32xf32, #tpu.memory_space<vmem>>) attributes {dimension_semantics = [#tpu.dimension_semantics<arbitrary>], iteration_bounds = array<i64: 4>, scalar_prefetch = 0 : i64, scratch_operands = 0 : i64, tpu.core_type = #tpu.core_type<tc>, window_params = [{transform_indices = @transform_0, window_bounds = array<i64: 16384, 32>}, {pipeline_mode = #tpu.pipeline_mode<synchronous>, transform_indices = @transform_1, window_bounds = array<i64: 8, 32>}, {pipeline_mode = #tpu.pipeline_mode<synchronous>, transform_indices = @transform_2, window_bounds = array<i64: 32, 32>}, {pipeline_mode = #tpu.pipeline_mode<synchronous>, transform_indices = @transform_3, window_bounds = array<i64: 1, 32>}, {pipeline_mode = #tpu.pipeline_mode<synchronous>, transform_indices = @transform_4, window_bounds = array<i64: 1, 32>}, {pipeline_mode = #tpu.pipeline_mode<synchronous>, transform_indices = @transform_5, window_bounds = array<i64: 1, 32>}, {transform_indices = @transform_6, window_bounds = array<i64: 16384, 32>}, {pipeline_mode = #tpu.pipeline_mode<synchronous>, transform_indices = @transform_7, window_bounds = array<i64: 8, 32>}]} {
    %get3A = arith.constant 0 : index
    %get3A_0 = arith.constant 0 : index
    %get3A_1 = vector.load %arg1[%get3A, %get3A_0] : memref<16384x32xbf16, #tpu.memory_space<vmem>>, vector<16384x32xbf16>
    %convert_element_type3A = arith.extf %get3A_1 : vector<16384x32xbf16> to vector<16384x32xf32>
    %get3A_2 = arith.constant 0 : index
    %get3A_3 = arith.constant 0 : index
    %get3A_4 = vector.load %arg2[%get3A_2, %get3A_3] : memref<8x32xf32, #tpu.memory_space<vmem>>, vector<1x32xf32>
    %get3A_5 = arith.constant 1 : index
    %get3A_6 = arith.constant 0 : index
    %get3A_7 = vector.load %arg2[%get3A_5, %get3A_6] : memref<8x32xf32, #tpu.memory_space<vmem>>, vector<1x32xf32>
    %div3A = arith.constant 6.553600e+04 : f32
    %div3A_8 = vector.broadcast %div3A : f32 to vector<1x32xf32>
    %div3A_9 = arith.divf %get3A_4, %div3A_8 : vector<1x32xf32>
    %div3A_10 = arith.constant 6.553600e+04 : f32
    %div3A_11 = vector.broadcast %div3A_10 : f32 to vector<1x32xf32>
    %div3A_12 = arith.divf %get3A_7, %div3A_11 : vector<1x32xf32>
    %mul3A = arith.mulf %div3A_9, %div3A_9 : vector<1x32xf32>
    %sub3A = arith.subf %div3A_12, %mul3A : vector<1x32xf32>
    %get3A_13 = arith.constant 0 : index
    %get3A_14 = arith.constant 0 : index
    %get3A_15 = vector.load %arg5[%get3A_13, %get3A_14] : memref<1x32xf32, #tpu.memory_space<vmem>>, vector<1x32xf32>
    %add3A = arith.constant 9.99999974E-6 : f32
    %add3A_16 = vector.broadcast %add3A : f32 to vector<1x32xf32>
    %add3A_17 = arith.addf %sub3A, %add3A_16 : vector<1x32xf32>
    %sqrt3A = math.sqrt %add3A_17 : vector<1x32xf32>
    %div3A_18 = arith.divf %get3A_15, %sqrt3A : vector<1x32xf32>
    %get3A_19 = arith.constant 0 : index
    %get3A_20 = arith.constant 0 : index
    %get3A_21 = vector.load %arg6[%get3A_19, %get3A_20] : memref<1x32xf32, #tpu.memory_space<vmem>>, vector<1x32xf32>
    %mul3A_22 = arith.mulf %div3A_18, %div3A_9 : vector<1x32xf32>
    %sub3A_23 = arith.subf %get3A_21, %mul3A_22 : vector<1x32xf32>
    %mul3A_24 = vector.broadcast %div3A_18 : vector<1x32xf32> to vector<16384x32xf32>
    %mul3A_25 = arith.mulf %convert_element_type3A, %mul3A_24 : vector<16384x32xf32>
    %add3A_26 = vector.broadcast %sub3A_23 : vector<1x32xf32> to vector<16384x32xf32>
    %add3A_27 = arith.addf %mul3A_25, %add3A_26 : vector<16384x32xf32>
    %max3A = arith.constant 0.000000e+00 : f32
    %max3A_28 = vector.broadcast %max3A : f32 to vector<16384x32xf32>
    %max3A_29 = arith.maximumf %add3A_27, %max3A_28 : vector<16384x32xf32>
    %convert_element_type3A_30 = arith.truncf %max3A_29 : vector<16384x32xf32> to vector<16384x32xbf16>
    %get3A_31 = arith.constant 0 : index
    %get3A_32 = arith.constant 0 : index
    %get3A_33 = vector.load %arg3[%get3A_31, %get3A_32] : memref<32x32xf32, #tpu.memory_space<vmem>>, vector<32x32xf32>
    %convert_element_type3A_34 = arith.truncf %get3A_33 : vector<32x32xf32> to vector<32x32xbf16>
    %dot_general3A = arith.constant dense<0.000000e+00> : vector<16384x32xf32>
    %dot_general3A_35 = tpu.matmul %convert_element_type3A_30, %convert_element_type3A_34, %dot_general3A {dimension_numbers = #tpu.dot_dimension_numbers<[1], [0], [0], [1], [0, 0, 1, 1], [], []>, transpose_lhs_hint = false} : vector<16384x32xbf16>, vector<32x32xbf16>, vector<16384x32xf32> -> vector<16384x32xf32>
    %get3A_36 = arith.constant 0 : index
    %get3A_37 = arith.constant 0 : index
    %get3A_38 = vector.load %arg4[%get3A_36, %get3A_37] : memref<1x32xf32, #tpu.memory_space<vmem>>, vector<1x32xf32>
    %add3A_39 = vector.broadcast %get3A_38 : vector<1x32xf32> to vector<16384x32xf32>
    %add3A_40 = arith.addf %dot_general3A_35, %add3A_39 : vector<16384x32xf32>
    %convert_element_type3A_41 = arith.truncf %add3A_40 : vector<16384x32xf32> to vector<16384x32xbf16>
    %swap3A = arith.constant 0 : index
    %swap3A_42 = arith.constant 0 : index
    %swap3A_43 = vector.load %arg7[%swap3A, %swap3A_42] : memref<16384x32xbf16, #tpu.memory_space<vmem>>, vector<16384x32xbf16>
    tpu.vector_store %arg7[%swap3A, %swap3A_42], %convert_element_type3A_41 {strides = array<i32>} : memref<16384x32xbf16, #tpu.memory_space<vmem>>, vector<16384x32xbf16>,
    %reduce_sum3A = arith.constant dense<0.000000e+00> : vector<32xf32>
    %reduce_sum3A_44 = vector.multi_reduction <add>, %add3A_40, %reduce_sum3A [0] : vector<16384x32xf32> to vector<32xf32>
    %broadcast_in_dim3A = vector.shape_cast %reduce_sum3A_44 : vector<32xf32> to vector<1x32xf32>
    %mul3A_45 = arith.mulf %add3A_40, %add3A_40 : vector<16384x32xf32>
    %reduce_sum3A_46 = arith.constant dense<0.000000e+00> : vector<32xf32>
    %reduce_sum3A_47 = vector.multi_reduction <add>, %mul3A_45, %reduce_sum3A_46 [0] : vector<16384x32xf32> to vector<32xf32>
    %broadcast_in_dim3A_48 = vector.shape_cast %reduce_sum3A_47 : vector<32xf32> to vector<1x32xf32>
    %broadcast_in_dim3A_49 = arith.constant 0.000000e+00 : f32
    %broadcast_in_dim3A_50 = vector.broadcast %broadcast_in_dim3A_49 : f32 to vector<6x32xf32>
    %concatenate3A = tpu.concatenate %broadcast_in_dim3A, %broadcast_in_dim3A_48, %broadcast_in_dim3A_50 in 0 : vector<1x32xf32>, vector<1x32xf32>, vector<6x32xf32> -> vector<8x32xf32>
    %eq3A = arith.constant 0 : i32
    %eq3A_51 = arith.cmpi eq, %arg0, %eq3A : i32
    %convert_element_type3A_52 = arith.extui %eq3A_51 : i1 to i32
    %cond3A = arith.constant 0 : i32
    %cond3A_53 = arith.cmpi ne, %convert_element_type3A_52, %cond3A : i32
    scf.if %cond3A_53 {
      %swap3A_58 = arith.constant 0 : index
      %swap3A_59 = arith.constant 0 : index
      %swap3A_60 = vector.load %arg8[%swap3A_58, %swap3A_59] : memref<8x32xf32, #tpu.memory_space<vmem>>, vector<8x32xf32>
      tpu.vector_store %arg8[%swap3A_58, %swap3A_59], %concatenate3A {strides = array<i32>} : memref<8x32xf32, #tpu.memory_space<vmem>>, vector<8x32xf32>,
    } else {
    }
    %ne3A = arith.constant 0 : i32
    %ne3A_54 = arith.cmpi ne, %arg0, %ne3A : i32
    %convert_element_type3A_55 = arith.extui %ne3A_54 : i1 to i32
    %cond3A_56 = arith.constant 0 : i32
    %cond3A_57 = arith.cmpi ne, %convert_element_type3A_55, %cond3A_56 : i32
    scf.if %cond3A_57 {
      %get3A_58 = arith.constant 0 : index
      %get3A_59 = arith.constant 0 : index
      %get3A_60 = vector.load %arg8[%get3A_58, %get3A_59] : memref<8x32xf32, #tpu.memory_space<vmem>>, vector<8x32xf32>
      %add3A_61 = arith.addf %get3A_60, %concatenate3A : vector<8x32xf32>
      %swap3A_62 = arith.constant 0 : index
      %swap3A_63 = arith.constant 0 : index
      %swap3A_64 = vector.load %arg8[%swap3A_62, %swap3A_63] : memref<8x32xf32, #tpu.memory_space<vmem>>, vector<8x32xf32>
      tpu.vector_store %arg8[%swap3A_62, %swap3A_63], %add3A_61 {strides = array<i32>} : memref<8x32xf32, #tpu.memory_space<vmem>>, vector<8x32xf32>,
    } else {
    }
    return
  }
  func.func @transform_0(%arg0: i32) -> (i32, i32) {
    %c0_i32 = arith.constant 0 : i32
    %c0_i32_0 = arith.constant 0 : i32
    return %arg0, %c0_i32 : i32, i32
  }
  func.func @transform_1(%arg0: i32) -> (i32, i32) {
    %c0_i32 = arith.constant 0 : i32
    %c0_i32_0 = arith.constant 0 : i32
    %c0_i32_1 = arith.constant 0 : i32
    return %c0_i32, %c0_i32_0 : i32, i32
  }
  func.func @transform_2(%arg0: i32) -> (i32, i32) {
    %c0_i32 = arith.constant 0 : i32
    %c0_i32_0 = arith.constant 0 : i32
    %c0_i32_1 = arith.constant 0 : i32
    return %c0_i32, %c0_i32_0 : i32, i32
  }
  func.func @transform_3(%arg0: i32) -> (i32, i32) {
    %c0_i32 = arith.constant 0 : i32
    %c0_i32_0 = arith.constant 0 : i32
    %c0_i32_1 = arith.constant 0 : i32
    return %c0_i32, %c0_i32_0 : i32, i32
  }
  func.func @transform_4(%arg0: i32) -> (i32, i32) {
    %c0_i32 = arith.constant 0 : i32
    %c0_i32_0 = arith.constant 0 : i32
    %c0_i32_1 = arith.constant 0 : i32
    return %c0_i32, %c0_i32_0 : i32, i32
  }
  func.func @transform_5(%arg0: i32) -> (i32, i32) {
    %c0_i32 = arith.constant 0 : i32
    %c0_i32_0 = arith.constant 0 : i32
    %c0_i32_1 = arith.constant 0 : i32
    return %c0_i32, %c0_i32_0 : i32, i32
  }
  func.func @transform_6(%arg0: i32) -> (i32, i32) {
    %c0_i32 = arith.constant 0 : i32
    %c0_i32_0 = arith.constant 0 : i32
    return %arg0, %c0_i32 : i32, i32
  }
  func.func @transform_7(%arg0: i32) -> (i32, i32) {
    %c0_i32 = arith.constant 0 : i32
    %c0_i32_0 = arith.constant 0 : i32
    %c0_i32_1 = arith.constant 0 : i32
    return %c0_i32, %c0_i32_0 : i32, i32
  }
}

module attributes {stable_mosaic.version = 14 : i64} {
  func.func @_layer_mid_body(%arg0: i32, %arg1: memref<16384x32xbf16, #tpu.memory_space<vmem>>, %arg2: memref<8x32xf32, #tpu.memory_space<vmem>>, %arg3: memref<32x64xf32, #tpu.memory_space<vmem>>, %arg4: memref<1x64xf32, #tpu.memory_space<vmem>>, %arg5: memref<1x32xf32, #tpu.memory_space<vmem>>, %arg6: memref<1x32xf32, #tpu.memory_space<vmem>>, %arg7: memref<16384x64xbf16, #tpu.memory_space<vmem>>, %arg8: memref<8x64xf32, #tpu.memory_space<vmem>>) attributes {dimension_semantics = [#tpu.dimension_semantics<arbitrary>], iteration_bounds = array<i64: 4>, scalar_prefetch = 0 : i64, scratch_operands = 0 : i64, tpu.core_type = #tpu.core_type<tc>, window_params = [{transform_indices = @transform_0, window_bounds = array<i64: 16384, 32>}, {pipeline_mode = #tpu.pipeline_mode<synchronous>, transform_indices = @transform_1, window_bounds = array<i64: 8, 32>}, {pipeline_mode = #tpu.pipeline_mode<synchronous>, transform_indices = @transform_2, window_bounds = array<i64: 32, 64>}, {pipeline_mode = #tpu.pipeline_mode<synchronous>, transform_indices = @transform_3, window_bounds = array<i64: 1, 64>}, {pipeline_mode = #tpu.pipeline_mode<synchronous>, transform_indices = @transform_4, window_bounds = array<i64: 1, 32>}, {pipeline_mode = #tpu.pipeline_mode<synchronous>, transform_indices = @transform_5, window_bounds = array<i64: 1, 32>}, {transform_indices = @transform_6, window_bounds = array<i64: 16384, 64>}, {pipeline_mode = #tpu.pipeline_mode<synchronous>, transform_indices = @transform_7, window_bounds = array<i64: 8, 64>}]} {
    %get3A = arith.constant 0 : index
    %get3A_0 = arith.constant 0 : index
    %get3A_1 = vector.load %arg1[%get3A, %get3A_0] : memref<16384x32xbf16, #tpu.memory_space<vmem>>, vector<16384x32xbf16>
    %convert_element_type3A = arith.extf %get3A_1 : vector<16384x32xbf16> to vector<16384x32xf32>
    %get3A_2 = arith.constant 0 : index
    %get3A_3 = arith.constant 0 : index
    %get3A_4 = vector.load %arg2[%get3A_2, %get3A_3] : memref<8x32xf32, #tpu.memory_space<vmem>>, vector<1x32xf32>
    %get3A_5 = arith.constant 1 : index
    %get3A_6 = arith.constant 0 : index
    %get3A_7 = vector.load %arg2[%get3A_5, %get3A_6] : memref<8x32xf32, #tpu.memory_space<vmem>>, vector<1x32xf32>
    %div3A = arith.constant 6.553600e+04 : f32
    %div3A_8 = vector.broadcast %div3A : f32 to vector<1x32xf32>
    %div3A_9 = arith.divf %get3A_4, %div3A_8 : vector<1x32xf32>
    %div3A_10 = arith.constant 6.553600e+04 : f32
    %div3A_11 = vector.broadcast %div3A_10 : f32 to vector<1x32xf32>
    %div3A_12 = arith.divf %get3A_7, %div3A_11 : vector<1x32xf32>
    %mul3A = arith.mulf %div3A_9, %div3A_9 : vector<1x32xf32>
    %sub3A = arith.subf %div3A_12, %mul3A : vector<1x32xf32>
    %get3A_13 = arith.constant 0 : index
    %get3A_14 = arith.constant 0 : index
    %get3A_15 = vector.load %arg5[%get3A_13, %get3A_14] : memref<1x32xf32, #tpu.memory_space<vmem>>, vector<1x32xf32>
    %add3A = arith.constant 9.99999974E-6 : f32
    %add3A_16 = vector.broadcast %add3A : f32 to vector<1x32xf32>
    %add3A_17 = arith.addf %sub3A, %add3A_16 : vector<1x32xf32>
    %sqrt3A = math.sqrt %add3A_17 : vector<1x32xf32>
    %div3A_18 = arith.divf %get3A_15, %sqrt3A : vector<1x32xf32>
    %get3A_19 = arith.constant 0 : index
    %get3A_20 = arith.constant 0 : index
    %get3A_21 = vector.load %arg6[%get3A_19, %get3A_20] : memref<1x32xf32, #tpu.memory_space<vmem>>, vector<1x32xf32>
    %mul3A_22 = arith.mulf %div3A_18, %div3A_9 : vector<1x32xf32>
    %sub3A_23 = arith.subf %get3A_21, %mul3A_22 : vector<1x32xf32>
    %mul3A_24 = vector.broadcast %div3A_18 : vector<1x32xf32> to vector<16384x32xf32>
    %mul3A_25 = arith.mulf %convert_element_type3A, %mul3A_24 : vector<16384x32xf32>
    %add3A_26 = vector.broadcast %sub3A_23 : vector<1x32xf32> to vector<16384x32xf32>
    %add3A_27 = arith.addf %mul3A_25, %add3A_26 : vector<16384x32xf32>
    %max3A = arith.constant 0.000000e+00 : f32
    %max3A_28 = vector.broadcast %max3A : f32 to vector<16384x32xf32>
    %max3A_29 = arith.maximumf %add3A_27, %max3A_28 : vector<16384x32xf32>
    %convert_element_type3A_30 = arith.truncf %max3A_29 : vector<16384x32xf32> to vector<16384x32xbf16>
    %get3A_31 = arith.constant 0 : index
    %get3A_32 = arith.constant 0 : index
    %get3A_33 = vector.load %arg3[%get3A_31, %get3A_32] : memref<32x64xf32, #tpu.memory_space<vmem>>, vector<32x64xf32>
    %convert_element_type3A_34 = arith.truncf %get3A_33 : vector<32x64xf32> to vector<32x64xbf16>
    %dot_general3A = arith.constant dense<0.000000e+00> : vector<16384x64xf32>
    %dot_general3A_35 = tpu.matmul %convert_element_type3A_30, %convert_element_type3A_34, %dot_general3A {dimension_numbers = #tpu.dot_dimension_numbers<[1], [0], [0], [1], [0, 0, 1, 1], [], []>, transpose_lhs_hint = false} : vector<16384x32xbf16>, vector<32x64xbf16>, vector<16384x64xf32> -> vector<16384x64xf32>
    %get3A_36 = arith.constant 0 : index
    %get3A_37 = arith.constant 0 : index
    %get3A_38 = vector.load %arg4[%get3A_36, %get3A_37] : memref<1x64xf32, #tpu.memory_space<vmem>>, vector<1x64xf32>
    %add3A_39 = vector.broadcast %get3A_38 : vector<1x64xf32> to vector<16384x64xf32>
    %add3A_40 = arith.addf %dot_general3A_35, %add3A_39 : vector<16384x64xf32>
    %convert_element_type3A_41 = arith.truncf %add3A_40 : vector<16384x64xf32> to vector<16384x64xbf16>
    %swap3A = arith.constant 0 : index
    %swap3A_42 = arith.constant 0 : index
    %swap3A_43 = vector.load %arg7[%swap3A, %swap3A_42] : memref<16384x64xbf16, #tpu.memory_space<vmem>>, vector<16384x64xbf16>
    tpu.vector_store %arg7[%swap3A, %swap3A_42], %convert_element_type3A_41 {strides = array<i32>} : memref<16384x64xbf16, #tpu.memory_space<vmem>>, vector<16384x64xbf16>,
    %reduce_sum3A = arith.constant dense<0.000000e+00> : vector<64xf32>
    %reduce_sum3A_44 = vector.multi_reduction <add>, %add3A_40, %reduce_sum3A [0] : vector<16384x64xf32> to vector<64xf32>
    %broadcast_in_dim3A = vector.shape_cast %reduce_sum3A_44 : vector<64xf32> to vector<1x64xf32>
    %mul3A_45 = arith.mulf %add3A_40, %add3A_40 : vector<16384x64xf32>
    %reduce_sum3A_46 = arith.constant dense<0.000000e+00> : vector<64xf32>
    %reduce_sum3A_47 = vector.multi_reduction <add>, %mul3A_45, %reduce_sum3A_46 [0] : vector<16384x64xf32> to vector<64xf32>
    %broadcast_in_dim3A_48 = vector.shape_cast %reduce_sum3A_47 : vector<64xf32> to vector<1x64xf32>
    %broadcast_in_dim3A_49 = arith.constant 0.000000e+00 : f32
    %broadcast_in_dim3A_50 = vector.broadcast %broadcast_in_dim3A_49 : f32 to vector<6x64xf32>
    %concatenate3A = tpu.concatenate %broadcast_in_dim3A, %broadcast_in_dim3A_48, %broadcast_in_dim3A_50 in 0 : vector<1x64xf32>, vector<1x64xf32>, vector<6x64xf32> -> vector<8x64xf32>
    %eq3A = arith.constant 0 : i32
    %eq3A_51 = arith.cmpi eq, %arg0, %eq3A : i32
    %convert_element_type3A_52 = arith.extui %eq3A_51 : i1 to i32
    %cond3A = arith.constant 0 : i32
    %cond3A_53 = arith.cmpi ne, %convert_element_type3A_52, %cond3A : i32
    scf.if %cond3A_53 {
      %swap3A_58 = arith.constant 0 : index
      %swap3A_59 = arith.constant 0 : index
      %swap3A_60 = vector.load %arg8[%swap3A_58, %swap3A_59] : memref<8x64xf32, #tpu.memory_space<vmem>>, vector<8x64xf32>
      tpu.vector_store %arg8[%swap3A_58, %swap3A_59], %concatenate3A {strides = array<i32>} : memref<8x64xf32, #tpu.memory_space<vmem>>, vector<8x64xf32>,
    } else {
    }
    %ne3A = arith.constant 0 : i32
    %ne3A_54 = arith.cmpi ne, %arg0, %ne3A : i32
    %convert_element_type3A_55 = arith.extui %ne3A_54 : i1 to i32
    %cond3A_56 = arith.constant 0 : i32
    %cond3A_57 = arith.cmpi ne, %convert_element_type3A_55, %cond3A_56 : i32
    scf.if %cond3A_57 {
      %get3A_58 = arith.constant 0 : index
      %get3A_59 = arith.constant 0 : index
      %get3A_60 = vector.load %arg8[%get3A_58, %get3A_59] : memref<8x64xf32, #tpu.memory_space<vmem>>, vector<8x64xf32>
      %add3A_61 = arith.addf %get3A_60, %concatenate3A : vector<8x64xf32>
      %swap3A_62 = arith.constant 0 : index
      %swap3A_63 = arith.constant 0 : index
      %swap3A_64 = vector.load %arg8[%swap3A_62, %swap3A_63] : memref<8x64xf32, #tpu.memory_space<vmem>>, vector<8x64xf32>
      tpu.vector_store %arg8[%swap3A_62, %swap3A_63], %add3A_61 {strides = array<i32>} : memref<8x64xf32, #tpu.memory_space<vmem>>, vector<8x64xf32>,
    } else {
    }
    return
  }
  func.func @transform_0(%arg0: i32) -> (i32, i32) {
    %c0_i32 = arith.constant 0 : i32
    %c0_i32_0 = arith.constant 0 : i32
    return %arg0, %c0_i32 : i32, i32
  }
  func.func @transform_1(%arg0: i32) -> (i32, i32) {
    %c0_i32 = arith.constant 0 : i32
    %c0_i32_0 = arith.constant 0 : i32
    %c0_i32_1 = arith.constant 0 : i32
    return %c0_i32, %c0_i32_0 : i32, i32
  }
  func.func @transform_2(%arg0: i32) -> (i32, i32) {
    %c0_i32 = arith.constant 0 : i32
    %c0_i32_0 = arith.constant 0 : i32
    %c0_i32_1 = arith.constant 0 : i32
    return %c0_i32, %c0_i32_0 : i32, i32
  }
  func.func @transform_3(%arg0: i32) -> (i32, i32) {
    %c0_i32 = arith.constant 0 : i32
    %c0_i32_0 = arith.constant 0 : i32
    %c0_i32_1 = arith.constant 0 : i32
    return %c0_i32, %c0_i32_0 : i32, i32
  }
  func.func @transform_4(%arg0: i32) -> (i32, i32) {
    %c0_i32 = arith.constant 0 : i32
    %c0_i32_0 = arith.constant 0 : i32
    %c0_i32_1 = arith.constant 0 : i32
    return %c0_i32, %c0_i32_0 : i32, i32
  }
  func.func @transform_5(%arg0: i32) -> (i32, i32) {
    %c0_i32 = arith.constant 0 : i32
    %c0_i32_0 = arith.constant 0 : i32
    %c0_i32_1 = arith.constant 0 : i32
    return %c0_i32, %c0_i32_0 : i32, i32
  }
  func.func @transform_6(%arg0: i32) -> (i32, i32) {
    %c0_i32 = arith.constant 0 : i32
    %c0_i32_0 = arith.constant 0 : i32
    return %arg0, %c0_i32 : i32, i32
  }
  func.func @transform_7(%arg0: i32) -> (i32, i32) {
    %c0_i32 = arith.constant 0 : i32
    %c0_i32_0 = arith.constant 0 : i32
    %c0_i32_1 = arith.constant 0 : i32
    return %c0_i32, %c0_i32_0 : i32, i32
  }
}

module attributes {stable_mosaic.version = 14 : i64} {
  func.func @_final_body(%arg0: i32, %arg1: memref<16384x64xbf16, #tpu.memory_space<vmem>>, %arg2: memref<8x64xf32, #tpu.memory_space<vmem>>, %arg3: memref<1x64xf32, #tpu.memory_space<vmem>>, %arg4: memref<1x64xf32, #tpu.memory_space<vmem>>, %arg5: memref<1x1024x64xf32, #tpu.memory_space<vmem>>) attributes {dimension_semantics = [#tpu.dimension_semantics<arbitrary>], iteration_bounds = array<i64: 4>, scalar_prefetch = 0 : i64, scratch_operands = 0 : i64, tpu.core_type = #tpu.core_type<tc>, window_params = [{transform_indices = @transform_0, window_bounds = array<i64: 16384, 64>}, {pipeline_mode = #tpu.pipeline_mode<synchronous>, transform_indices = @transform_1, window_bounds = array<i64: 8, 64>}, {pipeline_mode = #tpu.pipeline_mode<synchronous>, transform_indices = @transform_2, window_bounds = array<i64: 1, 64>}, {pipeline_mode = #tpu.pipeline_mode<synchronous>, transform_indices = @transform_3, window_bounds = array<i64: 1, 64>}, {transform_indices = @transform_4, window_bounds = array<i64: 1, 1024, 64>}]} {
    %get3A = arith.constant 0 : index
    %get3A_0 = arith.constant 0 : index
    %get3A_1 = vector.load %arg1[%get3A, %get3A_0] : memref<16384x64xbf16, #tpu.memory_space<vmem>>, vector<16384x64xbf16>
    %convert_element_type3A = arith.extf %get3A_1 : vector<16384x64xbf16> to vector<16384x64xf32>
    %get3A_2 = arith.constant 0 : index
    %get3A_3 = arith.constant 0 : index
    %get3A_4 = vector.load %arg2[%get3A_2, %get3A_3] : memref<8x64xf32, #tpu.memory_space<vmem>>, vector<1x64xf32>
    %get3A_5 = arith.constant 1 : index
    %get3A_6 = arith.constant 0 : index
    %get3A_7 = vector.load %arg2[%get3A_5, %get3A_6] : memref<8x64xf32, #tpu.memory_space<vmem>>, vector<1x64xf32>
    %div3A = arith.constant 6.553600e+04 : f32
    %div3A_8 = vector.broadcast %div3A : f32 to vector<1x64xf32>
    %div3A_9 = arith.divf %get3A_4, %div3A_8 : vector<1x64xf32>
    %div3A_10 = arith.constant 6.553600e+04 : f32
    %div3A_11 = vector.broadcast %div3A_10 : f32 to vector<1x64xf32>
    %div3A_12 = arith.divf %get3A_7, %div3A_11 : vector<1x64xf32>
    %mul3A = arith.mulf %div3A_9, %div3A_9 : vector<1x64xf32>
    %sub3A = arith.subf %div3A_12, %mul3A : vector<1x64xf32>
    %get3A_13 = arith.constant 0 : index
    %get3A_14 = arith.constant 0 : index
    %get3A_15 = vector.load %arg3[%get3A_13, %get3A_14] : memref<1x64xf32, #tpu.memory_space<vmem>>, vector<1x64xf32>
    %add3A = arith.constant 9.99999974E-6 : f32
    %add3A_16 = vector.broadcast %add3A : f32 to vector<1x64xf32>
    %add3A_17 = arith.addf %sub3A, %add3A_16 : vector<1x64xf32>
    %sqrt3A = math.sqrt %add3A_17 : vector<1x64xf32>
    %div3A_18 = arith.divf %get3A_15, %sqrt3A : vector<1x64xf32>
    %get3A_19 = arith.constant 0 : index
    %get3A_20 = arith.constant 0 : index
    %get3A_21 = vector.load %arg4[%get3A_19, %get3A_20] : memref<1x64xf32, #tpu.memory_space<vmem>>, vector<1x64xf32>
    %mul3A_22 = arith.mulf %div3A_18, %div3A_9 : vector<1x64xf32>
    %sub3A_23 = arith.subf %get3A_21, %mul3A_22 : vector<1x64xf32>
    %mul3A_24 = vector.broadcast %div3A_18 : vector<1x64xf32> to vector<16384x64xf32>
    %mul3A_25 = arith.mulf %convert_element_type3A, %mul3A_24 : vector<16384x64xf32>
    %add3A_26 = vector.broadcast %sub3A_23 : vector<1x64xf32> to vector<16384x64xf32>
    %add3A_27 = arith.addf %mul3A_25, %add3A_26 : vector<16384x64xf32>
    %max3A = arith.constant 0.000000e+00 : f32
    %max3A_28 = vector.broadcast %max3A : f32 to vector<16384x64xf32>
    %max3A_29 = arith.maximumf %add3A_27, %max3A_28 : vector<16384x64xf32>
    %reshape3A = vector.shape_cast %max3A_29 : vector<16384x64xf32> to vector<1024x16x64xf32>
    %reduce_max3A = arith.constant dense<0xFF800000> : vector<1024x64xf32>
    %reduce_max3A_30 = vector.multi_reduction <maximumf>, %reshape3A, %reduce_max3A [1] : vector<1024x16x64xf32> to vector<1024x64xf32>
    %broadcast_in_dim3A = vector.shape_cast %reduce_max3A_30 : vector<1024x64xf32> to vector<1x1024x64xf32>
    %swap3A = arith.constant 0 : index
    %swap3A_31 = arith.constant 0 : index
    %swap3A_32 = arith.constant 0 : index
    %swap3A_33 = vector.load %arg5[%swap3A, %swap3A_31, %swap3A_32] : memref<1x1024x64xf32, #tpu.memory_space<vmem>>, vector<1x1024x64xf32>
    tpu.vector_store %arg5[%swap3A, %swap3A_31, %swap3A_32], %broadcast_in_dim3A {strides = array<i32>} : memref<1x1024x64xf32, #tpu.memory_space<vmem>>, vector<1x1024x64xf32>,
    return
  }
  func.func @transform_0(%arg0: i32) -> (i32, i32) {
    %c0_i32 = arith.constant 0 : i32
    %c0_i32_0 = arith.constant 0 : i32
    return %arg0, %c0_i32 : i32, i32
  }
  func.func @transform_1(%arg0: i32) -> (i32, i32) {
    %c0_i32 = arith.constant 0 : i32
    %c0_i32_0 = arith.constant 0 : i32
    %c0_i32_1 = arith.constant 0 : i32
    return %c0_i32, %c0_i32_0 : i32, i32
  }
  func.func @transform_2(%arg0: i32) -> (i32, i32) {
    %c0_i32 = arith.constant 0 : i32
    %c0_i32_0 = arith.constant 0 : i32
    %c0_i32_1 = arith.constant 0 : i32
    return %c0_i32, %c0_i32_0 : i32, i32
  }
  func.func @transform_3(%arg0: i32) -> (i32, i32) {
    %c0_i32 = arith.constant 0 : i32
    %c0_i32_0 = arith.constant 0 : i32
    %c0_i32_1 = arith.constant 0 : i32
    return %c0_i32, %c0_i32_0 : i32, i32
  }
  func.func @transform_4(%arg0: i32) -> (i32, i32, i32) {
    %c0_i32 = arith.constant 0 : i32
    %c0_i32_0 = arith.constant 0 : i32
    %c0_i32_1 = arith.constant 0 : i32
    return %arg0, %c0_i32, %c0_i32_0 : i32, i32, i32
  }
}

module attributes {stable_mosaic.version = 14 : i64} {
  func.func @_layer1_body(%arg0: i32, %arg1: memref<16384x128xf32, #tpu.memory_space<vmem>>, %arg2: memref<128x3xf32, #tpu.memory_space<vmem>>, %arg3: memref<128x64xf32, #tpu.memory_space<vmem>>, %arg4: memref<1x64xf32, #tpu.memory_space<vmem>>, %arg5: memref<16384x64xbf16, #tpu.memory_space<vmem>>, %arg6: memref<8x64xf32, #tpu.memory_space<vmem>>) attributes {dimension_semantics = [#tpu.dimension_semantics<arbitrary>], iteration_bounds = array<i64: 32>, scalar_prefetch = 0 : i64, scratch_operands = 0 : i64, tpu.core_type = #tpu.core_type<tc>, window_params = [{transform_indices = @transform_0, window_bounds = array<i64: 16384, 128>}, {transform_indices = @transform_1, window_bounds = array<i64: 128, 3>}, {pipeline_mode = #tpu.pipeline_mode<synchronous>, transform_indices = @transform_2, window_bounds = array<i64: 128, 64>}, {pipeline_mode = #tpu.pipeline_mode<synchronous>, transform_indices = @transform_3, window_bounds = array<i64: 1, 64>}, {transform_indices = @transform_4, window_bounds = array<i64: 16384, 64>}, {pipeline_mode = #tpu.pipeline_mode<synchronous>, transform_indices = @transform_5, window_bounds = array<i64: 8, 64>}]} {
    %get3A = arith.constant 0 : index
    %get3A_0 = arith.constant 0 : index
    %get3A_1 = vector.load %arg1[%get3A, %get3A_0] : memref<16384x128xf32, #tpu.memory_space<vmem>>, vector<16384x128xf32>
    %get3A_2 = arith.constant 0 : index
    %get3A_3 = arith.constant 0 : index
    %get3A_4 = vector.load %arg2[%get3A_2, %get3A_3] : memref<128x3xf32, #tpu.memory_space<vmem>>, vector<128x3xf32>
    %broadcast_in_dim3A = vector.shape_cast %get3A_4 : vector<128x3xf32> to vector<128x1x3xf32>
    %broadcast_in_dim3A_5 = vector.shape_cast %broadcast_in_dim3A : vector<128x1x3xf32> to vector<128x1x3xf32>
    %broadcast_in_dim3A_6 = vector.broadcast %broadcast_in_dim3A_5 : vector<128x1x3xf32> to vector<128x128x3xf32>
    %reshape3A = vector.shape_cast %broadcast_in_dim3A_6 : vector<128x128x3xf32> to vector<16384x3xf32>
    %slice3A = vector.extract_strided_slice %get3A_1 {offsets = [0, 64], sizes = [16384, 3], strides = [1, 1]} : vector<16384x128xf32> to vector<16384x3xf32>
    %sub3A = arith.subf %slice3A, %reshape3A : vector<16384x3xf32>
    %slice3A_7 = vector.extract_strided_slice %get3A_1 {offsets = [0, 0], sizes = [16384, 64], strides = [1, 1]} : vector<16384x128xf32> to vector<16384x64xf32>
    %convert_element_type3A = arith.truncf %slice3A_7 : vector<16384x64xf32> to vector<16384x64xbf16>
    %convert_element_type3A_8 = arith.truncf %sub3A : vector<16384x3xf32> to vector<16384x3xbf16>
    %broadcast_in_dim3A_9 = arith.constant 0.000000e+00 : bf16
    %broadcast_in_dim3A_10 = vector.broadcast %broadcast_in_dim3A_9 : bf16 to vector<16384x61xbf16>
    %concatenate3A = tpu.concatenate %convert_element_type3A, %convert_element_type3A_8, %broadcast_in_dim3A_10 in 1 : vector<16384x64xbf16>, vector<16384x3xbf16>, vector<16384x61xbf16> -> vector<16384x128xbf16>
    %get3A_11 = arith.constant 0 : index
    %get3A_12 = arith.constant 0 : index
    %get3A_13 = vector.load %arg3[%get3A_11, %get3A_12] : memref<128x64xf32, #tpu.memory_space<vmem>>, vector<128x64xf32>
    %convert_element_type3A_14 = arith.truncf %get3A_13 : vector<128x64xf32> to vector<128x64xbf16>
    %dot_general3A = arith.constant dense<0.000000e+00> : vector<16384x64xf32>
    %dot_general3A_15 = tpu.matmul %concatenate3A, %convert_element_type3A_14, %dot_general3A {dimension_numbers = #tpu.dot_dimension_numbers<[1], [0], [0], [1], [0, 0, 1, 1], [], []>, transpose_lhs_hint = false} : vector<16384x128xbf16>, vector<128x64xbf16>, vector<16384x64xf32> -> vector<16384x64xf32>
    %get3A_16 = arith.constant 0 : index
    %get3A_17 = arith.constant 0 : index
    %get3A_18 = vector.load %arg4[%get3A_16, %get3A_17] : memref<1x64xf32, #tpu.memory_space<vmem>>, vector<1x64xf32>
    %add3A = vector.broadcast %get3A_18 : vector<1x64xf32> to vector<16384x64xf32>
    %add3A_19 = arith.addf %dot_general3A_15, %add3A : vector<16384x64xf32>
    %convert_element_type3A_20 = arith.truncf %add3A_19 : vector<16384x64xf32> to vector<16384x64xbf16>
    %swap3A = arith.constant 0 : index
    %swap3A_21 = arith.constant 0 : index
    %swap3A_22 = vector.load %arg5[%swap3A, %swap3A_21] : memref<16384x64xbf16, #tpu.memory_space<vmem>>, vector<16384x64xbf16>
    tpu.vector_store %arg5[%swap3A, %swap3A_21], %convert_element_type3A_20 {strides = array<i32>} : memref<16384x64xbf16, #tpu.memory_space<vmem>>, vector<16384x64xbf16>,
    %reduce_sum3A = arith.constant dense<0.000000e+00> : vector<64xf32>
    %reduce_sum3A_23 = vector.multi_reduction <add>, %add3A_19, %reduce_sum3A [0] : vector<16384x64xf32> to vector<64xf32>
    %broadcast_in_dim3A_24 = vector.shape_cast %reduce_sum3A_23 : vector<64xf32> to vector<1x64xf32>
    %mul3A = arith.mulf %add3A_19, %add3A_19 : vector<16384x64xf32>
    %reduce_sum3A_25 = arith.constant dense<0.000000e+00> : vector<64xf32>
    %reduce_sum3A_26 = vector.multi_reduction <add>, %mul3A, %reduce_sum3A_25 [0] : vector<16384x64xf32> to vector<64xf32>
    %broadcast_in_dim3A_27 = vector.shape_cast %reduce_sum3A_26 : vector<64xf32> to vector<1x64xf32>
    %broadcast_in_dim3A_28 = arith.constant 0.000000e+00 : f32
    %broadcast_in_dim3A_29 = vector.broadcast %broadcast_in_dim3A_28 : f32 to vector<6x64xf32>
    %concatenate3A_30 = tpu.concatenate %broadcast_in_dim3A_24, %broadcast_in_dim3A_27, %broadcast_in_dim3A_29 in 0 : vector<1x64xf32>, vector<1x64xf32>, vector<6x64xf32> -> vector<8x64xf32>
    %eq3A = arith.constant 0 : i32
    %eq3A_31 = arith.cmpi eq, %arg0, %eq3A : i32
    %convert_element_type3A_32 = arith.extui %eq3A_31 : i1 to i32
    %cond3A = arith.constant 0 : i32
    %cond3A_33 = arith.cmpi ne, %convert_element_type3A_32, %cond3A : i32
    scf.if %cond3A_33 {
      %swap3A_38 = arith.constant 0 : index
      %swap3A_39 = arith.constant 0 : index
      %swap3A_40 = vector.load %arg6[%swap3A_38, %swap3A_39] : memref<8x64xf32, #tpu.memory_space<vmem>>, vector<8x64xf32>
      tpu.vector_store %arg6[%swap3A_38, %swap3A_39], %concatenate3A_30 {strides = array<i32>} : memref<8x64xf32, #tpu.memory_space<vmem>>, vector<8x64xf32>,
    } else {
    }
    %ne3A = arith.constant 0 : i32
    %ne3A_34 = arith.cmpi ne, %arg0, %ne3A : i32
    %convert_element_type3A_35 = arith.extui %ne3A_34 : i1 to i32
    %cond3A_36 = arith.constant 0 : i32
    %cond3A_37 = arith.cmpi ne, %convert_element_type3A_35, %cond3A_36 : i32
    scf.if %cond3A_37 {
      %get3A_38 = arith.constant 0 : index
      %get3A_39 = arith.constant 0 : index
      %get3A_40 = vector.load %arg6[%get3A_38, %get3A_39] : memref<8x64xf32, #tpu.memory_space<vmem>>, vector<8x64xf32>
      %add3A_41 = arith.addf %get3A_40, %concatenate3A_30 : vector<8x64xf32>
      %swap3A_42 = arith.constant 0 : index
      %swap3A_43 = arith.constant 0 : index
      %swap3A_44 = vector.load %arg6[%swap3A_42, %swap3A_43] : memref<8x64xf32, #tpu.memory_space<vmem>>, vector<8x64xf32>
      tpu.vector_store %arg6[%swap3A_42, %swap3A_43], %add3A_41 {strides = array<i32>} : memref<8x64xf32, #tpu.memory_space<vmem>>, vector<8x64xf32>,
    } else {
    }
    return
  }
  func.func @transform_0(%arg0: i32) -> (i32, i32) {
    %c0_i32 = arith.constant 0 : i32
    %c0_i32_0 = arith.constant 0 : i32
    return %arg0, %c0_i32 : i32, i32
  }
  func.func @transform_1(%arg0: i32) -> (i32, i32) {
    %c0_i32 = arith.constant 0 : i32
    %c0_i32_0 = arith.constant 0 : i32
    return %arg0, %c0_i32 : i32, i32
  }
  func.func @transform_2(%arg0: i32) -> (i32, i32) {
    %c0_i32 = arith.constant 0 : i32
    %c0_i32_0 = arith.constant 0 : i32
    %c0_i32_1 = arith.constant 0 : i32
    return %c0_i32, %c0_i32_0 : i32, i32
  }
  func.func @transform_3(%arg0: i32) -> (i32, i32) {
    %c0_i32 = arith.constant 0 : i32
    %c0_i32_0 = arith.constant 0 : i32
    %c0_i32_1 = arith.constant 0 : i32
    return %c0_i32, %c0_i32_0 : i32, i32
  }
  func.func @transform_4(%arg0: i32) -> (i32, i32) {
    %c0_i32 = arith.constant 0 : i32
    %c0_i32_0 = arith.constant 0 : i32
    return %arg0, %c0_i32 : i32, i32
  }
  func.func @transform_5(%arg0: i32) -> (i32, i32) {
    %c0_i32 = arith.constant 0 : i32
    %c0_i32_0 = arith.constant 0 : i32
    %c0_i32_1 = arith.constant 0 : i32
    return %c0_i32, %c0_i32_0 : i32, i32
  }
}

module attributes {stable_mosaic.version = 14 : i64} {
  func.func @_layer_mid_body(%arg0: i32, %arg1: memref<16384x64xbf16, #tpu.memory_space<vmem>>, %arg2: memref<8x64xf32, #tpu.memory_space<vmem>>, %arg3: memref<64x96xf32, #tpu.memory_space<vmem>>, %arg4: memref<1x96xf32, #tpu.memory_space<vmem>>, %arg5: memref<1x64xf32, #tpu.memory_space<vmem>>, %arg6: memref<1x64xf32, #tpu.memory_space<vmem>>, %arg7: memref<16384x96xbf16, #tpu.memory_space<vmem>>, %arg8: memref<8x96xf32, #tpu.memory_space<vmem>>) attributes {dimension_semantics = [#tpu.dimension_semantics<arbitrary>], iteration_bounds = array<i64: 32>, scalar_prefetch = 0 : i64, scratch_operands = 0 : i64, tpu.core_type = #tpu.core_type<tc>, window_params = [{transform_indices = @transform_0, window_bounds = array<i64: 16384, 64>}, {pipeline_mode = #tpu.pipeline_mode<synchronous>, transform_indices = @transform_1, window_bounds = array<i64: 8, 64>}, {pipeline_mode = #tpu.pipeline_mode<synchronous>, transform_indices = @transform_2, window_bounds = array<i64: 64, 96>}, {pipeline_mode = #tpu.pipeline_mode<synchronous>, transform_indices = @transform_3, window_bounds = array<i64: 1, 96>}, {pipeline_mode = #tpu.pipeline_mode<synchronous>, transform_indices = @transform_4, window_bounds = array<i64: 1, 64>}, {pipeline_mode = #tpu.pipeline_mode<synchronous>, transform_indices = @transform_5, window_bounds = array<i64: 1, 64>}, {transform_indices = @transform_6, window_bounds = array<i64: 16384, 96>}, {pipeline_mode = #tpu.pipeline_mode<synchronous>, transform_indices = @transform_7, window_bounds = array<i64: 8, 96>}]} {
    %get3A = arith.constant 0 : index
    %get3A_0 = arith.constant 0 : index
    %get3A_1 = vector.load %arg1[%get3A, %get3A_0] : memref<16384x64xbf16, #tpu.memory_space<vmem>>, vector<16384x64xbf16>
    %convert_element_type3A = arith.extf %get3A_1 : vector<16384x64xbf16> to vector<16384x64xf32>
    %get3A_2 = arith.constant 0 : index
    %get3A_3 = arith.constant 0 : index
    %get3A_4 = vector.load %arg2[%get3A_2, %get3A_3] : memref<8x64xf32, #tpu.memory_space<vmem>>, vector<1x64xf32>
    %get3A_5 = arith.constant 1 : index
    %get3A_6 = arith.constant 0 : index
    %get3A_7 = vector.load %arg2[%get3A_5, %get3A_6] : memref<8x64xf32, #tpu.memory_space<vmem>>, vector<1x64xf32>
    %div3A = arith.constant 5.242880e+05 : f32
    %div3A_8 = vector.broadcast %div3A : f32 to vector<1x64xf32>
    %div3A_9 = arith.divf %get3A_4, %div3A_8 : vector<1x64xf32>
    %div3A_10 = arith.constant 5.242880e+05 : f32
    %div3A_11 = vector.broadcast %div3A_10 : f32 to vector<1x64xf32>
    %div3A_12 = arith.divf %get3A_7, %div3A_11 : vector<1x64xf32>
    %mul3A = arith.mulf %div3A_9, %div3A_9 : vector<1x64xf32>
    %sub3A = arith.subf %div3A_12, %mul3A : vector<1x64xf32>
    %get3A_13 = arith.constant 0 : index
    %get3A_14 = arith.constant 0 : index
    %get3A_15 = vector.load %arg5[%get3A_13, %get3A_14] : memref<1x64xf32, #tpu.memory_space<vmem>>, vector<1x64xf32>
    %add3A = arith.constant 9.99999974E-6 : f32
    %add3A_16 = vector.broadcast %add3A : f32 to vector<1x64xf32>
    %add3A_17 = arith.addf %sub3A, %add3A_16 : vector<1x64xf32>
    %sqrt3A = math.sqrt %add3A_17 : vector<1x64xf32>
    %div3A_18 = arith.divf %get3A_15, %sqrt3A : vector<1x64xf32>
    %get3A_19 = arith.constant 0 : index
    %get3A_20 = arith.constant 0 : index
    %get3A_21 = vector.load %arg6[%get3A_19, %get3A_20] : memref<1x64xf32, #tpu.memory_space<vmem>>, vector<1x64xf32>
    %mul3A_22 = arith.mulf %div3A_18, %div3A_9 : vector<1x64xf32>
    %sub3A_23 = arith.subf %get3A_21, %mul3A_22 : vector<1x64xf32>
    %mul3A_24 = vector.broadcast %div3A_18 : vector<1x64xf32> to vector<16384x64xf32>
    %mul3A_25 = arith.mulf %convert_element_type3A, %mul3A_24 : vector<16384x64xf32>
    %add3A_26 = vector.broadcast %sub3A_23 : vector<1x64xf32> to vector<16384x64xf32>
    %add3A_27 = arith.addf %mul3A_25, %add3A_26 : vector<16384x64xf32>
    %max3A = arith.constant 0.000000e+00 : f32
    %max3A_28 = vector.broadcast %max3A : f32 to vector<16384x64xf32>
    %max3A_29 = arith.maximumf %add3A_27, %max3A_28 : vector<16384x64xf32>
    %convert_element_type3A_30 = arith.truncf %max3A_29 : vector<16384x64xf32> to vector<16384x64xbf16>
    %get3A_31 = arith.constant 0 : index
    %get3A_32 = arith.constant 0 : index
    %get3A_33 = vector.load %arg3[%get3A_31, %get3A_32] : memref<64x96xf32, #tpu.memory_space<vmem>>, vector<64x96xf32>
    %convert_element_type3A_34 = arith.truncf %get3A_33 : vector<64x96xf32> to vector<64x96xbf16>
    %dot_general3A = arith.constant dense<0.000000e+00> : vector<16384x96xf32>
    %dot_general3A_35 = tpu.matmul %convert_element_type3A_30, %convert_element_type3A_34, %dot_general3A {dimension_numbers = #tpu.dot_dimension_numbers<[1], [0], [0], [1], [0, 0, 1, 1], [], []>, transpose_lhs_hint = false} : vector<16384x64xbf16>, vector<64x96xbf16>, vector<16384x96xf32> -> vector<16384x96xf32>
    %get3A_36 = arith.constant 0 : index
    %get3A_37 = arith.constant 0 : index
    %get3A_38 = vector.load %arg4[%get3A_36, %get3A_37] : memref<1x96xf32, #tpu.memory_space<vmem>>, vector<1x96xf32>
    %add3A_39 = vector.broadcast %get3A_38 : vector<1x96xf32> to vector<16384x96xf32>
    %add3A_40 = arith.addf %dot_general3A_35, %add3A_39 : vector<16384x96xf32>
    %convert_element_type3A_41 = arith.truncf %add3A_40 : vector<16384x96xf32> to vector<16384x96xbf16>
    %swap3A = arith.constant 0 : index
    %swap3A_42 = arith.constant 0 : index
    %swap3A_43 = vector.load %arg7[%swap3A, %swap3A_42] : memref<16384x96xbf16, #tpu.memory_space<vmem>>, vector<16384x96xbf16>
    tpu.vector_store %arg7[%swap3A, %swap3A_42], %convert_element_type3A_41 {strides = array<i32>} : memref<16384x96xbf16, #tpu.memory_space<vmem>>, vector<16384x96xbf16>,
    %reduce_sum3A = arith.constant dense<0.000000e+00> : vector<96xf32>
    %reduce_sum3A_44 = vector.multi_reduction <add>, %add3A_40, %reduce_sum3A [0] : vector<16384x96xf32> to vector<96xf32>
    %broadcast_in_dim3A = vector.shape_cast %reduce_sum3A_44 : vector<96xf32> to vector<1x96xf32>
    %mul3A_45 = arith.mulf %add3A_40, %add3A_40 : vector<16384x96xf32>
    %reduce_sum3A_46 = arith.constant dense<0.000000e+00> : vector<96xf32>
    %reduce_sum3A_47 = vector.multi_reduction <add>, %mul3A_45, %reduce_sum3A_46 [0] : vector<16384x96xf32> to vector<96xf32>
    %broadcast_in_dim3A_48 = vector.shape_cast %reduce_sum3A_47 : vector<96xf32> to vector<1x96xf32>
    %broadcast_in_dim3A_49 = arith.constant 0.000000e+00 : f32
    %broadcast_in_dim3A_50 = vector.broadcast %broadcast_in_dim3A_49 : f32 to vector<6x96xf32>
    %concatenate3A = tpu.concatenate %broadcast_in_dim3A, %broadcast_in_dim3A_48, %broadcast_in_dim3A_50 in 0 : vector<1x96xf32>, vector<1x96xf32>, vector<6x96xf32> -> vector<8x96xf32>
    %eq3A = arith.constant 0 : i32
    %eq3A_51 = arith.cmpi eq, %arg0, %eq3A : i32
    %convert_element_type3A_52 = arith.extui %eq3A_51 : i1 to i32
    %cond3A = arith.constant 0 : i32
    %cond3A_53 = arith.cmpi ne, %convert_element_type3A_52, %cond3A : i32
    scf.if %cond3A_53 {
      %swap3A_58 = arith.constant 0 : index
      %swap3A_59 = arith.constant 0 : index
      %swap3A_60 = vector.load %arg8[%swap3A_58, %swap3A_59] : memref<8x96xf32, #tpu.memory_space<vmem>>, vector<8x96xf32>
      tpu.vector_store %arg8[%swap3A_58, %swap3A_59], %concatenate3A {strides = array<i32>} : memref<8x96xf32, #tpu.memory_space<vmem>>, vector<8x96xf32>,
    } else {
    }
    %ne3A = arith.constant 0 : i32
    %ne3A_54 = arith.cmpi ne, %arg0, %ne3A : i32
    %convert_element_type3A_55 = arith.extui %ne3A_54 : i1 to i32
    %cond3A_56 = arith.constant 0 : i32
    %cond3A_57 = arith.cmpi ne, %convert_element_type3A_55, %cond3A_56 : i32
    scf.if %cond3A_57 {
      %get3A_58 = arith.constant 0 : index
      %get3A_59 = arith.constant 0 : index
      %get3A_60 = vector.load %arg8[%get3A_58, %get3A_59] : memref<8x96xf32, #tpu.memory_space<vmem>>, vector<8x96xf32>
      %add3A_61 = arith.addf %get3A_60, %concatenate3A : vector<8x96xf32>
      %swap3A_62 = arith.constant 0 : index
      %swap3A_63 = arith.constant 0 : index
      %swap3A_64 = vector.load %arg8[%swap3A_62, %swap3A_63] : memref<8x96xf32, #tpu.memory_space<vmem>>, vector<8x96xf32>
      tpu.vector_store %arg8[%swap3A_62, %swap3A_63], %add3A_61 {strides = array<i32>} : memref<8x96xf32, #tpu.memory_space<vmem>>, vector<8x96xf32>,
    } else {
    }
    return
  }
  func.func @transform_0(%arg0: i32) -> (i32, i32) {
    %c0_i32 = arith.constant 0 : i32
    %c0_i32_0 = arith.constant 0 : i32
    return %arg0, %c0_i32 : i32, i32
  }
  func.func @transform_1(%arg0: i32) -> (i32, i32) {
    %c0_i32 = arith.constant 0 : i32
    %c0_i32_0 = arith.constant 0 : i32
    %c0_i32_1 = arith.constant 0 : i32
    return %c0_i32, %c0_i32_0 : i32, i32
  }
  func.func @transform_2(%arg0: i32) -> (i32, i32) {
    %c0_i32 = arith.constant 0 : i32
    %c0_i32_0 = arith.constant 0 : i32
    %c0_i32_1 = arith.constant 0 : i32
    return %c0_i32, %c0_i32_0 : i32, i32
  }
  func.func @transform_3(%arg0: i32) -> (i32, i32) {
    %c0_i32 = arith.constant 0 : i32
    %c0_i32_0 = arith.constant 0 : i32
    %c0_i32_1 = arith.constant 0 : i32
    return %c0_i32, %c0_i32_0 : i32, i32
  }
  func.func @transform_4(%arg0: i32) -> (i32, i32) {
    %c0_i32 = arith.constant 0 : i32
    %c0_i32_0 = arith.constant 0 : i32
    %c0_i32_1 = arith.constant 0 : i32
    return %c0_i32, %c0_i32_0 : i32, i32
  }
  func.func @transform_5(%arg0: i32) -> (i32, i32) {
    %c0_i32 = arith.constant 0 : i32
    %c0_i32_0 = arith.constant 0 : i32
    %c0_i32_1 = arith.constant 0 : i32
    return %c0_i32, %c0_i32_0 : i32, i32
  }
  func.func @transform_6(%arg0: i32) -> (i32, i32) {
    %c0_i32 = arith.constant 0 : i32
    %c0_i32_0 = arith.constant 0 : i32
    return %arg0, %c0_i32 : i32, i32
  }
  func.func @transform_7(%arg0: i32) -> (i32, i32) {
    %c0_i32 = arith.constant 0 : i32
    %c0_i32_0 = arith.constant 0 : i32
    %c0_i32_1 = arith.constant 0 : i32
    return %c0_i32, %c0_i32_0 : i32, i32
  }
}

module attributes {stable_mosaic.version = 14 : i64} {
  func.func @_layer_mid_body(%arg0: i32, %arg1: memref<16384x96xbf16, #tpu.memory_space<vmem>>, %arg2: memref<8x96xf32, #tpu.memory_space<vmem>>, %arg3: memref<96x128xf32, #tpu.memory_space<vmem>>, %arg4: memref<1x128xf32, #tpu.memory_space<vmem>>, %arg5: memref<1x96xf32, #tpu.memory_space<vmem>>, %arg6: memref<1x96xf32, #tpu.memory_space<vmem>>, %arg7: memref<16384x128xbf16, #tpu.memory_space<vmem>>, %arg8: memref<8x128xf32, #tpu.memory_space<vmem>>) attributes {dimension_semantics = [#tpu.dimension_semantics<arbitrary>], iteration_bounds = array<i64: 32>, scalar_prefetch = 0 : i64, scratch_operands = 0 : i64, tpu.core_type = #tpu.core_type<tc>, window_params = [{transform_indices = @transform_0, window_bounds = array<i64: 16384, 96>}, {pipeline_mode = #tpu.pipeline_mode<synchronous>, transform_indices = @transform_1, window_bounds = array<i64: 8, 96>}, {pipeline_mode = #tpu.pipeline_mode<synchronous>, transform_indices = @transform_2, window_bounds = array<i64: 96, 128>}, {pipeline_mode = #tpu.pipeline_mode<synchronous>, transform_indices = @transform_3, window_bounds = array<i64: 1, 128>}, {pipeline_mode = #tpu.pipeline_mode<synchronous>, transform_indices = @transform_4, window_bounds = array<i64: 1, 96>}, {pipeline_mode = #tpu.pipeline_mode<synchronous>, transform_indices = @transform_5, window_bounds = array<i64: 1, 96>}, {transform_indices = @transform_6, window_bounds = array<i64: 16384, 128>}, {pipeline_mode = #tpu.pipeline_mode<synchronous>, transform_indices = @transform_7, window_bounds = array<i64: 8, 128>}]} {
    %get3A = arith.constant 0 : index
    %get3A_0 = arith.constant 0 : index
    %get3A_1 = vector.load %arg1[%get3A, %get3A_0] : memref<16384x96xbf16, #tpu.memory_space<vmem>>, vector<16384x96xbf16>
    %convert_element_type3A = arith.extf %get3A_1 : vector<16384x96xbf16> to vector<16384x96xf32>
    %get3A_2 = arith.constant 0 : index
    %get3A_3 = arith.constant 0 : index
    %get3A_4 = vector.load %arg2[%get3A_2, %get3A_3] : memref<8x96xf32, #tpu.memory_space<vmem>>, vector<1x96xf32>
    %get3A_5 = arith.constant 1 : index
    %get3A_6 = arith.constant 0 : index
    %get3A_7 = vector.load %arg2[%get3A_5, %get3A_6] : memref<8x96xf32, #tpu.memory_space<vmem>>, vector<1x96xf32>
    %div3A = arith.constant 5.242880e+05 : f32
    %div3A_8 = vector.broadcast %div3A : f32 to vector<1x96xf32>
    %div3A_9 = arith.divf %get3A_4, %div3A_8 : vector<1x96xf32>
    %div3A_10 = arith.constant 5.242880e+05 : f32
    %div3A_11 = vector.broadcast %div3A_10 : f32 to vector<1x96xf32>
    %div3A_12 = arith.divf %get3A_7, %div3A_11 : vector<1x96xf32>
    %mul3A = arith.mulf %div3A_9, %div3A_9 : vector<1x96xf32>
    %sub3A = arith.subf %div3A_12, %mul3A : vector<1x96xf32>
    %get3A_13 = arith.constant 0 : index
    %get3A_14 = arith.constant 0 : index
    %get3A_15 = vector.load %arg5[%get3A_13, %get3A_14] : memref<1x96xf32, #tpu.memory_space<vmem>>, vector<1x96xf32>
    %add3A = arith.constant 9.99999974E-6 : f32
    %add3A_16 = vector.broadcast %add3A : f32 to vector<1x96xf32>
    %add3A_17 = arith.addf %sub3A, %add3A_16 : vector<1x96xf32>
    %sqrt3A = math.sqrt %add3A_17 : vector<1x96xf32>
    %div3A_18 = arith.divf %get3A_15, %sqrt3A : vector<1x96xf32>
    %get3A_19 = arith.constant 0 : index
    %get3A_20 = arith.constant 0 : index
    %get3A_21 = vector.load %arg6[%get3A_19, %get3A_20] : memref<1x96xf32, #tpu.memory_space<vmem>>, vector<1x96xf32>
    %mul3A_22 = arith.mulf %div3A_18, %div3A_9 : vector<1x96xf32>
    %sub3A_23 = arith.subf %get3A_21, %mul3A_22 : vector<1x96xf32>
    %mul3A_24 = vector.broadcast %div3A_18 : vector<1x96xf32> to vector<16384x96xf32>
    %mul3A_25 = arith.mulf %convert_element_type3A, %mul3A_24 : vector<16384x96xf32>
    %add3A_26 = vector.broadcast %sub3A_23 : vector<1x96xf32> to vector<16384x96xf32>
    %add3A_27 = arith.addf %mul3A_25, %add3A_26 : vector<16384x96xf32>
    %max3A = arith.constant 0.000000e+00 : f32
    %max3A_28 = vector.broadcast %max3A : f32 to vector<16384x96xf32>
    %max3A_29 = arith.maximumf %add3A_27, %max3A_28 : vector<16384x96xf32>
    %convert_element_type3A_30 = arith.truncf %max3A_29 : vector<16384x96xf32> to vector<16384x96xbf16>
    %get3A_31 = arith.constant 0 : index
    %get3A_32 = arith.constant 0 : index
    %get3A_33 = vector.load %arg3[%get3A_31, %get3A_32] : memref<96x128xf32, #tpu.memory_space<vmem>>, vector<96x128xf32>
    %convert_element_type3A_34 = arith.truncf %get3A_33 : vector<96x128xf32> to vector<96x128xbf16>
    %dot_general3A = arith.constant dense<0.000000e+00> : vector<16384x128xf32>
    %dot_general3A_35 = tpu.matmul %convert_element_type3A_30, %convert_element_type3A_34, %dot_general3A {dimension_numbers = #tpu.dot_dimension_numbers<[1], [0], [0], [1], [0, 0, 1, 1], [], []>, transpose_lhs_hint = false} : vector<16384x96xbf16>, vector<96x128xbf16>, vector<16384x128xf32> -> vector<16384x128xf32>
    %get3A_36 = arith.constant 0 : index
    %get3A_37 = arith.constant 0 : index
    %get3A_38 = vector.load %arg4[%get3A_36, %get3A_37] : memref<1x128xf32, #tpu.memory_space<vmem>>, vector<1x128xf32>
    %add3A_39 = vector.broadcast %get3A_38 : vector<1x128xf32> to vector<16384x128xf32>
    %add3A_40 = arith.addf %dot_general3A_35, %add3A_39 : vector<16384x128xf32>
    %convert_element_type3A_41 = arith.truncf %add3A_40 : vector<16384x128xf32> to vector<16384x128xbf16>
    %swap3A = arith.constant 0 : index
    %swap3A_42 = arith.constant 0 : index
    %swap3A_43 = vector.load %arg7[%swap3A, %swap3A_42] : memref<16384x128xbf16, #tpu.memory_space<vmem>>, vector<16384x128xbf16>
    tpu.vector_store %arg7[%swap3A, %swap3A_42], %convert_element_type3A_41 {strides = array<i32>} : memref<16384x128xbf16, #tpu.memory_space<vmem>>, vector<16384x128xbf16>,
    %reduce_sum3A = arith.constant dense<0.000000e+00> : vector<128xf32>
    %reduce_sum3A_44 = vector.multi_reduction <add>, %add3A_40, %reduce_sum3A [0] : vector<16384x128xf32> to vector<128xf32>
    %broadcast_in_dim3A = vector.shape_cast %reduce_sum3A_44 : vector<128xf32> to vector<1x128xf32>
    %mul3A_45 = arith.mulf %add3A_40, %add3A_40 : vector<16384x128xf32>
    %reduce_sum3A_46 = arith.constant dense<0.000000e+00> : vector<128xf32>
    %reduce_sum3A_47 = vector.multi_reduction <add>, %mul3A_45, %reduce_sum3A_46 [0] : vector<16384x128xf32> to vector<128xf32>
    %broadcast_in_dim3A_48 = vector.shape_cast %reduce_sum3A_47 : vector<128xf32> to vector<1x128xf32>
    %broadcast_in_dim3A_49 = arith.constant 0.000000e+00 : f32
    %broadcast_in_dim3A_50 = vector.broadcast %broadcast_in_dim3A_49 : f32 to vector<6x128xf32>
    %concatenate3A = tpu.concatenate %broadcast_in_dim3A, %broadcast_in_dim3A_48, %broadcast_in_dim3A_50 in 0 : vector<1x128xf32>, vector<1x128xf32>, vector<6x128xf32> -> vector<8x128xf32>
    %eq3A = arith.constant 0 : i32
    %eq3A_51 = arith.cmpi eq, %arg0, %eq3A : i32
    %convert_element_type3A_52 = arith.extui %eq3A_51 : i1 to i32
    %cond3A = arith.constant 0 : i32
    %cond3A_53 = arith.cmpi ne, %convert_element_type3A_52, %cond3A : i32
    scf.if %cond3A_53 {
      %swap3A_58 = arith.constant 0 : index
      %swap3A_59 = arith.constant 0 : index
      %swap3A_60 = vector.load %arg8[%swap3A_58, %swap3A_59] : memref<8x128xf32, #tpu.memory_space<vmem>>, vector<8x128xf32>
      tpu.vector_store %arg8[%swap3A_58, %swap3A_59], %concatenate3A {strides = array<i32>} : memref<8x128xf32, #tpu.memory_space<vmem>>, vector<8x128xf32>,
    } else {
    }
    %ne3A = arith.constant 0 : i32
    %ne3A_54 = arith.cmpi ne, %arg0, %ne3A : i32
    %convert_element_type3A_55 = arith.extui %ne3A_54 : i1 to i32
    %cond3A_56 = arith.constant 0 : i32
    %cond3A_57 = arith.cmpi ne, %convert_element_type3A_55, %cond3A_56 : i32
    scf.if %cond3A_57 {
      %get3A_58 = arith.constant 0 : index
      %get3A_59 = arith.constant 0 : index
      %get3A_60 = vector.load %arg8[%get3A_58, %get3A_59] : memref<8x128xf32, #tpu.memory_space<vmem>>, vector<8x128xf32>
      %add3A_61 = arith.addf %get3A_60, %concatenate3A : vector<8x128xf32>
      %swap3A_62 = arith.constant 0 : index
      %swap3A_63 = arith.constant 0 : index
      %swap3A_64 = vector.load %arg8[%swap3A_62, %swap3A_63] : memref<8x128xf32, #tpu.memory_space<vmem>>, vector<8x128xf32>
      tpu.vector_store %arg8[%swap3A_62, %swap3A_63], %add3A_61 {strides = array<i32>} : memref<8x128xf32, #tpu.memory_space<vmem>>, vector<8x128xf32>,
    } else {
    }
    return
  }
  func.func @transform_0(%arg0: i32) -> (i32, i32) {
    %c0_i32 = arith.constant 0 : i32
    %c0_i32_0 = arith.constant 0 : i32
    return %arg0, %c0_i32 : i32, i32
  }
  func.func @transform_1(%arg0: i32) -> (i32, i32) {
    %c0_i32 = arith.constant 0 : i32
    %c0_i32_0 = arith.constant 0 : i32
    %c0_i32_1 = arith.constant 0 : i32
    return %c0_i32, %c0_i32_0 : i32, i32
  }
  func.func @transform_2(%arg0: i32) -> (i32, i32) {
    %c0_i32 = arith.constant 0 : i32
    %c0_i32_0 = arith.constant 0 : i32
    %c0_i32_1 = arith.constant 0 : i32
    return %c0_i32, %c0_i32_0 : i32, i32
  }
  func.func @transform_3(%arg0: i32) -> (i32, i32) {
    %c0_i32 = arith.constant 0 : i32
    %c0_i32_0 = arith.constant 0 : i32
    %c0_i32_1 = arith.constant 0 : i32
    return %c0_i32, %c0_i32_0 : i32, i32
  }
  func.func @transform_4(%arg0: i32) -> (i32, i32) {
    %c0_i32 = arith.constant 0 : i32
    %c0_i32_0 = arith.constant 0 : i32
    %c0_i32_1 = arith.constant 0 : i32
    return %c0_i32, %c0_i32_0 : i32, i32
  }
  func.func @transform_5(%arg0: i32) -> (i32, i32) {
    %c0_i32 = arith.constant 0 : i32
    %c0_i32_0 = arith.constant 0 : i32
    %c0_i32_1 = arith.constant 0 : i32
    return %c0_i32, %c0_i32_0 : i32, i32
  }
  func.func @transform_6(%arg0: i32) -> (i32, i32) {
    %c0_i32 = arith.constant 0 : i32
    %c0_i32_0 = arith.constant 0 : i32
    return %arg0, %c0_i32 : i32, i32
  }
  func.func @transform_7(%arg0: i32) -> (i32, i32) {
    %c0_i32 = arith.constant 0 : i32
    %c0_i32_0 = arith.constant 0 : i32
    %c0_i32_1 = arith.constant 0 : i32
    return %c0_i32, %c0_i32_0 : i32, i32
  }
}

module attributes {stable_mosaic.version = 14 : i64} {
  func.func @_final_body(%arg0: i32, %arg1: memref<16384x128xbf16, #tpu.memory_space<vmem>>, %arg2: memref<8x128xf32, #tpu.memory_space<vmem>>, %arg3: memref<1x128xf32, #tpu.memory_space<vmem>>, %arg4: memref<1x128xf32, #tpu.memory_space<vmem>>, %arg5: memref<1x128x128xf32, #tpu.memory_space<vmem>>) attributes {dimension_semantics = [#tpu.dimension_semantics<arbitrary>], iteration_bounds = array<i64: 32>, scalar_prefetch = 0 : i64, scratch_operands = 0 : i64, tpu.core_type = #tpu.core_type<tc>, window_params = [{transform_indices = @transform_0, window_bounds = array<i64: 16384, 128>}, {pipeline_mode = #tpu.pipeline_mode<synchronous>, transform_indices = @transform_1, window_bounds = array<i64: 8, 128>}, {pipeline_mode = #tpu.pipeline_mode<synchronous>, transform_indices = @transform_2, window_bounds = array<i64: 1, 128>}, {pipeline_mode = #tpu.pipeline_mode<synchronous>, transform_indices = @transform_3, window_bounds = array<i64: 1, 128>}, {transform_indices = @transform_4, window_bounds = array<i64: 1, 128, 128>}]} {
    %get3A = arith.constant 0 : index
    %get3A_0 = arith.constant 0 : index
    %get3A_1 = vector.load %arg1[%get3A, %get3A_0] : memref<16384x128xbf16, #tpu.memory_space<vmem>>, vector<16384x128xbf16>
    %convert_element_type3A = arith.extf %get3A_1 : vector<16384x128xbf16> to vector<16384x128xf32>
    %get3A_2 = arith.constant 0 : index
    %get3A_3 = arith.constant 0 : index
    %get3A_4 = vector.load %arg2[%get3A_2, %get3A_3] : memref<8x128xf32, #tpu.memory_space<vmem>>, vector<1x128xf32>
    %get3A_5 = arith.constant 1 : index
    %get3A_6 = arith.constant 0 : index
    %get3A_7 = vector.load %arg2[%get3A_5, %get3A_6] : memref<8x128xf32, #tpu.memory_space<vmem>>, vector<1x128xf32>
    %div3A = arith.constant 5.242880e+05 : f32
    %div3A_8 = vector.broadcast %div3A : f32 to vector<1x128xf32>
    %div3A_9 = arith.divf %get3A_4, %div3A_8 : vector<1x128xf32>
    %div3A_10 = arith.constant 5.242880e+05 : f32
    %div3A_11 = vector.broadcast %div3A_10 : f32 to vector<1x128xf32>
    %div3A_12 = arith.divf %get3A_7, %div3A_11 : vector<1x128xf32>
    %mul3A = arith.mulf %div3A_9, %div3A_9 : vector<1x128xf32>
    %sub3A = arith.subf %div3A_12, %mul3A : vector<1x128xf32>
    %get3A_13 = arith.constant 0 : index
    %get3A_14 = arith.constant 0 : index
    %get3A_15 = vector.load %arg3[%get3A_13, %get3A_14] : memref<1x128xf32, #tpu.memory_space<vmem>>, vector<1x128xf32>
    %add3A = arith.constant 9.99999974E-6 : f32
    %add3A_16 = vector.broadcast %add3A : f32 to vector<1x128xf32>
    %add3A_17 = arith.addf %sub3A, %add3A_16 : vector<1x128xf32>
    %sqrt3A = math.sqrt %add3A_17 : vector<1x128xf32>
    %div3A_18 = arith.divf %get3A_15, %sqrt3A : vector<1x128xf32>
    %get3A_19 = arith.constant 0 : index
    %get3A_20 = arith.constant 0 : index
    %get3A_21 = vector.load %arg4[%get3A_19, %get3A_20] : memref<1x128xf32, #tpu.memory_space<vmem>>, vector<1x128xf32>
    %mul3A_22 = arith.mulf %div3A_18, %div3A_9 : vector<1x128xf32>
    %sub3A_23 = arith.subf %get3A_21, %mul3A_22 : vector<1x128xf32>
    %mul3A_24 = vector.broadcast %div3A_18 : vector<1x128xf32> to vector<16384x128xf32>
    %mul3A_25 = arith.mulf %convert_element_type3A, %mul3A_24 : vector<16384x128xf32>
    %add3A_26 = vector.broadcast %sub3A_23 : vector<1x128xf32> to vector<16384x128xf32>
    %add3A_27 = arith.addf %mul3A_25, %add3A_26 : vector<16384x128xf32>
    %max3A = arith.constant 0.000000e+00 : f32
    %max3A_28 = vector.broadcast %max3A : f32 to vector<16384x128xf32>
    %max3A_29 = arith.maximumf %add3A_27, %max3A_28 : vector<16384x128xf32>
    %reshape3A = vector.shape_cast %max3A_29 : vector<16384x128xf32> to vector<128x128x128xf32>
    %reduce_max3A = arith.constant dense<0xFF800000> : vector<128x128xf32>
    %reduce_max3A_30 = vector.multi_reduction <maximumf>, %reshape3A, %reduce_max3A [1] : vector<128x128x128xf32> to vector<128x128xf32>
    %broadcast_in_dim3A = vector.shape_cast %reduce_max3A_30 : vector<128x128xf32> to vector<1x128x128xf32>
    %swap3A = arith.constant 0 : index
    %swap3A_31 = arith.constant 0 : index
    %swap3A_32 = arith.constant 0 : index
    %swap3A_33 = vector.load %arg5[%swap3A, %swap3A_31, %swap3A_32] : memref<1x128x128xf32, #tpu.memory_space<vmem>>, vector<1x128x128xf32>
    tpu.vector_store %arg5[%swap3A, %swap3A_31, %swap3A_32], %broadcast_in_dim3A {strides = array<i32>} : memref<1x128x128xf32, #tpu.memory_space<vmem>>, vector<1x128x128xf32>,
    return
  }
  func.func @transform_0(%arg0: i32) -> (i32, i32) {
    %c0_i32 = arith.constant 0 : i32
    %c0_i32_0 = arith.constant 0 : i32
    return %arg0, %c0_i32 : i32, i32
  }
  func.func @transform_1(%arg0: i32) -> (i32, i32) {
    %c0_i32 = arith.constant 0 : i32
    %c0_i32_0 = arith.constant 0 : i32
    %c0_i32_1 = arith.constant 0 : i32
    return %c0_i32, %c0_i32_0 : i32, i32
  }
  func.func @transform_2(%arg0: i32) -> (i32, i32) {
    %c0_i32 = arith.constant 0 : i32
    %c0_i32_0 = arith.constant 0 : i32
    %c0_i32_1 = arith.constant 0 : i32
    return %c0_i32, %c0_i32_0 : i32, i32
  }
  func.func @transform_3(%arg0: i32) -> (i32, i32) {
    %c0_i32 = arith.constant 0 : i32
    %c0_i32_0 = arith.constant 0 : i32
    %c0_i32_1 = arith.constant 0 : i32
    return %c0_i32, %c0_i32_0 : i32, i32
  }
  func.func @transform_4(%arg0: i32) -> (i32, i32, i32) {
    %c0_i32 = arith.constant 0 : i32
    %c0_i32_0 = arith.constant 0 : i32
    %c0_i32_1 = arith.constant 0 : i32
    return %arg0, %c0_i32, %c0_i32_0 : i32, i32, i32
  }
}

</mosaic_0001>

<sc_bundles>
// kernel: kernel.19.cloned.1.call-start
scs
__scs_entry_jumppad:
0x0: {  	(pc) =	sbr.rel $0x88, $3  }
0x1: {  	(tag) =	ssettag $0x0;
	lr =	simm.s32 $0x1  }
0x2: {  	[smem:$0x3F7B] =	sst lr;
	_ =	strace $0xD0000000  }
0x3: {  	_ = 	snop  }
0x4: {  	_ = 	snop  }
0x5: {  	_ = 	snop  }
0x6: {  	_ = 	snop  }
0x7: {  	_ = 	snop  }
__scs_overlays_trampoline_lowered:
0x8: {  	[smem:$0x3F8A] =	sst s0  }
0x9: {  	[smem:$0x3F8B] =	sst s1  }
0xa: {  	[smem:$0x3F8C] =	sst s2  }
0xb: {  	[smem:$0x3F8D] =	sst s3  }
0xc: {  	[smem:$0x3F8E] =	sst s4  }
0xd: {  	[smem:$0x3F8F] =	sst s5  }
0xe: {  	[smem:$0x3F90] =	sst s6  }
0xf: {  	[smem:$0x3F91] =	sst s7  }
0x10: {  	[smem:$0x3F92] =	sst s8  }
0x11: {  	[smem:$0x3F93] =	sst s9;
	s0 =	simm.s32 @!p0 $0x0  }
0x12: {  	s1 =	sld [smem:$0x3F79];
	s0 =	simm.s32 @p0 $0x1  }
0x13: {  	[smem:$0x3F94] =	sst s0;
	s0 =	simm.s32 @!p1 $0x0  }
0x14: {  	s2 =	sld [smem:$0x3F78];
	s0 =	simm.s32 @p1 $0x1  }
0x15: {  	[smem:$0x3F95] =	sst s0;
	s0 =	simm.s32 @!p2 $0x0  }
0x16: {  	s3 =	sld [smem:$0x3FDB];
	s0 =	simm.s32 @p2 $0x1  }
0x17: {  	s4 =	simm.s32 $0x1BF5;
	[smem:$0x3F97] =	sst s0  }
0x18: {  	s0 =	sld [smem:$0x3F7A];
	_ =	swait.ge [sflag:s4], $0x0  }
0x19: {  	s7 =	sld [smem:$0x3F7B]  }
0x1a: {  	s8 =	sadd.s32 $0xFFFFE003, lr  }
0x1b: {  	s9 =	sadd.s32 $0xFFFFFEF7, lr;
	s5 =	simm.s32 $0xFFFFFFFF;
	p2 =	slt.u32 s8, $0xFFFFF086  }
0x1c: {  	p1 =	slt.u32 s9, $0xF7A;
	s5 =	simm.s32 @!p2 $0x0  }
0x1d: {  	s5 =	simm.s32 @p1 $0x1;
	p0 =	seq.s32 s7, s2  }
0x1e: {  	s7 =	smul.u32 @!p0 $0xF7A, s2;
	p2 =	seq.s32 @!p0 s5, $0x0  }
0x1f: {  	s9 =	smul.u32 $0xF7A, s1;
	s8 =	simm.s32 @!p0 $0x1BF5;
	p2 =	por !p2, p0  }
0x20: {  	[sflag:s8] =	ssyncset.s32 @!p0 $0xFFFFF086;
	s6 =	sadd.s32 @!p0 s3, s7;
	s7 =	simm.s32 @!p0 $0x108  }
0x21: {  	s3 =	sadd.s32 s3, s9;
	s6 =	sadd.s32 @!p0 $0x88, s6;
	s7 =	simm.s32 @p2 $0x1082  }
0x22: {  	[simem:s7], [sflag:s8] =	dma.local @!p0 [hbm:s6], $0xF7A  }
0x23: {  	s9 =	sor.u32 $0xD0000000, s2;
	s6 =	simm.s32 $0x108;
	_ =	swait.ge @!p0 [sflag:s8], $0x0  }
0x24: {  	s3 =	sadd.s32 $0x88, s3;
	s6 =	simm.s32 @!p1 $0x1082;
	[sflag:s4] =	ssyncset.s32 $0xFFFFF086  }
0x25: {  	[simem:s6], [sflag:s4] =	dma.local [hbm:s3], $0xF7A  }
0x26: {  	[smem:$0x3F7B] =	sst s1;
	(tag) =	ssettag s2;
	_ =	strace s9  }
0x27: {  	s1 =	sld [smem:$0x3F8B]  }
0x28: {  	s2 =	sld [smem:$0x3F8C]  }
0x29: {  	s4 =	sld [smem:$0x3F8E]  }
0x2a: {  	p0 =	seq.s32 s5, $0x0;
	s5 =	sld [smem:$0x3F8F]  }
0x2b: {  	s6 =	sld [smem:$0x3F90]  }
0x2c: {  	s7 =	sld [smem:$0x3F91]  }
0x2d: {  	s3 =	simm.s32 $0x108;
	s8 =	sld [smem:$0x3F92]  }
0x2e: {  	s3 =	simm.s32 @!p0 $0x1082;
	s9 =	sld [smem:$0x3F93]  }
0x2f: {  	lr =	sadd.s32 s0, s3;
	s0 =	sld [smem:$0x3F8A]  }
0x30: {  	s3 =	sld [smem:$0x3F8D]  }
0x31: {  	[smem:$0x3F96] =	sst s10  }
0x32: {  	s10 =	sld [smem:$0x3F94];
	_ =	sdelay $0x3  }
0x33: {  	p0 =	seq.s32 s10, $0x1;
	s10 =	sld [smem:$0x3F96];
	_ =	sdelay $0x3  }
0x34: {  	[smem:$0x3F96] =	sst s10  }
0x35: {  	s10 =	sld [smem:$0x3F95];
	_ =	sdelay $0x3  }
0x36: {  	p1 =	seq.s32 s10, $0x1;
	s10 =	sld [smem:$0x3F96];
	_ =	sdelay $0x3  }
0x37: {  	[smem:$0x3F96] =	sst s10  }
0x38: {  	s10 =	sld [smem:$0x3F97]  }
0x39: {  	_ = 	snop;
	(pc) =	sbr.ind lr, $3  }
0x3a: {  	_ = 	snop  }
0x3b: {  	_ = 	snop  }
0x3c: {  	p2 =	seq.s32 s10, $0x1;
	s10 =	sld [smem:$0x3F96]  }
0x3d: {  	_ =	shalt  }
0x3e: {  	_ =	shalt  }
0x3f: {  	_ =	shalt  }
0x40: {  	_ =	shalt  }
0x41: {  	_ =	shalt  }
0x42: {  	_ =	shalt  }
0x43: {  	_ =	shalt  }
0x44: {  	_ =	shalt  }
0x45: {  	_ =	shalt  }
0x46: {  	_ =	shalt  }
0x47: {  	_ =	shalt  }
0x48: {  	_ =	shalt  }
0x49: {  	_ =	shalt  }
0x4a: {  	_ =	shalt  }
0x4b: {  	_ =	shalt  }
0x4c: {  	_ =	shalt  }
0x4d: {  	_ =	shalt  }
0x4e: {  	_ =	shalt  }
0x4f: {  	_ =	shalt  }
0x50: {  	_ =	shalt  }
0x51: {  	_ =	shalt  }
0x52: {  	_ =	shalt  }
0x53: {  	_ =	shalt  }
0x54: {  	_ =	shalt  }
0x55: {  	_ =	shalt  }
0x56: {  	_ =	shalt  }
0x57: {  	_ =	shalt  }
0x58: {  	_ =	shalt  }
0x59: {  	_ =	shalt  }
0x5a: {  	_ =	shalt  }
0x5b: {  	_ =	shalt  }
0x5c: {  	_ =	shalt  }
0x5d: {  	_ =	shalt  }
0x5e: {  	_ =	shalt  }
0x5f: {  	_ =	shalt  }
0x60: {  	_ =	shalt  }
0x61: {  	_ =	shalt  }
0x62: {  	_ =	shalt  }
0x63: {  	_ =	shalt  }
0x64: {  	_ =	shalt  }
0x65: {  	_ =	shalt  }
0x66: {  	_ =	shalt  }
0x67: {  	_ =	shalt  }
0x68: {  	_ =	shalt  }
0x69: {  	_ =	shalt  }
0x6a: {  	_ =	shalt  }
0x6b: {  	_ =	shalt  }
0x6c: {  	_ =	shalt  }
0x6d: {  	_ =	shalt  }
0x6e: {  	_ =	shalt  }
0x6f: {  	_ =	shalt  }
0x70: {  	_ =	shalt  }
0x71: {  	_ =	shalt  }
0x72: {  	_ =	shalt  }
0x73: {  	_ =	shalt  }
0x74: {  	_ =	shalt  }
0x75: {  	_ =	shalt  }
0x76: {  	_ =	shalt  }
0x77: {  	_ =	shalt  }
0x78: {  	_ =	shalt  }
0x79: {  	_ =	shalt  }
0x7a: {  	_ =	shalt  }
0x7b: {  	_ =	shalt  }
0x7c: {  	_ =	shalt  }
0x7d: {  	_ =	shalt  }
0x7e: {  	_ =	shalt  }
0x7f: {  	_ =	shalt  }
0x80: {  	_ =	shalt  }
0x81: {  	_ =	shalt  }
0x82: {  	_ =	shalt  }
0x83: {  	_ =	shalt  }
0x84: {  	_ =	shalt  }
0x85: {  	_ =	shalt  }
0x86: {  	_ =	shalt  }
0x87: {  	_ =	shalt  }
.Lfunc_end0:
.L_simem_size_0:
called_computation_lowered:
.L_overlay_start_0:
0x88: {  	s2 =	sld [smem:$0x3FD9]  }
0x89: {  	s3 =	sld [smem:$0x3FFE];
	_ =	sdelay $0x1  }
0x8a: {  	s1 =	srdreg.scid  }
0x8b: {  	s0 =	sand.u32 $0x1, s1  }
0x8c: {  	s17 =	sshll.u32 s0, $0xA;
	s2 =	sadd.s32 s3, s2  }
0x8d: {  	s2 =	sadd.s32 s2, s17  }
0x8e: {  	[smem:$0x3FA2] =	sst s2  }
0x8f: {  	_ = 	snop  }
0x90: {  	(tm) =	ssettm $0x1  }
0x91: {  	s18 =	sld [smem:$0x3FFB];
	_ =	sdelay $0x3  }
0x92: {  	_ =	strace s18  }
0x93: {  	s2 =	sld [smem:$0x3FFC];
	_ =	sdelay $0x3  }
0x94: {  	_ =	strace s2  }
0x95: {  	s2 =	sld [smem:$0x3FFD];
	_ =	sdelay $0x3  }
0x96: {  	_ =	strace s2  }
0x97: {  	_ =	strace $0x8FFFFFFF  }
0x98: {  	s19 =	sld [smem:$0x3FDB];
	_ =	sdelay $0x1  }
0x99: {  	s20 =	simm.s32 $_scs_section_size  }
0x9a: {  	s4 =	simm.s32 $_size__tile_overlayer_lowered;
	s5 =	simm.s32 $_tile_overlayer_lowered  }
0x9b: {  	s6 =	simm.s32 $0x1BFF;
	s21 =	sshll.u32 s5, $0x1;
	s3 =	sadd.s32 s20, s19  }
0x9c: {  	s22 =	simm.s32 $0x0;
	s4 =	sshll.u32 s4, $0x1;
	s5 =	sadd.s32 s21, s3  }
0x9d: {  	[timem:s22], [sflag:s6] =	dma.local [hbm:s5], s4  }
0x9e: {  	_ =	swait.ge [sflag:s6], s4  }
0x9f: {  	s4 =	ssub.s32 $0x0, s4;
	[sflag:s6] =	ssyncset.done $0x0  }
0xa0: {  	[sflag:s6] =	ssyncadd.s32 s4;
	_ =	sdelay $0x1  }
0xa1: {  	s23 =	simm.s32 $0x1B8B  }
0xa2: {  	_ =	swait.ge [sflag:s23], $0x1  }
0xa3: {  	[sflag:s23] =	ssyncset.done $0x0  }
0xa4: {  	[sflag:s23] =	ssyncadd.s32 $0xFFFFFFFF  }
0xa5: {  	s4 =	sld [smem:$0x0]  }
0xa6: {  	s5 =	sand.u32 $0xFFFFFFFE, s1  }
0xa7: {  	p0 =	sne.s32 s1, s5  }
0xa8: {  	s5 =	sshll.u32 @p0 s5, $0xE  }
0xa9: {  	s5 =	sadd.s32 @p0 $0x11B8D, s5;
	s6 =	sshll.u32 @p0 s4, $0x11  }
0xaa: {  	s5 =	sor.u32 @p0 s6, s5  }
0xab: {  	[sflag:s5] =	ssyncadd.remote.s32 @p0 $0x1;
	_ =	sdelay $0x1  }
0xac: {  	s5 =	simm.s32 @p0 $0x1B8D  }
0xad: {  	_ =	swait.eq @p0 [sflag:s5], $0x1  }
0xae: {  	[sflag:s5] =	ssyncadd.s32 @p0 $0xFFFFFFFF  }
0xaf: {  	s6 =	sshll.u32 @!p0 s1, $0xE  }
0xb0: {  	s6 =	sor.u32 @!p0 $0x4000, s6;
	s5 =	simm.s32 @!p0 $0x1B8D  }
0xb1: {  	s4 =	sshll.u32 @!p0 s4, $0x11;
	s6 =	sadd.s32 @!p0 $0x11B8D, s6;
	_ =	swait.eq @!p0 [sflag:s5], $0x1  }
0xb2: {  	s4 =	sor.u32 @!p0 s4, s6;
	[sflag:s5] =	ssyncadd.s32 @!p0 $0xFFFFFFFF  }
0xb3: {  	s25 =	simm.s32 $0x1B8E;
	s24 =	sld [smem:$0x3FFE];
	[sflag:s4] =	ssyncadd.remote.s32 @!p0 $0x1  }
0xb4: {  	s26 =	simm.s32 $execute0_lowered;
	[smem:$0x3FD2] =	sst s25  }
0xb5: {  	s5 =	sshll.u32 s26, $0x1;
	_ =	strace $0x80000050;
	[dreg:$0x1] =	wrdreg $0xFFFFFFFF  }
0xb6: {  	s28 =	simm.s32 $_size_execute0_lowered;
	s3 =	sadd.s32 s3, s5;
	[dreg:$0x0] =	wrdreg $0x0  }
0xb7: {  	s5 =	sshll.u32 s28, $0x1;
	[dreg:$0x2] =	wrdreg s3  }
0xb8: {  	[dreg:$0x3] =	wrdreg s5  }
0xb9: {  	[dreg:$0x4] =	wrdreg $0xC0  }
0xba: {  	_ =	task [dreg:s22], $0x5FFFF  }
0xbb: {  	[dreg:$0x1] =	wrdreg $0xFFFFFFFF  }
0xbc: {  	[dreg:$0x0] =	wrdreg $0x60  }
0xbd: {  	[dreg:$0x2] =	wrdreg s24  }
0xbe: {  	[dreg:$0x3] =	wrdreg $0x9  }
0xbf: {  	_ =	task.clear_ibuf [dreg:s22], $0x4FFFF;
	_ =	strace $0x90000050  }
0xc0: {  	s29 =	simm.s32 $0x9;
	_ =	strace $0x80000059  }
0xc1: {  	_ =	swait.ge [sflag:s29], $0x1  }
0xc2: {  	[sflag:s29] =	ssyncadd.s32 $0xFFFFFFFF  }
0xc3: {  	_ =	strace $0x90000059  }
0xc4: {  	_ =	sfence  }
0xc5: {  	s30 =	sld [smem:$0x0];
	_ =	sdelay $0x2  }
0xc6: {  	s31 =	sshll.u32 s1, $0xD;
	s1 =	sshrl.u32 s1, $0x2  }
0xc7: {  	s4 =	sand.u32 $0x4000, s31;
	s1 =	sadd.s32 s1, s30  }
0xc8: {  	s0 =	sor.u32 s4, s0;
	s1 =	sshll.u32 s1, $0x11  }
0xc9: {  	s0 =	sor.u32 s1, s0  }
0xca: {  	s0 =	sadd.s32 $0x8F2B, s0  }
0xcb: {  	[sflag:s0] =	ssyncadd.remote.s32 $0x1  }
0xcc: {  	_ =	sfence.sel $0xFFFF  }
0xcd: {  	[dreg:$0x0] =	wrdreg $0xFFFFFFFF;
	(pc) =	sbr.abs _section_cstart, $3  }
0xce: {  	[dreg:$0x1] =	wrdreg $0xFFFFFFFF  }
0xcf: {  	_ =	task.clear_ibuf [dreg:s22], $0x2FFFF;
	_ =	strace $0x9FFFFFFF  }
0xd0: {  	(tm) =	ssettm $0x7FFFFFFF  }
0xd1: {  	_ =	shalt  }
tec
execute0_lowered:
.L_overlay_start_1:
0x0: {  	(tag) =	ssettag $0x1  }
0x1: {  	s4 =	rddreg [dreg:$0x0]  }
0x2: {  	s0 =	rddreg [dreg:$0x1];
	s1 =	simm.s32 $0x0;
	s5 =	srdreg.scid  }
0x3: {  	s8 =	simm.s32 $0x80;
	s9 =	simm.s32 $0x4;
	s10 =	simm.s32 $0x0  }
0x4: {  	[smem:$0x7FF] =	sst s1;
	s2 =	sadd.s32 $0xBE00, s4;
	s3 =	sadd.s32 $0x24BE00, s4  }
0x5: {  	s4 =	sadd.s32 $0x24DE00, s4;
	_ =	strace $0x80000051;
	[dreg:$0x2] =	wrdreg s2  }
0x6: {  	s5 =	sand.u32 $0x1, s5;
	s2 =	stileid.u32;
	[dreg:$0x4] =	wrdreg s4  }
0x7: {  	s6 =	ssub.s32 $0x2, s5;
	s5 =	sshll.u32 s5, $0x4;
	[dreg:$0x3] =	wrdreg s8  }
0x8: {  	s8 =	simm.s32 $0x5;
	s7 =	sshrl.u32 s6, $0x1;
	s5 =	sor.u32 s2, s5  }
0x9: {  	s6 =	ssub.s32 s6, s7;
	s31 =	sshll.u32 s5, $0x8;
	s4 =	sshll.u32 s5, $0x4  }
0xa: {  	s7 =	simm.s32 $0x1;
	s5 =	sadd.s32 s3, s31;
	s6 =	smax.u32 s6, $0x1  }
.LBB2_1:
0xb: {  	_ =	strace $0x80000052;
	s11 =	simm.s32 $0x1;
	p0 =	por $0x0, $0x0  }
0xc: {  	[tilespmem:s1], [sflag:$0x1] =	stream.linear.gather [hbm4b:s5+s1], $0x80, $0x200038;
	[tilespmem:$0x8100] =	vst v63  }
0xd: {  	s11 =	simm.s32 @p0 $0x0  }
0xe: {  	p4 =	por $0x1, $0x1;
	s20 =	sand.u32 $0x1, s1;
	p1 =	sne.s32 s11, $0x0  }
0xf: {  	p2 =	por $0x1, $0x1;
	s18 =	simm.s32 $0xE;
	p0 =	por !p4, !p1  }
0x10: {  	s16 =	simm.s32 $0x0;
	p5 =	por $0x0, $0x0;
	p0 =	por !p0, !p0  }
0x11: {  	s23 =	sadd.s32 $0x0, s4;
	s30 =	sadd.s32 $0x1, s20;
	s12 =	sadd.s32 @p0 s4, s11  }
0x12: {  	_ =	strace $0x90000052;
	s13 =	sand.u32 @p0 $0x1, s7;
	s12 =	sshll.u32 @p0 s12, $0x4  }
0x13: {  	_ =	strace @p0 $0x80000053;
	s15 =	simm.s32 @p0 $0x0;
	s12 =	sand.u32 @p0 $0x1FFFFFF0, s12  }
0x14: {  	s14 =	sshll.u32 @p0 s13, $0x7;
	s13 =	sadd.s32 @p0 $0x1, s13;
	s12 =	sadd.s32 @p0 s3, s12  }
0x15: {  	[tilespmem:s14], [sflag:s13] =	stream.linear.gather @p0 [hbm4b:s12+s15], $0x80, $0x200038;
	[tilespmem:$0x8100] =	vst v63  }
0x16: {  	p3 =	por p2, p2;
	s21 =	sshll.u32 s20, $0xE;
	_ =	strace @p0 $0x90000053  }
0x17: {  	s16 =	sand.u32 $0x80, s16;
	p2 =	por p5, p5;
	_ =	strace $0x80000054  }
0x18: {  	s17 =	sadd.s32 $0x1, s11;
	s22 =	sor.u32 $0x100, s21;
	_ =	swait.ge [sflag:s30], $0x80  }
0x19: {  	s21 =	simm.s32 $0x1;
	p6 =	por p1, p1;
	[sflag:s30] =	ssyncset.done $0x0  }
0x1a: {  	p1 =	por p3, p3;
	p4 =	por $0x1, $0x1;
	[sflag:s30] =	ssyncadd.s32 $0xFFFFFF80  }
0x1b: {  	s12 =	simm.s32 $0xF;
	s15 =	sand.u32 @!p3 $0x1, s1;
	_ =	strace $0x90000054  }
0x1c: {  	s13 =	simm.s32 $0x1;
	p3 =	seq.s32 s17, $0x10;
	_ =	strace $0x80000055  }
0x1d: {  	s13 =	simm.s32 @!p0 $0x0;
	s17 =	simm.s32 @p3 $0x0;
	s19 =	rddreg [dreg:$0x3]  }
0x1e: {  	p0 =	por $0x0, $0x0;
	s14 =	sadd.s32 $0x1, s13;
	s31 =	rddreg [dreg:$0x2]  }
0x1f: {  	[tilespmem:s22], [sflag:$0x5] =	stream.indirect.gather [hbm4b:s31+s19], $0x80, s16, s19, $0x2000b8;
	[tilespmem:$0x8100] =	vst v63  }
0x20: {  	p3 =	sne.s32 s11, s17;
	s21 =	simm.s32 @!p0 $0x0;
	_ =	swait.ge [sflag:s8], $0x4000  }
0x21: {  	p5 =	por !p4, !p3;
	p4 =	por $0x0, $0x0;
	[sflag:s8] =	ssyncset.done $0x0  }
0x22: {  	s13 =	simm.s32 $0x0;
	p6 =	por p4, p6;
	[sflag:s8] =	ssyncadd.s32 $0xFFFFC000  }
0x23: {  	s16 =	simm.s32 $0x0;
	s19 =	simm.s32 $0x0;
	_ =	strace $0x90000055  }
.LBB2_2:
0x24: {  	_ =	strace @p6 $0x80000056;
	s13 =	sadd.s32 s21, s13;
	s21 =	smov.u32 s12  }
0x25: {  	s12 =	smov.u32 s18;
	s18 =	sadd.s32 $0xFFFFFFFF, s18;
	p0 =	por p3, p3  }
0x26: {  	s28 =	sshll.u32 @p6 s23, $0xB;
	s20 =	sadd.s32 @p6 $0x3, s20;
	s24 =	simm.s32 @!p0 $0x0  }
0x27: {  	s25 =	rddreg [dreg:$0x4];
	s28 =	sand.u32 @p6 $0x1FFFF800, s28;
	s24 =	simm.s32 @p0 $0x1  }
0x28: {  	s25 =	sadd.s32 @p6 s25, s28;
	s28 =	simm.s32 @p6 $0x0;
	p0 =	sne.s32 s18, $0x0  }
0x29: {  	[hbm4b:s25+s28] =	stream.linear.scatter @p6 [tilespmem:s22], [sflag:s20], $0x4000, $0x200038;
	[tilespmem:$0x8100] =	vst v63  }
0x2a: {  	s20 =	sadd.s32 @!p1 $0x3, s15;
	s15 =	simm.s32 @!p0 $0x0  }
0x2b: {  	s26 =	simm.s32 $0x1;
	[smem:$0x7FC] =	sst s24;
	s15 =	simm.s32 @p0 $0x1  }
0x2c: {  	s26 =	simm.s32 @!p6 $0x0;
	_ =	strace @p6 $0x90000056;
	[smem:$0x7FD] =	sst s15  }
0x2d: {  	p5 =	por !p5, !p5;
	s19 =	sadd.s32 s26, s19;
	_ =	strace @!p1 $0x80000057  }
0x2e: {  	s24 =	sand.u32 @!p2 $0x1, s13;
	s22 =	sand.u32 @p5 $0x1, s14;
	_ =	swait.ge @!p1 [sflag:s20], $0x4000  }
0x2f: {  	s15 =	smov.u32 s24;
	s24 =	sadd.s32 @p5 s4, s17;
	[sflag:s20] =	ssyncset.done @!p1 $0x0  }
0x30: {  	s25 =	sshll.u32 @p5 s22, $0x7;
	s24 =	sshll.u32 @p5 s24, $0x4;
	[sflag:s20] =	ssyncadd.s32 @!p1 $0xFFFFC000  }
0x31: {  	s20 =	sadd.s32 @p5 $0x1, s22;
	s22 =	sand.u32 @p5 $0x1FFFFFF0, s24;
	_ =	strace @!p1 $0x90000057  }
0x32: {  	s24 =	simm.s32 @p5 $0x0;
	s22 =	sadd.s32 @p5 s3, s22;
	_ =	strace @p5 $0x80000053  }
0x33: {  	[tilespmem:s25], [sflag:s20] =	stream.linear.gather @p5 [hbm4b:s22+s24], $0x80, $0x200038;
	[tilespmem:$0x8100] =	vst v63  }
0x34: {  	s16 =	sadd.s32 s26, s16;
	s26 =	sand.u32 $0x1, s19;
	_ =	strace @p5 $0x90000053  }
0x35: {  	s24 =	sadd.s32 $0x1, s26;
	_ =	strace $0x80000054  }
0x36: {  	_ =	swait.ge [sflag:s24], $0x80  }
0x37: {  	[sflag:s24] =	ssyncset.done $0x0  }
0x38: {  	s20 =	simm.s32 $0x1;
	[sflag:s24] =	ssyncadd.s32 $0xFFFFFF80  }
0x39: {  	s20 =	simm.s32 @!p5 $0x0;
	_ =	strace $0x90000054  }
0x3a: {  	s14 =	sadd.s32 s20, s14;
	s20 =	sand.u32 $0x1, s16;
	_ =	strace $0x80000055  }
0x3b: {  	s29 =	sshll.u32 s19, $0x7;
	s25 =	sshll.u32 s20, $0xE;
	s26 =	rddreg [dreg:$0x3]  }
0x3c: {  	s29 =	sand.u32 $0x80, s29;
	s22 =	sor.u32 $0x100, s25;
	s30 =	rddreg [dreg:$0x2]  }
0x3d: {  	[tilespmem:s22], [sflag:$0x5] =	stream.indirect.gather [hbm4b:s30+s26], $0x80, s29, s26, $0x2000b8;
	[tilespmem:$0x8100] =	vst v63  }
0x3e: {  	_ =	swait.ge [sflag:s8], $0x4000  }
0x3f: {  	s31 =	sadd.s32 $0x1, s17;
	[sflag:s8] =	ssyncset.done $0x0  }
0x40: {  	s23 =	sadd.s32 s4, s11;
	s11 =	smov.u32 s17;
	[sflag:s8] =	ssyncadd.s32 $0xFFFFC000  }
0x41: {  	p3 =	seq.s32 s31, $0x10;
	s17 =	smov.u32 s31;
	_ =	strace $0x90000055  }
0x42: {  	s17 =	simm.s32 @p3 $0x0;
	s31 =	sld [smem:$0x7FD]  }
0x43: {  	p6 =	sne.s32 s12, $0x1;
	p0 =	sne.s32 s21, $0x10;
	p3 =	sne.s32 s11, s17  }
0x44: {  	p5 =	por !p6, !p3;
	p6 =	seq.s32 s21, $0x1;
	s21 =	simm.s32 $0x1  }
0x45: {  	s21 =	simm.s32 @!p0 $0x0;
	p0 =	seq.s32 s31, $0x1  }
.Ltmp0:
0x46: {  	s30 =	sld [smem:$0x7FC];
	(pc) =	sbr.rel @p0 .LBB2_2-.Ltmp0, $4  }
0x47: {  	_ = 	snop  }
0x48: {  	p4 =	seq.s32 s12, $0x10  }
0x49: {  	p1 =	por p2, p2;
	p2 =	por p4, p4;
	p4 =	seq.s32 s30, $0x1  }
0x4a: {  	p6 =	por p6, p4  }
0x4b: {  	_ =	strace @p6 $0x80000056;
	s23 =	sshll.u32 @p6 s23, $0xB  }
0x4c: {  	s18 =	rddreg [dreg:$0x4];
	s23 =	sand.u32 @p6 $0x1FFFF800, s23  }
0x4d: {  	s20 =	sadd.s32 @p6 $0x3, s20;
	s18 =	sadd.s32 @p6 s18, s23;
	s23 =	simm.s32 @p6 $0x0  }
0x4e: {  	[hbm4b:s18+s23] =	stream.linear.scatter @p6 [tilespmem:s22], [sflag:s20], $0x4000, $0x200038;
	[tilespmem:$0x8100] =	vst v63  }
0x4f: {  	p0 =	por !p5, !p5;
	_ =	strace @p6 $0x90000056  }
0x50: {  	s15 =	sadd.s32 @!p1 $0x3, s15;
	s17 =	sadd.s32 @p0 s4, s17;
	_ =	strace @!p1 $0x80000057  }
0x51: {  	s14 =	sand.u32 @p0 $0x1, s14;
	s17 =	sshll.u32 @p0 s17, $0x4;
	_ =	swait.ge @!p1 [sflag:s15], $0x4000  }
0x52: {  	s18 =	simm.s32 $0x1;
	s20 =	sshll.u32 @p0 s14, $0x7;
	[sflag:s15] =	ssyncset.done @!p1 $0x0  }
0x53: {  	s14 =	sadd.s32 @p0 $0x1, s14;
	s18 =	simm.s32 @!p6 $0x0;
	[sflag:s15] =	ssyncadd.s32 @!p1 $0xFFFFC000  }
0x54: {  	s19 =	sadd.s32 s18, s19;
	s15 =	sand.u32 @p0 $0x1FFFFFF0, s17;
	_ =	strace @!p1 $0x90000057  }
0x55: {  	s17 =	simm.s32 @p0 $0x0;
	s15 =	sadd.s32 @p0 s3, s15;
	_ =	strace @p0 $0x80000053  }
0x56: {  	[tilespmem:s20], [sflag:s14] =	stream.linear.gather @p0 [hbm4b:s15+s17], $0x80, $0x200038;
	[tilespmem:$0x8100] =	vst v63  }
0x57: {  	s25 =	sand.u32 $0x1, s19;
	_ =	strace @p0 $0x90000053  }
0x58: {  	s14 =	sadd.s32 $0x1, s25;
	_ =	strace $0x80000054  }
0x59: {  	_ =	swait.ge [sflag:s14], $0x80  }
0x5a: {  	[sflag:s14] =	ssyncset.done $0x0  }
0x5b: {  	[sflag:s14] =	ssyncadd.s32 $0xFFFFFF80  }
0x5c: {  	s26 =	sadd.s32 s18, s16;
	_ =	strace $0x90000054  }
0x5d: {  	s14 =	sand.u32 $0x1, s26;
	_ =	strace $0x80000055  }
0x5e: {  	s30 =	sshll.u32 s19, $0x7;
	s31 =	sshll.u32 s14, $0xE;
	s28 =	rddreg [dreg:$0x3]  }
0x5f: {  	s17 =	sand.u32 $0x80, s30;
	s18 =	sor.u32 $0x100, s31;
	s29 =	rddreg [dreg:$0x2]  }
0x60: {  	[tilespmem:s18], [sflag:$0x5] =	stream.indirect.gather [hbm4b:s29+s28], $0x80, s17, s28, $0x2000b8;
	[tilespmem:$0x8100] =	vst v63  }
0x61: {  	_ =	swait.ge [sflag:s8], $0x4000  }
0x62: {  	[sflag:s8] =	ssyncset.done $0x0  }
0x63: {  	p5 =	por p3, p3;
	p6 =	seq.s32 s12, $0x1;
	[sflag:s8] =	ssyncadd.s32 $0xFFFFC000  }
0x64: {  	s11 =	sadd.s32 s4, s11;
	p0 =	por p6, p5;
	_ =	strace $0x90000055  }
0x65: {  	s11 =	sshll.u32 @p0 s11, $0xB;
	_ =	strace @p0 $0x80000056  }
0x66: {  	s13 =	sadd.s32 s21, s13;
	s11 =	sand.u32 @p0 $0x1FFFF800, s11;
	s12 =	rddreg [dreg:$0x4]  }
0x67: {  	s14 =	sadd.s32 @p0 $0x3, s14;
	s11 =	sadd.s32 @p0 s12, s11;
	s12 =	simm.s32 @p0 $0x0  }
0x68: {  	[hbm4b:s11+s12] =	stream.linear.scatter @p0 [tilespmem:s18], [sflag:s14], $0x4000, $0x200038;
	[tilespmem:$0x8100] =	vst v63  }
0x69: {  	p1 =	por p2, p2;
	s11 =	sand.u32 @!p2 $0x1, s13;
	_ =	strace @p0 $0x90000056  }
0x6a: {  	s11 =	sadd.s32 @!p1 $0x3, s11;
	_ =	strace @!p1 $0x80000057  }
0x6b: {  	_ =	swait.ge @!p1 [sflag:s11], $0x4000  }
0x6c: {  	[sflag:s11] =	ssyncset.done @!p1 $0x0  }
0x6d: {  	s10 =	sadd.s32 $0x1, s10;
	[sflag:s11] =	ssyncadd.s32 @!p1 $0xFFFFC000  }
0x6e: {  	p0 =	sne.s32 s10, s6;
	_ =	strace @!p1 $0x90000057  }
.Ltmp1:
0x6f: {  	_ =	strace $0x80000058;
	(pc) =	sbr.rel @p0 .LBB2_1-.Ltmp1, $4  }
0x70: {  	_ =	swait.ge [sflag:s9], $0x4000  }
0x71: {  	[sflag:s9] =	ssyncset.done $0x0  }
0x72: {  	[sflag:s9] =	ssyncadd.s32 $0xFFFFC000  }
0x73: {  	_ =	strace $0x90000058  }
0x74: {  	_ =	sfence.sel $0x180000  }
0x75: {  	[bflag:$0x0] =	sbarrier.arrive $0xFFFF  }
0x76: {  	p0 =	sne.s32 s2, $0x0;
	_ =	strace $0x90000051  }
0x77: {  	s0 =	sadd.s32 @!p0 $0x100000, s0;
	[bflag:$0x2] =	sbarrier.arrive $0xFFFF  }
0x78: {  	[sflag:s0] =	ssyncadd.tile.s32 @!p0 $0x1;
	_ =	shalt  }
.Lfunc_end2:
_tile_overlayer_lowered:
.L_overlay_start_2:
0x79: {  	(tag) =	ssettag $0x2  }
0x7a: {  	s0 =	rddreg [dreg:$0x0];
	s2 =	stileid.u32  }
0x7b: {  	s1 =	rddreg [dreg:$0x1];
	p0 =	sne.s32 s2, $0x0  }
0x7c: {  	s3 =	rddreg [dreg:$0x2];
	[bflag:$0x3] =	sbarrier.arrive $0xFFFF;
	s2 =	simm.s32 @!p0 $0x1C01  }
0x7d: {  	[timem:s3], [sflag:s2] =	dma.local @!p0 [hbm:s0], s1  }
0x7e: {  	s0 =	simm.s32 @!p0 $0x1  }
0x7f: {  	_ =	swait.ge @!p0 [sflag:s0], s1  }
0x80: {  	s1 =	ssub.s32 @!p0 $0x0, s1;
	[sflag:s0] =	ssyncset.done @!p0 $0x0  }
0x81: {  	[sflag:s0] =	ssyncadd.s32 @!p0 s1  }
0x82: {  	[bflag:$0x3] =	sbarrier.arrive $0xFFFF  }
0x83: {  	_ =	shalt  }

// kernel: kernel.22.cloned.1.call-start
scs
__scs_entry_jumppad:
0x0: {  	(pc) =	sbr.rel $0x88, $3  }
0x1: {  	(tag) =	ssettag $0x0;
	lr =	simm.s32 $0x1  }
0x2: {  	[smem:$0x3F7B] =	sst lr;
	_ =	strace $0xD0000000  }
0x3: {  	_ = 	snop  }
0x4: {  	_ = 	snop  }
0x5: {  	_ = 	snop  }
0x6: {  	_ = 	snop  }
0x7: {  	_ = 	snop  }
__scs_overlays_trampoline_lowered:
0x8: {  	[smem:$0x3F8A] =	sst s0  }
0x9: {  	[smem:$0x3F8B] =	sst s1  }
0xa: {  	[smem:$0x3F8C] =	sst s2  }
0xb: {  	[smem:$0x3F8D] =	sst s3  }
0xc: {  	[smem:$0x3F8E] =	sst s4  }
0xd: {  	[smem:$0x3F8F] =	sst s5  }
0xe: {  	[smem:$0x3F90] =	sst s6  }
0xf: {  	[smem:$0x3F91] =	sst s7  }
0x10: {  	[smem:$0x3F92] =	sst s8  }
0x11: {  	[smem:$0x3F93] =	sst s9;
	s0 =	simm.s32 @!p0 $0x0  }
0x12: {  	s1 =	sld [smem:$0x3F79];
	s0 =	simm.s32 @p0 $0x1  }
0x13: {  	[smem:$0x3F94] =	sst s0;
	s0 =	simm.s32 @!p1 $0x0  }
0x14: {  	s2 =	sld [smem:$0x3F78];
	s0 =	simm.s32 @p1 $0x1  }
0x15: {  	[smem:$0x3F95] =	sst s0;
	s0 =	simm.s32 @!p2 $0x0  }
0x16: {  	s3 =	sld [smem:$0x3FDB];
	s0 =	simm.s32 @p2 $0x1  }
0x17: {  	s4 =	simm.s32 $0x1BF5;
	[smem:$0x3F97] =	sst s0  }
0x18: {  	s0 =	sld [smem:$0x3F7A];
	_ =	swait.ge [sflag:s4], $0x0  }
0x19: {  	s7 =	sld [smem:$0x3F7B]  }
0x1a: {  	s8 =	sadd.s32 $0xFFFFE003, lr  }
0x1b: {  	s9 =	sadd.s32 $0xFFFFFEF7, lr;
	s5 =	simm.s32 $0xFFFFFFFF;
	p2 =	slt.u32 s8, $0xFFFFF086  }
0x1c: {  	p1 =	slt.u32 s9, $0xF7A;
	s5 =	simm.s32 @!p2 $0x0  }
0x1d: {  	s5 =	simm.s32 @p1 $0x1;
	p0 =	seq.s32 s7, s2  }
0x1e: {  	s7 =	smul.u32 @!p0 $0xF7A, s2;
	p2 =	seq.s32 @!p0 s5, $0x0  }
0x1f: {  	s9 =	smul.u32 $0xF7A, s1;
	s8 =	simm.s32 @!p0 $0x1BF5;
	p2 =	por !p2, p0  }
0x20: {  	[sflag:s8] =	ssyncset.s32 @!p0 $0xFFFFF086;
	s6 =	sadd.s32 @!p0 s3, s7;
	s7 =	simm.s32 @!p0 $0x108  }
0x21: {  	s3 =	sadd.s32 s3, s9;
	s6 =	sadd.s32 @!p0 $0x88, s6;
	s7 =	simm.s32 @p2 $0x1082  }
0x22: {  	[simem:s7], [sflag:s8] =	dma.local @!p0 [hbm:s6], $0xF7A  }
0x23: {  	s9 =	sor.u32 $0xD0000000, s2;
	s6 =	simm.s32 $0x108;
	_ =	swait.ge @!p0 [sflag:s8], $0x0  }
0x24: {  	s3 =	sadd.s32 $0x88, s3;
	s6 =	simm.s32 @!p1 $0x1082;
	[sflag:s4] =	ssyncset.s32 $0xFFFFF086  }
0x25: {  	[simem:s6], [sflag:s4] =	dma.local [hbm:s3], $0xF7A  }
0x26: {  	[smem:$0x3F7B] =	sst s1;
	(tag) =	ssettag s2;
	_ =	strace s9  }
0x27: {  	s1 =	sld [smem:$0x3F8B]  }
0x28: {  	s2 =	sld [smem:$0x3F8C]  }
0x29: {  	s4 =	sld [smem:$0x3F8E]  }
0x2a: {  	p0 =	seq.s32 s5, $0x0;
	s5 =	sld [smem:$0x3F8F]  }
0x2b: {  	s6 =	sld [smem:$0x3F90]  }
0x2c: {  	s7 =	sld [smem:$0x3F91]  }
0x2d: {  	s3 =	simm.s32 $0x108;
	s8 =	sld [smem:$0x3F92]  }
0x2e: {  	s3 =	simm.s32 @!p0 $0x1082;
	s9 =	sld [smem:$0x3F93]  }
0x2f: {  	lr =	sadd.s32 s0, s3;
	s0 =	sld [smem:$0x3F8A]  }
0x30: {  	s3 =	sld [smem:$0x3F8D]  }
0x31: {  	[smem:$0x3F96] =	sst s10  }
0x32: {  	s10 =	sld [smem:$0x3F94];
	_ =	sdelay $0x3  }
0x33: {  	p0 =	seq.s32 s10, $0x1;
	s10 =	sld [smem:$0x3F96];
	_ =	sdelay $0x3  }
0x34: {  	[smem:$0x3F96] =	sst s10  }
0x35: {  	s10 =	sld [smem:$0x3F95];
	_ =	sdelay $0x3  }
0x36: {  	p1 =	seq.s32 s10, $0x1;
	s10 =	sld [smem:$0x3F96];
	_ =	sdelay $0x3  }
0x37: {  	[smem:$0x3F96] =	sst s10  }
0x38: {  	s10 =	sld [smem:$0x3F97]  }
0x39: {  	_ = 	snop;
	(pc) =	sbr.ind lr, $3  }
0x3a: {  	_ = 	snop  }
0x3b: {  	_ = 	snop  }
0x3c: {  	p2 =	seq.s32 s10, $0x1;
	s10 =	sld [smem:$0x3F96]  }
0x3d: {  	_ =	shalt  }
0x3e: {  	_ =	shalt  }
0x3f: {  	_ =	shalt  }
0x40: {  	_ =	shalt  }
0x41: {  	_ =	shalt  }
0x42: {  	_ =	shalt  }
0x43: {  	_ =	shalt  }
0x44: {  	_ =	shalt  }
0x45: {  	_ =	shalt  }
0x46: {  	_ =	shalt  }
0x47: {  	_ =	shalt  }
0x48: {  	_ =	shalt  }
0x49: {  	_ =	shalt  }
0x4a: {  	_ =	shalt  }
0x4b: {  	_ =	shalt  }
0x4c: {  	_ =	shalt  }
0x4d: {  	_ =	shalt  }
0x4e: {  	_ =	shalt  }
0x4f: {  	_ =	shalt  }
0x50: {  	_ =	shalt  }
0x51: {  	_ =	shalt  }
0x52: {  	_ =	shalt  }
0x53: {  	_ =	shalt  }
0x54: {  	_ =	shalt  }
0x55: {  	_ =	shalt  }
0x56: {  	_ =	shalt  }
0x57: {  	_ =	shalt  }
0x58: {  	_ =	shalt  }
0x59: {  	_ =	shalt  }
0x5a: {  	_ =	shalt  }
0x5b: {  	_ =	shalt  }
0x5c: {  	_ =	shalt  }
0x5d: {  	_ =	shalt  }
0x5e: {  	_ =	shalt  }
0x5f: {  	_ =	shalt  }
0x60: {  	_ =	shalt  }
0x61: {  	_ =	shalt  }
0x62: {  	_ =	shalt  }
0x63: {  	_ =	shalt  }
0x64: {  	_ =	shalt  }
0x65: {  	_ =	shalt  }
0x66: {  	_ =	shalt  }
0x67: {  	_ =	shalt  }
0x68: {  	_ =	shalt  }
0x69: {  	_ =	shalt  }
0x6a: {  	_ =	shalt  }
0x6b: {  	_ =	shalt  }
0x6c: {  	_ =	shalt  }
0x6d: {  	_ =	shalt  }
0x6e: {  	_ =	shalt  }
0x6f: {  	_ =	shalt  }
0x70: {  	_ =	shalt  }
0x71: {  	_ =	shalt  }
0x72: {  	_ =	shalt  }
0x73: {  	_ =	shalt  }
0x74: {  	_ =	shalt  }
0x75: {  	_ =	shalt  }
0x76: {  	_ =	shalt  }
0x77: {  	_ =	shalt  }
0x78: {  	_ =	shalt  }
0x79: {  	_ =	shalt  }
0x7a: {  	_ =	shalt  }
0x7b: {  	_ =	shalt  }
0x7c: {  	_ =	shalt  }
0x7d: {  	_ =	shalt  }
0x7e: {  	_ =	shalt  }
0x7f: {  	_ =	shalt  }
0x80: {  	_ =	shalt  }
0x81: {  	_ =	shalt  }
0x82: {  	_ =	shalt  }
0x83: {  	_ =	shalt  }
0x84: {  	_ =	shalt  }
0x85: {  	_ =	shalt  }
0x86: {  	_ =	shalt  }
0x87: {  	_ =	shalt  }
.Lfunc_end0:
.L_simem_size_0:
called_computation.1_lowered:
.L_overlay_start_0:
0x88: {  	s2 =	sld [smem:$0x3FD9]  }
0x89: {  	s3 =	sld [smem:$0x3FFE];
	_ =	sdelay $0x1  }
0x8a: {  	s1 =	srdreg.scid  }
0x8b: {  	s0 =	sand.u32 $0x1, s1  }
0x8c: {  	s16 =	sshll.u32 s0, $0xA;
	s2 =	sadd.s32 s3, s2  }
0x8d: {  	s2 =	sadd.s32 s2, s16  }
0x8e: {  	[smem:$0x3FA2] =	sst s2  }
0x8f: {  	_ = 	snop  }
0x90: {  	(tm) =	ssettm $0x1  }
0x91: {  	s17 =	sld [smem:$0x3FFB];
	_ =	sdelay $0x3  }
0x92: {  	_ =	strace s17  }
0x93: {  	s2 =	sld [smem:$0x3FFC];
	_ =	sdelay $0x3  }
0x94: {  	_ =	strace s2  }
0x95: {  	s2 =	sld [smem:$0x3FFD];
	_ =	sdelay $0x3  }
0x96: {  	_ =	strace s2  }
0x97: {  	_ =	strace $0x8FFFFFFF  }
0x98: {  	s18 =	sld [smem:$0x3FDB];
	_ =	sdelay $0x1  }
0x99: {  	s19 =	simm.s32 $_scs_section_size  }
0x9a: {  	s4 =	simm.s32 $_size__tile_overlayer_lowered;
	s5 =	simm.s32 $_tile_overlayer_lowered  }
0x9b: {  	s22 =	simm.s32 $0x1BFF;
	s21 =	sshll.u32 s5, $0x1;
	s2 =	sadd.s32 s19, s18  }
0x9c: {  	s6 =	simm.s32 $0x0;
	s20 =	sshll.u32 s4, $0x1;
	s4 =	sadd.s32 s21, s2  }
0x9d: {  	[timem:s6], [sflag:s22] =	dma.local [hbm:s4], s20  }
0x9e: {  	_ =	swait.ge [sflag:s22], s20  }
0x9f: {  	s3 =	ssub.s32 $0x0, s20;
	[sflag:s22] =	ssyncset.done $0x0  }
0xa0: {  	[sflag:s22] =	ssyncadd.s32 s3;
	_ =	sdelay $0x1  }
0xa1: {  	s23 =	simm.s32 $0x1B8B  }
0xa2: {  	_ =	swait.ge [sflag:s23], $0x1  }
0xa3: {  	[sflag:s23] =	ssyncset.done $0x0  }
0xa4: {  	s25 =	simm.s32 $0x1B8E;
	s24 =	sld [smem:$0x3FFE];
	[sflag:s23] =	ssyncadd.s32 $0xFFFFFFFF  }
0xa5: {  	s26 =	simm.s32 $execute0_lowered;
	[smem:$0x3FD2] =	sst s25  }
0xa6: {  	s4 =	sshll.u32 s26, $0x1;
	_ =	strace $0x80000046;
	[dreg:$0x1] =	wrdreg $0xFFFFFFFF  }
0xa7: {  	s28 =	simm.s32 $_size_execute0_lowered;
	s2 =	sadd.s32 s2, s4;
	[dreg:$0x0] =	wrdreg $0x0  }
0xa8: {  	s4 =	sshll.u32 s28, $0x1;
	[dreg:$0x2] =	wrdreg s2  }
0xa9: {  	[dreg:$0x3] =	wrdreg s4  }
0xaa: {  	[dreg:$0x4] =	wrdreg $0xC0  }
0xab: {  	_ =	task [dreg:s6], $0x5FFFF  }
0xac: {  	[dreg:$0x1] =	wrdreg $0xFFFFFFFF  }
0xad: {  	[dreg:$0x0] =	wrdreg $0x60  }
0xae: {  	[dreg:$0x2] =	wrdreg s24  }
0xaf: {  	[dreg:$0x3] =	wrdreg $0xA  }
0xb0: {  	_ =	task.clear_ibuf [dreg:s6], $0x4FFFF;
	_ =	strace $0x90000046  }
0xb1: {  	s29 =	simm.s32 $0xA;
	_ =	strace $0x8000004F  }
0xb2: {  	_ =	swait.ge [sflag:s29], $0x1  }
0xb3: {  	[sflag:s29] =	ssyncadd.s32 $0xFFFFFFFF  }
0xb4: {  	_ =	strace $0x9000004F  }
0xb5: {  	_ =	sfence  }
0xb6: {  	s30 =	sld [smem:$0x0];
	_ =	sdelay $0x2  }
0xb7: {  	s31 =	sshll.u32 s1, $0xD;
	s1 =	sshrl.u32 s1, $0x2  }
0xb8: {  	s3 =	sand.u32 $0x4000, s31;
	s1 =	sadd.s32 s1, s30  }
0xb9: {  	s0 =	sor.u32 s3, s0;
	s1 =	sshll.u32 s1, $0x11  }
0xba: {  	s0 =	sor.u32 s1, s0  }
0xbb: {  	s0 =	sadd.s32 $0x8F2B, s0  }
0xbc: {  	[sflag:s0] =	ssyncadd.remote.s32 $0x1  }
0xbd: {  	_ =	sfence.sel $0xFFFF  }
0xbe: {  	[dreg:$0x0] =	wrdreg $0xFFFFFFFF;
	(pc) =	sbr.abs _section_cstart, $3  }
0xbf: {  	[dreg:$0x1] =	wrdreg $0xFFFFFFFF  }
0xc0: {  	_ =	task.clear_ibuf [dreg:s6], $0x2FFFF;
	_ =	strace $0x9FFFFFFF  }
0xc1: {  	(tm) =	ssettm $0x7FFFFFFF  }
tec
execute0_lowered:
.L_overlay_start_1:
0x0: {  	(tag) =	ssettag $0x1  }
0x1: {  	s4 =	rddreg [dreg:$0x0]  }
0x2: {  	s0 =	rddreg [dreg:$0x1];
	s1 =	simm.s32 $0x0;
	s5 =	srdreg.scid  }
0x3: {  	s8 =	simm.s32 $0x80;
	s9 =	simm.s32 $0x4;
	s10 =	simm.s32 $0x0  }
0x4: {  	[smem:$0x7FF] =	sst s1;
	s2 =	sadd.s32 $0xBE00, s4;
	s3 =	sadd.s32 $0x7E00, s4  }
0x5: {  	s4 =	sadd.s32 $0x4BE00, s4;
	_ =	strace $0x80000047;
	[dreg:$0x2] =	wrdreg s2  }
0x6: {  	s5 =	sand.u32 $0x1, s5;
	s2 =	stileid.u32;
	[dreg:$0x4] =	wrdreg s4  }
0x7: {  	s6 =	ssub.s32 $0x2, s5;
	s5 =	sshll.u32 s5, $0x4;
	[dreg:$0x3] =	wrdreg s8  }
0x8: {  	s8 =	simm.s32 $0x5;
	s7 =	sshrl.u32 s6, $0x1;
	s5 =	sor.u32 s2, s5  }
0x9: {  	s6 =	ssub.s32 s6, s7;
	s31 =	sshll.u32 s5, $0x9;
	s4 =	sshll.u32 s5, $0x5  }
0xa: {  	s7 =	simm.s32 $0x1;
	s5 =	sadd.s32 s3, s31;
	s6 =	smax.u32 s6, $0x1  }
.LBB2_1:
0xb: {  	_ =	strace $0x80000048;
	s11 =	simm.s32 $0x1;
	p0 =	por $0x0, $0x0  }
0xc: {  	[tilespmem:s1], [sflag:$0x1] =	stream.linear.gather [hbm4b:s5+s1], $0x80, $0x200038;
	[tilespmem:$0x8100] =	vst v63  }
0xd: {  	s11 =	simm.s32 @p0 $0x0  }
0xe: {  	p4 =	por $0x1, $0x1;
	s20 =	sand.u32 $0x1, s1;
	p1 =	sne.s32 s11, $0x0  }
0xf: {  	p2 =	por $0x1, $0x1;
	s18 =	simm.s32 $0x1E;
	p0 =	por !p4, !p1  }
0x10: {  	s16 =	simm.s32 $0x0;
	p5 =	por $0x0, $0x0;
	p0 =	por !p0, !p0  }
0x11: {  	s23 =	sadd.s32 $0x0, s4;
	s30 =	sadd.s32 $0x1, s20;
	s12 =	sadd.s32 @p0 s4, s11  }
0x12: {  	_ =	strace $0x90000048;
	s13 =	sand.u32 @p0 $0x1, s7;
	s12 =	sshll.u32 @p0 s12, $0x4  }
0x13: {  	_ =	strace @p0 $0x80000049;
	s15 =	simm.s32 @p0 $0x0;
	s12 =	sand.u32 @p0 $0x1FFFFFF0, s12  }
0x14: {  	s14 =	sshll.u32 @p0 s13, $0x7;
	s13 =	sadd.s32 @p0 $0x1, s13;
	s12 =	sadd.s32 @p0 s3, s12  }
0x15: {  	[tilespmem:s14], [sflag:s13] =	stream.linear.gather @p0 [hbm4b:s12+s15], $0x80, $0x200038;
	[tilespmem:$0x8100] =	vst v63  }
0x16: {  	p3 =	por p2, p2;
	s21 =	sshll.u32 s20, $0xE;
	_ =	strace @p0 $0x90000049  }
0x17: {  	s16 =	sand.u32 $0x80, s16;
	p2 =	por p5, p5;
	_ =	strace $0x8000004A  }
0x18: {  	s17 =	sadd.s32 $0x1, s11;
	s22 =	sor.u32 $0x100, s21;
	_ =	swait.ge [sflag:s30], $0x80  }
0x19: {  	s21 =	simm.s32 $0x1;
	p6 =	por p1, p1;
	[sflag:s30] =	ssyncset.done $0x0  }
0x1a: {  	p1 =	por p3, p3;
	p4 =	por $0x1, $0x1;
	[sflag:s30] =	ssyncadd.s32 $0xFFFFFF80  }
0x1b: {  	s12 =	simm.s32 $0x1F;
	s15 =	sand.u32 @!p3 $0x1, s1;
	_ =	strace $0x9000004A  }
0x1c: {  	s13 =	simm.s32 $0x1;
	p3 =	seq.s32 s17, $0x20;
	_ =	strace $0x8000004B  }
0x1d: {  	s13 =	simm.s32 @!p0 $0x0;
	s17 =	simm.s32 @p3 $0x0;
	s19 =	rddreg [dreg:$0x3]  }
0x1e: {  	p0 =	por $0x0, $0x0;
	s14 =	sadd.s32 $0x1, s13;
	s31 =	rddreg [dreg:$0x2]  }
0x1f: {  	[tilespmem:s22], [sflag:$0x5] =	stream.indirect.gather [hbm4b:s31+s19], $0x80, s16, s19, $0x2000b8;
	[tilespmem:$0x8100] =	vst v63  }
0x20: {  	p3 =	sne.s32 s11, s17;
	s21 =	simm.s32 @!p0 $0x0;
	_ =	swait.ge [sflag:s8], $0x4000  }
0x21: {  	p5 =	por !p4, !p3;
	p4 =	por $0x0, $0x0;
	[sflag:s8] =	ssyncset.done $0x0  }
0x22: {  	s13 =	simm.s32 $0x0;
	p6 =	por p4, p6;
	[sflag:s8] =	ssyncadd.s32 $0xFFFFC000  }
0x23: {  	s16 =	simm.s32 $0x0;
	s19 =	simm.s32 $0x0;
	_ =	strace $0x9000004B  }
.LBB2_2:
0x24: {  	_ =	strace @p6 $0x8000004C;
	s13 =	sadd.s32 s21, s13;
	s21 =	smov.u32 s12  }
0x25: {  	s12 =	smov.u32 s18;
	s18 =	sadd.s32 $0xFFFFFFFF, s18;
	p0 =	por p3, p3  }
0x26: {  	s28 =	sshll.u32 @p6 s23, $0xB;
	s20 =	sadd.s32 @p6 $0x3, s20;
	s24 =	simm.s32 @!p0 $0x0  }
0x27: {  	s25 =	rddreg [dreg:$0x4];
	s28 =	sand.u32 @p6 $0x1FFFF800, s28;
	s24 =	simm.s32 @p0 $0x1  }
0x28: {  	s25 =	sadd.s32 @p6 s25, s28;
	s28 =	simm.s32 @p6 $0x0;
	p0 =	sne.s32 s18, $0x0  }
0x29: {  	[hbm4b:s25+s28] =	stream.linear.scatter @p6 [tilespmem:s22], [sflag:s20], $0x4000, $0x200038;
	[tilespmem:$0x8100] =	vst v63  }
0x2a: {  	s20 =	sadd.s32 @!p1 $0x3, s15;
	s15 =	simm.s32 @!p0 $0x0  }
0x2b: {  	s26 =	simm.s32 $0x1;
	[smem:$0x7FC] =	sst s24;
	s15 =	simm.s32 @p0 $0x1  }
0x2c: {  	s26 =	simm.s32 @!p6 $0x0;
	_ =	strace @p6 $0x9000004C;
	[smem:$0x7FD] =	sst s15  }
0x2d: {  	p5 =	por !p5, !p5;
	s19 =	sadd.s32 s26, s19;
	_ =	strace @!p1 $0x8000004D  }
0x2e: {  	s24 =	sand.u32 @!p2 $0x1, s13;
	s22 =	sand.u32 @p5 $0x1, s14;
	_ =	swait.ge @!p1 [sflag:s20], $0x4000  }
0x2f: {  	s15 =	smov.u32 s24;
	s24 =	sadd.s32 @p5 s4, s17;
	[sflag:s20] =	ssyncset.done @!p1 $0x0  }
0x30: {  	s25 =	sshll.u32 @p5 s22, $0x7;
	s24 =	sshll.u32 @p5 s24, $0x4;
	[sflag:s20] =	ssyncadd.s32 @!p1 $0xFFFFC000  }
0x31: {  	s20 =	sadd.s32 @p5 $0x1, s22;
	s22 =	sand.u32 @p5 $0x1FFFFFF0, s24;
	_ =	strace @!p1 $0x9000004D  }
0x32: {  	s24 =	simm.s32 @p5 $0x0;
	s22 =	sadd.s32 @p5 s3, s22;
	_ =	strace @p5 $0x80000049  }
0x33: {  	[tilespmem:s25], [sflag:s20] =	stream.linear.gather @p5 [hbm4b:s22+s24], $0x80, $0x200038;
	[tilespmem:$0x8100] =	vst v63  }
0x34: {  	s16 =	sadd.s32 s26, s16;
	s26 =	sand.u32 $0x1, s19;
	_ =	strace @p5 $0x90000049  }
0x35: {  	s24 =	sadd.s32 $0x1, s26;
	_ =	strace $0x8000004A  }
0x36: {  	_ =	swait.ge [sflag:s24], $0x80  }
0x37: {  	[sflag:s24] =	ssyncset.done $0x0  }
0x38: {  	s20 =	simm.s32 $0x1;
	[sflag:s24] =	ssyncadd.s32 $0xFFFFFF80  }
0x39: {  	s20 =	simm.s32 @!p5 $0x0;
	_ =	strace $0x9000004A  }
0x3a: {  	s14 =	sadd.s32 s20, s14;
	s20 =	sand.u32 $0x1, s16;
	_ =	strace $0x8000004B  }
0x3b: {  	s29 =	sshll.u32 s19, $0x7;
	s25 =	sshll.u32 s20, $0xE;
	s26 =	rddreg [dreg:$0x3]  }
0x3c: {  	s29 =	sand.u32 $0x80, s29;
	s22 =	sor.u32 $0x100, s25;
	s30 =	rddreg [dreg:$0x2]  }
0x3d: {  	[tilespmem:s22], [sflag:$0x5] =	stream.indirect.gather [hbm4b:s30+s26], $0x80, s29, s26, $0x2000b8;
	[tilespmem:$0x8100] =	vst v63  }
0x3e: {  	_ =	swait.ge [sflag:s8], $0x4000  }
0x3f: {  	s31 =	sadd.s32 $0x1, s17;
	[sflag:s8] =	ssyncset.done $0x0  }
0x40: {  	s23 =	sadd.s32 s4, s11;
	s11 =	smov.u32 s17;
	[sflag:s8] =	ssyncadd.s32 $0xFFFFC000  }
0x41: {  	p3 =	seq.s32 s31, $0x20;
	s17 =	smov.u32 s31;
	_ =	strace $0x9000004B  }
0x42: {  	s17 =	simm.s32 @p3 $0x0;
	s31 =	sld [smem:$0x7FD]  }
0x43: {  	p6 =	sne.s32 s12, $0x1;
	p0 =	sne.s32 s21, $0x20;
	p3 =	sne.s32 s11, s17  }
0x44: {  	p5 =	por !p6, !p3;
	p6 =	seq.s32 s21, $0x1;
	s21 =	simm.s32 $0x1  }
0x45: {  	s21 =	simm.s32 @!p0 $0x0;
	p0 =	seq.s32 s31, $0x1  }
.Ltmp0:
0x46: {  	s30 =	sld [smem:$0x7FC];
	(pc) =	sbr.rel @p0 .LBB2_2-.Ltmp0, $4  }
0x47: {  	_ = 	snop  }
0x48: {  	p4 =	seq.s32 s12, $0x20  }
0x49: {  	p1 =	por p2, p2;
	p2 =	por p4, p4;
	p4 =	seq.s32 s30, $0x1  }
0x4a: {  	p6 =	por p6, p4  }
0x4b: {  	_ =	strace @p6 $0x8000004C;
	s23 =	sshll.u32 @p6 s23, $0xB  }
0x4c: {  	s18 =	rddreg [dreg:$0x4];
	s23 =	sand.u32 @p6 $0x1FFFF800, s23  }
0x4d: {  	s20 =	sadd.s32 @p6 $0x3, s20;
	s18 =	sadd.s32 @p6 s18, s23;
	s23 =	simm.s32 @p6 $0x0  }
0x4e: {  	[hbm4b:s18+s23] =	stream.linear.scatter @p6 [tilespmem:s22], [sflag:s20], $0x4000, $0x200038;
	[tilespmem:$0x8100] =	vst v63  }
0x4f: {  	p0 =	por !p5, !p5;
	_ =	strace @p6 $0x9000004C  }
0x50: {  	s15 =	sadd.s32 @!p1 $0x3, s15;
	s17 =	sadd.s32 @p0 s4, s17;
	_ =	strace @!p1 $0x8000004D  }
0x51: {  	s14 =	sand.u32 @p0 $0x1, s14;
	s17 =	sshll.u32 @p0 s17, $0x4;
	_ =	swait.ge @!p1 [sflag:s15], $0x4000  }
0x52: {  	s18 =	simm.s32 $0x1;
	s20 =	sshll.u32 @p0 s14, $0x7;
	[sflag:s15] =	ssyncset.done @!p1 $0x0  }
0x53: {  	s14 =	sadd.s32 @p0 $0x1, s14;
	s18 =	simm.s32 @!p6 $0x0;
	[sflag:s15] =	ssyncadd.s32 @!p1 $0xFFFFC000  }
0x54: {  	s19 =	sadd.s32 s18, s19;
	s15 =	sand.u32 @p0 $0x1FFFFFF0, s17;
	_ =	strace @!p1 $0x9000004D  }
0x55: {  	s17 =	simm.s32 @p0 $0x0;
	s15 =	sadd.s32 @p0 s3, s15;
	_ =	strace @p0 $0x80000049  }
0x56: {  	[tilespmem:s20], [sflag:s14] =	stream.linear.gather @p0 [hbm4b:s15+s17], $0x80, $0x200038;
	[tilespmem:$0x8100] =	vst v63  }
0x57: {  	s25 =	sand.u32 $0x1, s19;
	_ =	strace @p0 $0x90000049  }
0x58: {  	s14 =	sadd.s32 $0x1, s25;
	_ =	strace $0x8000004A  }
0x59: {  	_ =	swait.ge [sflag:s14], $0x80  }
0x5a: {  	[sflag:s14] =	ssyncset.done $0x0  }
0x5b: {  	[sflag:s14] =	ssyncadd.s32 $0xFFFFFF80  }
0x5c: {  	s26 =	sadd.s32 s18, s16;
	_ =	strace $0x9000004A  }
0x5d: {  	s14 =	sand.u32 $0x1, s26;
	_ =	strace $0x8000004B  }
0x5e: {  	s30 =	sshll.u32 s19, $0x7;
	s31 =	sshll.u32 s14, $0xE;
	s28 =	rddreg [dreg:$0x3]  }
0x5f: {  	s17 =	sand.u32 $0x80, s30;
	s18 =	sor.u32 $0x100, s31;
	s29 =	rddreg [dreg:$0x2]  }
0x60: {  	[tilespmem:s18], [sflag:$0x5] =	stream.indirect.gather [hbm4b:s29+s28], $0x80, s17, s28, $0x2000b8;
	[tilespmem:$0x8100] =	vst v63  }
0x61: {  	_ =	swait.ge [sflag:s8], $0x4000  }
0x62: {  	[sflag:s8] =	ssyncset.done $0x0  }
0x63: {  	p5 =	por p3, p3;
	p6 =	seq.s32 s12, $0x1;
	[sflag:s8] =	ssyncadd.s32 $0xFFFFC000  }
0x64: {  	s11 =	sadd.s32 s4, s11;
	p0 =	por p6, p5;
	_ =	strace $0x9000004B  }
0x65: {  	s11 =	sshll.u32 @p0 s11, $0xB;
	_ =	strace @p0 $0x8000004C  }
0x66: {  	s13 =	sadd.s32 s21, s13;
	s11 =	sand.u32 @p0 $0x1FFFF800, s11;
	s12 =	rddreg [dreg:$0x4]  }
0x67: {  	s14 =	sadd.s32 @p0 $0x3, s14;
	s11 =	sadd.s32 @p0 s12, s11;
	s12 =	simm.s32 @p0 $0x0  }
0x68: {  	[hbm4b:s11+s12] =	stream.linear.scatter @p0 [tilespmem:s18], [sflag:s14], $0x4000, $0x200038;
	[tilespmem:$0x8100] =	vst v63  }
0x69: {  	p1 =	por p2, p2;
	s11 =	sand.u32 @!p2 $0x1, s13;
	_ =	strace @p0 $0x9000004C  }
0x6a: {  	s11 =	sadd.s32 @!p1 $0x3, s11;
	_ =	strace @!p1 $0x8000004D  }
0x6b: {  	_ =	swait.ge @!p1 [sflag:s11], $0x4000  }
0x6c: {  	[sflag:s11] =	ssyncset.done @!p1 $0x0  }
0x6d: {  	s10 =	sadd.s32 $0x1, s10;
	[sflag:s11] =	ssyncadd.s32 @!p1 $0xFFFFC000  }
0x6e: {  	p0 =	sne.s32 s10, s6;
	_ =	strace @!p1 $0x9000004D  }
.Ltmp1:
0x6f: {  	_ =	strace $0x8000004E;
	(pc) =	sbr.rel @p0 .LBB2_1-.Ltmp1, $4  }
0x70: {  	_ =	swait.ge [sflag:s9], $0x4000  }
0x71: {  	[sflag:s9] =	ssyncset.done $0x0  }
0x72: {  	[sflag:s9] =	ssyncadd.s32 $0xFFFFC000  }
0x73: {  	_ =	strace $0x9000004E  }
0x74: {  	_ =	sfence.sel $0x180000  }
0x75: {  	[bflag:$0x0] =	sbarrier.arrive $0xFFFF  }
0x76: {  	p0 =	sne.s32 s2, $0x0;
	_ =	strace $0x90000047  }
0x77: {  	s0 =	sadd.s32 @!p0 $0x100000, s0;
	[bflag:$0x2] =	sbarrier.arrive $0xFFFF  }
0x78: {  	[sflag:s0] =	ssyncadd.tile.s32 @!p0 $0x1;
	_ =	shalt  }
.Lfunc_end2:
_tile_overlayer_lowered:
.L_overlay_start_2:
0x79: {  	(tag) =	ssettag $0x2  }
0x7a: {  	s0 =	rddreg [dreg:$0x0];
	s2 =	stileid.u32  }
0x7b: {  	s1 =	rddreg [dreg:$0x1];
	p0 =	sne.s32 s2, $0x0  }
0x7c: {  	s3 =	rddreg [dreg:$0x2];
	[bflag:$0x3] =	sbarrier.arrive $0xFFFF;
	s2 =	simm.s32 @!p0 $0x1C01  }
0x7d: {  	[timem:s3], [sflag:s2] =	dma.local @!p0 [hbm:s0], s1  }
0x7e: {  	s0 =	simm.s32 @!p0 $0x1  }
0x7f: {  	_ =	swait.ge @!p0 [sflag:s0], s1  }
0x80: {  	s1 =	ssub.s32 @!p0 $0x0, s1;
	[sflag:s0] =	ssyncset.done @!p0 $0x0  }
0x81: {  	[sflag:s0] =	ssyncadd.s32 @!p0 s1  }
0x82: {  	[bflag:$0x3] =	sbarrier.arrive $0xFFFF  }
0x83: {  	_ =	shalt  }

// kernel: kernel.25.cloned.1.call-start
scs
__scs_entry_jumppad:
0x0: {  	(pc) =	sbr.rel $0x88, $3  }
0x1: {  	(tag) =	ssettag $0x0;
	lr =	simm.s32 $0x1  }
0x2: {  	[smem:$0x3F7B] =	sst lr;
	_ =	strace $0xD0000000  }
0x3: {  	_ = 	snop  }
0x4: {  	_ = 	snop  }
0x5: {  	_ = 	snop  }
0x6: {  	_ = 	snop  }
0x7: {  	_ = 	snop  }
__scs_overlays_trampoline_lowered:
0x8: {  	[smem:$0x3F8A] =	sst s0  }
0x9: {  	[smem:$0x3F8B] =	sst s1  }
0xa: {  	[smem:$0x3F8C] =	sst s2  }
0xb: {  	[smem:$0x3F8D] =	sst s3  }
0xc: {  	[smem:$0x3F8E] =	sst s4  }
0xd: {  	[smem:$0x3F8F] =	sst s5  }
0xe: {  	[smem:$0x3F90] =	sst s6  }
0xf: {  	[smem:$0x3F91] =	sst s7  }
0x10: {  	[smem:$0x3F92] =	sst s8  }
0x11: {  	[smem:$0x3F93] =	sst s9;
	s0 =	simm.s32 @!p0 $0x0  }
0x12: {  	s1 =	sld [smem:$0x3F79];
	s0 =	simm.s32 @p0 $0x1  }
0x13: {  	[smem:$0x3F94] =	sst s0;
	s0 =	simm.s32 @!p1 $0x0  }
0x14: {  	s2 =	sld [smem:$0x3F78];
	s0 =	simm.s32 @p1 $0x1  }
0x15: {  	[smem:$0x3F95] =	sst s0;
	s0 =	simm.s32 @!p2 $0x0  }
0x16: {  	s3 =	sld [smem:$0x3FDB];
	s0 =	simm.s32 @p2 $0x1  }
0x17: {  	s4 =	simm.s32 $0x1BF5;
	[smem:$0x3F97] =	sst s0  }
0x18: {  	s0 =	sld [smem:$0x3F7A];
	_ =	swait.ge [sflag:s4], $0x0  }
0x19: {  	s7 =	sld [smem:$0x3F7B]  }
0x1a: {  	s8 =	sadd.s32 $0xFFFFE003, lr  }
0x1b: {  	s9 =	sadd.s32 $0xFFFFFEF7, lr;
	s5 =	simm.s32 $0xFFFFFFFF;
	p2 =	slt.u32 s8, $0xFFFFF086  }
0x1c: {  	p1 =	slt.u32 s9, $0xF7A;
	s5 =	simm.s32 @!p2 $0x0  }
0x1d: {  	s5 =	simm.s32 @p1 $0x1;
	p0 =	seq.s32 s7, s2  }
0x1e: {  	s7 =	smul.u32 @!p0 $0xF7A, s2;
	p2 =	seq.s32 @!p0 s5, $0x0  }
0x1f: {  	s9 =	smul.u32 $0xF7A, s1;
	s8 =	simm.s32 @!p0 $0x1BF5;
	p2 =	por !p2, p0  }
0x20: {  	[sflag:s8] =	ssyncset.s32 @!p0 $0xFFFFF086;
	s6 =	sadd.s32 @!p0 s3, s7;
	s7 =	simm.s32 @!p0 $0x108  }
0x21: {  	s3 =	sadd.s32 s3, s9;
	s6 =	sadd.s32 @!p0 $0x88, s6;
	s7 =	simm.s32 @p2 $0x1082  }
0x22: {  	[simem:s7], [sflag:s8] =	dma.local @!p0 [hbm:s6], $0xF7A  }
0x23: {  	s9 =	sor.u32 $0xD0000000, s2;
	s6 =	simm.s32 $0x108;
	_ =	swait.ge @!p0 [sflag:s8], $0x0  }
0x24: {  	s3 =	sadd.s32 $0x88, s3;
	s6 =	simm.s32 @!p1 $0x1082;
	[sflag:s4] =	ssyncset.s32 $0xFFFFF086  }
0x25: {  	[simem:s6], [sflag:s4] =	dma.local [hbm:s3], $0xF7A  }
0x26: {  	[smem:$0x3F7B] =	sst s1;
	(tag) =	ssettag s2;
	_ =	strace s9  }
0x27: {  	s1 =	sld [smem:$0x3F8B]  }
0x28: {  	s2 =	sld [smem:$0x3F8C]  }
0x29: {  	s4 =	sld [smem:$0x3F8E]  }
0x2a: {  	p0 =	seq.s32 s5, $0x0;
	s5 =	sld [smem:$0x3F8F]  }
0x2b: {  	s6 =	sld [smem:$0x3F90]  }
0x2c: {  	s7 =	sld [smem:$0x3F91]  }
0x2d: {  	s3 =	simm.s32 $0x108;
	s8 =	sld [smem:$0x3F92]  }
0x2e: {  	s3 =	simm.s32 @!p0 $0x1082;
	s9 =	sld [smem:$0x3F93]  }
0x2f: {  	lr =	sadd.s32 s0, s3;
	s0 =	sld [smem:$0x3F8A]  }
0x30: {  	s3 =	sld [smem:$0x3F8D]  }
0x31: {  	[smem:$0x3F96] =	sst s10  }
0x32: {  	s10 =	sld [smem:$0x3F94];
	_ =	sdelay $0x3  }
0x33: {  	p0 =	seq.s32 s10, $0x1;
	s10 =	sld [smem:$0x3F96];
	_ =	sdelay $0x3  }
0x34: {  	[smem:$0x3F96] =	sst s10  }
0x35: {  	s10 =	sld [smem:$0x3F95];
	_ =	sdelay $0x3  }
0x36: {  	p1 =	seq.s32 s10, $0x1;
	s10 =	sld [smem:$0x3F96];
	_ =	sdelay $0x3  }
0x37: {  	[smem:$0x3F96] =	sst s10  }
0x38: {  	s10 =	sld [smem:$0x3F97]  }
0x39: {  	_ = 	snop;
	(pc) =	sbr.ind lr, $3  }
0x3a: {  	_ = 	snop  }
0x3b: {  	_ = 	snop  }
0x3c: {  	p2 =	seq.s32 s10, $0x1;
	s10 =	sld [smem:$0x3F96]  }
0x3d: {  	_ =	shalt  }
0x3e: {  	_ =	shalt  }
0x3f: {  	_ =	shalt  }
0x40: {  	_ =	shalt  }
0x41: {  	_ =	shalt  }
0x42: {  	_ =	shalt  }
0x43: {  	_ =	shalt  }
0x44: {  	_ =	shalt  }
0x45: {  	_ =	shalt  }
0x46: {  	_ =	shalt  }
0x47: {  	_ =	shalt  }
0x48: {  	_ =	shalt  }
0x49: {  	_ =	shalt  }
0x4a: {  	_ =	shalt  }
0x4b: {  	_ =	shalt  }
0x4c: {  	_ =	shalt  }
0x4d: {  	_ =	shalt  }
0x4e: {  	_ =	shalt  }
0x4f: {  	_ =	shalt  }
0x50: {  	_ =	shalt  }
0x51: {  	_ =	shalt  }
0x52: {  	_ =	shalt  }
0x53: {  	_ =	shalt  }
0x54: {  	_ =	shalt  }
0x55: {  	_ =	shalt  }
0x56: {  	_ =	shalt  }
0x57: {  	_ =	shalt  }
0x58: {  	_ =	shalt  }
0x59: {  	_ =	shalt  }
0x5a: {  	_ =	shalt  }
0x5b: {  	_ =	shalt  }
0x5c: {  	_ =	shalt  }
0x5d: {  	_ =	shalt  }
0x5e: {  	_ =	shalt  }
0x5f: {  	_ =	shalt  }
0x60: {  	_ =	shalt  }
0x61: {  	_ =	shalt  }
0x62: {  	_ =	shalt  }
0x63: {  	_ =	shalt  }
0x64: {  	_ =	shalt  }
0x65: {  	_ =	shalt  }
0x66: {  	_ =	shalt  }
0x67: {  	_ =	shalt  }
0x68: {  	_ =	shalt  }
0x69: {  	_ =	shalt  }
0x6a: {  	_ =	shalt  }
0x6b: {  	_ =	shalt  }
0x6c: {  	_ =	shalt  }
0x6d: {  	_ =	shalt  }
0x6e: {  	_ =	shalt  }
0x6f: {  	_ =	shalt  }
0x70: {  	_ =	shalt  }
0x71: {  	_ =	shalt  }
0x72: {  	_ =	shalt  }
0x73: {  	_ =	shalt  }
0x74: {  	_ =	shalt  }
0x75: {  	_ =	shalt  }
0x76: {  	_ =	shalt  }
0x77: {  	_ =	shalt  }
0x78: {  	_ =	shalt  }
0x79: {  	_ =	shalt  }
0x7a: {  	_ =	shalt  }
0x7b: {  	_ =	shalt  }
0x7c: {  	_ =	shalt  }
0x7d: {  	_ =	shalt  }
0x7e: {  	_ =	shalt  }
0x7f: {  	_ =	shalt  }
0x80: {  	_ =	shalt  }
0x81: {  	_ =	shalt  }
0x82: {  	_ =	shalt  }
0x83: {  	_ =	shalt  }
0x84: {  	_ =	shalt  }
0x85: {  	_ =	shalt  }
0x86: {  	_ =	shalt  }
0x87: {  	_ =	shalt  }
.Lfunc_end0:
.L_simem_size_0:
called_computation.2_lowered:
.L_overlay_start_0:
0x88: {  	s2 =	sld [smem:$0x3FD9]  }
0x89: {  	s3 =	sld [smem:$0x3FFE];
	_ =	sdelay $0x1  }
0x8a: {  	s1 =	srdreg.scid  }
0x8b: {  	s0 =	sand.u32 $0x1, s1  }
0x8c: {  	s17 =	sshll.u32 s0, $0xA;
	s2 =	sadd.s32 s3, s2  }
0x8d: {  	s2 =	sadd.s32 s2, s17  }
0x8e: {  	[smem:$0x3FA2] =	sst s2  }
0x8f: {  	_ = 	snop  }
0x90: {  	(tm) =	ssettm $0x1  }
0x91: {  	s18 =	sld [smem:$0x3FFB];
	_ =	sdelay $0x3  }
0x92: {  	_ =	strace s18  }
0x93: {  	s2 =	sld [smem:$0x3FFC];
	_ =	sdelay $0x3  }
0x94: {  	_ =	strace s2  }
0x95: {  	s2 =	sld [smem:$0x3FFD];
	_ =	sdelay $0x3  }
0x96: {  	_ =	strace s2  }
0x97: {  	_ =	strace $0x8FFFFFFF  }
0x98: {  	s19 =	sld [smem:$0x3FDB];
	_ =	sdelay $0x1  }
0x99: {  	s20 =	simm.s32 $_scs_section_size  }
0x9a: {  	s4 =	simm.s32 $_size__tile_overlayer_lowered;
	s5 =	simm.s32 $_tile_overlayer_lowered  }
0x9b: {  	s6 =	simm.s32 $0x1BFF;
	s21 =	sshll.u32 s5, $0x1;
	s3 =	sadd.s32 s20, s19  }
0x9c: {  	s22 =	simm.s32 $0x0;
	s4 =	sshll.u32 s4, $0x1;
	s5 =	sadd.s32 s21, s3  }
0x9d: {  	[timem:s22], [sflag:s6] =	dma.local [hbm:s5], s4  }
0x9e: {  	_ =	swait.ge [sflag:s6], s4  }
0x9f: {  	s4 =	ssub.s32 $0x0, s4;
	[sflag:s6] =	ssyncset.done $0x0  }
0xa0: {  	[sflag:s6] =	ssyncadd.s32 s4;
	_ =	sdelay $0x1  }
0xa1: {  	s23 =	simm.s32 $0x1B8B  }
0xa2: {  	_ =	swait.ge [sflag:s23], $0x1  }
0xa3: {  	[sflag:s23] =	ssyncset.done $0x0  }
0xa4: {  	[sflag:s23] =	ssyncadd.s32 $0xFFFFFFFF  }
0xa5: {  	s4 =	sld [smem:$0x0]  }
0xa6: {  	s5 =	sand.u32 $0xFFFFFFFE, s1  }
0xa7: {  	p0 =	sne.s32 s1, s5  }
0xa8: {  	s5 =	sshll.u32 @p0 s5, $0xE  }
0xa9: {  	s5 =	sadd.s32 @p0 $0x11B8D, s5;
	s6 =	sshll.u32 @p0 s4, $0x11  }
0xaa: {  	s5 =	sor.u32 @p0 s6, s5  }
0xab: {  	[sflag:s5] =	ssyncadd.remote.s32 @p0 $0x1;
	_ =	sdelay $0x1  }
0xac: {  	s5 =	simm.s32 @p0 $0x1B8D  }
0xad: {  	_ =	swait.eq @p0 [sflag:s5], $0x1  }
0xae: {  	[sflag:s5] =	ssyncadd.s32 @p0 $0xFFFFFFFF  }
0xaf: {  	s6 =	sshll.u32 @!p0 s1, $0xE  }
0xb0: {  	s6 =	sor.u32 @!p0 $0x4000, s6;
	s5 =	simm.s32 @!p0 $0x1B8D  }
0xb1: {  	s4 =	sshll.u32 @!p0 s4, $0x11;
	s6 =	sadd.s32 @!p0 $0x11B8D, s6;
	_ =	swait.eq @!p0 [sflag:s5], $0x1  }
0xb2: {  	s4 =	sor.u32 @!p0 s4, s6;
	[sflag:s5] =	ssyncadd.s32 @!p0 $0xFFFFFFFF  }
0xb3: {  	s25 =	simm.s32 $0x1B8E;
	s24 =	sld [smem:$0x3FFE];
	[sflag:s4] =	ssyncadd.remote.s32 @!p0 $0x1  }
0xb4: {  	s26 =	simm.s32 $execute0_lowered;
	[smem:$0x3FD2] =	sst s25  }
0xb5: {  	s5 =	sshll.u32 s26, $0x1;
	_ =	strace $0x8000005A;
	[dreg:$0x1] =	wrdreg $0xFFFFFFFF  }
0xb6: {  	s28 =	simm.s32 $_size_execute0_lowered;
	s3 =	sadd.s32 s3, s5;
	[dreg:$0x0] =	wrdreg $0x0  }
0xb7: {  	s5 =	sshll.u32 s28, $0x1;
	[dreg:$0x2] =	wrdreg s3  }
0xb8: {  	[dreg:$0x3] =	wrdreg s5  }
0xb9: {  	[dreg:$0x4] =	wrdreg $0xC0  }
0xba: {  	_ =	task [dreg:s22], $0x5FFFF  }
0xbb: {  	[dreg:$0x1] =	wrdreg $0xFFFFFFFF  }
0xbc: {  	[dreg:$0x0] =	wrdreg $0x60  }
0xbd: {  	[dreg:$0x2] =	wrdreg s24  }
0xbe: {  	[dreg:$0x3] =	wrdreg $0xB  }
0xbf: {  	_ =	task.clear_ibuf [dreg:s22], $0x4FFFF;
	_ =	strace $0x9000005A  }
0xc0: {  	s29 =	simm.s32 $0xB;
	_ =	strace $0x80000063  }
0xc1: {  	_ =	swait.ge [sflag:s29], $0x1  }
0xc2: {  	[sflag:s29] =	ssyncadd.s32 $0xFFFFFFFF  }
0xc3: {  	_ =	strace $0x90000063  }
0xc4: {  	_ =	sfence  }
0xc5: {  	s30 =	sld [smem:$0x0];
	_ =	sdelay $0x2  }
0xc6: {  	s31 =	sshll.u32 s1, $0xD;
	s1 =	sshrl.u32 s1, $0x2  }
0xc7: {  	s4 =	sand.u32 $0x4000, s31;
	s1 =	sadd.s32 s1, s30  }
0xc8: {  	s0 =	sor.u32 s4, s0;
	s1 =	sshll.u32 s1, $0x11  }
0xc9: {  	s0 =	sor.u32 s1, s0  }
0xca: {  	s0 =	sadd.s32 $0x8F2B, s0  }
0xcb: {  	[sflag:s0] =	ssyncadd.remote.s32 $0x1  }
0xcc: {  	_ =	sfence.sel $0xFFFF  }
0xcd: {  	[dreg:$0x0] =	wrdreg $0xFFFFFFFF;
	(pc) =	sbr.abs _section_cstart, $3  }
0xce: {  	[dreg:$0x1] =	wrdreg $0xFFFFFFFF  }
0xcf: {  	_ =	task.clear_ibuf [dreg:s22], $0x2FFFF;
	_ =	strace $0x9FFFFFFF  }
0xd0: {  	(tm) =	ssettm $0x7FFFFFFF  }
0xd1: {  	_ =	shalt  }
tec
execute0_lowered:
.L_overlay_start_1:
0x0: {  	(tag) =	ssettag $0x1  }
0x1: {  	s2 =	rddreg [dreg:$0x0]  }
0x2: {  	s0 =	rddreg [dreg:$0x1]  }
0x3: {  	s1 =	simm.s32 $0x0;
	s4 =	srdreg.scid;
	s8 =	simm.s32 $0x80  }
0x4: {  	s9 =	simm.s32 $0x5;
	s10 =	simm.s32 $0x0;
	[smem:$0x7FF] =	sst s1  }
0x5: {  	s3 =	sadd.s32 $0xBE00, s2;
	s5 =	sadd.s32 $0x35DE00, s2;
	s4 =	sand.u32 $0x1, s4  }
0x6: {  	_ =	strace $0x8000005B;
	[dreg:$0x2] =	wrdreg s3;
	s3 =	sadd.s32 $0x34DE00, s2  }
0x7: {  	s2 =	stileid.u32;
	s6 =	ssub.s32 $0x2, s4;
	s4 =	sshll.u32 s4, $0x4  }
0x8: {  	[dreg:$0x3] =	wrdreg s5;
	s30 =	sshrl.u32 s6, $0x1;
	s7 =	sor.u32 s2, s4  }
0x9: {  	s6 =	ssub.s32 s6, s30;
	s4 =	sshll.u32 s7, $0x7;
	s31 =	sshll.u32 s7, $0xB  }
0xa: {  	s7 =	simm.s32 $0x1;
	s5 =	sadd.s32 s3, s31;
	s6 =	smax.u32 s6, $0x1  }
.LBB2_1:
0xb: {  	_ =	strace $0x8000005C;
	s11 =	simm.s32 $0x1;
	p0 =	por $0x0, $0x0  }
0xc: {  	[tilespmem:s1], [sflag:$0x1] =	stream.linear.gather [hbm4b:s5+s1], $0x80, $0x200038;
	[tilespmem:$0x8100] =	vst v63  }
0xd: {  	s11 =	simm.s32 @p0 $0x0  }
0xe: {  	p5 =	por $0x1, $0x1;
	p1 =	sne.s32 s11, $0x0  }
0xf: {  	p0 =	por !p5, !p1  }
0x10: {  	s21 =	sand.u32 $0x1, s1;
	p3 =	por !p0, !p0  }
0x11: {  	s31 =	simm.s32 $0x0;
	s18 =	sadd.s32 $0x0, s4;
	s12 =	sadd.s32 @p3 s4, s11  }
0x12: {  	_ =	strace $0x9000005C;
	s13 =	sand.u32 @p3 $0x1, s7;
	s12 =	sshll.u32 @p3 s12, $0x4  }
0x13: {  	s14 =	simm.s32 @p3 $0x0;
	_ =	strace @p3 $0x8000005D;
	s12 =	sand.u32 @p3 $0x1FFFFFF0, s12  }
0x14: {  	s15 =	sshll.u32 @p3 s13, $0x7;
	s13 =	sadd.s32 @p3 $0x1, s13;
	s12 =	sadd.s32 @p3 s3, s12  }
0x15: {  	[tilespmem:s15], [sflag:s13] =	stream.linear.gather @p3 [hbm4b:s12+s14], $0x80, $0x200038;
	[tilespmem:$0x8100] =	vst v63  }
0x16: {  	p4 =	por $0x0, $0x0;
	p6 =	por $0x0, $0x0;
	_ =	strace @p3 $0x9000005D  }
0x17: {  	s30 =	sadd.s32 $0x1, s21;
	s16 =	sshll.u32 s21, $0xE;
	_ =	strace $0x8000005E  }
0x18: {  	s24 =	simm.s32 $0x1;
	s22 =	sor.u32 $0x100, s16;
	_ =	swait.ge [sflag:s30], $0x80  }
0x19: {  	s16 =	simm.s32 $0x1;
	p0 =	por $0x1, $0x1;
	[sflag:s30] =	ssyncset.done $0x0  }
0x1a: {  	s16 =	simm.s32 @!p4 $0x0;
	p2 =	por p0, p0;
	[sflag:s30] =	ssyncadd.s32 $0xFFFFFF80  }
0x1b: {  	s12 =	simm.s32 $0x7F;
	s14 =	simm.s32 $0x7E;
	_ =	strace $0x9000005E  }
0x1c: {  	s15 =	sand.u32 @!p0 $0x1, s1;
	p0 =	por $0x0, $0x0;
	_ =	strace $0x8000005F  }
0x1d: {  	s13 =	sand.u32 $0x80, s31;
	s19 =	sadd.s32 @!p2 $0x3, s15;
	s17 =	rddreg [dreg:$0x2]  }
0x1e: {  	[tilespmem:s22], [sflag:$0x5] =	stream.indirect.gather [hbm4b:s17+s8], $0x80, s13, s8, $0x2000b8;
	[tilespmem:$0x8100] =	vst v63  }
0x1f: {  	s15 =	simm.s32 $0x0;
	s17 =	sadd.s32 $0x1, s11;
	s13 =	simm.s32 $0x1  }
0x20: {  	_ =	swait.ge [sflag:s9], $0x4000;
	p5 =	seq.s32 s17, $0x80;
	s13 =	simm.s32 @!p3 $0x0  }
0x21: {  	[sflag:s9] =	ssyncset.done $0x0;
	s17 =	simm.s32 @p5 $0x0;
	p5 =	por p6, p1  }
0x22: {  	p6 =	por $0x1, $0x1;
	s20 =	sadd.s32 $0x1, s13;
	s13 =	simm.s32 $0x0  }
0x23: {  	[sflag:s9] =	ssyncadd.s32 $0xFFFFC000;
	p1 =	sne.s32 s11, s17;
	s23 =	sshll.u32 @p5 s18, $0xB  }
0x24: {  	s24 =	simm.s32 @!p5 $0x0;
	p3 =	por !p6, !p1;
	_ =	strace $0x9000005F  }
0x25: {  	s18 =	simm.s32 $0x0;
	p3 =	por !p3, !p3;
	_ =	strace @p5 $0x80000060  }
0x26: {  	s25 =	sand.u32 @p3 $0x1, s20;
	s28 =	sadd.s32 @p3 s4, s17;
	s26 =	rddreg [dreg:$0x3]  }
.LBB2_2:
0x27: {  	s28 =	sshll.u32 @p3 s28, $0x4;
	s29 =	sand.u32 @p5 $0x1FFFF800, s23;
	s15 =	sadd.s32 s24, s15  }
0x28: {  	s23 =	smov.u32 s12;
	s12 =	smov.u32 s14;
	s21 =	sadd.s32 @p5 $0x3, s21  }
0x29: {  	s30 =	simm.s32 @p5 $0x0;
	s18 =	sadd.s32 s24, s18;
	s26 =	sadd.s32 @p5 s26, s29  }
0x2a: {  	[hbm4b:s26+s30] =	stream.linear.scatter @p5 [tilespmem:s22], [sflag:s21], $0x4000, $0x200038;
	[tilespmem:$0x8100] =	vst v63  }
0x2b: {  	s14 =	sadd.s32 $0xFFFFFFFF, s14;
	s13 =	sadd.s32 s16, s13;
	_ =	strace @p5 $0x90000060  }
0x2c: {  	s28 =	sand.u32 @p3 $0x1FFFFFF0, s28;
	s24 =	sshll.u32 s18, $0x7;
	_ =	strace @!p2 $0x80000061  }
0x2d: {  	p4 =	sne.s32 s14, $0x0;
	s16 =	sand.u32 @!p0 $0x1, s13;
	_ =	swait.ge @!p2 [sflag:s19], $0x4000  }
0x2e: {  	s28 =	sadd.s32 @p3 s3, s28;
	s26 =	sand.u32 $0x1, s18;
	[sflag:s19] =	ssyncset.done @!p2 $0x0  }
0x2f: {  	s22 =	simm.s32 @p3 $0x0;
	s21 =	sand.u32 $0x1, s15;
	[sflag:s19] =	ssyncadd.s32 @!p2 $0xFFFFC000  }
0x30: {  	s24 =	sand.u32 $0x80, s24;
	s29 =	sadd.s32 $0x1, s26;
	_ =	strace @!p2 $0x90000061  }
0x31: {  	s19 =	sshll.u32 @p3 s25, $0x7;
	s25 =	sadd.s32 @p3 $0x1, s25;
	_ =	strace @p3 $0x8000005D  }
0x32: {  	[tilespmem:s19], [sflag:s25] =	stream.linear.gather @p3 [hbm4b:s28+s22], $0x80, $0x200038;
	[tilespmem:$0x8100] =	vst v63  }
0x33: {  	s31 =	sshll.u32 s21, $0xE;
	s26 =	simm.s32 $0x1;
	_ =	strace @p3 $0x9000005D  }
0x34: {  	p5 =	sne.s32 s23, $0x80;
	s26 =	simm.s32 @!p3 $0x0;
	_ =	strace $0x8000005E  }
0x35: {  	s20 =	sadd.s32 s26, s20;
	p2 =	por p0, p0;
	_ =	swait.ge [sflag:s29], $0x80  }
0x36: {  	s25 =	sadd.s32 s4, s11;
	s11 =	smov.u32 s17;
	[sflag:s29] =	ssyncset.done $0x0  }
0x37: {  	s19 =	sadd.s32 @!p2 $0x3, s16;
	s22 =	sor.u32 $0x100, s31;
	[sflag:s29] =	ssyncadd.s32 $0xFFFFFF80  }
0x38: {  	s16 =	simm.s32 $0x1;
	s17 =	sadd.s32 $0x1, s17;
	_ =	strace $0x9000005E  }
0x39: {  	s16 =	simm.s32 @!p5 $0x0;
	p6 =	seq.s32 s17, $0x80;
	_ =	strace $0x8000005F  }
0x3a: {  	p5 =	seq.s32 s23, $0x1;
	s17 =	simm.s32 @p6 $0x0;
	s30 =	rddreg [dreg:$0x2]  }
0x3b: {  	[tilespmem:s22], [sflag:$0x5] =	stream.indirect.gather [hbm4b:s30+s8], $0x80, s24, s8, $0x2000b8;
	[tilespmem:$0x8100] =	vst v63  }
0x3c: {  	p5 =	por p5, p1;
	p6 =	sne.s32 s12, $0x1;
	_ =	swait.ge [sflag:s9], $0x4000  }
.Ltmp0:
0x3d: {  	p1 =	sne.s32 s11, s17;
	[sflag:s9] =	ssyncset.done $0x0;
	(pc) =	sbr.rel @p4 .LBB2_2-.Ltmp0, $4  }
0x3e: {  	p0 =	seq.s32 s12, $0x80;
	p3 =	por !p6, !p1;
	[sflag:s9] =	ssyncadd.s32 $0xFFFFC000  }
0x3f: {  	s23 =	sshll.u32 @p5 s25, $0xB;
	p3 =	por !p3, !p3;
	_ =	strace $0x9000005F  }
0x40: {  	s25 =	sand.u32 @p3 $0x1, s20;
	s24 =	simm.s32 $0x1;
	_ =	strace @p5 $0x80000060  }
0x41: {  	s28 =	sadd.s32 @p3 s4, s17;
	s24 =	simm.s32 @!p5 $0x0;
	s26 =	rddreg [dreg:$0x3]  }
0x42: {  	s14 =	sand.u32 @p5 $0x1FFFF800, s23  }
0x43: {  	s17 =	sadd.s32 @p5 $0x3, s21;
	s20 =	simm.s32 @p5 $0x0;
	s14 =	sadd.s32 @p5 s26, s14  }
0x44: {  	[hbm4b:s14+s20] =	stream.linear.scatter @p5 [tilespmem:s22], [sflag:s17], $0x4000, $0x200038;
	[tilespmem:$0x8100] =	vst v63  }
0x45: {  	_ =	strace @p5 $0x90000060  }
0x46: {  	_ =	strace @!p2 $0x80000061  }
0x47: {  	_ =	swait.ge @!p2 [sflag:s19], $0x4000  }
0x48: {  	s23 =	sadd.s32 s24, s18;
	[sflag:s19] =	ssyncset.done @!p2 $0x0  }
0x49: {  	s18 =	simm.s32 @p3 $0x0;
	s14 =	sshll.u32 @p3 s28, $0x4;
	[sflag:s19] =	ssyncadd.s32 @!p2 $0xFFFFC000  }
0x4a: {  	s20 =	sadd.s32 @p3 $0x1, s25;
	s14 =	sand.u32 @p3 $0x1FFFFFF0, s14;
	_ =	strace @!p2 $0x90000061  }
0x4b: {  	s14 =	sadd.s32 @p3 s3, s14;
	s19 =	sshll.u32 @p3 s25, $0x7;
	_ =	strace @p3 $0x8000005D  }
0x4c: {  	[tilespmem:s19], [sflag:s20] =	stream.linear.gather @p3 [hbm4b:s14+s18], $0x80, $0x200038;
	[tilespmem:$0x8100] =	vst v63  }
0x4d: {  	s26 =	sand.u32 $0x1, s23;
	_ =	strace @p3 $0x9000005D  }
0x4e: {  	s14 =	sadd.s32 $0x1, s26;
	_ =	strace $0x8000005E  }
0x4f: {  	_ =	swait.ge [sflag:s14], $0x80  }
0x50: {  	[sflag:s14] =	ssyncset.done $0x0  }
0x51: {  	s28 =	sadd.s32 s24, s15;
	[sflag:s14] =	ssyncadd.s32 $0xFFFFFF80  }
0x52: {  	s14 =	sand.u32 $0x1, s28;
	_ =	strace $0x9000005E  }
0x53: {  	s17 =	sshll.u32 s23, $0x7;
	s30 =	sshll.u32 s14, $0xE;
	_ =	strace $0x8000005F  }
0x54: {  	s17 =	sand.u32 $0x80, s17;
	s18 =	sor.u32 $0x100, s30;
	s29 =	rddreg [dreg:$0x2]  }
0x55: {  	[tilespmem:s18], [sflag:$0x5] =	stream.indirect.gather [hbm4b:s29+s8], $0x80, s17, s8, $0x2000b8;
	[tilespmem:$0x8100] =	vst v63  }
0x56: {  	_ =	swait.ge [sflag:s9], $0x4000  }
0x57: {  	[sflag:s9] =	ssyncset.done $0x0  }
0x58: {  	p6 =	seq.s32 s12, $0x1;
	[sflag:s9] =	ssyncadd.s32 $0xFFFFC000  }
0x59: {  	s11 =	sadd.s32 s4, s11;
	p1 =	por p6, p1;
	_ =	strace $0x9000005F  }
0x5a: {  	s11 =	sshll.u32 @p1 s11, $0xB;
	_ =	strace @p1 $0x80000060  }
0x5b: {  	s13 =	sadd.s32 s16, s13;
	s11 =	sand.u32 @p1 $0x1FFFF800, s11;
	s15 =	rddreg [dreg:$0x3]  }
0x5c: {  	s16 =	simm.s32 @p1 $0x0;
	s14 =	sadd.s32 @p1 $0x3, s14;
	s11 =	sadd.s32 @p1 s15, s11  }
0x5d: {  	[hbm4b:s11+s16] =	stream.linear.scatter @p1 [tilespmem:s18], [sflag:s14], $0x4000, $0x200038;
	[tilespmem:$0x8100] =	vst v63  }
0x5e: {  	s11 =	sand.u32 @!p0 $0x1, s13;
	p0 =	por p0, p0;
	_ =	strace @p1 $0x90000060  }
0x5f: {  	s11 =	sadd.s32 @!p0 $0x3, s11;
	_ =	strace @!p0 $0x80000061  }
0x60: {  	p1 =	sne.s32 s12, $0x80;
	s12 =	simm.s32 $0x1;
	_ =	swait.ge @!p0 [sflag:s11], $0x4000  }
0x61: {  	s12 =	simm.s32 @!p1 $0x0;
	[sflag:s11] =	ssyncset.done @!p0 $0x0  }
0x62: {  	s10 =	sadd.s32 $0x1, s10;
	s12 =	sadd.s32 s12, s13;
	[sflag:s11] =	ssyncadd.s32 @!p0 $0xFFFFC000  }
0x63: {  	s31 =	sand.u32 $0x1, s12;
	_ =	strace @!p0 $0x90000061;
	p0 =	sne.s32 s10, s6  }
.Ltmp1:
0x64: {  	s11 =	sadd.s32 $0x3, s31;
	_ =	strace $0x80000062;
	(pc) =	sbr.rel @p0 .LBB2_1-.Ltmp1, $4  }
0x65: {  	_ =	swait.ge [sflag:s11], $0x4000  }
0x66: {  	[sflag:s11] =	ssyncset.done $0x0  }
0x67: {  	[sflag:s11] =	ssyncadd.s32 $0xFFFFC000  }
0x68: {  	_ =	strace $0x90000062  }
0x69: {  	_ =	sfence.sel $0x180000  }
0x6a: {  	[bflag:$0x0] =	sbarrier.arrive $0xFFFF  }
0x6b: {  	p0 =	sne.s32 s2, $0x0;
	_ =	strace $0x9000005B  }
0x6c: {  	s0 =	sadd.s32 @!p0 $0x100000, s0;
	[bflag:$0x2] =	sbarrier.arrive $0xFFFF  }
0x6d: {  	[sflag:s0] =	ssyncadd.tile.s32 @!p0 $0x1;
	_ =	shalt  }
.Lfunc_end2:
_tile_overlayer_lowered:
.L_overlay_start_2:
0x6e: {  	(tag) =	ssettag $0x2  }
0x6f: {  	s0 =	rddreg [dreg:$0x0];
	s2 =	stileid.u32  }
0x70: {  	s1 =	rddreg [dreg:$0x1];
	p0 =	sne.s32 s2, $0x0  }
0x71: {  	s3 =	rddreg [dreg:$0x2];
	[bflag:$0x3] =	sbarrier.arrive $0xFFFF;
	s2 =	simm.s32 @!p0 $0x1C01  }
0x72: {  	[timem:s3], [sflag:s2] =	dma.local @!p0 [hbm:s0], s1  }
0x73: {  	s0 =	simm.s32 @!p0 $0x1  }
0x74: {  	_ =	swait.ge @!p0 [sflag:s0], s1  }
0x75: {  	s1 =	ssub.s32 @!p0 $0x0, s1;
	[sflag:s0] =	ssyncset.done @!p0 $0x0  }
0x76: {  	[sflag:s0] =	ssyncadd.s32 @!p0 s1  }
0x77: {  	[bflag:$0x3] =	sbarrier.arrive $0xFFFF  }
0x78: {  	_ =	shalt  }

</sc_bundles>
